<compile_context>
chip_gen: v7x
topology: tpu7x:2x2x1
jax: 0.10.2.dev20260603
libtpu: 0.0.44.dev20260713+nightly
codegen_flags: <defaults>
</compile_context>

<pallas_src>
import functools

import numpy as np

import jax
import jax.numpy as jnp
from jax import lax
from jax.experimental import pallas as pl
from jax.experimental.pallas import tpu as pltpu
from jax.experimental.pallas import tpu_sc as plsc

F32 = jnp.float32
_I0 = np.int32(0)
B, N, T, DD, DS, HL, HG, E = 2, 10000, 24, 16, 32, 128, 128, 160000
EPAD = 163840
NDUM = 10240
R1 = 400
R2 = 1000
CHUNK = 128



def _sigmoid(x):
    return 0.5 * jnp.tanh(0.5 * x) + 0.5


def _enc_body(x_ref, xs_ref, wih0_r, whh0_r, b0_r, wih1_r, whh1_r, b1_r,
              ws_r, bs_r, wch_r, wcs_r, bc_r, out_ref):
    wih0 = wih0_r[...]
    whh0 = whh0_r[...]
    wih1 = wih1_r[...]
    whh1 = whh1_r[...]
    b0 = b0_r[...]
    b1 = b1_r[...]
    h0 = jnp.zeros((R1, HL), F32)
    c0 = jnp.zeros((R1, HL), F32)
    h1 = jnp.zeros((R1, HL), F32)
    c1 = jnp.zeros((R1, HL), F32)
    for t in range(T):
        xt = x_ref[:, t * DD:(t + 1) * DD]
        g = (jnp.dot(xt, wih0, preferred_element_type=F32)
             + jnp.dot(h0, whh0, preferred_element_type=F32) + b0)
        ig = _sigmoid(g[:, 0:HL])
        fg = _sigmoid(g[:, HL:2 * HL])
        gg = jnp.tanh(g[:, 2 * HL:3 * HL])
        og = _sigmoid(g[:, 3 * HL:4 * HL])
        c0 = fg * c0 + ig * gg
        h0 = og * jnp.tanh(c0)
        g = (jnp.dot(h0, wih1, preferred_element_type=F32)
             + jnp.dot(h1, whh1, preferred_element_type=F32) + b1)
        ig = _sigmoid(g[:, 0:HL])
        fg = _sigmoid(g[:, HL:2 * HL])
        gg = jnp.tanh(g[:, 2 * HL:3 * HL])
        og = _sigmoid(g[:, 3 * HL:4 * HL])
        c1 = fg * c1 + ig * gg
        h1 = og * jnp.tanh(c1)
    s = jnp.maximum(jnp.dot(xs_ref[...], ws_r[...],
                            preferred_element_type=F32) + bs_r[...], 0.0)
    comb = jnp.maximum(jnp.dot(h1, wch_r[...], preferred_element_type=F32)
                       + jnp.dot(s, wcs_r[...], preferred_element_type=F32)
                       + bc_r[...], 0.0)
    out_ref[...] = comb


def _encode(x2d, xs, wih0T, whh0T, b0, wih1T, whh1T, b1s, wsT, bs2,
            wchT, wcsT, bc2):
    full = lambda shp: pl.BlockSpec(shp, lambda i: tuple(_I0 for _ in shp))
    return pl.pallas_call(
        _enc_body,
        grid=(B * N // R1,),
        in_specs=[
            pl.BlockSpec((R1, T * DD), lambda i: (i, _I0)),
            pl.BlockSpec((R1, DS), lambda i: (i, _I0)),
            full((DD, 4 * HL)), full((HL, 4 * HL)), full((1, 4 * HL)),
            full((HL, 4 * HL)), full((HL, 4 * HL)), full((1, 4 * HL)),
            full((DS, HL // 2)), full((1, HL // 2)),
            full((HL, HL)), full((HL // 2, HL)), full((1, HL)),
        ],
        out_specs=pl.BlockSpec((R1, HL), lambda i: (i, _I0)),
        out_shape=jax.ShapeDtypeStruct((B * N, HL), F32),
    )(x2d, xs, wih0T, whh0T, b0, wih1T, whh1T, b1s, wsT, bs2, wchT, wcsT, bc2)



def _pre_body(deg_r, comb_r, sg_r, wsp_r, bsp_r, w1h_r, w1p_r,
              h1_ref, dinv_ref):
    d = deg_r[0][:, 0:1] + 1.0
    dinv = lax.rsqrt(d)
    dinv_ref[...] = dinv
    ps = jnp.maximum(jnp.dot(sg_r[...], wsp_r[...],
                             preferred_element_type=F32) + bsp_r[...], 0.0)
    pw = jnp.dot(ps, w1p_r[...], preferred_element_type=F32)
    for b in range(B):
        h = jnp.dot(comb_r[b], w1h_r[...], preferred_element_type=F32) + pw
        h1_ref[b] = dinv * h


def _gcn_pre(deg2, comb3, sg, wspT, bsp2, w1hT, w1pT):
    full = lambda shp: pl.BlockSpec(shp, lambda i: tuple(_I0 for _ in shp))
    return pl.pallas_call(
        _pre_body,
        grid=(N // R2,),
        in_specs=[
            pl.BlockSpec((B, R2, HG), lambda i: (_I0, i, _I0)),
            pl.BlockSpec((B, R2, HL), lambda i: (_I0, i, _I0)),
            pl.BlockSpec((R2, DS), lambda i: (i, _I0)),
            full((DS, DS // 4)), full((1, DS // 4)),
            full((HL, HG)), full((DS // 4, HG)),
        ],
        out_specs=[
            pl.BlockSpec((B, R2, HG), lambda i: (_I0, i, _I0)),
            pl.BlockSpec((R2, 1), lambda i: (i, _I0)),
        ],
        out_shape=[
            jax.ShapeDtypeStruct((B, N, HG), F32),
            jax.ShapeDtypeStruct((N, 1), F32),
        ],
    )(deg2, comb3, sg, wspT, bsp2, w1hT, w1pT)


def _mid_body(agg_r, h_r, dinv_r, b_r, w2_r, out_ref):
    dinv = dinv_r[...]
    for b in range(B):
        x = jnp.maximum(dinv * (agg_r[b] + h_r[b]) + b_r[...], 0.0)
        out_ref[b] = dinv * jnp.dot(x, w2_r[...], preferred_element_type=F32)


def _gcn_mid(agg1, h1s, dinv, b1v, w2T):
    full = lambda shp: pl.BlockSpec(shp, lambda i: tuple(_I0 for _ in shp))
    return pl.pallas_call(
        _mid_body,
        grid=(N // R2,),
        in_specs=[
            pl.BlockSpec((B, R2, HG), lambda i: (_I0, i, _I0)),
            pl.BlockSpec((B, R2, HG), lambda i: (_I0, i, _I0)),
            pl.BlockSpec((R2, 1), lambda i: (i, _I0)),
            full((1, HG)), full((HG, HG)),
        ],
        out_specs=pl.BlockSpec((B, R2, HG), lambda i: (_I0, i, _I0)),
        out_shape=jax.ShapeDtypeStruct((B, N, HG), F32),
    )(agg1, h1s, dinv, b1v, w2T)


def _fin_body(agg_r, h_r, dinv_r, b_r, wl_r, bl_r, out_ref):
    dinv = dinv_r[...]
    for b in range(B):
        x = jnp.maximum(dinv * (agg_r[b] + h_r[b]) + b_r[...], 0.0)
        out_ref[b] = jnp.dot(x, wl_r[...], preferred_element_type=F32) + bl_r[...]


def _gcn_fin(agg2, h2s, dinv, b2v, wlT, blv):
    full = lambda shp: pl.BlockSpec(shp, lambda i: tuple(_I0 for _ in shp))
    return pl.pallas_call(
        _fin_body,
        grid=(N // R2,),
        in_specs=[
            pl.BlockSpec((B, R2, HG), lambda i: (_I0, i, _I0)),
            pl.BlockSpec((B, R2, HG), lambda i: (_I0, i, _I0)),
            pl.BlockSpec((R2, 1), lambda i: (i, _I0)),
            full((1, HG)), full((HG, 1)), full((1, 1)),
        ],
        out_specs=pl.BlockSpec((B, R2, 1), lambda i: (_I0, i, _I0)),
        out_shape=jax.ShapeDtypeStruct((B, N, 1), F32),
    )(agg2, h2s, dinv, b2v, wlT, blv)



_EPS = EPAD // 16
_EPW = EPAD // 32
_ZR = NDUM // 16


_NCH = _EPS // CHUNK
_GK = 2


def _make_agg_body(width):
    def _agg_body(h_hbm, srcs_hbm, dst_hbm, zeros_hbm, out_hbm,
                  src_v, dstb, bufs, acc_s, gsem0, gsem1, ssem0, ssem1):
        c = lax.axis_index("c")
        s = lax.axis_index("s")
        gsems = [gsem0, gsem1]
        ssems = [ssem0, ssem1]
        pltpu.sync_copy(zeros_hbm.at[pl.ds(s * _ZR, _ZR)],
                        acc_s.at[pl.ds(s * _ZR, _ZR)])
        pltpu.sync_copy(srcs_hbm.at[c, pl.ds(s * _NCH, _NCH)], src_v)
        dbase = s * _EPS
        plsc.subcore_barrier()

        def idx_cp(i, j):
            return pltpu.make_async_copy(
                dst_hbm.at[pl.ds(dbase + i * CHUNK, CHUNK)],
                dstb.at[np.int32(j)], gsems[j])

        def gath(i, j):
            return pltpu.make_async_copy(
                h_hbm.at[src_v.at[i]], bufs.at[np.int32(j)], gsems[j])

        def scat(j):
            return pltpu.make_async_copy(
                bufs.at[np.int32(j)], acc_s.at[dstb.at[np.int32(j)]],
                ssems[j])

        for j in range(2):
            idx_cp(jnp.int32(j), j).start()
            gath(jnp.int32(j), j).start()

        @pl.loop(jnp.int32(0), jnp.int32(_NCH - 2), step=jnp.int32(2))
        def _pipe(i0):
            for j in range(2):
                i = i0 + np.int32(j)
                idx_cp(i, j).wait()
                gath(i, j).wait()
                scat(j).start(add=True)
                scat(j).wait()
                idx_cp(i + np.int32(2), j).start()
                gath(i + np.int32(2), j).start()

        for j in range(2):
            i = jnp.int32(_NCH - 2 + j)
            idx_cp(i, j).wait()
            gath(i, j).wait()
            scat(j).start(add=True)
            scat(j).wait()

        plsc.subcore_barrier()
        pltpu.sync_copy(acc_s.at[pl.ds(s * _ZR, _ZR)],
                        out_hbm.at[c, pl.ds(s * _ZR, _ZR)])
    return _agg_body


@functools.lru_cache(maxsize=None)
def _build_agg_kernel(width):
    mesh = plsc.VectorSubcoreMesh(core_axis_name="c", subcore_axis_name="s")
    return functools.partial(
        pl.kernel,
        mesh=mesh,
        out_type=jax.ShapeDtypeStruct((B, NDUM, width), F32),
        scratch_types=[
            pltpu.VMEM((_NCH, CHUNK), jnp.int32),
            pltpu.VMEM((_GK, CHUNK), jnp.int32),
            pltpu.VMEM((_GK, CHUNK, width), F32),
            pltpu.VMEM_SHARED((NDUM, width), F32),
            pltpu.SemaphoreType.DMA,
            pltpu.SemaphoreType.DMA,
            pltpu.SemaphoreType.DMA,
            pltpu.SemaphoreType.DMA,
        ],
    )(_make_agg_body(width))


_DGK = 8


def _deg_body(ones_hbm, dst_hbm, zeros_hbm, out_hbm, dstb, ones_v, acc_s,
              gsem, ssem):
    c = lax.axis_index("c")
    s = lax.axis_index("s")
    pltpu.sync_copy(zeros_hbm.at[pl.ds(s * _ZR, _ZR)],
                    acc_s.at[pl.ds(s * _ZR, _ZR)])
    pltpu.sync_copy(ones_hbm, ones_v)
    dbase = s * _EPS
    plsc.subcore_barrier()

    @pl.loop(jnp.int32(0), jnp.int32(_NCH), step=jnp.int32(_DGK))
    def _group(i0):
        for j in range(_DGK):
            pltpu.make_async_copy(
                dst_hbm.at[pl.ds(dbase + (i0 + np.int32(j)) * CHUNK, CHUNK)],
                dstb.at[np.int32(j)], gsem).start()
        for j in range(_DGK):
            pltpu.make_async_copy(
                dst_hbm.at[pl.ds(dbase + (i0 + np.int32(j)) * CHUNK, CHUNK)],
                dstb.at[np.int32(j)], gsem).wait()
        for j in range(_DGK):
            pltpu.make_async_copy(ones_v, acc_s.at[dstb.at[np.int32(j)]],
                                  ssem).start(add=True)
        for j in range(_DGK):
            pltpu.make_async_copy(ones_v, acc_s.at[dstb.at[np.int32(j)]],
                                  ssem).wait()

    plsc.subcore_barrier()
    pltpu.sync_copy(acc_s.at[pl.ds(s * _ZR, _ZR)],
                    out_hbm.at[c, pl.ds(s * _ZR, _ZR)])


@functools.lru_cache(maxsize=None)
def _build_deg_kernel():
    mesh = plsc.VectorSubcoreMesh(core_axis_name="c", subcore_axis_name="s")
    return functools.partial(
        pl.kernel,
        mesh=mesh,
        out_type=jax.ShapeDtypeStruct((B, NDUM, HG), F32),
        scratch_types=[
            pltpu.VMEM((_DGK, CHUNK), jnp.int32),
            pltpu.VMEM((CHUNK, HG), F32),
            pltpu.VMEM_SHARED((NDUM, HG), F32),
            pltpu.SemaphoreType.DMA,
            pltpu.SemaphoreType.DMA,
        ],
    )(_deg_body)


def _deg_call(ones_chunk, dstp, zeros128):
    return _build_deg_kernel()(ones_chunk, dstp, zeros128)[:, :N]


def _agg_call(hflat, srcs2, dstp, zeros128):
    return _build_agg_kernel(HG)(hflat, srcs2, dstp, zeros128)[:, :N]



def kernel(dynamic_features, static_features, edge_index, W_ih0, W_hh0, b_ih0,
           b_hh0, W_ih1, W_hh1, b_ih1, b_hh1, Ws, bs, Wc, bc, Wsp, bsp,
           W1, b1, W2, b2, Wl, bl):
    x2d = dynamic_features.reshape(B * N, T * DD)
    xs = static_features.reshape(B * N, DS)
    sg = static_features[0]

    src = edge_index[0].astype(jnp.int32)
    dst = edge_index[1].astype(jnp.int32)
    pad = EPAD - E
    srcp = jnp.concatenate([src, jnp.zeros((pad,), jnp.int32)])
    dstp = jnp.concatenate([dst, jnp.full((pad,), N, jnp.int32)])
    srcs2 = jnp.stack([srcp, srcp + N]).reshape(B, EPAD // CHUNK, CHUNK)
    zeros128 = jnp.zeros((NDUM, HG), F32)
    ones_chunk = jnp.ones((CHUNK, HG), F32)

    b0 = (b_ih0 + b_hh0).reshape(1, 4 * HL)
    b1s = (b_ih1 + b_hh1).reshape(1, 4 * HL)
    comb = _encode(x2d, xs, W_ih0.T, W_hh0.T, b0, W_ih1.T, W_hh1.T, b1s,
                   Ws.T, bs.reshape(1, -1), Wc[:, :HL].T, Wc[:, HL:].T,
                   bc.reshape(1, -1))

    deg2 = _deg_call(ones_chunk, dstp, zeros128)

    h1s, dinv = _gcn_pre(deg2, comb.reshape(B, N, HL), sg, Wsp.T,
                         bsp.reshape(1, -1), W1[:, :HL].T, W1[:, HL:].T)

    agg1 = _agg_call(h1s.reshape(B * N, HG), srcs2, dstp, zeros128)

    h2s = _gcn_mid(agg1, h1s, dinv, b1.reshape(1, -1), W2.T)

    agg2 = _agg_call(h2s.reshape(B * N, HG), srcs2, dstp, zeros128)

    res = _gcn_fin(agg2, h2s, dinv, b2.reshape(1, -1), Wl.T, bl.reshape(1, 1))
    return res[:, :, 0]

# --- scband reference (transcript-rebuilt; emitter-appended) ---
"""Pipeline reference for scband-combined-lstmgcnwith-static-45019847197235 (READ-ONLY COPY).

The authoritative reference and input builder live on the scoring server;
editing this copy changes nothing except your own understanding.
"""

import jax, jax.numpy as jnp
import numpy as np
jax.config.update("jax_enable_x64", True)

B, N, T, DD, DS, HL, HG, E = 2, 10000, 24, 16, 32, 128, 128, 160000

_PARAM_SHAPES = [
    ("W_ih0", (4*HL, DD)), ("W_hh0", (4*HL, HL)), ("b_ih0", (4*HL,)), ("b_hh0", (4*HL,)),
    ("W_ih1", (4*HL, HL)), ("W_hh1", (4*HL, HL)), ("b_ih1", (4*HL,)), ("b_hh1", (4*HL,)),
    ("Ws", (HL//2, DS)), ("bs", (HL//2,)), ("Wc", (HL, HL + HL//2)), ("bc", (HL,)),
    ("Wsp", (DS//4, DS)), ("bsp", (DS//4,)), ("W1", (HG, HL + DS//4)), ("b1", (HG,)),
    ("W2", (HG, HG)), ("b2", (HG,)), ("Wl", (1, HG)), ("bl", (1,)),
]

def setup_inputs(seed: int = 0) -> dict:
    key = jax.random.key(seed)
    ks = jax.random.split(key, 3 + len(_PARAM_SHAPES))
    inp = {}
    inp["dynamic_features"] = jax.random.normal(ks[0], (B, N, T, DD), dtype=jnp.float32)
    inp["static_features"] = jax.random.normal(ks[1], (B, N, DS), dtype=jnp.float32)
    inp["edge_index"] = jax.random.randint(ks[2], (2, E), 0, N, dtype=jnp.int64)
    for i, (name, sh) in enumerate(_PARAM_SHAPES):
        inp[name] = (jax.random.normal(ks[3 + i], sh, dtype=jnp.float32) * 0.05).astype(jnp.float32)
    return inp

def _lstm_layer(x, W_ih, W_hh, b_ih, b_hh):
    Bn = x.shape[0]
    H = W_hh.shape[1]
    def step(carry, xt):
        h, c = carry
        g = xt @ W_ih.T + h @ W_hh.T + b_ih + b_hh
        i, f, gg, o = jnp.split(g, 4, axis=-1)
        c = jax.nn.sigmoid(f) * c + jax.nn.sigmoid(i) * jnp.tanh(gg)
        h = jax.nn.sigmoid(o) * jnp.tanh(c)
        return (h, c), h
    h0 = jnp.zeros((Bn, H), dtype=x.dtype)
    c0 = jnp.zeros((Bn, H), dtype=x.dtype)
    _, hs = jax.lax.scan(step, (h0, c0), jnp.swapaxes(x, 0, 1))
    return jnp.swapaxes(hs, 0, 1)

def _gcn_conv(x, src, dst, W, b, n):
    # torch_geometric GCNConv: add self-loops, symmetric normalization, x @ W.T, scatter-add, + bias
    h = x @ W.T
    deg = jnp.zeros((n,), dtype=x.dtype).at[dst].add(jnp.ones_like(dst, dtype=x.dtype))
    dinv = jnp.where(deg > 0, deg ** -0.5, 0.0)
    norm = (dinv[src] * dinv[dst])[:, None]
    out = jnp.zeros((n, W.shape[0]), dtype=x.dtype).at[dst].add(h[src] * norm)
    return out + b

def _forward(dynamic_features, static_features, edge_index, W_ih0, W_hh0, b_ih0, b_hh0,
             W_ih1, W_hh1, b_ih1, b_hh1, Ws, bs, Wc, bc, Wsp, bsp, W1, b1, W2, b2, Wl, bl):
    Bn, Nn = dynamic_features.shape[0], dynamic_features.shape[1]
    xd = dynamic_features.reshape(Bn * Nn, T, DD)
    xs = static_features.reshape(Bn * Nn, DS)
    # LSTM encoder (2 layers, batch_first; dropout inactive in eval)
    h = _lstm_layer(xd, W_ih0, W_hh0, b_ih0, b_hh0)
    h = _lstm_layer(h, W_ih1, W_hh1, b_ih1, b_hh1)
    lstm_out = h[:, -1, :]
    static_out = jax.nn.relu(xs @ Ws.T + bs)
    combined = jax.nn.relu(jnp.concatenate([lstm_out, static_out], axis=1) @ Wc.T + bc)
    emb = combined.reshape(Bn, Nn, -1)
    # GCN module uses static_features[0] when 3-D (as in torch code)
    sg = static_features[0]
    ps = jax.nn.relu(sg @ Wsp.T + bsp)
    self_idx = jnp.arange(Nn, dtype=edge_index.dtype)
    src = jnp.concatenate([edge_index[0], self_idx])
    dst = jnp.concatenate([edge_index[1], self_idx])
    outs = []
    for i in range(Bn):
        cf = jnp.concatenate([emb[i], ps], axis=1)
        x = jax.nn.relu(_gcn_conv(cf, src, dst, W1, b1, Nn))
        x = jax.nn.relu(_gcn_conv(x, src, dst, W2, b2, Nn))
        x = (x @ Wl.T + bl).squeeze(-1)
        outs.append(x)
    return jnp.stack(outs)

def reference(dynamic_features, static_features, edge_index, W_ih0, W_hh0, b_ih0, b_hh0,
              W_ih1, W_hh1, b_ih1, b_hh1, Ws, bs, Wc, bc, Wsp, bsp, W1, b1, W2, b2, Wl, bl):
    return _forward(dynamic_features, static_features, edge_index, W_ih0, W_hh0, b_ih0, b_hh0,
                    W_ih1, W_hh1, b_ih1, b_hh1, Ws, bs, Wc, bc, Wsp, bsp, W1, b1, W2, b2, Wl, bl)

if __name__ == "__main__":
    import jax
    _d = setup_inputs()
    print(jax.jit(kernel)(*tuple(_d.values())))

</pallas_src>

<mosaic_0001>
#map = affine_map<(d0, d1) -> (0, 0)>
#map1 = affine_map<(d0, d1) -> (0, 0, 0)>
#map2 = affine_map<(d0, d1) -> (0)>
module attributes {stable_mosaic.version = 14 : i64} {
  func.func @_agg_body(%arg0: i32, %arg1: i32, %arg2: memref<20000x128xf32, #tpu.memory_space<hbm>>, %arg3: memref<2x1280x128xi32, #tpu.memory_space<hbm>>, %arg4: memref<163840xi32, #tpu.memory_space<hbm>>, %arg5: memref<10240x128xf32, #tpu.memory_space<hbm>>, %arg6: memref<2x10240x128xf32, #tpu.memory_space<hbm>>, %arg7: memref<80x128xi32, #tpu.memory_space<vmem>>, %arg8: memref<2x128xi32, #tpu.memory_space<vmem>>, %arg9: memref<2x128x128xf32, #tpu.memory_space<vmem>>, %arg10: memref<10240x128xf32, #tpu.memory_space<vmem_shared>>, %arg11: memref<!tpu.dma_semaphore, #tpu.memory_space<semaphore_mem>>, %arg12: memref<!tpu.dma_semaphore, #tpu.memory_space<semaphore_mem>>, %arg13: memref<!tpu.dma_semaphore, #tpu.memory_space<semaphore_mem>>, %arg14: memref<!tpu.dma_semaphore, #tpu.memory_space<semaphore_mem>>) attributes {dimension_semantics = [#tpu.dimension_semantics<core_parallel>, #tpu.dimension_semantics<subcore_parallel>], iteration_bounds = array<i64: 2, 16>, scalar_prefetch = 0 : i64, scratch_operands = 8 : i64, tpu.core_type = #tpu.core_type<sc_vector_subcore>, window_params = [{transform_indices = #map}, {transform_indices = #map1}, {transform_indices = #map2}, {transform_indices = #map}, {transform_indices = #map1}]} {
    %mul3A = arith.constant 640 : i32
    %mul3A_0 = arith.muli %arg1, %mul3A : i32
    %mul3A_1 = arith.constant 640 : i32
    %mul3A_2 = arith.muli %arg1, %mul3A_1 : i32
    "tpu.region"() ({
      %run_scoped3A = tpu.sem_alloc : memref<!tpu.dma_semaphore, #tpu.memory_space<semaphore_mem>>
      %dma_start3A_174 = arith.constant 0 : i32
      %dma_start3A_175 = tpu.memref_slice %arg10[%mul3A_2, %dma_start3A_174] : memref<10240x128xf32, #tpu.memory_space<vmem_shared>> -> memref<640x128xf32, #tpu.memory_space<vmem_shared>>
      %dma_start3A_176 = arith.constant 0 : i32
      %dma_start3A_177 = tpu.memref_slice %arg5[%mul3A_0, %dma_start3A_176] : memref<10240x128xf32, #tpu.memory_space<hbm>> -> memref<640x128xf32, #tpu.memory_space<hbm>>
      tpu.enqueue_dma source(%dma_start3A_177 : memref<640x128xf32, #tpu.memory_space<hbm>>) target(%dma_start3A_175 : memref<640x128xf32, #tpu.memory_space<vmem_shared>>) target_semaphore(%run_scoped3A : memref<!tpu.dma_semaphore, #tpu.memory_space<semaphore_mem>>)
      %dma_wait3A_178 = arith.constant 0 : i32
      %dma_wait3A_179 = tpu.memref_slice %arg10[%mul3A_2, %dma_wait3A_178] : memref<10240x128xf32, #tpu.memory_space<vmem_shared>> -> memref<640x128xf32, #tpu.memory_space<vmem_shared>>
      %dma_wait3A_180 = arith.constant 0 : i32
      %dma_wait3A_181 = tpu.memref_slice %arg5[%mul3A_0, %dma_wait3A_180] : memref<10240x128xf32, #tpu.memory_space<hbm>> -> memref<640x128xf32, #tpu.memory_space<hbm>>
      tpu.wait_dma2 semaphore(%run_scoped3A : memref<!tpu.dma_semaphore, #tpu.memory_space<semaphore_mem>>) src(%dma_wait3A_181 : memref<640x128xf32, #tpu.memory_space<hbm>>) dst(%dma_wait3A_179 : memref<640x128xf32, #tpu.memory_space<vmem_shared>>)
      tpu.yield
    }) : () -> ()
    %mul3A_3 = arith.constant 80 : i32
    %mul3A_4 = arith.muli %arg1, %mul3A_3 : i32
    "tpu.region"() ({
      %run_scoped3A = tpu.sem_alloc : memref<!tpu.dma_semaphore, #tpu.memory_space<semaphore_mem>>
      %dma_start3A_174 = arith.constant 0 : i32
      %dma_start3A_175 = tpu.memref_slice %arg3[%arg0, %mul3A_4, %dma_start3A_174] : memref<2x1280x128xi32, #tpu.memory_space<hbm>> -> memref<1x80x128xi32, #tpu.memory_space<hbm>>
      %dma_start3A_176 = tpu.memref_squeeze %dma_start3A_175 : memref<1x80x128xi32, #tpu.memory_space<hbm>> -> memref<80x128xi32, #tpu.memory_space<hbm>>
      %dma_start3A_177 = arith.constant 0 : i32
      %dma_start3A_178 = tpu.memref_slice %arg3[%arg0, %mul3A_4, %dma_start3A_177] : memref<2x1280x128xi32, #tpu.memory_space<hbm>> -> memref<1x80x128xi32, #tpu.memory_space<hbm>>
      %dma_start3A_179 = tpu.memref_squeeze %dma_start3A_178 : memref<1x80x128xi32, #tpu.memory_space<hbm>> -> memref<80x128xi32, #tpu.memory_space<hbm>>
      tpu.enqueue_dma source(%dma_start3A_179 : memref<80x128xi32, #tpu.memory_space<hbm>>) target(%arg7 : memref<80x128xi32, #tpu.memory_space<vmem>>) target_semaphore(%run_scoped3A : memref<!tpu.dma_semaphore, #tpu.memory_space<semaphore_mem>>)
      %dma_wait3A_180 = arith.constant 0 : i32
      %dma_wait3A_181 = tpu.memref_slice %arg3[%arg0, %mul3A_4, %dma_wait3A_180] : memref<2x1280x128xi32, #tpu.memory_space<hbm>> -> memref<1x80x128xi32, #tpu.memory_space<hbm>>
      %dma_wait3A_182 = tpu.memref_squeeze %dma_wait3A_181 : memref<1x80x128xi32, #tpu.memory_space<hbm>> -> memref<80x128xi32, #tpu.memory_space<hbm>>
      %dma_wait3A_183 = arith.constant 0 : i32
      %dma_wait3A_184 = tpu.memref_slice %arg3[%arg0, %mul3A_4, %dma_wait3A_183] : memref<2x1280x128xi32, #tpu.memory_space<hbm>> -> memref<1x80x128xi32, #tpu.memory_space<hbm>>
      %dma_wait3A_185 = tpu.memref_squeeze %dma_wait3A_184 : memref<1x80x128xi32, #tpu.memory_space<hbm>> -> memref<80x128xi32, #tpu.memory_space<hbm>>
      tpu.wait_dma2 semaphore(%run_scoped3A : memref<!tpu.dma_semaphore, #tpu.memory_space<semaphore_mem>>) src(%dma_wait3A_185 : memref<80x128xi32, #tpu.memory_space<hbm>>) dst(%arg7 : memref<80x128xi32, #tpu.memory_space<vmem>>)
      tpu.yield
    }) : () -> ()
    %mul3A_5 = arith.constant 10240 : i32
    %mul3A_6 = arith.muli %arg1, %mul3A_5 : i32
    %barrier3A = arith.constant 0 : index
    tpu.barrier barrier_id(%barrier3A)
    %mul3A_7 = arith.constant 0 : i32
    %mul3A_8 = arith.constant 128 : i32
    %mul3A_9 = arith.muli %mul3A_7, %mul3A_8 : i32
    %add3A = arith.addi %mul3A_6, %mul3A_9 : i32
    %dma_start3A = arith.constant 0 : i32
    %dma_start3A_10 = arith.constant 0 : i32
    %dma_start3A_11 = tpu.memref_slice %arg8[%dma_start3A, %dma_start3A_10] : memref<2x128xi32, #tpu.memory_space<vmem>> -> memref<1x128xi32, #tpu.memory_space<vmem>>
    %dma_start3A_12 = tpu.memref_squeeze %dma_start3A_11 : memref<1x128xi32, #tpu.memory_space<vmem>> -> memref<128xi32, #tpu.memory_space<vmem>>
    %dma_start3A_13 = tpu.memref_slice %arg4[%add3A] : memref<163840xi32, #tpu.memory_space<hbm>> -> memref<128xi32, #tpu.memory_space<hbm>>
    %dma_start3A_14 = arith.constant 0 : i32
    %dma_start3A_15 = tpu.memref_slice %arg8[%dma_start3A, %dma_start3A_14] : memref<2x128xi32, #tpu.memory_space<vmem>> -> memref<1x128xi32, #tpu.memory_space<vmem>>
    %dma_start3A_16 = tpu.memref_squeeze %dma_start3A_15 : memref<1x128xi32, #tpu.memory_space<vmem>> -> memref<128xi32, #tpu.memory_space<vmem>>
    %dma_start3A_17 = tpu.memref_slice %arg4[%add3A] : memref<163840xi32, #tpu.memory_space<hbm>> -> memref<128xi32, #tpu.memory_space<hbm>>
    tpu.enqueue_dma source(%dma_start3A_17 : memref<128xi32, #tpu.memory_space<hbm>>) target(%dma_start3A_16 : memref<128xi32, #tpu.memory_space<vmem>>) target_semaphore(%arg11 : memref<!tpu.dma_semaphore, #tpu.memory_space<semaphore_mem>>)
    %dma_start3A_18 = arith.constant 0 : i32
    %dma_start3A_19 = arith.constant 0 : i32
    %dma_start3A_20 = arith.constant 0 : i32
    %dma_start3A_21 = arith.constant 0 : i32
    %dma_start3A_22 = tpu.memref_slice %arg9[%dma_start3A_19, %dma_start3A_20, %dma_start3A_21] : memref<2x128x128xf32, #tpu.memory_space<vmem>> -> memref<1x128x128xf32, #tpu.memory_space<vmem>>
    %dma_start3A_23 = tpu.memref_squeeze %dma_start3A_22 : memref<1x128x128xf32, #tpu.memory_space<vmem>> -> memref<128x128xf32, #tpu.memory_space<vmem>>
    %dma_start3A_24 = arith.constant 0 : i32
    %dma_start3A_25 = tpu.memref_slice %arg7[%dma_start3A_18, %dma_start3A_24] : memref<80x128xi32, #tpu.memory_space<vmem>> -> memref<1x128xi32, #tpu.memory_space<vmem>>
    %dma_start3A_26 = tpu.memref_squeeze %dma_start3A_25 : memref<1x128xi32, #tpu.memory_space<vmem>> -> memref<128xi32, #tpu.memory_space<vmem>>
    %dma_start3A_27 = arith.constant 0 : i32
    %dma_start3A_28 = arith.constant 0 : i32
    %dma_start3A_29 = tpu.memref_slice %arg2[%dma_start3A_27, %dma_start3A_28] : memref<20000x128xf32, #tpu.memory_space<hbm>> -> memref<20000x128xf32, #tpu.memory_space<hbm>>
    tpu.enqueue_indirect_dma source(%dma_start3A_29 : memref<20000x128xf32, #tpu.memory_space<hbm>>) target(%dma_start3A_23 : memref<128x128xf32, #tpu.memory_space<vmem>>) offsets(%dma_start3A_26 : memref<128xi32, #tpu.memory_space<vmem>>) semaphore(%arg11 : memref<!tpu.dma_semaphore, #tpu.memory_space<semaphore_mem>>)
    %mul3A_30 = arith.constant 1 : i32
    %mul3A_31 = arith.constant 128 : i32
    %mul3A_32 = arith.muli %mul3A_30, %mul3A_31 : i32
    %add3A_33 = arith.addi %mul3A_6, %mul3A_32 : i32
    %dma_start3A_34 = arith.constant 1 : i32
    %dma_start3A_35 = arith.constant 0 : i32
    %dma_start3A_36 = tpu.memref_slice %arg8[%dma_start3A_34, %dma_start3A_35] : memref<2x128xi32, #tpu.memory_space<vmem>> -> memref<1x128xi32, #tpu.memory_space<vmem>>
    %dma_start3A_37 = tpu.memref_squeeze %dma_start3A_36 : memref<1x128xi32, #tpu.memory_space<vmem>> -> memref<128xi32, #tpu.memory_space<vmem>>
    %dma_start3A_38 = tpu.memref_slice %arg4[%add3A_33] : memref<163840xi32, #tpu.memory_space<hbm>> -> memref<128xi32, #tpu.memory_space<hbm>>
    %dma_start3A_39 = arith.constant 0 : i32
    %dma_start3A_40 = tpu.memref_slice %arg8[%dma_start3A_34, %dma_start3A_39] : memref<2x128xi32, #tpu.memory_space<vmem>> -> memref<1x128xi32, #tpu.memory_space<vmem>>
    %dma_start3A_41 = tpu.memref_squeeze %dma_start3A_40 : memref<1x128xi32, #tpu.memory_space<vmem>> -> memref<128xi32, #tpu.memory_space<vmem>>
    %dma_start3A_42 = tpu.memref_slice %arg4[%add3A_33] : memref<163840xi32, #tpu.memory_space<hbm>> -> memref<128xi32, #tpu.memory_space<hbm>>
    tpu.enqueue_dma source(%dma_start3A_42 : memref<128xi32, #tpu.memory_space<hbm>>) target(%dma_start3A_41 : memref<128xi32, #tpu.memory_space<vmem>>) target_semaphore(%arg12 : memref<!tpu.dma_semaphore, #tpu.memory_space<semaphore_mem>>)
    %dma_start3A_43 = arith.constant 1 : i32
    %dma_start3A_44 = arith.constant 1 : i32
    %dma_start3A_45 = arith.constant 0 : i32
    %dma_start3A_46 = arith.constant 0 : i32
    %dma_start3A_47 = tpu.memref_slice %arg9[%dma_start3A_44, %dma_start3A_45, %dma_start3A_46] : memref<2x128x128xf32, #tpu.memory_space<vmem>> -> memref<1x128x128xf32, #tpu.memory_space<vmem>>
    %dma_start3A_48 = tpu.memref_squeeze %dma_start3A_47 : memref<1x128x128xf32, #tpu.memory_space<vmem>> -> memref<128x128xf32, #tpu.memory_space<vmem>>
    %dma_start3A_49 = arith.constant 0 : i32
    %dma_start3A_50 = tpu.memref_slice %arg7[%dma_start3A_43, %dma_start3A_49] : memref<80x128xi32, #tpu.memory_space<vmem>> -> memref<1x128xi32, #tpu.memory_space<vmem>>
    %dma_start3A_51 = tpu.memref_squeeze %dma_start3A_50 : memref<1x128xi32, #tpu.memory_space<vmem>> -> memref<128xi32, #tpu.memory_space<vmem>>
    %dma_start3A_52 = arith.constant 0 : i32
    %dma_start3A_53 = arith.constant 0 : i32
    %dma_start3A_54 = tpu.memref_slice %arg2[%dma_start3A_52, %dma_start3A_53] : memref<20000x128xf32, #tpu.memory_space<hbm>> -> memref<20000x128xf32, #tpu.memory_space<hbm>>
    tpu.enqueue_indirect_dma source(%dma_start3A_54 : memref<20000x128xf32, #tpu.memory_space<hbm>>) target(%dma_start3A_48 : memref<128x128xf32, #tpu.memory_space<vmem>>) offsets(%dma_start3A_51 : memref<128xi32, #tpu.memory_space<vmem>>) semaphore(%arg12 : memref<!tpu.dma_semaphore, #tpu.memory_space<semaphore_mem>>)
    %sub3A = arith.constant 78 : i32
    %sub3A_55 = arith.constant 0 : i32
    %sub3A_56 = arith.subi %sub3A, %sub3A_55 : i32
    %sub3A_57 = arith.constant 2 : i32
    %sub3A_58 = arith.constant 1 : i32
    %sub3A_59 = arith.subi %sub3A_57, %sub3A_58 : i32
    %add3A_60 = arith.addi %sub3A_56, %sub3A_59 : i32
    %div3A = arith.constant 2 : i32
    %div3A_61 = arith.divsi %add3A_60, %div3A : i32
    %while3A = arith.constant 2 : i32
    %while3A_62 = arith.constant 0 : i32
    %while3A_63 = arith.constant 0 : i32
    %while3A_64 = arith.subi %div3A_61, %while3A_63 : i32
    %while3A_65 = arith.addi %while3A_63, %while3A_64 : i32
    %while3A_66 = arith.constant 1 : i32
    %while3A_67 = arith.divsi %while3A_64, %while3A_66 : i32
    %while3A_68 = arith.muli %while3A_67, %while3A_66 : i32
    %while3A_69 = arith.addi %while3A_63, %while3A_68 : i32
    %while3A_70 = arith.constant 1 : i32
    scf.for %while3A_174 = %while3A_63 to %while3A_69 step %while3A_70  : i32 {
      %mul3A_175 = arith.muli %while3A_174, %while3A : i32
      %add3A_176 = arith.addi %while3A_62, %mul3A_175 : i32
      %add3A_177 = arith.constant 0 : i32
      %add3A_178 = arith.addi %add3A_176, %add3A_177 : i32
      %mul3A_179 = arith.constant 128 : i32
      %mul3A_180 = arith.muli %add3A_178, %mul3A_179 : i32
      %add3A_181 = arith.addi %mul3A_6, %mul3A_180 : i32
      %dma_wait3A_182 = arith.constant 0 : i32
      %dma_wait3A_183 = arith.constant 0 : i32
      %dma_wait3A_184 = tpu.memref_slice %arg8[%dma_wait3A_182, %dma_wait3A_183] : memref<2x128xi32, #tpu.memory_space<vmem>> -> memref<1x128xi32, #tpu.memory_space<vmem>>
      %dma_wait3A_185 = tpu.memref_squeeze %dma_wait3A_184 : memref<1x128xi32, #tpu.memory_space<vmem>> -> memref<128xi32, #tpu.memory_space<vmem>>
      %dma_wait3A_186 = tpu.memref_slice %arg4[%add3A_181] : memref<163840xi32, #tpu.memory_space<hbm>> -> memref<128xi32, #tpu.memory_space<hbm>>
      %dma_wait3A_187 = arith.constant 0 : i32
      %dma_wait3A_188 = tpu.memref_slice %arg8[%dma_wait3A_182, %dma_wait3A_187] : memref<2x128xi32, #tpu.memory_space<vmem>> -> memref<1x128xi32, #tpu.memory_space<vmem>>
      %dma_wait3A_189 = tpu.memref_squeeze %dma_wait3A_188 : memref<1x128xi32, #tpu.memory_space<vmem>> -> memref<128xi32, #tpu.memory_space<vmem>>
      %dma_wait3A_190 = tpu.memref_slice %arg4[%add3A_181] : memref<163840xi32, #tpu.memory_space<hbm>> -> memref<128xi32, #tpu.memory_space<hbm>>
      tpu.wait_dma2 semaphore(%arg11 : memref<!tpu.dma_semaphore, #tpu.memory_space<semaphore_mem>>) src(%dma_wait3A_190 : memref<128xi32, #tpu.memory_space<hbm>>) dst(%dma_wait3A_189 : memref<128xi32, #tpu.memory_space<vmem>>)
      %dma_wait3A_191 = arith.constant 0 : i32
      %dma_wait3A_192 = arith.constant 0 : i32
      %dma_wait3A_193 = arith.constant 0 : i32
      %dma_wait3A_194 = tpu.memref_slice %arg9[%dma_wait3A_191, %dma_wait3A_192, %dma_wait3A_193] : memref<2x128x128xf32, #tpu.memory_space<vmem>> -> memref<1x128x128xf32, #tpu.memory_space<vmem>>
      %dma_wait3A_195 = tpu.memref_squeeze %dma_wait3A_194 : memref<1x128x128xf32, #tpu.memory_space<vmem>> -> memref<128x128xf32, #tpu.memory_space<vmem>>
      %dma_wait3A_196 = arith.constant 0 : i32
      %dma_wait3A_197 = tpu.memref_slice %arg7[%add3A_178, %dma_wait3A_196] : memref<80x128xi32, #tpu.memory_space<vmem>> -> memref<1x128xi32, #tpu.memory_space<vmem>>
      %dma_wait3A_198 = tpu.memref_squeeze %dma_wait3A_197 : memref<1x128xi32, #tpu.memory_space<vmem>> -> memref<128xi32, #tpu.memory_space<vmem>>
      %dma_wait3A_199 = arith.constant 0 : i32
      %dma_wait3A_200 = arith.constant 0 : i32
      %dma_wait3A_201 = tpu.memref_slice %arg2[%dma_wait3A_199, %dma_wait3A_200] : memref<20000x128xf32, #tpu.memory_space<hbm>> -> memref<20000x128xf32, #tpu.memory_space<hbm>>
      tpu.wait_indirect_dma semaphore(%arg11 : memref<!tpu.dma_semaphore, #tpu.memory_space<semaphore_mem>>) src(%dma_wait3A_201 : memref<20000x128xf32, #tpu.memory_space<hbm>>) dst(%dma_wait3A_195 : memref<128x128xf32, #tpu.memory_space<vmem>>)
      %dma_start3A_202 = arith.constant 0 : i32
      %dma_start3A_203 = arith.constant 0 : i32
      %dma_start3A_204 = arith.constant 0 : i32
      %dma_start3A_205 = arith.constant 0 : i32
      %dma_start3A_206 = tpu.memref_slice %arg9[%dma_start3A_202, %dma_start3A_204, %dma_start3A_205] : memref<2x128x128xf32, #tpu.memory_space<vmem>> -> memref<1x128x128xf32, #tpu.memory_space<vmem>>
      %dma_start3A_207 = tpu.memref_squeeze %dma_start3A_206 : memref<1x128x128xf32, #tpu.memory_space<vmem>> -> memref<128x128xf32, #tpu.memory_space<vmem>>
      %dma_start3A_208 = arith.constant 0 : i32
      %dma_start3A_209 = tpu.memref_slice %arg8[%dma_start3A_203, %dma_start3A_208] : memref<2x128xi32, #tpu.memory_space<vmem>> -> memref<1x128xi32, #tpu.memory_space<vmem>>
      %dma_start3A_210 = tpu.memref_squeeze %dma_start3A_209 : memref<1x128xi32, #tpu.memory_space<vmem>> -> memref<128xi32, #tpu.memory_space<vmem>>
      %dma_start3A_211 = arith.constant 0 : i32
      %dma_start3A_212 = arith.constant 0 : i32
      %dma_start3A_213 = tpu.memref_slice %arg10[%dma_start3A_211, %dma_start3A_212] : memref<10240x128xf32, #tpu.memory_space<vmem_shared>> -> memref<10240x128xf32, #tpu.memory_space<vmem_shared>>
      tpu.enqueue_indirect_dma source(%dma_start3A_207 : memref<128x128xf32, #tpu.memory_space<vmem>>) target(%dma_start3A_213 : memref<10240x128xf32, #tpu.memory_space<vmem_shared>>) offsets(%dma_start3A_210 : memref<128xi32, #tpu.memory_space<vmem>>) semaphore(%arg13 : memref<!tpu.dma_semaphore, #tpu.memory_space<semaphore_mem>>) {add = true}
      %dma_wait3A_214 = arith.constant 0 : i32
      %dma_wait3A_215 = arith.constant 0 : i32
      %dma_wait3A_216 = arith.constant 0 : i32
      %dma_wait3A_217 = arith.constant 0 : i32
      %dma_wait3A_218 = tpu.memref_slice %arg9[%dma_wait3A_214, %dma_wait3A_216, %dma_wait3A_217] : memref<2x128x128xf32, #tpu.memory_space<vmem>> -> memref<1x128x128xf32, #tpu.memory_space<vmem>>
      %dma_wait3A_219 = tpu.memref_squeeze %dma_wait3A_218 : memref<1x128x128xf32, #tpu.memory_space<vmem>> -> memref<128x128xf32, #tpu.memory_space<vmem>>
      %dma_wait3A_220 = arith.constant 0 : i32
      %dma_wait3A_221 = tpu.memref_slice %arg8[%dma_wait3A_215, %dma_wait3A_220] : memref<2x128xi32, #tpu.memory_space<vmem>> -> memref<1x128xi32, #tpu.memory_space<vmem>>
      %dma_wait3A_222 = tpu.memref_squeeze %dma_wait3A_221 : memref<1x128xi32, #tpu.memory_space<vmem>> -> memref<128xi32, #tpu.memory_space<vmem>>
      %dma_wait3A_223 = arith.constant 0 : i32
      %dma_wait3A_224 = arith.constant 0 : i32
      %dma_wait3A_225 = tpu.memref_slice %arg10[%dma_wait3A_223, %dma_wait3A_224] : memref<10240x128xf32, #tpu.memory_space<vmem_shared>> -> memref<10240x128xf32, #tpu.memory_space<vmem_shared>>
      tpu.wait_indirect_dma semaphore(%arg13 : memref<!tpu.dma_semaphore, #tpu.memory_space<semaphore_mem>>) src(%dma_wait3A_219 : memref<128x128xf32, #tpu.memory_space<vmem>>) dst(%dma_wait3A_225 : memref<10240x128xf32, #tpu.memory_space<vmem_shared>>)
      %add3A_226 = arith.constant 2 : i32
      %add3A_227 = arith.addi %add3A_178, %add3A_226 : i32
      %mul3A_228 = arith.constant 128 : i32
      %mul3A_229 = arith.muli %add3A_227, %mul3A_228 : i32
      %add3A_230 = arith.addi %mul3A_6, %mul3A_229 : i32
      %dma_start3A_231 = arith.constant 0 : i32
      %dma_start3A_232 = arith.constant 0 : i32
      %dma_start3A_233 = tpu.memref_slice %arg8[%dma_start3A_231, %dma_start3A_232] : memref<2x128xi32, #tpu.memory_space<vmem>> -> memref<1x128xi32, #tpu.memory_space<vmem>>
      %dma_start3A_234 = tpu.memref_squeeze %dma_start3A_233 : memref<1x128xi32, #tpu.memory_space<vmem>> -> memref<128xi32, #tpu.memory_space<vmem>>
      %dma_start3A_235 = tpu.memref_slice %arg4[%add3A_230] : memref<163840xi32, #tpu.memory_space<hbm>> -> memref<128xi32, #tpu.memory_space<hbm>>
      %dma_start3A_236 = arith.constant 0 : i32
      %dma_start3A_237 = tpu.memref_slice %arg8[%dma_start3A_231, %dma_start3A_236] : memref<2x128xi32, #tpu.memory_space<vmem>> -> memref<1x128xi32, #tpu.memory_space<vmem>>
      %dma_start3A_238 = tpu.memref_squeeze %dma_start3A_237 : memref<1x128xi32, #tpu.memory_space<vmem>> -> memref<128xi32, #tpu.memory_space<vmem>>
      %dma_start3A_239 = tpu.memref_slice %arg4[%add3A_230] : memref<163840xi32, #tpu.memory_space<hbm>> -> memref<128xi32, #tpu.memory_space<hbm>>
      tpu.enqueue_dma source(%dma_start3A_239 : memref<128xi32, #tpu.memory_space<hbm>>) target(%dma_start3A_238 : memref<128xi32, #tpu.memory_space<vmem>>) target_semaphore(%arg11 : memref<!tpu.dma_semaphore, #tpu.memory_space<semaphore_mem>>)
      %add3A_240 = arith.constant 2 : i32
      %add3A_241 = arith.addi %add3A_178, %add3A_240 : i32
      %dma_start3A_242 = arith.constant 0 : i32
      %dma_start3A_243 = arith.constant 0 : i32
      %dma_start3A_244 = arith.constant 0 : i32
      %dma_start3A_245 = tpu.memref_slice %arg9[%dma_start3A_242, %dma_start3A_243, %dma_start3A_244] : memref<2x128x128xf32, #tpu.memory_space<vmem>> -> memref<1x128x128xf32, #tpu.memory_space<vmem>>
      %dma_start3A_246 = tpu.memref_squeeze %dma_start3A_245 : memref<1x128x128xf32, #tpu.memory_space<vmem>> -> memref<128x128xf32, #tpu.memory_space<vmem>>
      %dma_start3A_247 = arith.constant 0 : i32
      %dma_start3A_248 = tpu.memref_slice %arg7[%add3A_241, %dma_start3A_247] : memref<80x128xi32, #tpu.memory_space<vmem>> -> memref<1x128xi32, #tpu.memory_space<vmem>>
      %dma_start3A_249 = tpu.memref_squeeze %dma_start3A_248 : memref<1x128xi32, #tpu.memory_space<vmem>> -> memref<128xi32, #tpu.memory_space<vmem>>
      %dma_start3A_250 = arith.constant 0 : i32
      %dma_start3A_251 = arith.constant 0 : i32
      %dma_start3A_252 = tpu.memref_slice %arg2[%dma_start3A_250, %dma_start3A_251] : memref<20000x128xf32, #tpu.memory_space<hbm>> -> memref<20000x128xf32, #tpu.memory_space<hbm>>
      tpu.enqueue_indirect_dma source(%dma_start3A_252 : memref<20000x128xf32, #tpu.memory_space<hbm>>) target(%dma_start3A_246 : memref<128x128xf32, #tpu.memory_space<vmem>>) offsets(%dma_start3A_249 : memref<128xi32, #tpu.memory_space<vmem>>) semaphore(%arg11 : memref<!tpu.dma_semaphore, #tpu.memory_space<semaphore_mem>>)
      %add3A_253 = arith.constant 1 : i32
      %add3A_254 = arith.addi %add3A_176, %add3A_253 : i32
      %mul3A_255 = arith.constant 128 : i32
      %mul3A_256 = arith.muli %add3A_254, %mul3A_255 : i32
      %add3A_257 = arith.addi %mul3A_6, %mul3A_256 : i32
      %dma_wait3A_258 = arith.constant 1 : i32
      %dma_wait3A_259 = arith.constant 0 : i32
      %dma_wait3A_260 = tpu.memref_slice %arg8[%dma_wait3A_258, %dma_wait3A_259] : memref<2x128xi32, #tpu.memory_space<vmem>> -> memref<1x128xi32, #tpu.memory_space<vmem>>
      %dma_wait3A_261 = tpu.memref_squeeze %dma_wait3A_260 : memref<1x128xi32, #tpu.memory_space<vmem>> -> memref<128xi32, #tpu.memory_space<vmem>>
      %dma_wait3A_262 = tpu.memref_slice %arg4[%add3A_257] : memref<163840xi32, #tpu.memory_space<hbm>> -> memref<128xi32, #tpu.memory_space<hbm>>
      %dma_wait3A_263 = arith.constant 0 : i32
      %dma_wait3A_264 = tpu.memref_slice %arg8[%dma_wait3A_258, %dma_wait3A_263] : memref<2x128xi32, #tpu.memory_space<vmem>> -> memref<1x128xi32, #tpu.memory_space<vmem>>
      %dma_wait3A_265 = tpu.memref_squeeze %dma_wait3A_264 : memref<1x128xi32, #tpu.memory_space<vmem>> -> memref<128xi32, #tpu.memory_space<vmem>>
      %dma_wait3A_266 = tpu.memref_slice %arg4[%add3A_257] : memref<163840xi32, #tpu.memory_space<hbm>> -> memref<128xi32, #tpu.memory_space<hbm>>
      tpu.wait_dma2 semaphore(%arg12 : memref<!tpu.dma_semaphore, #tpu.memory_space<semaphore_mem>>) src(%dma_wait3A_266 : memref<128xi32, #tpu.memory_space<hbm>>) dst(%dma_wait3A_265 : memref<128xi32, #tpu.memory_space<vmem>>)
      %dma_wait3A_267 = arith.constant 1 : i32
      %dma_wait3A_268 = arith.constant 0 : i32
      %dma_wait3A_269 = arith.constant 0 : i32
      %dma_wait3A_270 = tpu.memref_slice %arg9[%dma_wait3A_267, %dma_wait3A_268, %dma_wait3A_269] : memref<2x128x128xf32, #tpu.memory_space<vmem>> -> memref<1x128x128xf32, #tpu.memory_space<vmem>>
      %dma_wait3A_271 = tpu.memref_squeeze %dma_wait3A_270 : memref<1x128x128xf32, #tpu.memory_space<vmem>> -> memref<128x128xf32, #tpu.memory_space<vmem>>
      %dma_wait3A_272 = arith.constant 0 : i32
      %dma_wait3A_273 = tpu.memref_slice %arg7[%add3A_254, %dma_wait3A_272] : memref<80x128xi32, #tpu.memory_space<vmem>> -> memref<1x128xi32, #tpu.memory_space<vmem>>
      %dma_wait3A_274 = tpu.memref_squeeze %dma_wait3A_273 : memref<1x128xi32, #tpu.memory_space<vmem>> -> memref<128xi32, #tpu.memory_space<vmem>>
      %dma_wait3A_275 = arith.constant 0 : i32
      %dma_wait3A_276 = arith.constant 0 : i32
      %dma_wait3A_277 = tpu.memref_slice %arg2[%dma_wait3A_275, %dma_wait3A_276] : memref<20000x128xf32, #tpu.memory_space<hbm>> -> memref<20000x128xf32, #tpu.memory_space<hbm>>
      tpu.wait_indirect_dma semaphore(%arg12 : memref<!tpu.dma_semaphore, #tpu.memory_space<semaphore_mem>>) src(%dma_wait3A_277 : memref<20000x128xf32, #tpu.memory_space<hbm>>) dst(%dma_wait3A_271 : memref<128x128xf32, #tpu.memory_space<vmem>>)
      %dma_start3A_278 = arith.constant 1 : i32
      %dma_start3A_279 = arith.constant 1 : i32
      %dma_start3A_280 = arith.constant 0 : i32
      %dma_start3A_281 = arith.constant 0 : i32
      %dma_start3A_282 = tpu.memref_slice %arg9[%dma_start3A_278, %dma_start3A_280, %dma_start3A_281] : memref<2x128x128xf32, #tpu.memory_space<vmem>> -> memref<1x128x128xf32, #tpu.memory_space<vmem>>
      %dma_start3A_283 = tpu.memref_squeeze %dma_start3A_282 : memref<1x128x128xf32, #tpu.memory_space<vmem>> -> memref<128x128xf32, #tpu.memory_space<vmem>>
      %dma_start3A_284 = arith.constant 0 : i32
      %dma_start3A_285 = tpu.memref_slice %arg8[%dma_start3A_279, %dma_start3A_284] : memref<2x128xi32, #tpu.memory_space<vmem>> -> memref<1x128xi32, #tpu.memory_space<vmem>>
      %dma_start3A_286 = tpu.memref_squeeze %dma_start3A_285 : memref<1x128xi32, #tpu.memory_space<vmem>> -> memref<128xi32, #tpu.memory_space<vmem>>
      %dma_start3A_287 = arith.constant 0 : i32
      %dma_start3A_288 = arith.constant 0 : i32
      %dma_start3A_289 = tpu.memref_slice %arg10[%dma_start3A_287, %dma_start3A_288] : memref<10240x128xf32, #tpu.memory_space<vmem_shared>> -> memref<10240x128xf32, #tpu.memory_space<vmem_shared>>
      tpu.enqueue_indirect_dma source(%dma_start3A_283 : memref<128x128xf32, #tpu.memory_space<vmem>>) target(%dma_start3A_289 : memref<10240x128xf32, #tpu.memory_space<vmem_shared>>) offsets(%dma_start3A_286 : memref<128xi32, #tpu.memory_space<vmem>>) semaphore(%arg14 : memref<!tpu.dma_semaphore, #tpu.memory_space<semaphore_mem>>) {add = true}
      %dma_wait3A_290 = arith.constant 1 : i32
      %dma_wait3A_291 = arith.constant 1 : i32
      %dma_wait3A_292 = arith.constant 0 : i32
      %dma_wait3A_293 = arith.constant 0 : i32
      %dma_wait3A_294 = tpu.memref_slice %arg9[%dma_wait3A_290, %dma_wait3A_292, %dma_wait3A_293] : memref<2x128x128xf32, #tpu.memory_space<vmem>> -> memref<1x128x128xf32, #tpu.memory_space<vmem>>
      %dma_wait3A_295 = tpu.memref_squeeze %dma_wait3A_294 : memref<1x128x128xf32, #tpu.memory_space<vmem>> -> memref<128x128xf32, #tpu.memory_space<vmem>>
      %dma_wait3A_296 = arith.constant 0 : i32
      %dma_wait3A_297 = tpu.memref_slice %arg8[%dma_wait3A_291, %dma_wait3A_296] : memref<2x128xi32, #tpu.memory_space<vmem>> -> memref<1x128xi32, #tpu.memory_space<vmem>>
      %dma_wait3A_298 = tpu.memref_squeeze %dma_wait3A_297 : memref<1x128xi32, #tpu.memory_space<vmem>> -> memref<128xi32, #tpu.memory_space<vmem>>
      %dma_wait3A_299 = arith.constant 0 : i32
      %dma_wait3A_300 = arith.constant 0 : i32
      %dma_wait3A_301 = tpu.memref_slice %arg10[%dma_wait3A_299, %dma_wait3A_300] : memref<10240x128xf32, #tpu.memory_space<vmem_shared>> -> memref<10240x128xf32, #tpu.memory_space<vmem_shared>>
      tpu.wait_indirect_dma semaphore(%arg14 : memref<!tpu.dma_semaphore, #tpu.memory_space<semaphore_mem>>) src(%dma_wait3A_295 : memref<128x128xf32, #tpu.memory_space<vmem>>) dst(%dma_wait3A_301 : memref<10240x128xf32, #tpu.memory_space<vmem_shared>>)
      %add3A_302 = arith.constant 2 : i32
      %add3A_303 = arith.addi %add3A_254, %add3A_302 : i32
      %mul3A_304 = arith.constant 128 : i32
      %mul3A_305 = arith.muli %add3A_303, %mul3A_304 : i32
      %add3A_306 = arith.addi %mul3A_6, %mul3A_305 : i32
      %dma_start3A_307 = arith.constant 1 : i32
      %dma_start3A_308 = arith.constant 0 : i32
      %dma_start3A_309 = tpu.memref_slice %arg8[%dma_start3A_307, %dma_start3A_308] : memref<2x128xi32, #tpu.memory_space<vmem>> -> memref<1x128xi32, #tpu.memory_space<vmem>>
      %dma_start3A_310 = tpu.memref_squeeze %dma_start3A_309 : memref<1x128xi32, #tpu.memory_space<vmem>> -> memref<128xi32, #tpu.memory_space<vmem>>
      %dma_start3A_311 = tpu.memref_slice %arg4[%add3A_306] : memref<163840xi32, #tpu.memory_space<hbm>> -> memref<128xi32, #tpu.memory_space<hbm>>
      %dma_start3A_312 = arith.constant 0 : i32
      %dma_start3A_313 = tpu.memref_slice %arg8[%dma_start3A_307, %dma_start3A_312] : memref<2x128xi32, #tpu.memory_space<vmem>> -> memref<1x128xi32, #tpu.memory_space<vmem>>
      %dma_start3A_314 = tpu.memref_squeeze %dma_start3A_313 : memref<1x128xi32, #tpu.memory_space<vmem>> -> memref<128xi32, #tpu.memory_space<vmem>>
      %dma_start3A_315 = tpu.memref_slice %arg4[%add3A_306] : memref<163840xi32, #tpu.memory_space<hbm>> -> memref<128xi32, #tpu.memory_space<hbm>>
      tpu.enqueue_dma source(%dma_start3A_315 : memref<128xi32, #tpu.memory_space<hbm>>) target(%dma_start3A_314 : memref<128xi32, #tpu.memory_space<vmem>>) target_semaphore(%arg12 : memref<!tpu.dma_semaphore, #tpu.memory_space<semaphore_mem>>)
      %add3A_316 = arith.constant 2 : i32
      %add3A_317 = arith.addi %add3A_254, %add3A_316 : i32
      %dma_start3A_318 = arith.constant 1 : i32
      %dma_start3A_319 = arith.constant 0 : i32
      %dma_start3A_320 = arith.constant 0 : i32
      %dma_start3A_321 = tpu.memref_slice %arg9[%dma_start3A_318, %dma_start3A_319, %dma_start3A_320] : memref<2x128x128xf32, #tpu.memory_space<vmem>> -> memref<1x128x128xf32, #tpu.memory_space<vmem>>
      %dma_start3A_322 = tpu.memref_squeeze %dma_start3A_321 : memref<1x128x128xf32, #tpu.memory_space<vmem>> -> memref<128x128xf32, #tpu.memory_space<vmem>>
      %dma_start3A_323 = arith.constant 0 : i32
      %dma_start3A_324 = tpu.memref_slice %arg7[%add3A_317, %dma_start3A_323] : memref<80x128xi32, #tpu.memory_space<vmem>> -> memref<1x128xi32, #tpu.memory_space<vmem>>
      %dma_start3A_325 = tpu.memref_squeeze %dma_start3A_324 : memref<1x128xi32, #tpu.memory_space<vmem>> -> memref<128xi32, #tpu.memory_space<vmem>>
      %dma_start3A_326 = arith.constant 0 : i32
      %dma_start3A_327 = arith.constant 0 : i32
      %dma_start3A_328 = tpu.memref_slice %arg2[%dma_start3A_326, %dma_start3A_327] : memref<20000x128xf32, #tpu.memory_space<hbm>> -> memref<20000x128xf32, #tpu.memory_space<hbm>>
      tpu.enqueue_indirect_dma source(%dma_start3A_328 : memref<20000x128xf32, #tpu.memory_space<hbm>>) target(%dma_start3A_322 : memref<128x128xf32, #tpu.memory_space<vmem>>) offsets(%dma_start3A_325 : memref<128xi32, #tpu.memory_space<vmem>>) semaphore(%arg12 : memref<!tpu.dma_semaphore, #tpu.memory_space<semaphore_mem>>)
    }
    %while3A_71 = arith.constant 1 : i32
    scf.for %while3A_174 = %while3A_69 to %while3A_65 step %while3A_71  : i32 {
      %mul3A_175 = arith.muli %while3A_174, %while3A : i32
      %add3A_176 = arith.addi %while3A_62, %mul3A_175 : i32
      %add3A_177 = arith.constant 0 : i32
      %add3A_178 = arith.addi %add3A_176, %add3A_177 : i32
      %mul3A_179 = arith.constant 128 : i32
      %mul3A_180 = arith.muli %add3A_178, %mul3A_179 : i32
      %add3A_181 = arith.addi %mul3A_6, %mul3A_180 : i32
      %dma_wait3A_182 = arith.constant 0 : i32
      %dma_wait3A_183 = arith.constant 0 : i32
      %dma_wait3A_184 = tpu.memref_slice %arg8[%dma_wait3A_182, %dma_wait3A_183] : memref<2x128xi32, #tpu.memory_space<vmem>> -> memref<1x128xi32, #tpu.memory_space<vmem>>
      %dma_wait3A_185 = tpu.memref_squeeze %dma_wait3A_184 : memref<1x128xi32, #tpu.memory_space<vmem>> -> memref<128xi32, #tpu.memory_space<vmem>>
      %dma_wait3A_186 = tpu.memref_slice %arg4[%add3A_181] : memref<163840xi32, #tpu.memory_space<hbm>> -> memref<128xi32, #tpu.memory_space<hbm>>
      %dma_wait3A_187 = arith.constant 0 : i32
      %dma_wait3A_188 = tpu.memref_slice %arg8[%dma_wait3A_182, %dma_wait3A_187] : memref<2x128xi32, #tpu.memory_space<vmem>> -> memref<1x128xi32, #tpu.memory_space<vmem>>
      %dma_wait3A_189 = tpu.memref_squeeze %dma_wait3A_188 : memref<1x128xi32, #tpu.memory_space<vmem>> -> memref<128xi32, #tpu.memory_space<vmem>>
      %dma_wait3A_190 = tpu.memref_slice %arg4[%add3A_181] : memref<163840xi32, #tpu.memory_space<hbm>> -> memref<128xi32, #tpu.memory_space<hbm>>
      tpu.wait_dma2 semaphore(%arg11 : memref<!tpu.dma_semaphore, #tpu.memory_space<semaphore_mem>>) src(%dma_wait3A_190 : memref<128xi32, #tpu.memory_space<hbm>>) dst(%dma_wait3A_189 : memref<128xi32, #tpu.memory_space<vmem>>)
      %dma_wait3A_191 = arith.constant 0 : i32
      %dma_wait3A_192 = arith.constant 0 : i32
      %dma_wait3A_193 = arith.constant 0 : i32
      %dma_wait3A_194 = tpu.memref_slice %arg9[%dma_wait3A_191, %dma_wait3A_192, %dma_wait3A_193] : memref<2x128x128xf32, #tpu.memory_space<vmem>> -> memref<1x128x128xf32, #tpu.memory_space<vmem>>
      %dma_wait3A_195 = tpu.memref_squeeze %dma_wait3A_194 : memref<1x128x128xf32, #tpu.memory_space<vmem>> -> memref<128x128xf32, #tpu.memory_space<vmem>>
      %dma_wait3A_196 = arith.constant 0 : i32
      %dma_wait3A_197 = tpu.memref_slice %arg7[%add3A_178, %dma_wait3A_196] : memref<80x128xi32, #tpu.memory_space<vmem>> -> memref<1x128xi32, #tpu.memory_space<vmem>>
      %dma_wait3A_198 = tpu.memref_squeeze %dma_wait3A_197 : memref<1x128xi32, #tpu.memory_space<vmem>> -> memref<128xi32, #tpu.memory_space<vmem>>
      %dma_wait3A_199 = arith.constant 0 : i32
      %dma_wait3A_200 = arith.constant 0 : i32
      %dma_wait3A_201 = tpu.memref_slice %arg2[%dma_wait3A_199, %dma_wait3A_200] : memref<20000x128xf32, #tpu.memory_space<hbm>> -> memref<20000x128xf32, #tpu.memory_space<hbm>>
      tpu.wait_indirect_dma semaphore(%arg11 : memref<!tpu.dma_semaphore, #tpu.memory_space<semaphore_mem>>) src(%dma_wait3A_201 : memref<20000x128xf32, #tpu.memory_space<hbm>>) dst(%dma_wait3A_195 : memref<128x128xf32, #tpu.memory_space<vmem>>)
      %dma_start3A_202 = arith.constant 0 : i32
      %dma_start3A_203 = arith.constant 0 : i32
      %dma_start3A_204 = arith.constant 0 : i32
      %dma_start3A_205 = arith.constant 0 : i32
      %dma_start3A_206 = tpu.memref_slice %arg9[%dma_start3A_202, %dma_start3A_204, %dma_start3A_205] : memref<2x128x128xf32, #tpu.memory_space<vmem>> -> memref<1x128x128xf32, #tpu.memory_space<vmem>>
      %dma_start3A_207 = tpu.memref_squeeze %dma_start3A_206 : memref<1x128x128xf32, #tpu.memory_space<vmem>> -> memref<128x128xf32, #tpu.memory_space<vmem>>
      %dma_start3A_208 = arith.constant 0 : i32
      %dma_start3A_209 = tpu.memref_slice %arg8[%dma_start3A_203, %dma_start3A_208] : memref<2x128xi32, #tpu.memory_space<vmem>> -> memref<1x128xi32, #tpu.memory_space<vmem>>
      %dma_start3A_210 = tpu.memref_squeeze %dma_start3A_209 : memref<1x128xi32, #tpu.memory_space<vmem>> -> memref<128xi32, #tpu.memory_space<vmem>>
      %dma_start3A_211 = arith.constant 0 : i32
      %dma_start3A_212 = arith.constant 0 : i32
      %dma_start3A_213 = tpu.memref_slice %arg10[%dma_start3A_211, %dma_start3A_212] : memref<10240x128xf32, #tpu.memory_space<vmem_shared>> -> memref<10240x128xf32, #tpu.memory_space<vmem_shared>>
      tpu.enqueue_indirect_dma source(%dma_start3A_207 : memref<128x128xf32, #tpu.memory_space<vmem>>) target(%dma_start3A_213 : memref<10240x128xf32, #tpu.memory_space<vmem_shared>>) offsets(%dma_start3A_210 : memref<128xi32, #tpu.memory_space<vmem>>) semaphore(%arg13 : memref<!tpu.dma_semaphore, #tpu.memory_space<semaphore_mem>>) {add = true}
      %dma_wait3A_214 = arith.constant 0 : i32
      %dma_wait3A_215 = arith.constant 0 : i32
      %dma_wait3A_216 = arith.constant 0 : i32
      %dma_wait3A_217 = arith.constant 0 : i32
      %dma_wait3A_218 = tpu.memref_slice %arg9[%dma_wait3A_214, %dma_wait3A_216, %dma_wait3A_217] : memref<2x128x128xf32, #tpu.memory_space<vmem>> -> memref<1x128x128xf32, #tpu.memory_space<vmem>>
      %dma_wait3A_219 = tpu.memref_squeeze %dma_wait3A_218 : memref<1x128x128xf32, #tpu.memory_space<vmem>> -> memref<128x128xf32, #tpu.memory_space<vmem>>
      %dma_wait3A_220 = arith.constant 0 : i32
      %dma_wait3A_221 = tpu.memref_slice %arg8[%dma_wait3A_215, %dma_wait3A_220] : memref<2x128xi32, #tpu.memory_space<vmem>> -> memref<1x128xi32, #tpu.memory_space<vmem>>
      %dma_wait3A_222 = tpu.memref_squeeze %dma_wait3A_221 : memref<1x128xi32, #tpu.memory_space<vmem>> -> memref<128xi32, #tpu.memory_space<vmem>>
      %dma_wait3A_223 = arith.constant 0 : i32
      %dma_wait3A_224 = arith.constant 0 : i32
      %dma_wait3A_225 = tpu.memref_slice %arg10[%dma_wait3A_223, %dma_wait3A_224] : memref<10240x128xf32, #tpu.memory_space<vmem_shared>> -> memref<10240x128xf32, #tpu.memory_space<vmem_shared>>
      tpu.wait_indirect_dma semaphore(%arg13 : memref<!tpu.dma_semaphore, #tpu.memory_space<semaphore_mem>>) src(%dma_wait3A_219 : memref<128x128xf32, #tpu.memory_space<vmem>>) dst(%dma_wait3A_225 : memref<10240x128xf32, #tpu.memory_space<vmem_shared>>)
      %add3A_226 = arith.constant 2 : i32
      %add3A_227 = arith.addi %add3A_178, %add3A_226 : i32
      %mul3A_228 = arith.constant 128 : i32
      %mul3A_229 = arith.muli %add3A_227, %mul3A_228 : i32
      %add3A_230 = arith.addi %mul3A_6, %mul3A_229 : i32
      %dma_start3A_231 = arith.constant 0 : i32
      %dma_start3A_232 = arith.constant 0 : i32
      %dma_start3A_233 = tpu.memref_slice %arg8[%dma_start3A_231, %dma_start3A_232] : memref<2x128xi32, #tpu.memory_space<vmem>> -> memref<1x128xi32, #tpu.memory_space<vmem>>
      %dma_start3A_234 = tpu.memref_squeeze %dma_start3A_233 : memref<1x128xi32, #tpu.memory_space<vmem>> -> memref<128xi32, #tpu.memory_space<vmem>>
      %dma_start3A_235 = tpu.memref_slice %arg4[%add3A_230] : memref<163840xi32, #tpu.memory_space<hbm>> -> memref<128xi32, #tpu.memory_space<hbm>>
      %dma_start3A_236 = arith.constant 0 : i32
      %dma_start3A_237 = tpu.memref_slice %arg8[%dma_start3A_231, %dma_start3A_236] : memref<2x128xi32, #tpu.memory_space<vmem>> -> memref<1x128xi32, #tpu.memory_space<vmem>>
      %dma_start3A_238 = tpu.memref_squeeze %dma_start3A_237 : memref<1x128xi32, #tpu.memory_space<vmem>> -> memref<128xi32, #tpu.memory_space<vmem>>
      %dma_start3A_239 = tpu.memref_slice %arg4[%add3A_230] : memref<163840xi32, #tpu.memory_space<hbm>> -> memref<128xi32, #tpu.memory_space<hbm>>
      tpu.enqueue_dma source(%dma_start3A_239 : memref<128xi32, #tpu.memory_space<hbm>>) target(%dma_start3A_238 : memref<128xi32, #tpu.memory_space<vmem>>) target_semaphore(%arg11 : memref<!tpu.dma_semaphore, #tpu.memory_space<semaphore_mem>>)
      %add3A_240 = arith.constant 2 : i32
      %add3A_241 = arith.addi %add3A_178, %add3A_240 : i32
      %dma_start3A_242 = arith.constant 0 : i32
      %dma_start3A_243 = arith.constant 0 : i32
      %dma_start3A_244 = arith.constant 0 : i32
      %dma_start3A_245 = tpu.memref_slice %arg9[%dma_start3A_242, %dma_start3A_243, %dma_start3A_244] : memref<2x128x128xf32, #tpu.memory_space<vmem>> -> memref<1x128x128xf32, #tpu.memory_space<vmem>>
      %dma_start3A_246 = tpu.memref_squeeze %dma_start3A_245 : memref<1x128x128xf32, #tpu.memory_space<vmem>> -> memref<128x128xf32, #tpu.memory_space<vmem>>
      %dma_start3A_247 = arith.constant 0 : i32
      %dma_start3A_248 = tpu.memref_slice %arg7[%add3A_241, %dma_start3A_247] : memref<80x128xi32, #tpu.memory_space<vmem>> -> memref<1x128xi32, #tpu.memory_space<vmem>>
      %dma_start3A_249 = tpu.memref_squeeze %dma_start3A_248 : memref<1x128xi32, #tpu.memory_space<vmem>> -> memref<128xi32, #tpu.memory_space<vmem>>
      %dma_start3A_250 = arith.constant 0 : i32
      %dma_start3A_251 = arith.constant 0 : i32
      %dma_start3A_252 = tpu.memref_slice %arg2[%dma_start3A_250, %dma_start3A_251] : memref<20000x128xf32, #tpu.memory_space<hbm>> -> memref<20000x128xf32, #tpu.memory_space<hbm>>
      tpu.enqueue_indirect_dma source(%dma_start3A_252 : memref<20000x128xf32, #tpu.memory_space<hbm>>) target(%dma_start3A_246 : memref<128x128xf32, #tpu.memory_space<vmem>>) offsets(%dma_start3A_249 : memref<128xi32, #tpu.memory_space<vmem>>) semaphore(%arg11 : memref<!tpu.dma_semaphore, #tpu.memory_space<semaphore_mem>>)
      %add3A_253 = arith.constant 1 : i32
      %add3A_254 = arith.addi %add3A_176, %add3A_253 : i32
      %mul3A_255 = arith.constant 128 : i32
      %mul3A_256 = arith.muli %add3A_254, %mul3A_255 : i32
      %add3A_257 = arith.addi %mul3A_6, %mul3A_256 : i32
      %dma_wait3A_258 = arith.constant 1 : i32
      %dma_wait3A_259 = arith.constant 0 : i32
      %dma_wait3A_260 = tpu.memref_slice %arg8[%dma_wait3A_258, %dma_wait3A_259] : memref<2x128xi32, #tpu.memory_space<vmem>> -> memref<1x128xi32, #tpu.memory_space<vmem>>
      %dma_wait3A_261 = tpu.memref_squeeze %dma_wait3A_260 : memref<1x128xi32, #tpu.memory_space<vmem>> -> memref<128xi32, #tpu.memory_space<vmem>>
      %dma_wait3A_262 = tpu.memref_slice %arg4[%add3A_257] : memref<163840xi32, #tpu.memory_space<hbm>> -> memref<128xi32, #tpu.memory_space<hbm>>
      %dma_wait3A_263 = arith.constant 0 : i32
      %dma_wait3A_264 = tpu.memref_slice %arg8[%dma_wait3A_258, %dma_wait3A_263] : memref<2x128xi32, #tpu.memory_space<vmem>> -> memref<1x128xi32, #tpu.memory_space<vmem>>
      %dma_wait3A_265 = tpu.memref_squeeze %dma_wait3A_264 : memref<1x128xi32, #tpu.memory_space<vmem>> -> memref<128xi32, #tpu.memory_space<vmem>>
      %dma_wait3A_266 = tpu.memref_slice %arg4[%add3A_257] : memref<163840xi32, #tpu.memory_space<hbm>> -> memref<128xi32, #tpu.memory_space<hbm>>
      tpu.wait_dma2 semaphore(%arg12 : memref<!tpu.dma_semaphore, #tpu.memory_space<semaphore_mem>>) src(%dma_wait3A_266 : memref<128xi32, #tpu.memory_space<hbm>>) dst(%dma_wait3A_265 : memref<128xi32, #tpu.memory_space<vmem>>)
      %dma_wait3A_267 = arith.constant 1 : i32
      %dma_wait3A_268 = arith.constant 0 : i32
      %dma_wait3A_269 = arith.constant 0 : i32
      %dma_wait3A_270 = tpu.memref_slice %arg9[%dma_wait3A_267, %dma_wait3A_268, %dma_wait3A_269] : memref<2x128x128xf32, #tpu.memory_space<vmem>> -> memref<1x128x128xf32, #tpu.memory_space<vmem>>
      %dma_wait3A_271 = tpu.memref_squeeze %dma_wait3A_270 : memref<1x128x128xf32, #tpu.memory_space<vmem>> -> memref<128x128xf32, #tpu.memory_space<vmem>>
      %dma_wait3A_272 = arith.constant 0 : i32
      %dma_wait3A_273 = tpu.memref_slice %arg7[%add3A_254, %dma_wait3A_272] : memref<80x128xi32, #tpu.memory_space<vmem>> -> memref<1x128xi32, #tpu.memory_space<vmem>>
      %dma_wait3A_274 = tpu.memref_squeeze %dma_wait3A_273 : memref<1x128xi32, #tpu.memory_space<vmem>> -> memref<128xi32, #tpu.memory_space<vmem>>
      %dma_wait3A_275 = arith.constant 0 : i32
      %dma_wait3A_276 = arith.constant 0 : i32
      %dma_wait3A_277 = tpu.memref_slice %arg2[%dma_wait3A_275, %dma_wait3A_276] : memref<20000x128xf32, #tpu.memory_space<hbm>> -> memref<20000x128xf32, #tpu.memory_space<hbm>>
      tpu.wait_indirect_dma semaphore(%arg12 : memref<!tpu.dma_semaphore, #tpu.memory_space<semaphore_mem>>) src(%dma_wait3A_277 : memref<20000x128xf32, #tpu.memory_space<hbm>>) dst(%dma_wait3A_271 : memref<128x128xf32, #tpu.memory_space<vmem>>)
      %dma_start3A_278 = arith.constant 1 : i32
      %dma_start3A_279 = arith.constant 1 : i32
      %dma_start3A_280 = arith.constant 0 : i32
      %dma_start3A_281 = arith.constant 0 : i32
      %dma_start3A_282 = tpu.memref_slice %arg9[%dma_start3A_278, %dma_start3A_280, %dma_start3A_281] : memref<2x128x128xf32, #tpu.memory_space<vmem>> -> memref<1x128x128xf32, #tpu.memory_space<vmem>>
      %dma_start3A_283 = tpu.memref_squeeze %dma_start3A_282 : memref<1x128x128xf32, #tpu.memory_space<vmem>> -> memref<128x128xf32, #tpu.memory_space<vmem>>
      %dma_start3A_284 = arith.constant 0 : i32
      %dma_start3A_285 = tpu.memref_slice %arg8[%dma_start3A_279, %dma_start3A_284] : memref<2x128xi32, #tpu.memory_space<vmem>> -> memref<1x128xi32, #tpu.memory_space<vmem>>
      %dma_start3A_286 = tpu.memref_squeeze %dma_start3A_285 : memref<1x128xi32, #tpu.memory_space<vmem>> -> memref<128xi32, #tpu.memory_space<vmem>>
      %dma_start3A_287 = arith.constant 0 : i32
      %dma_start3A_288 = arith.constant 0 : i32
      %dma_start3A_289 = tpu.memref_slice %arg10[%dma_start3A_287, %dma_start3A_288] : memref<10240x128xf32, #tpu.memory_space<vmem_shared>> -> memref<10240x128xf32, #tpu.memory_space<vmem_shared>>
      tpu.enqueue_indirect_dma source(%dma_start3A_283 : memref<128x128xf32, #tpu.memory_space<vmem>>) target(%dma_start3A_289 : memref<10240x128xf32, #tpu.memory_space<vmem_shared>>) offsets(%dma_start3A_286 : memref<128xi32, #tpu.memory_space<vmem>>) semaphore(%arg14 : memref<!tpu.dma_semaphore, #tpu.memory_space<semaphore_mem>>) {add = true}
      %dma_wait3A_290 = arith.constant 1 : i32
      %dma_wait3A_291 = arith.constant 1 : i32
      %dma_wait3A_292 = arith.constant 0 : i32
      %dma_wait3A_293 = arith.constant 0 : i32
      %dma_wait3A_294 = tpu.memref_slice %arg9[%dma_wait3A_290, %dma_wait3A_292, %dma_wait3A_293] : memref<2x128x128xf32, #tpu.memory_space<vmem>> -> memref<1x128x128xf32, #tpu.memory_space<vmem>>
      %dma_wait3A_295 = tpu.memref_squeeze %dma_wait3A_294 : memref<1x128x128xf32, #tpu.memory_space<vmem>> -> memref<128x128xf32, #tpu.memory_space<vmem>>
      %dma_wait3A_296 = arith.constant 0 : i32
      %dma_wait3A_297 = tpu.memref_slice %arg8[%dma_wait3A_291, %dma_wait3A_296] : memref<2x128xi32, #tpu.memory_space<vmem>> -> memref<1x128xi32, #tpu.memory_space<vmem>>
      %dma_wait3A_298 = tpu.memref_squeeze %dma_wait3A_297 : memref<1x128xi32, #tpu.memory_space<vmem>> -> memref<128xi32, #tpu.memory_space<vmem>>
      %dma_wait3A_299 = arith.constant 0 : i32
      %dma_wait3A_300 = arith.constant 0 : i32
      %dma_wait3A_301 = tpu.memref_slice %arg10[%dma_wait3A_299, %dma_wait3A_300] : memref<10240x128xf32, #tpu.memory_space<vmem_shared>> -> memref<10240x128xf32, #tpu.memory_space<vmem_shared>>
      tpu.wait_indirect_dma semaphore(%arg14 : memref<!tpu.dma_semaphore, #tpu.memory_space<semaphore_mem>>) src(%dma_wait3A_295 : memref<128x128xf32, #tpu.memory_space<vmem>>) dst(%dma_wait3A_301 : memref<10240x128xf32, #tpu.memory_space<vmem_shared>>)
      %add3A_302 = arith.constant 2 : i32
      %add3A_303 = arith.addi %add3A_254, %add3A_302 : i32
      %mul3A_304 = arith.constant 128 : i32
      %mul3A_305 = arith.muli %add3A_303, %mul3A_304 : i32
      %add3A_306 = arith.addi %mul3A_6, %mul3A_305 : i32
      %dma_start3A_307 = arith.constant 1 : i32
      %dma_start3A_308 = arith.constant 0 : i32
      %dma_start3A_309 = tpu.memref_slice %arg8[%dma_start3A_307, %dma_start3A_308] : memref<2x128xi32, #tpu.memory_space<vmem>> -> memref<1x128xi32, #tpu.memory_space<vmem>>
      %dma_start3A_310 = tpu.memref_squeeze %dma_start3A_309 : memref<1x128xi32, #tpu.memory_space<vmem>> -> memref<128xi32, #tpu.memory_space<vmem>>
      %dma_start3A_311 = tpu.memref_slice %arg4[%add3A_306] : memref<163840xi32, #tpu.memory_space<hbm>> -> memref<128xi32, #tpu.memory_space<hbm>>
      %dma_start3A_312 = arith.constant 0 : i32
      %dma_start3A_313 = tpu.memref_slice %arg8[%dma_start3A_307, %dma_start3A_312] : memref<2x128xi32, #tpu.memory_space<vmem>> -> memref<1x128xi32, #tpu.memory_space<vmem>>
      %dma_start3A_314 = tpu.memref_squeeze %dma_start3A_313 : memref<1x128xi32, #tpu.memory_space<vmem>> -> memref<128xi32, #tpu.memory_space<vmem>>
      %dma_start3A_315 = tpu.memref_slice %arg4[%add3A_306] : memref<163840xi32, #tpu.memory_space<hbm>> -> memref<128xi32, #tpu.memory_space<hbm>>
      tpu.enqueue_dma source(%dma_start3A_315 : memref<128xi32, #tpu.memory_space<hbm>>) target(%dma_start3A_314 : memref<128xi32, #tpu.memory_space<vmem>>) target_semaphore(%arg12 : memref<!tpu.dma_semaphore, #tpu.memory_space<semaphore_mem>>)
      %add3A_316 = arith.constant 2 : i32
      %add3A_317 = arith.addi %add3A_254, %add3A_316 : i32
      %dma_start3A_318 = arith.constant 1 : i32
      %dma_start3A_319 = arith.constant 0 : i32
      %dma_start3A_320 = arith.constant 0 : i32
      %dma_start3A_321 = tpu.memref_slice %arg9[%dma_start3A_318, %dma_start3A_319, %dma_start3A_320] : memref<2x128x128xf32, #tpu.memory_space<vmem>> -> memref<1x128x128xf32, #tpu.memory_space<vmem>>
      %dma_start3A_322 = tpu.memref_squeeze %dma_start3A_321 : memref<1x128x128xf32, #tpu.memory_space<vmem>> -> memref<128x128xf32, #tpu.memory_space<vmem>>
      %dma_start3A_323 = arith.constant 0 : i32
      %dma_start3A_324 = tpu.memref_slice %arg7[%add3A_317, %dma_start3A_323] : memref<80x128xi32, #tpu.memory_space<vmem>> -> memref<1x128xi32, #tpu.memory_space<vmem>>
      %dma_start3A_325 = tpu.memref_squeeze %dma_start3A_324 : memref<1x128xi32, #tpu.memory_space<vmem>> -> memref<128xi32, #tpu.memory_space<vmem>>
      %dma_start3A_326 = arith.constant 0 : i32
      %dma_start3A_327 = arith.constant 0 : i32
      %dma_start3A_328 = tpu.memref_slice %arg2[%dma_start3A_326, %dma_start3A_327] : memref<20000x128xf32, #tpu.memory_space<hbm>> -> memref<20000x128xf32, #tpu.memory_space<hbm>>
      tpu.enqueue_indirect_dma source(%dma_start3A_328 : memref<20000x128xf32, #tpu.memory_space<hbm>>) target(%dma_start3A_322 : memref<128x128xf32, #tpu.memory_space<vmem>>) offsets(%dma_start3A_325 : memref<128xi32, #tpu.memory_space<vmem>>) semaphore(%arg12 : memref<!tpu.dma_semaphore, #tpu.memory_space<semaphore_mem>>)
    }
    %mul3A_72 = arith.constant 78 : i32
    %mul3A_73 = arith.constant 128 : i32
    %mul3A_74 = arith.muli %mul3A_72, %mul3A_73 : i32
    %add3A_75 = arith.addi %mul3A_6, %mul3A_74 : i32
    %dma_wait3A = arith.constant 0 : i32
    %dma_wait3A_76 = arith.constant 0 : i32
    %dma_wait3A_77 = tpu.memref_slice %arg8[%dma_wait3A, %dma_wait3A_76] : memref<2x128xi32, #tpu.memory_space<vmem>> -> memref<1x128xi32, #tpu.memory_space<vmem>>
    %dma_wait3A_78 = tpu.memref_squeeze %dma_wait3A_77 : memref<1x128xi32, #tpu.memory_space<vmem>> -> memref<128xi32, #tpu.memory_space<vmem>>
    %dma_wait3A_79 = tpu.memref_slice %arg4[%add3A_75] : memref<163840xi32, #tpu.memory_space<hbm>> -> memref<128xi32, #tpu.memory_space<hbm>>
    %dma_wait3A_80 = arith.constant 0 : i32
    %dma_wait3A_81 = tpu.memref_slice %arg8[%dma_wait3A, %dma_wait3A_80] : memref<2x128xi32, #tpu.memory_space<vmem>> -> memref<1x128xi32, #tpu.memory_space<vmem>>
    %dma_wait3A_82 = tpu.memref_squeeze %dma_wait3A_81 : memref<1x128xi32, #tpu.memory_space<vmem>> -> memref<128xi32, #tpu.memory_space<vmem>>
    %dma_wait3A_83 = tpu.memref_slice %arg4[%add3A_75] : memref<163840xi32, #tpu.memory_space<hbm>> -> memref<128xi32, #tpu.memory_space<hbm>>
    tpu.wait_dma2 semaphore(%arg11 : memref<!tpu.dma_semaphore, #tpu.memory_space<semaphore_mem>>) src(%dma_wait3A_83 : memref<128xi32, #tpu.memory_space<hbm>>) dst(%dma_wait3A_82 : memref<128xi32, #tpu.memory_space<vmem>>)
    %dma_wait3A_84 = arith.constant 78 : i32
    %dma_wait3A_85 = arith.constant 0 : i32
    %dma_wait3A_86 = arith.constant 0 : i32
    %dma_wait3A_87 = arith.constant 0 : i32
    %dma_wait3A_88 = tpu.memref_slice %arg9[%dma_wait3A_85, %dma_wait3A_86, %dma_wait3A_87] : memref<2x128x128xf32, #tpu.memory_space<vmem>> -> memref<1x128x128xf32, #tpu.memory_space<vmem>>
    %dma_wait3A_89 = tpu.memref_squeeze %dma_wait3A_88 : memref<1x128x128xf32, #tpu.memory_space<vmem>> -> memref<128x128xf32, #tpu.memory_space<vmem>>
    %dma_wait3A_90 = arith.constant 0 : i32
    %dma_wait3A_91 = tpu.memref_slice %arg7[%dma_wait3A_84, %dma_wait3A_90] : memref<80x128xi32, #tpu.memory_space<vmem>> -> memref<1x128xi32, #tpu.memory_space<vmem>>
    %dma_wait3A_92 = tpu.memref_squeeze %dma_wait3A_91 : memref<1x128xi32, #tpu.memory_space<vmem>> -> memref<128xi32, #tpu.memory_space<vmem>>
    %dma_wait3A_93 = arith.constant 0 : i32
    %dma_wait3A_94 = arith.constant 0 : i32
    %dma_wait3A_95 = tpu.memref_slice %arg2[%dma_wait3A_93, %dma_wait3A_94] : memref<20000x128xf32, #tpu.memory_space<hbm>> -> memref<20000x128xf32, #tpu.memory_space<hbm>>
    tpu.wait_indirect_dma semaphore(%arg11 : memref<!tpu.dma_semaphore, #tpu.memory_space<semaphore_mem>>) src(%dma_wait3A_95 : memref<20000x128xf32, #tpu.memory_space<hbm>>) dst(%dma_wait3A_89 : memref<128x128xf32, #tpu.memory_space<vmem>>)
    %dma_start3A_96 = arith.constant 0 : i32
    %dma_start3A_97 = arith.constant 0 : i32
    %dma_start3A_98 = arith.constant 0 : i32
    %dma_start3A_99 = arith.constant 0 : i32
    %dma_start3A_100 = tpu.memref_slice %arg9[%dma_start3A_96, %dma_start3A_98, %dma_start3A_99] : memref<2x128x128xf32, #tpu.memory_space<vmem>> -> memref<1x128x128xf32, #tpu.memory_space<vmem>>
    %dma_start3A_101 = tpu.memref_squeeze %dma_start3A_100 : memref<1x128x128xf32, #tpu.memory_space<vmem>> -> memref<128x128xf32, #tpu.memory_space<vmem>>
    %dma_start3A_102 = arith.constant 0 : i32
    %dma_start3A_103 = tpu.memref_slice %arg8[%dma_start3A_97, %dma_start3A_102] : memref<2x128xi32, #tpu.memory_space<vmem>> -> memref<1x128xi32, #tpu.memory_space<vmem>>
    %dma_start3A_104 = tpu.memref_squeeze %dma_start3A_103 : memref<1x128xi32, #tpu.memory_space<vmem>> -> memref<128xi32, #tpu.memory_space<vmem>>
    %dma_start3A_105 = arith.constant 0 : i32
    %dma_start3A_106 = arith.constant 0 : i32
    %dma_start3A_107 = tpu.memref_slice %arg10[%dma_start3A_105, %dma_start3A_106] : memref<10240x128xf32, #tpu.memory_space<vmem_shared>> -> memref<10240x128xf32, #tpu.memory_space<vmem_shared>>
    tpu.enqueue_indirect_dma source(%dma_start3A_101 : memref<128x128xf32, #tpu.memory_space<vmem>>) target(%dma_start3A_107 : memref<10240x128xf32, #tpu.memory_space<vmem_shared>>) offsets(%dma_start3A_104 : memref<128xi32, #tpu.memory_space<vmem>>) semaphore(%arg13 : memref<!tpu.dma_semaphore, #tpu.memory_space<semaphore_mem>>) {add = true}
    %dma_wait3A_108 = arith.constant 0 : i32
    %dma_wait3A_109 = arith.constant 0 : i32
    %dma_wait3A_110 = arith.constant 0 : i32
    %dma_wait3A_111 = arith.constant 0 : i32
    %dma_wait3A_112 = tpu.memref_slice %arg9[%dma_wait3A_108, %dma_wait3A_110, %dma_wait3A_111] : memref<2x128x128xf32, #tpu.memory_space<vmem>> -> memref<1x128x128xf32, #tpu.memory_space<vmem>>
    %dma_wait3A_113 = tpu.memref_squeeze %dma_wait3A_112 : memref<1x128x128xf32, #tpu.memory_space<vmem>> -> memref<128x128xf32, #tpu.memory_space<vmem>>
    %dma_wait3A_114 = arith.constant 0 : i32
    %dma_wait3A_115 = tpu.memref_slice %arg8[%dma_wait3A_109, %dma_wait3A_114] : memref<2x128xi32, #tpu.memory_space<vmem>> -> memref<1x128xi32, #tpu.memory_space<vmem>>
    %dma_wait3A_116 = tpu.memref_squeeze %dma_wait3A_115 : memref<1x128xi32, #tpu.memory_space<vmem>> -> memref<128xi32, #tpu.memory_space<vmem>>
    %dma_wait3A_117 = arith.constant 0 : i32
    %dma_wait3A_118 = arith.constant 0 : i32
    %dma_wait3A_119 = tpu.memref_slice %arg10[%dma_wait3A_117, %dma_wait3A_118] : memref<10240x128xf32, #tpu.memory_space<vmem_shared>> -> memref<10240x128xf32, #tpu.memory_space<vmem_shared>>
    tpu.wait_indirect_dma semaphore(%arg13 : memref<!tpu.dma_semaphore, #tpu.memory_space<semaphore_mem>>) src(%dma_wait3A_113 : memref<128x128xf32, #tpu.memory_space<vmem>>) dst(%dma_wait3A_119 : memref<10240x128xf32, #tpu.memory_space<vmem_shared>>)
    %mul3A_120 = arith.constant 79 : i32
    %mul3A_121 = arith.constant 128 : i32
    %mul3A_122 = arith.muli %mul3A_120, %mul3A_121 : i32
    %add3A_123 = arith.addi %mul3A_6, %mul3A_122 : i32
    %dma_wait3A_124 = arith.constant 1 : i32
    %dma_wait3A_125 = arith.constant 0 : i32
    %dma_wait3A_126 = tpu.memref_slice %arg8[%dma_wait3A_124, %dma_wait3A_125] : memref<2x128xi32, #tpu.memory_space<vmem>> -> memref<1x128xi32, #tpu.memory_space<vmem>>
    %dma_wait3A_127 = tpu.memref_squeeze %dma_wait3A_126 : memref<1x128xi32, #tpu.memory_space<vmem>> -> memref<128xi32, #tpu.memory_space<vmem>>
    %dma_wait3A_128 = tpu.memref_slice %arg4[%add3A_123] : memref<163840xi32, #tpu.memory_space<hbm>> -> memref<128xi32, #tpu.memory_space<hbm>>
    %dma_wait3A_129 = arith.constant 0 : i32
    %dma_wait3A_130 = tpu.memref_slice %arg8[%dma_wait3A_124, %dma_wait3A_129] : memref<2x128xi32, #tpu.memory_space<vmem>> -> memref<1x128xi32, #tpu.memory_space<vmem>>
    %dma_wait3A_131 = tpu.memref_squeeze %dma_wait3A_130 : memref<1x128xi32, #tpu.memory_space<vmem>> -> memref<128xi32, #tpu.memory_space<vmem>>
    %dma_wait3A_132 = tpu.memref_slice %arg4[%add3A_123] : memref<163840xi32, #tpu.memory_space<hbm>> -> memref<128xi32, #tpu.memory_space<hbm>>
    tpu.wait_dma2 semaphore(%arg12 : memref<!tpu.dma_semaphore, #tpu.memory_space<semaphore_mem>>) src(%dma_wait3A_132 : memref<128xi32, #tpu.memory_space<hbm>>) dst(%dma_wait3A_131 : memref<128xi32, #tpu.memory_space<vmem>>)
    %dma_wait3A_133 = arith.constant 79 : i32
    %dma_wait3A_134 = arith.constant 1 : i32
    %dma_wait3A_135 = arith.constant 0 : i32
    %dma_wait3A_136 = arith.constant 0 : i32
    %dma_wait3A_137 = tpu.memref_slice %arg9[%dma_wait3A_134, %dma_wait3A_135, %dma_wait3A_136] : memref<2x128x128xf32, #tpu.memory_space<vmem>> -> memref<1x128x128xf32, #tpu.memory_space<vmem>>
    %dma_wait3A_138 = tpu.memref_squeeze %dma_wait3A_137 : memref<1x128x128xf32, #tpu.memory_space<vmem>> -> memref<128x128xf32, #tpu.memory_space<vmem>>
    %dma_wait3A_139 = arith.constant 0 : i32
    %dma_wait3A_140 = tpu.memref_slice %arg7[%dma_wait3A_133, %dma_wait3A_139] : memref<80x128xi32, #tpu.memory_space<vmem>> -> memref<1x128xi32, #tpu.memory_space<vmem>>
    %dma_wait3A_141 = tpu.memref_squeeze %dma_wait3A_140 : memref<1x128xi32, #tpu.memory_space<vmem>> -> memref<128xi32, #tpu.memory_space<vmem>>
    %dma_wait3A_142 = arith.constant 0 : i32
    %dma_wait3A_143 = arith.constant 0 : i32
    %dma_wait3A_144 = tpu.memref_slice %arg2[%dma_wait3A_142, %dma_wait3A_143] : memref<20000x128xf32, #tpu.memory_space<hbm>> -> memref<20000x128xf32, #tpu.memory_space<hbm>>
    tpu.wait_indirect_dma semaphore(%arg12 : memref<!tpu.dma_semaphore, #tpu.memory_space<semaphore_mem>>) src(%dma_wait3A_144 : memref<20000x128xf32, #tpu.memory_space<hbm>>) dst(%dma_wait3A_138 : memref<128x128xf32, #tpu.memory_space<vmem>>)
    %dma_start3A_145 = arith.constant 1 : i32
    %dma_start3A_146 = arith.constant 1 : i32
    %dma_start3A_147 = arith.constant 0 : i32
    %dma_start3A_148 = arith.constant 0 : i32
    %dma_start3A_149 = tpu.memref_slice %arg9[%dma_start3A_145, %dma_start3A_147, %dma_start3A_148] : memref<2x128x128xf32, #tpu.memory_space<vmem>> -> memref<1x128x128xf32, #tpu.memory_space<vmem>>
    %dma_start3A_150 = tpu.memref_squeeze %dma_start3A_149 : memref<1x128x128xf32, #tpu.memory_space<vmem>> -> memref<128x128xf32, #tpu.memory_space<vmem>>
    %dma_start3A_151 = arith.constant 0 : i32
    %dma_start3A_152 = tpu.memref_slice %arg8[%dma_start3A_146, %dma_start3A_151] : memref<2x128xi32, #tpu.memory_space<vmem>> -> memref<1x128xi32, #tpu.memory_space<vmem>>
    %dma_start3A_153 = tpu.memref_squeeze %dma_start3A_152 : memref<1x128xi32, #tpu.memory_space<vmem>> -> memref<128xi32, #tpu.memory_space<vmem>>
    %dma_start3A_154 = arith.constant 0 : i32
    %dma_start3A_155 = arith.constant 0 : i32
    %dma_start3A_156 = tpu.memref_slice %arg10[%dma_start3A_154, %dma_start3A_155] : memref<10240x128xf32, #tpu.memory_space<vmem_shared>> -> memref<10240x128xf32, #tpu.memory_space<vmem_shared>>
    tpu.enqueue_indirect_dma source(%dma_start3A_150 : memref<128x128xf32, #tpu.memory_space<vmem>>) target(%dma_start3A_156 : memref<10240x128xf32, #tpu.memory_space<vmem_shared>>) offsets(%dma_start3A_153 : memref<128xi32, #tpu.memory_space<vmem>>) semaphore(%arg14 : memref<!tpu.dma_semaphore, #tpu.memory_space<semaphore_mem>>) {add = true}
    %dma_wait3A_157 = arith.constant 1 : i32
    %dma_wait3A_158 = arith.constant 1 : i32
    %dma_wait3A_159 = arith.constant 0 : i32
    %dma_wait3A_160 = arith.constant 0 : i32
    %dma_wait3A_161 = tpu.memref_slice %arg9[%dma_wait3A_157, %dma_wait3A_159, %dma_wait3A_160] : memref<2x128x128xf32, #tpu.memory_space<vmem>> -> memref<1x128x128xf32, #tpu.memory_space<vmem>>
    %dma_wait3A_162 = tpu.memref_squeeze %dma_wait3A_161 : memref<1x128x128xf32, #tpu.memory_space<vmem>> -> memref<128x128xf32, #tpu.memory_space<vmem>>
    %dma_wait3A_163 = arith.constant 0 : i32
    %dma_wait3A_164 = tpu.memref_slice %arg8[%dma_wait3A_158, %dma_wait3A_163] : memref<2x128xi32, #tpu.memory_space<vmem>> -> memref<1x128xi32, #tpu.memory_space<vmem>>
    %dma_wait3A_165 = tpu.memref_squeeze %dma_wait3A_164 : memref<1x128xi32, #tpu.memory_space<vmem>> -> memref<128xi32, #tpu.memory_space<vmem>>
    %dma_wait3A_166 = arith.constant 0 : i32
    %dma_wait3A_167 = arith.constant 0 : i32
    %dma_wait3A_168 = tpu.memref_slice %arg10[%dma_wait3A_166, %dma_wait3A_167] : memref<10240x128xf32, #tpu.memory_space<vmem_shared>> -> memref<10240x128xf32, #tpu.memory_space<vmem_shared>>
    tpu.wait_indirect_dma semaphore(%arg14 : memref<!tpu.dma_semaphore, #tpu.memory_space<semaphore_mem>>) src(%dma_wait3A_162 : memref<128x128xf32, #tpu.memory_space<vmem>>) dst(%dma_wait3A_168 : memref<10240x128xf32, #tpu.memory_space<vmem_shared>>)
    %barrier3A_169 = arith.constant 0 : index
    tpu.barrier barrier_id(%barrier3A_169)
    %mul3A_170 = arith.constant 640 : i32
    %mul3A_171 = arith.muli %arg1, %mul3A_170 : i32
    %mul3A_172 = arith.constant 640 : i32
    %mul3A_173 = arith.muli %arg1, %mul3A_172 : i32
    "tpu.region"() ({
      %run_scoped3A = tpu.sem_alloc : memref<!tpu.dma_semaphore, #tpu.memory_space<semaphore_mem>>
      %dma_start3A_174 = arith.constant 0 : i32
      %dma_start3A_175 = tpu.memref_slice %arg6[%arg0, %mul3A_173, %dma_start3A_174] : memref<2x10240x128xf32, #tpu.memory_space<hbm>> -> memref<1x640x128xf32, #tpu.memory_space<hbm>>
      %dma_start3A_176 = tpu.memref_squeeze %dma_start3A_175 : memref<1x640x128xf32, #tpu.memory_space<hbm>> -> memref<640x128xf32, #tpu.memory_space<hbm>>
      %dma_start3A_177 = arith.constant 0 : i32
      %dma_start3A_178 = tpu.memref_slice %arg10[%mul3A_171, %dma_start3A_177] : memref<10240x128xf32, #tpu.memory_space<vmem_shared>> -> memref<640x128xf32, #tpu.memory_space<vmem_shared>>
      tpu.enqueue_dma source(%dma_start3A_178 : memref<640x128xf32, #tpu.memory_space<vmem_shared>>) target(%dma_start3A_176 : memref<640x128xf32, #tpu.memory_space<hbm>>) target_semaphore(%run_scoped3A : memref<!tpu.dma_semaphore, #tpu.memory_space<semaphore_mem>>)
      %dma_wait3A_179 = arith.constant 0 : i32
      %dma_wait3A_180 = tpu.memref_slice %arg6[%arg0, %mul3A_173, %dma_wait3A_179] : memref<2x10240x128xf32, #tpu.memory_space<hbm>> -> memref<1x640x128xf32, #tpu.memory_space<hbm>>
      %dma_wait3A_181 = tpu.memref_squeeze %dma_wait3A_180 : memref<1x640x128xf32, #tpu.memory_space<hbm>> -> memref<640x128xf32, #tpu.memory_space<hbm>>
      %dma_wait3A_182 = arith.constant 0 : i32
      %dma_wait3A_183 = tpu.memref_slice %arg10[%mul3A_171, %dma_wait3A_182] : memref<10240x128xf32, #tpu.memory_space<vmem_shared>> -> memref<640x128xf32, #tpu.memory_space<vmem_shared>>
      tpu.wait_dma2 semaphore(%run_scoped3A : memref<!tpu.dma_semaphore, #tpu.memory_space<semaphore_mem>>) src(%dma_wait3A_183 : memref<640x128xf32, #tpu.memory_space<vmem_shared>>) dst(%dma_wait3A_181 : memref<640x128xf32, #tpu.memory_space<hbm>>)
      tpu.yield
    }) : () -> ()
    return
  }
}

#map = affine_map<(d0, d1) -> (0, 0)>
#map1 = affine_map<(d0, d1) -> (0, 0, 0)>
#map2 = affine_map<(d0, d1) -> (0)>
module attributes {stable_mosaic.version = 14 : i64} {
  func.func @_agg_body(%arg0: i32, %arg1: i32, %arg2: memref<20000x128xf32, #tpu.memory_space<hbm>>, %arg3: memref<2x1280x128xi32, #tpu.memory_space<hbm>>, %arg4: memref<163840xi32, #tpu.memory_space<hbm>>, %arg5: memref<10240x128xf32, #tpu.memory_space<hbm>>, %arg6: memref<2x10240x128xf32, #tpu.memory_space<hbm>>, %arg7: memref<80x128xi32, #tpu.memory_space<vmem>>, %arg8: memref<2x128xi32, #tpu.memory_space<vmem>>, %arg9: memref<2x128x128xf32, #tpu.memory_space<vmem>>, %arg10: memref<10240x128xf32, #tpu.memory_space<vmem_shared>>, %arg11: memref<!tpu.dma_semaphore, #tpu.memory_space<semaphore_mem>>, %arg12: memref<!tpu.dma_semaphore, #tpu.memory_space<semaphore_mem>>, %arg13: memref<!tpu.dma_semaphore, #tpu.memory_space<semaphore_mem>>, %arg14: memref<!tpu.dma_semaphore, #tpu.memory_space<semaphore_mem>>) attributes {dimension_semantics = [#tpu.dimension_semantics<core_parallel>, #tpu.dimension_semantics<subcore_parallel>], iteration_bounds = array<i64: 2, 16>, scalar_prefetch = 0 : i64, scratch_operands = 8 : i64, tpu.core_type = #tpu.core_type<sc_vector_subcore>, window_params = [{transform_indices = #map}, {transform_indices = #map1}, {transform_indices = #map2}, {transform_indices = #map}, {transform_indices = #map1}]} {
    %mul3A = arith.constant 640 : i32
    %mul3A_0 = arith.muli %arg1, %mul3A : i32
    %mul3A_1 = arith.constant 640 : i32
    %mul3A_2 = arith.muli %arg1, %mul3A_1 : i32
    "tpu.region"() ({
      %run_scoped3A = tpu.sem_alloc : memref<!tpu.dma_semaphore, #tpu.memory_space<semaphore_mem>>
      %dma_start3A_174 = arith.constant 0 : i32
      %dma_start3A_175 = tpu.memref_slice %arg10[%mul3A_2, %dma_start3A_174] : memref<10240x128xf32, #tpu.memory_space<vmem_shared>> -> memref<640x128xf32, #tpu.memory_space<vmem_shared>>
      %dma_start3A_176 = arith.constant 0 : i32
      %dma_start3A_177 = tpu.memref_slice %arg5[%mul3A_0, %dma_start3A_176] : memref<10240x128xf32, #tpu.memory_space<hbm>> -> memref<640x128xf32, #tpu.memory_space<hbm>>
      tpu.enqueue_dma source(%dma_start3A_177 : memref<640x128xf32, #tpu.memory_space<hbm>>) target(%dma_start3A_175 : memref<640x128xf32, #tpu.memory_space<vmem_shared>>) target_semaphore(%run_scoped3A : memref<!tpu.dma_semaphore, #tpu.memory_space<semaphore_mem>>)
      %dma_wait3A_178 = arith.constant 0 : i32
      %dma_wait3A_179 = tpu.memref_slice %arg10[%mul3A_2, %dma_wait3A_178] : memref<10240x128xf32, #tpu.memory_space<vmem_shared>> -> memref<640x128xf32, #tpu.memory_space<vmem_shared>>
      %dma_wait3A_180 = arith.constant 0 : i32
      %dma_wait3A_181 = tpu.memref_slice %arg5[%mul3A_0, %dma_wait3A_180] : memref<10240x128xf32, #tpu.memory_space<hbm>> -> memref<640x128xf32, #tpu.memory_space<hbm>>
      tpu.wait_dma2 semaphore(%run_scoped3A : memref<!tpu.dma_semaphore, #tpu.memory_space<semaphore_mem>>) src(%dma_wait3A_181 : memref<640x128xf32, #tpu.memory_space<hbm>>) dst(%dma_wait3A_179 : memref<640x128xf32, #tpu.memory_space<vmem_shared>>)
      tpu.yield
    }) : () -> ()
    %mul3A_3 = arith.constant 80 : i32
    %mul3A_4 = arith.muli %arg1, %mul3A_3 : i32
    "tpu.region"() ({
      %run_scoped3A = tpu.sem_alloc : memref<!tpu.dma_semaphore, #tpu.memory_space<semaphore_mem>>
      %dma_start3A_174 = arith.constant 0 : i32
      %dma_start3A_175 = tpu.memref_slice %arg3[%arg0, %mul3A_4, %dma_start3A_174] : memref<2x1280x128xi32, #tpu.memory_space<hbm>> -> memref<1x80x128xi32, #tpu.memory_space<hbm>>
      %dma_start3A_176 = tpu.memref_squeeze %dma_start3A_175 : memref<1x80x128xi32, #tpu.memory_space<hbm>> -> memref<80x128xi32, #tpu.memory_space<hbm>>
      %dma_start3A_177 = arith.constant 0 : i32
      %dma_start3A_178 = tpu.memref_slice %arg3[%arg0, %mul3A_4, %dma_start3A_177] : memref<2x1280x128xi32, #tpu.memory_space<hbm>> -> memref<1x80x128xi32, #tpu.memory_space<hbm>>
      %dma_start3A_179 = tpu.memref_squeeze %dma_start3A_178 : memref<1x80x128xi32, #tpu.memory_space<hbm>> -> memref<80x128xi32, #tpu.memory_space<hbm>>
      tpu.enqueue_dma source(%dma_start3A_179 : memref<80x128xi32, #tpu.memory_space<hbm>>) target(%arg7 : memref<80x128xi32, #tpu.memory_space<vmem>>) target_semaphore(%run_scoped3A : memref<!tpu.dma_semaphore, #tpu.memory_space<semaphore_mem>>)
      %dma_wait3A_180 = arith.constant 0 : i32
      %dma_wait3A_181 = tpu.memref_slice %arg3[%arg0, %mul3A_4, %dma_wait3A_180] : memref<2x1280x128xi32, #tpu.memory_space<hbm>> -> memref<1x80x128xi32, #tpu.memory_space<hbm>>
      %dma_wait3A_182 = tpu.memref_squeeze %dma_wait3A_181 : memref<1x80x128xi32, #tpu.memory_space<hbm>> -> memref<80x128xi32, #tpu.memory_space<hbm>>
      %dma_wait3A_183 = arith.constant 0 : i32
      %dma_wait3A_184 = tpu.memref_slice %arg3[%arg0, %mul3A_4, %dma_wait3A_183] : memref<2x1280x128xi32, #tpu.memory_space<hbm>> -> memref<1x80x128xi32, #tpu.memory_space<hbm>>
      %dma_wait3A_185 = tpu.memref_squeeze %dma_wait3A_184 : memref<1x80x128xi32, #tpu.memory_space<hbm>> -> memref<80x128xi32, #tpu.memory_space<hbm>>
      tpu.wait_dma2 semaphore(%run_scoped3A : memref<!tpu.dma_semaphore, #tpu.memory_space<semaphore_mem>>) src(%dma_wait3A_185 : memref<80x128xi32, #tpu.memory_space<hbm>>) dst(%arg7 : memref<80x128xi32, #tpu.memory_space<vmem>>)
      tpu.yield
    }) : () -> ()
    %mul3A_5 = arith.constant 10240 : i32
    %mul3A_6 = arith.muli %arg1, %mul3A_5 : i32
    %barrier3A = arith.constant 0 : index
    tpu.barrier barrier_id(%barrier3A)
    %mul3A_7 = arith.constant 0 : i32
    %mul3A_8 = arith.constant 128 : i32
    %mul3A_9 = arith.muli %mul3A_7, %mul3A_8 : i32
    %add3A = arith.addi %mul3A_6, %mul3A_9 : i32
    %dma_start3A = arith.constant 0 : i32
    %dma_start3A_10 = arith.constant 0 : i32
    %dma_start3A_11 = tpu.memref_slice %arg8[%dma_start3A, %dma_start3A_10] : memref<2x128xi32, #tpu.memory_space<vmem>> -> memref<1x128xi32, #tpu.memory_space<vmem>>
    %dma_start3A_12 = tpu.memref_squeeze %dma_start3A_11 : memref<1x128xi32, #tpu.memory_space<vmem>> -> memref<128xi32, #tpu.memory_space<vmem>>
    %dma_start3A_13 = tpu.memref_slice %arg4[%add3A] : memref<163840xi32, #tpu.memory_space<hbm>> -> memref<128xi32, #tpu.memory_space<hbm>>
    %dma_start3A_14 = arith.constant 0 : i32
    %dma_start3A_15 = tpu.memref_slice %arg8[%dma_start3A, %dma_start3A_14] : memref<2x128xi32, #tpu.memory_space<vmem>> -> memref<1x128xi32, #tpu.memory_space<vmem>>
    %dma_start3A_16 = tpu.memref_squeeze %dma_start3A_15 : memref<1x128xi32, #tpu.memory_space<vmem>> -> memref<128xi32, #tpu.memory_space<vmem>>
    %dma_start3A_17 = tpu.memref_slice %arg4[%add3A] : memref<163840xi32, #tpu.memory_space<hbm>> -> memref<128xi32, #tpu.memory_space<hbm>>
    tpu.enqueue_dma source(%dma_start3A_17 : memref<128xi32, #tpu.memory_space<hbm>>) target(%dma_start3A_16 : memref<128xi32, #tpu.memory_space<vmem>>) target_semaphore(%arg11 : memref<!tpu.dma_semaphore, #tpu.memory_space<semaphore_mem>>)
    %dma_start3A_18 = arith.constant 0 : i32
    %dma_start3A_19 = arith.constant 0 : i32
    %dma_start3A_20 = arith.constant 0 : i32
    %dma_start3A_21 = arith.constant 0 : i32
    %dma_start3A_22 = tpu.memref_slice %arg9[%dma_start3A_19, %dma_start3A_20, %dma_start3A_21] : memref<2x128x128xf32, #tpu.memory_space<vmem>> -> memref<1x128x128xf32, #tpu.memory_space<vmem>>
    %dma_start3A_23 = tpu.memref_squeeze %dma_start3A_22 : memref<1x128x128xf32, #tpu.memory_space<vmem>> -> memref<128x128xf32, #tpu.memory_space<vmem>>
    %dma_start3A_24 = arith.constant 0 : i32
    %dma_start3A_25 = tpu.memref_slice %arg7[%dma_start3A_18, %dma_start3A_24] : memref<80x128xi32, #tpu.memory_space<vmem>> -> memref<1x128xi32, #tpu.memory_space<vmem>>
    %dma_start3A_26 = tpu.memref_squeeze %dma_start3A_25 : memref<1x128xi32, #tpu.memory_space<vmem>> -> memref<128xi32, #tpu.memory_space<vmem>>
    %dma_start3A_27 = arith.constant 0 : i32
    %dma_start3A_28 = arith.constant 0 : i32
    %dma_start3A_29 = tpu.memref_slice %arg2[%dma_start3A_27, %dma_start3A_28] : memref<20000x128xf32, #tpu.memory_space<hbm>> -> memref<20000x128xf32, #tpu.memory_space<hbm>>
    tpu.enqueue_indirect_dma source(%dma_start3A_29 : memref<20000x128xf32, #tpu.memory_space<hbm>>) target(%dma_start3A_23 : memref<128x128xf32, #tpu.memory_space<vmem>>) offsets(%dma_start3A_26 : memref<128xi32, #tpu.memory_space<vmem>>) semaphore(%arg11 : memref<!tpu.dma_semaphore, #tpu.memory_space<semaphore_mem>>)
    %mul3A_30 = arith.constant 1 : i32
    %mul3A_31 = arith.constant 128 : i32
    %mul3A_32 = arith.muli %mul3A_30, %mul3A_31 : i32
    %add3A_33 = arith.addi %mul3A_6, %mul3A_32 : i32
    %dma_start3A_34 = arith.constant 1 : i32
    %dma_start3A_35 = arith.constant 0 : i32
    %dma_start3A_36 = tpu.memref_slice %arg8[%dma_start3A_34, %dma_start3A_35] : memref<2x128xi32, #tpu.memory_space<vmem>> -> memref<1x128xi32, #tpu.memory_space<vmem>>
    %dma_start3A_37 = tpu.memref_squeeze %dma_start3A_36 : memref<1x128xi32, #tpu.memory_space<vmem>> -> memref<128xi32, #tpu.memory_space<vmem>>
    %dma_start3A_38 = tpu.memref_slice %arg4[%add3A_33] : memref<163840xi32, #tpu.memory_space<hbm>> -> memref<128xi32, #tpu.memory_space<hbm>>
    %dma_start3A_39 = arith.constant 0 : i32
    %dma_start3A_40 = tpu.memref_slice %arg8[%dma_start3A_34, %dma_start3A_39] : memref<2x128xi32, #tpu.memory_space<vmem>> -> memref<1x128xi32, #tpu.memory_space<vmem>>
    %dma_start3A_41 = tpu.memref_squeeze %dma_start3A_40 : memref<1x128xi32, #tpu.memory_space<vmem>> -> memref<128xi32, #tpu.memory_space<vmem>>
    %dma_start3A_42 = tpu.memref_slice %arg4[%add3A_33] : memref<163840xi32, #tpu.memory_space<hbm>> -> memref<128xi32, #tpu.memory_space<hbm>>
    tpu.enqueue_dma source(%dma_start3A_42 : memref<128xi32, #tpu.memory_space<hbm>>) target(%dma_start3A_41 : memref<128xi32, #tpu.memory_space<vmem>>) target_semaphore(%arg12 : memref<!tpu.dma_semaphore, #tpu.memory_space<semaphore_mem>>)
    %dma_start3A_43 = arith.constant 1 : i32
    %dma_start3A_44 = arith.constant 1 : i32
    %dma_start3A_45 = arith.constant 0 : i32
    %dma_start3A_46 = arith.constant 0 : i32
    %dma_start3A_47 = tpu.memref_slice %arg9[%dma_start3A_44, %dma_start3A_45, %dma_start3A_46] : memref<2x128x128xf32, #tpu.memory_space<vmem>> -> memref<1x128x128xf32, #tpu.memory_space<vmem>>
    %dma_start3A_48 = tpu.memref_squeeze %dma_start3A_47 : memref<1x128x128xf32, #tpu.memory_space<vmem>> -> memref<128x128xf32, #tpu.memory_space<vmem>>
    %dma_start3A_49 = arith.constant 0 : i32
    %dma_start3A_50 = tpu.memref_slice %arg7[%dma_start3A_43, %dma_start3A_49] : memref<80x128xi32, #tpu.memory_space<vmem>> -> memref<1x128xi32, #tpu.memory_space<vmem>>
    %dma_start3A_51 = tpu.memref_squeeze %dma_start3A_50 : memref<1x128xi32, #tpu.memory_space<vmem>> -> memref<128xi32, #tpu.memory_space<vmem>>
    %dma_start3A_52 = arith.constant 0 : i32
    %dma_start3A_53 = arith.constant 0 : i32
    %dma_start3A_54 = tpu.memref_slice %arg2[%dma_start3A_52, %dma_start3A_53] : memref<20000x128xf32, #tpu.memory_space<hbm>> -> memref<20000x128xf32, #tpu.memory_space<hbm>>
    tpu.enqueue_indirect_dma source(%dma_start3A_54 : memref<20000x128xf32, #tpu.memory_space<hbm>>) target(%dma_start3A_48 : memref<128x128xf32, #tpu.memory_space<vmem>>) offsets(%dma_start3A_51 : memref<128xi32, #tpu.memory_space<vmem>>) semaphore(%arg12 : memref<!tpu.dma_semaphore, #tpu.memory_space<semaphore_mem>>)
    %sub3A = arith.constant 78 : i32
    %sub3A_55 = arith.constant 0 : i32
    %sub3A_56 = arith.subi %sub3A, %sub3A_55 : i32
    %sub3A_57 = arith.constant 2 : i32
    %sub3A_58 = arith.constant 1 : i32
    %sub3A_59 = arith.subi %sub3A_57, %sub3A_58 : i32
    %add3A_60 = arith.addi %sub3A_56, %sub3A_59 : i32
    %div3A = arith.constant 2 : i32
    %div3A_61 = arith.divsi %add3A_60, %div3A : i32
    %while3A = arith.constant 2 : i32
    %while3A_62 = arith.constant 0 : i32
    %while3A_63 = arith.constant 0 : i32
    %while3A_64 = arith.subi %div3A_61, %while3A_63 : i32
    %while3A_65 = arith.addi %while3A_63, %while3A_64 : i32
    %while3A_66 = arith.constant 1 : i32
    %while3A_67 = arith.divsi %while3A_64, %while3A_66 : i32
    %while3A_68 = arith.muli %while3A_67, %while3A_66 : i32
    %while3A_69 = arith.addi %while3A_63, %while3A_68 : i32
    %while3A_70 = arith.constant 1 : i32
    scf.for %while3A_174 = %while3A_63 to %while3A_69 step %while3A_70  : i32 {
      %mul3A_175 = arith.muli %while3A_174, %while3A : i32
      %add3A_176 = arith.addi %while3A_62, %mul3A_175 : i32
      %add3A_177 = arith.constant 0 : i32
      %add3A_178 = arith.addi %add3A_176, %add3A_177 : i32
      %mul3A_179 = arith.constant 128 : i32
      %mul3A_180 = arith.muli %add3A_178, %mul3A_179 : i32
      %add3A_181 = arith.addi %mul3A_6, %mul3A_180 : i32
      %dma_wait3A_182 = arith.constant 0 : i32
      %dma_wait3A_183 = arith.constant 0 : i32
      %dma_wait3A_184 = tpu.memref_slice %arg8[%dma_wait3A_182, %dma_wait3A_183] : memref<2x128xi32, #tpu.memory_space<vmem>> -> memref<1x128xi32, #tpu.memory_space<vmem>>
      %dma_wait3A_185 = tpu.memref_squeeze %dma_wait3A_184 : memref<1x128xi32, #tpu.memory_space<vmem>> -> memref<128xi32, #tpu.memory_space<vmem>>
      %dma_wait3A_186 = tpu.memref_slice %arg4[%add3A_181] : memref<163840xi32, #tpu.memory_space<hbm>> -> memref<128xi32, #tpu.memory_space<hbm>>
      %dma_wait3A_187 = arith.constant 0 : i32
      %dma_wait3A_188 = tpu.memref_slice %arg8[%dma_wait3A_182, %dma_wait3A_187] : memref<2x128xi32, #tpu.memory_space<vmem>> -> memref<1x128xi32, #tpu.memory_space<vmem>>
      %dma_wait3A_189 = tpu.memref_squeeze %dma_wait3A_188 : memref<1x128xi32, #tpu.memory_space<vmem>> -> memref<128xi32, #tpu.memory_space<vmem>>
      %dma_wait3A_190 = tpu.memref_slice %arg4[%add3A_181] : memref<163840xi32, #tpu.memory_space<hbm>> -> memref<128xi32, #tpu.memory_space<hbm>>
      tpu.wait_dma2 semaphore(%arg11 : memref<!tpu.dma_semaphore, #tpu.memory_space<semaphore_mem>>) src(%dma_wait3A_190 : memref<128xi32, #tpu.memory_space<hbm>>) dst(%dma_wait3A_189 : memref<128xi32, #tpu.memory_space<vmem>>)
      %dma_wait3A_191 = arith.constant 0 : i32
      %dma_wait3A_192 = arith.constant 0 : i32
      %dma_wait3A_193 = arith.constant 0 : i32
      %dma_wait3A_194 = tpu.memref_slice %arg9[%dma_wait3A_191, %dma_wait3A_192, %dma_wait3A_193] : memref<2x128x128xf32, #tpu.memory_space<vmem>> -> memref<1x128x128xf32, #tpu.memory_space<vmem>>
      %dma_wait3A_195 = tpu.memref_squeeze %dma_wait3A_194 : memref<1x128x128xf32, #tpu.memory_space<vmem>> -> memref<128x128xf32, #tpu.memory_space<vmem>>
      %dma_wait3A_196 = arith.constant 0 : i32
      %dma_wait3A_197 = tpu.memref_slice %arg7[%add3A_178, %dma_wait3A_196] : memref<80x128xi32, #tpu.memory_space<vmem>> -> memref<1x128xi32, #tpu.memory_space<vmem>>
      %dma_wait3A_198 = tpu.memref_squeeze %dma_wait3A_197 : memref<1x128xi32, #tpu.memory_space<vmem>> -> memref<128xi32, #tpu.memory_space<vmem>>
      %dma_wait3A_199 = arith.constant 0 : i32
      %dma_wait3A_200 = arith.constant 0 : i32
      %dma_wait3A_201 = tpu.memref_slice %arg2[%dma_wait3A_199, %dma_wait3A_200] : memref<20000x128xf32, #tpu.memory_space<hbm>> -> memref<20000x128xf32, #tpu.memory_space<hbm>>
      tpu.wait_indirect_dma semaphore(%arg11 : memref<!tpu.dma_semaphore, #tpu.memory_space<semaphore_mem>>) src(%dma_wait3A_201 : memref<20000x128xf32, #tpu.memory_space<hbm>>) dst(%dma_wait3A_195 : memref<128x128xf32, #tpu.memory_space<vmem>>)
      %dma_start3A_202 = arith.constant 0 : i32
      %dma_start3A_203 = arith.constant 0 : i32
      %dma_start3A_204 = arith.constant 0 : i32
      %dma_start3A_205 = arith.constant 0 : i32
      %dma_start3A_206 = tpu.memref_slice %arg9[%dma_start3A_202, %dma_start3A_204, %dma_start3A_205] : memref<2x128x128xf32, #tpu.memory_space<vmem>> -> memref<1x128x128xf32, #tpu.memory_space<vmem>>
      %dma_start3A_207 = tpu.memref_squeeze %dma_start3A_206 : memref<1x128x128xf32, #tpu.memory_space<vmem>> -> memref<128x128xf32, #tpu.memory_space<vmem>>
      %dma_start3A_208 = arith.constant 0 : i32
      %dma_start3A_209 = tpu.memref_slice %arg8[%dma_start3A_203, %dma_start3A_208] : memref<2x128xi32, #tpu.memory_space<vmem>> -> memref<1x128xi32, #tpu.memory_space<vmem>>
      %dma_start3A_210 = tpu.memref_squeeze %dma_start3A_209 : memref<1x128xi32, #tpu.memory_space<vmem>> -> memref<128xi32, #tpu.memory_space<vmem>>
      %dma_start3A_211 = arith.constant 0 : i32
      %dma_start3A_212 = arith.constant 0 : i32
      %dma_start3A_213 = tpu.memref_slice %arg10[%dma_start3A_211, %dma_start3A_212] : memref<10240x128xf32, #tpu.memory_space<vmem_shared>> -> memref<10240x128xf32, #tpu.memory_space<vmem_shared>>
      tpu.enqueue_indirect_dma source(%dma_start3A_207 : memref<128x128xf32, #tpu.memory_space<vmem>>) target(%dma_start3A_213 : memref<10240x128xf32, #tpu.memory_space<vmem_shared>>) offsets(%dma_start3A_210 : memref<128xi32, #tpu.memory_space<vmem>>) semaphore(%arg13 : memref<!tpu.dma_semaphore, #tpu.memory_space<semaphore_mem>>) {add = true}
      %dma_wait3A_214 = arith.constant 0 : i32
      %dma_wait3A_215 = arith.constant 0 : i32
      %dma_wait3A_216 = arith.constant 0 : i32
      %dma_wait3A_217 = arith.constant 0 : i32
      %dma_wait3A_218 = tpu.memref_slice %arg9[%dma_wait3A_214, %dma_wait3A_216, %dma_wait3A_217] : memref<2x128x128xf32, #tpu.memory_space<vmem>> -> memref<1x128x128xf32, #tpu.memory_space<vmem>>
      %dma_wait3A_219 = tpu.memref_squeeze %dma_wait3A_218 : memref<1x128x128xf32, #tpu.memory_space<vmem>> -> memref<128x128xf32, #tpu.memory_space<vmem>>
      %dma_wait3A_220 = arith.constant 0 : i32
      %dma_wait3A_221 = tpu.memref_slice %arg8[%dma_wait3A_215, %dma_wait3A_220] : memref<2x128xi32, #tpu.memory_space<vmem>> -> memref<1x128xi32, #tpu.memory_space<vmem>>
      %dma_wait3A_222 = tpu.memref_squeeze %dma_wait3A_221 : memref<1x128xi32, #tpu.memory_space<vmem>> -> memref<128xi32, #tpu.memory_space<vmem>>
      %dma_wait3A_223 = arith.constant 0 : i32
      %dma_wait3A_224 = arith.constant 0 : i32
      %dma_wait3A_225 = tpu.memref_slice %arg10[%dma_wait3A_223, %dma_wait3A_224] : memref<10240x128xf32, #tpu.memory_space<vmem_shared>> -> memref<10240x128xf32, #tpu.memory_space<vmem_shared>>
      tpu.wait_indirect_dma semaphore(%arg13 : memref<!tpu.dma_semaphore, #tpu.memory_space<semaphore_mem>>) src(%dma_wait3A_219 : memref<128x128xf32, #tpu.memory_space<vmem>>) dst(%dma_wait3A_225 : memref<10240x128xf32, #tpu.memory_space<vmem_shared>>)
      %add3A_226 = arith.constant 2 : i32
      %add3A_227 = arith.addi %add3A_178, %add3A_226 : i32
      %mul3A_228 = arith.constant 128 : i32
      %mul3A_229 = arith.muli %add3A_227, %mul3A_228 : i32
      %add3A_230 = arith.addi %mul3A_6, %mul3A_229 : i32
      %dma_start3A_231 = arith.constant 0 : i32
      %dma_start3A_232 = arith.constant 0 : i32
      %dma_start3A_233 = tpu.memref_slice %arg8[%dma_start3A_231, %dma_start3A_232] : memref<2x128xi32, #tpu.memory_space<vmem>> -> memref<1x128xi32, #tpu.memory_space<vmem>>
      %dma_start3A_234 = tpu.memref_squeeze %dma_start3A_233 : memref<1x128xi32, #tpu.memory_space<vmem>> -> memref<128xi32, #tpu.memory_space<vmem>>
      %dma_start3A_235 = tpu.memref_slice %arg4[%add3A_230] : memref<163840xi32, #tpu.memory_space<hbm>> -> memref<128xi32, #tpu.memory_space<hbm>>
      %dma_start3A_236 = arith.constant 0 : i32
      %dma_start3A_237 = tpu.memref_slice %arg8[%dma_start3A_231, %dma_start3A_236] : memref<2x128xi32, #tpu.memory_space<vmem>> -> memref<1x128xi32, #tpu.memory_space<vmem>>
      %dma_start3A_238 = tpu.memref_squeeze %dma_start3A_237 : memref<1x128xi32, #tpu.memory_space<vmem>> -> memref<128xi32, #tpu.memory_space<vmem>>
      %dma_start3A_239 = tpu.memref_slice %arg4[%add3A_230] : memref<163840xi32, #tpu.memory_space<hbm>> -> memref<128xi32, #tpu.memory_space<hbm>>
      tpu.enqueue_dma source(%dma_start3A_239 : memref<128xi32, #tpu.memory_space<hbm>>) target(%dma_start3A_238 : memref<128xi32, #tpu.memory_space<vmem>>) target_semaphore(%arg11 : memref<!tpu.dma_semaphore, #tpu.memory_space<semaphore_mem>>)
      %add3A_240 = arith.constant 2 : i32
      %add3A_241 = arith.addi %add3A_178, %add3A_240 : i32
      %dma_start3A_242 = arith.constant 0 : i32
      %dma_start3A_243 = arith.constant 0 : i32
      %dma_start3A_244 = arith.constant 0 : i32
      %dma_start3A_245 = tpu.memref_slice %arg9[%dma_start3A_242, %dma_start3A_243, %dma_start3A_244] : memref<2x128x128xf32, #tpu.memory_space<vmem>> -> memref<1x128x128xf32, #tpu.memory_space<vmem>>
      %dma_start3A_246 = tpu.memref_squeeze %dma_start3A_245 : memref<1x128x128xf32, #tpu.memory_space<vmem>> -> memref<128x128xf32, #tpu.memory_space<vmem>>
      %dma_start3A_247 = arith.constant 0 : i32
      %dma_start3A_248 = tpu.memref_slice %arg7[%add3A_241, %dma_start3A_247] : memref<80x128xi32, #tpu.memory_space<vmem>> -> memref<1x128xi32, #tpu.memory_space<vmem>>
      %dma_start3A_249 = tpu.memref_squeeze %dma_start3A_248 : memref<1x128xi32, #tpu.memory_space<vmem>> -> memref<128xi32, #tpu.memory_space<vmem>>
      %dma_start3A_250 = arith.constant 0 : i32
      %dma_start3A_251 = arith.constant 0 : i32
      %dma_start3A_252 = tpu.memref_slice %arg2[%dma_start3A_250, %dma_start3A_251] : memref<20000x128xf32, #tpu.memory_space<hbm>> -> memref<20000x128xf32, #tpu.memory_space<hbm>>
      tpu.enqueue_indirect_dma source(%dma_start3A_252 : memref<20000x128xf32, #tpu.memory_space<hbm>>) target(%dma_start3A_246 : memref<128x128xf32, #tpu.memory_space<vmem>>) offsets(%dma_start3A_249 : memref<128xi32, #tpu.memory_space<vmem>>) semaphore(%arg11 : memref<!tpu.dma_semaphore, #tpu.memory_space<semaphore_mem>>)
      %add3A_253 = arith.constant 1 : i32
      %add3A_254 = arith.addi %add3A_176, %add3A_253 : i32
      %mul3A_255 = arith.constant 128 : i32
      %mul3A_256 = arith.muli %add3A_254, %mul3A_255 : i32
      %add3A_257 = arith.addi %mul3A_6, %mul3A_256 : i32
      %dma_wait3A_258 = arith.constant 1 : i32
      %dma_wait3A_259 = arith.constant 0 : i32
      %dma_wait3A_260 = tpu.memref_slice %arg8[%dma_wait3A_258, %dma_wait3A_259] : memref<2x128xi32, #tpu.memory_space<vmem>> -> memref<1x128xi32, #tpu.memory_space<vmem>>
      %dma_wait3A_261 = tpu.memref_squeeze %dma_wait3A_260 : memref<1x128xi32, #tpu.memory_space<vmem>> -> memref<128xi32, #tpu.memory_space<vmem>>
      %dma_wait3A_262 = tpu.memref_slice %arg4[%add3A_257] : memref<163840xi32, #tpu.memory_space<hbm>> -> memref<128xi32, #tpu.memory_space<hbm>>
      %dma_wait3A_263 = arith.constant 0 : i32
      %dma_wait3A_264 = tpu.memref_slice %arg8[%dma_wait3A_258, %dma_wait3A_263] : memref<2x128xi32, #tpu.memory_space<vmem>> -> memref<1x128xi32, #tpu.memory_space<vmem>>
      %dma_wait3A_265 = tpu.memref_squeeze %dma_wait3A_264 : memref<1x128xi32, #tpu.memory_space<vmem>> -> memref<128xi32, #tpu.memory_space<vmem>>
      %dma_wait3A_266 = tpu.memref_slice %arg4[%add3A_257] : memref<163840xi32, #tpu.memory_space<hbm>> -> memref<128xi32, #tpu.memory_space<hbm>>
      tpu.wait_dma2 semaphore(%arg12 : memref<!tpu.dma_semaphore, #tpu.memory_space<semaphore_mem>>) src(%dma_wait3A_266 : memref<128xi32, #tpu.memory_space<hbm>>) dst(%dma_wait3A_265 : memref<128xi32, #tpu.memory_space<vmem>>)
      %dma_wait3A_267 = arith.constant 1 : i32
      %dma_wait3A_268 = arith.constant 0 : i32
      %dma_wait3A_269 = arith.constant 0 : i32
      %dma_wait3A_270 = tpu.memref_slice %arg9[%dma_wait3A_267, %dma_wait3A_268, %dma_wait3A_269] : memref<2x128x128xf32, #tpu.memory_space<vmem>> -> memref<1x128x128xf32, #tpu.memory_space<vmem>>
      %dma_wait3A_271 = tpu.memref_squeeze %dma_wait3A_270 : memref<1x128x128xf32, #tpu.memory_space<vmem>> -> memref<128x128xf32, #tpu.memory_space<vmem>>
      %dma_wait3A_272 = arith.constant 0 : i32
      %dma_wait3A_273 = tpu.memref_slice %arg7[%add3A_254, %dma_wait3A_272] : memref<80x128xi32, #tpu.memory_space<vmem>> -> memref<1x128xi32, #tpu.memory_space<vmem>>
      %dma_wait3A_274 = tpu.memref_squeeze %dma_wait3A_273 : memref<1x128xi32, #tpu.memory_space<vmem>> -> memref<128xi32, #tpu.memory_space<vmem>>
      %dma_wait3A_275 = arith.constant 0 : i32
      %dma_wait3A_276 = arith.constant 0 : i32
      %dma_wait3A_277 = tpu.memref_slice %arg2[%dma_wait3A_275, %dma_wait3A_276] : memref<20000x128xf32, #tpu.memory_space<hbm>> -> memref<20000x128xf32, #tpu.memory_space<hbm>>
      tpu.wait_indirect_dma semaphore(%arg12 : memref<!tpu.dma_semaphore, #tpu.memory_space<semaphore_mem>>) src(%dma_wait3A_277 : memref<20000x128xf32, #tpu.memory_space<hbm>>) dst(%dma_wait3A_271 : memref<128x128xf32, #tpu.memory_space<vmem>>)
      %dma_start3A_278 = arith.constant 1 : i32
      %dma_start3A_279 = arith.constant 1 : i32
      %dma_start3A_280 = arith.constant 0 : i32
      %dma_start3A_281 = arith.constant 0 : i32
      %dma_start3A_282 = tpu.memref_slice %arg9[%dma_start3A_278, %dma_start3A_280, %dma_start3A_281] : memref<2x128x128xf32, #tpu.memory_space<vmem>> -> memref<1x128x128xf32, #tpu.memory_space<vmem>>
      %dma_start3A_283 = tpu.memref_squeeze %dma_start3A_282 : memref<1x128x128xf32, #tpu.memory_space<vmem>> -> memref<128x128xf32, #tpu.memory_space<vmem>>
      %dma_start3A_284 = arith.constant 0 : i32
      %dma_start3A_285 = tpu.memref_slice %arg8[%dma_start3A_279, %dma_start3A_284] : memref<2x128xi32, #tpu.memory_space<vmem>> -> memref<1x128xi32, #tpu.memory_space<vmem>>
      %dma_start3A_286 = tpu.memref_squeeze %dma_start3A_285 : memref<1x128xi32, #tpu.memory_space<vmem>> -> memref<128xi32, #tpu.memory_space<vmem>>
      %dma_start3A_287 = arith.constant 0 : i32
      %dma_start3A_288 = arith.constant 0 : i32
      %dma_start3A_289 = tpu.memref_slice %arg10[%dma_start3A_287, %dma_start3A_288] : memref<10240x128xf32, #tpu.memory_space<vmem_shared>> -> memref<10240x128xf32, #tpu.memory_space<vmem_shared>>
      tpu.enqueue_indirect_dma source(%dma_start3A_283 : memref<128x128xf32, #tpu.memory_space<vmem>>) target(%dma_start3A_289 : memref<10240x128xf32, #tpu.memory_space<vmem_shared>>) offsets(%dma_start3A_286 : memref<128xi32, #tpu.memory_space<vmem>>) semaphore(%arg14 : memref<!tpu.dma_semaphore, #tpu.memory_space<semaphore_mem>>) {add = true}
      %dma_wait3A_290 = arith.constant 1 : i32
      %dma_wait3A_291 = arith.constant 1 : i32
      %dma_wait3A_292 = arith.constant 0 : i32
      %dma_wait3A_293 = arith.constant 0 : i32
      %dma_wait3A_294 = tpu.memref_slice %arg9[%dma_wait3A_290, %dma_wait3A_292, %dma_wait3A_293] : memref<2x128x128xf32, #tpu.memory_space<vmem>> -> memref<1x128x128xf32, #tpu.memory_space<vmem>>
      %dma_wait3A_295 = tpu.memref_squeeze %dma_wait3A_294 : memref<1x128x128xf32, #tpu.memory_space<vmem>> -> memref<128x128xf32, #tpu.memory_space<vmem>>
      %dma_wait3A_296 = arith.constant 0 : i32
      %dma_wait3A_297 = tpu.memref_slice %arg8[%dma_wait3A_291, %dma_wait3A_296] : memref<2x128xi32, #tpu.memory_space<vmem>> -> memref<1x128xi32, #tpu.memory_space<vmem>>
      %dma_wait3A_298 = tpu.memref_squeeze %dma_wait3A_297 : memref<1x128xi32, #tpu.memory_space<vmem>> -> memref<128xi32, #tpu.memory_space<vmem>>
      %dma_wait3A_299 = arith.constant 0 : i32
      %dma_wait3A_300 = arith.constant 0 : i32
      %dma_wait3A_301 = tpu.memref_slice %arg10[%dma_wait3A_299, %dma_wait3A_300] : memref<10240x128xf32, #tpu.memory_space<vmem_shared>> -> memref<10240x128xf32, #tpu.memory_space<vmem_shared>>
      tpu.wait_indirect_dma semaphore(%arg14 : memref<!tpu.dma_semaphore, #tpu.memory_space<semaphore_mem>>) src(%dma_wait3A_295 : memref<128x128xf32, #tpu.memory_space<vmem>>) dst(%dma_wait3A_301 : memref<10240x128xf32, #tpu.memory_space<vmem_shared>>)
      %add3A_302 = arith.constant 2 : i32
      %add3A_303 = arith.addi %add3A_254, %add3A_302 : i32
      %mul3A_304 = arith.constant 128 : i32
      %mul3A_305 = arith.muli %add3A_303, %mul3A_304 : i32
      %add3A_306 = arith.addi %mul3A_6, %mul3A_305 : i32
      %dma_start3A_307 = arith.constant 1 : i32
      %dma_start3A_308 = arith.constant 0 : i32
      %dma_start3A_309 = tpu.memref_slice %arg8[%dma_start3A_307, %dma_start3A_308] : memref<2x128xi32, #tpu.memory_space<vmem>> -> memref<1x128xi32, #tpu.memory_space<vmem>>
      %dma_start3A_310 = tpu.memref_squeeze %dma_start3A_309 : memref<1x128xi32, #tpu.memory_space<vmem>> -> memref<128xi32, #tpu.memory_space<vmem>>
      %dma_start3A_311 = tpu.memref_slice %arg4[%add3A_306] : memref<163840xi32, #tpu.memory_space<hbm>> -> memref<128xi32, #tpu.memory_space<hbm>>
      %dma_start3A_312 = arith.constant 0 : i32
      %dma_start3A_313 = tpu.memref_slice %arg8[%dma_start3A_307, %dma_start3A_312] : memref<2x128xi32, #tpu.memory_space<vmem>> -> memref<1x128xi32, #tpu.memory_space<vmem>>
      %dma_start3A_314 = tpu.memref_squeeze %dma_start3A_313 : memref<1x128xi32, #tpu.memory_space<vmem>> -> memref<128xi32, #tpu.memory_space<vmem>>
      %dma_start3A_315 = tpu.memref_slice %arg4[%add3A_306] : memref<163840xi32, #tpu.memory_space<hbm>> -> memref<128xi32, #tpu.memory_space<hbm>>
      tpu.enqueue_dma source(%dma_start3A_315 : memref<128xi32, #tpu.memory_space<hbm>>) target(%dma_start3A_314 : memref<128xi32, #tpu.memory_space<vmem>>) target_semaphore(%arg12 : memref<!tpu.dma_semaphore, #tpu.memory_space<semaphore_mem>>)
      %add3A_316 = arith.constant 2 : i32
      %add3A_317 = arith.addi %add3A_254, %add3A_316 : i32
      %dma_start3A_318 = arith.constant 1 : i32
      %dma_start3A_319 = arith.constant 0 : i32
      %dma_start3A_320 = arith.constant 0 : i32
      %dma_start3A_321 = tpu.memref_slice %arg9[%dma_start3A_318, %dma_start3A_319, %dma_start3A_320] : memref<2x128x128xf32, #tpu.memory_space<vmem>> -> memref<1x128x128xf32, #tpu.memory_space<vmem>>
      %dma_start3A_322 = tpu.memref_squeeze %dma_start3A_321 : memref<1x128x128xf32, #tpu.memory_space<vmem>> -> memref<128x128xf32, #tpu.memory_space<vmem>>
      %dma_start3A_323 = arith.constant 0 : i32
      %dma_start3A_324 = tpu.memref_slice %arg7[%add3A_317, %dma_start3A_323] : memref<80x128xi32, #tpu.memory_space<vmem>> -> memref<1x128xi32, #tpu.memory_space<vmem>>
      %dma_start3A_325 = tpu.memref_squeeze %dma_start3A_324 : memref<1x128xi32, #tpu.memory_space<vmem>> -> memref<128xi32, #tpu.memory_space<vmem>>
      %dma_start3A_326 = arith.constant 0 : i32
      %dma_start3A_327 = arith.constant 0 : i32
      %dma_start3A_328 = tpu.memref_slice %arg2[%dma_start3A_326, %dma_start3A_327] : memref<20000x128xf32, #tpu.memory_space<hbm>> -> memref<20000x128xf32, #tpu.memory_space<hbm>>
      tpu.enqueue_indirect_dma source(%dma_start3A_328 : memref<20000x128xf32, #tpu.memory_space<hbm>>) target(%dma_start3A_322 : memref<128x128xf32, #tpu.memory_space<vmem>>) offsets(%dma_start3A_325 : memref<128xi32, #tpu.memory_space<vmem>>) semaphore(%arg12 : memref<!tpu.dma_semaphore, #tpu.memory_space<semaphore_mem>>)
    }
    %while3A_71 = arith.constant 1 : i32
    scf.for %while3A_174 = %while3A_69 to %while3A_65 step %while3A_71  : i32 {
      %mul3A_175 = arith.muli %while3A_174, %while3A : i32
      %add3A_176 = arith.addi %while3A_62, %mul3A_175 : i32
      %add3A_177 = arith.constant 0 : i32
      %add3A_178 = arith.addi %add3A_176, %add3A_177 : i32
      %mul3A_179 = arith.constant 128 : i32
      %mul3A_180 = arith.muli %add3A_178, %mul3A_179 : i32
      %add3A_181 = arith.addi %mul3A_6, %mul3A_180 : i32
      %dma_wait3A_182 = arith.constant 0 : i32
      %dma_wait3A_183 = arith.constant 0 : i32
      %dma_wait3A_184 = tpu.memref_slice %arg8[%dma_wait3A_182, %dma_wait3A_183] : memref<2x128xi32, #tpu.memory_space<vmem>> -> memref<1x128xi32, #tpu.memory_space<vmem>>
      %dma_wait3A_185 = tpu.memref_squeeze %dma_wait3A_184 : memref<1x128xi32, #tpu.memory_space<vmem>> -> memref<128xi32, #tpu.memory_space<vmem>>
      %dma_wait3A_186 = tpu.memref_slice %arg4[%add3A_181] : memref<163840xi32, #tpu.memory_space<hbm>> -> memref<128xi32, #tpu.memory_space<hbm>>
      %dma_wait3A_187 = arith.constant 0 : i32
      %dma_wait3A_188 = tpu.memref_slice %arg8[%dma_wait3A_182, %dma_wait3A_187] : memref<2x128xi32, #tpu.memory_space<vmem>> -> memref<1x128xi32, #tpu.memory_space<vmem>>
      %dma_wait3A_189 = tpu.memref_squeeze %dma_wait3A_188 : memref<1x128xi32, #tpu.memory_space<vmem>> -> memref<128xi32, #tpu.memory_space<vmem>>
      %dma_wait3A_190 = tpu.memref_slice %arg4[%add3A_181] : memref<163840xi32, #tpu.memory_space<hbm>> -> memref<128xi32, #tpu.memory_space<hbm>>
      tpu.wait_dma2 semaphore(%arg11 : memref<!tpu.dma_semaphore, #tpu.memory_space<semaphore_mem>>) src(%dma_wait3A_190 : memref<128xi32, #tpu.memory_space<hbm>>) dst(%dma_wait3A_189 : memref<128xi32, #tpu.memory_space<vmem>>)
      %dma_wait3A_191 = arith.constant 0 : i32
      %dma_wait3A_192 = arith.constant 0 : i32
      %dma_wait3A_193 = arith.constant 0 : i32
      %dma_wait3A_194 = tpu.memref_slice %arg9[%dma_wait3A_191, %dma_wait3A_192, %dma_wait3A_193] : memref<2x128x128xf32, #tpu.memory_space<vmem>> -> memref<1x128x128xf32, #tpu.memory_space<vmem>>
      %dma_wait3A_195 = tpu.memref_squeeze %dma_wait3A_194 : memref<1x128x128xf32, #tpu.memory_space<vmem>> -> memref<128x128xf32, #tpu.memory_space<vmem>>
      %dma_wait3A_196 = arith.constant 0 : i32
      %dma_wait3A_197 = tpu.memref_slice %arg7[%add3A_178, %dma_wait3A_196] : memref<80x128xi32, #tpu.memory_space<vmem>> -> memref<1x128xi32, #tpu.memory_space<vmem>>
      %dma_wait3A_198 = tpu.memref_squeeze %dma_wait3A_197 : memref<1x128xi32, #tpu.memory_space<vmem>> -> memref<128xi32, #tpu.memory_space<vmem>>
      %dma_wait3A_199 = arith.constant 0 : i32
      %dma_wait3A_200 = arith.constant 0 : i32
      %dma_wait3A_201 = tpu.memref_slice %arg2[%dma_wait3A_199, %dma_wait3A_200] : memref<20000x128xf32, #tpu.memory_space<hbm>> -> memref<20000x128xf32, #tpu.memory_space<hbm>>
      tpu.wait_indirect_dma semaphore(%arg11 : memref<!tpu.dma_semaphore, #tpu.memory_space<semaphore_mem>>) src(%dma_wait3A_201 : memref<20000x128xf32, #tpu.memory_space<hbm>>) dst(%dma_wait3A_195 : memref<128x128xf32, #tpu.memory_space<vmem>>)
      %dma_start3A_202 = arith.constant 0 : i32
      %dma_start3A_203 = arith.constant 0 : i32
      %dma_start3A_204 = arith.constant 0 : i32
      %dma_start3A_205 = arith.constant 0 : i32
      %dma_start3A_206 = tpu.memref_slice %arg9[%dma_start3A_202, %dma_start3A_204, %dma_start3A_205] : memref<2x128x128xf32, #tpu.memory_space<vmem>> -> memref<1x128x128xf32, #tpu.memory_space<vmem>>
      %dma_start3A_207 = tpu.memref_squeeze %dma_start3A_206 : memref<1x128x128xf32, #tpu.memory_space<vmem>> -> memref<128x128xf32, #tpu.memory_space<vmem>>
      %dma_start3A_208 = arith.constant 0 : i32
      %dma_start3A_209 = tpu.memref_slice %arg8[%dma_start3A_203, %dma_start3A_208] : memref<2x128xi32, #tpu.memory_space<vmem>> -> memref<1x128xi32, #tpu.memory_space<vmem>>
      %dma_start3A_210 = tpu.memref_squeeze %dma_start3A_209 : memref<1x128xi32, #tpu.memory_space<vmem>> -> memref<128xi32, #tpu.memory_space<vmem>>
      %dma_start3A_211 = arith.constant 0 : i32
      %dma_start3A_212 = arith.constant 0 : i32
      %dma_start3A_213 = tpu.memref_slice %arg10[%dma_start3A_211, %dma_start3A_212] : memref<10240x128xf32, #tpu.memory_space<vmem_shared>> -> memref<10240x128xf32, #tpu.memory_space<vmem_shared>>
      tpu.enqueue_indirect_dma source(%dma_start3A_207 : memref<128x128xf32, #tpu.memory_space<vmem>>) target(%dma_start3A_213 : memref<10240x128xf32, #tpu.memory_space<vmem_shared>>) offsets(%dma_start3A_210 : memref<128xi32, #tpu.memory_space<vmem>>) semaphore(%arg13 : memref<!tpu.dma_semaphore, #tpu.memory_space<semaphore_mem>>) {add = true}
      %dma_wait3A_214 = arith.constant 0 : i32
      %dma_wait3A_215 = arith.constant 0 : i32
      %dma_wait3A_216 = arith.constant 0 : i32
      %dma_wait3A_217 = arith.constant 0 : i32
      %dma_wait3A_218 = tpu.memref_slice %arg9[%dma_wait3A_214, %dma_wait3A_216, %dma_wait3A_217] : memref<2x128x128xf32, #tpu.memory_space<vmem>> -> memref<1x128x128xf32, #tpu.memory_space<vmem>>
      %dma_wait3A_219 = tpu.memref_squeeze %dma_wait3A_218 : memref<1x128x128xf32, #tpu.memory_space<vmem>> -> memref<128x128xf32, #tpu.memory_space<vmem>>
      %dma_wait3A_220 = arith.constant 0 : i32
      %dma_wait3A_221 = tpu.memref_slice %arg8[%dma_wait3A_215, %dma_wait3A_220] : memref<2x128xi32, #tpu.memory_space<vmem>> -> memref<1x128xi32, #tpu.memory_space<vmem>>
      %dma_wait3A_222 = tpu.memref_squeeze %dma_wait3A_221 : memref<1x128xi32, #tpu.memory_space<vmem>> -> memref<128xi32, #tpu.memory_space<vmem>>
      %dma_wait3A_223 = arith.constant 0 : i32
      %dma_wait3A_224 = arith.constant 0 : i32
      %dma_wait3A_225 = tpu.memref_slice %arg10[%dma_wait3A_223, %dma_wait3A_224] : memref<10240x128xf32, #tpu.memory_space<vmem_shared>> -> memref<10240x128xf32, #tpu.memory_space<vmem_shared>>
      tpu.wait_indirect_dma semaphore(%arg13 : memref<!tpu.dma_semaphore, #tpu.memory_space<semaphore_mem>>) src(%dma_wait3A_219 : memref<128x128xf32, #tpu.memory_space<vmem>>) dst(%dma_wait3A_225 : memref<10240x128xf32, #tpu.memory_space<vmem_shared>>)
      %add3A_226 = arith.constant 2 : i32
      %add3A_227 = arith.addi %add3A_178, %add3A_226 : i32
      %mul3A_228 = arith.constant 128 : i32
      %mul3A_229 = arith.muli %add3A_227, %mul3A_228 : i32
      %add3A_230 = arith.addi %mul3A_6, %mul3A_229 : i32
      %dma_start3A_231 = arith.constant 0 : i32
      %dma_start3A_232 = arith.constant 0 : i32
      %dma_start3A_233 = tpu.memref_slice %arg8[%dma_start3A_231, %dma_start3A_232] : memref<2x128xi32, #tpu.memory_space<vmem>> -> memref<1x128xi32, #tpu.memory_space<vmem>>
      %dma_start3A_234 = tpu.memref_squeeze %dma_start3A_233 : memref<1x128xi32, #tpu.memory_space<vmem>> -> memref<128xi32, #tpu.memory_space<vmem>>
      %dma_start3A_235 = tpu.memref_slice %arg4[%add3A_230] : memref<163840xi32, #tpu.memory_space<hbm>> -> memref<128xi32, #tpu.memory_space<hbm>>
      %dma_start3A_236 = arith.constant 0 : i32
      %dma_start3A_237 = tpu.memref_slice %arg8[%dma_start3A_231, %dma_start3A_236] : memref<2x128xi32, #tpu.memory_space<vmem>> -> memref<1x128xi32, #tpu.memory_space<vmem>>
      %dma_start3A_238 = tpu.memref_squeeze %dma_start3A_237 : memref<1x128xi32, #tpu.memory_space<vmem>> -> memref<128xi32, #tpu.memory_space<vmem>>
      %dma_start3A_239 = tpu.memref_slice %arg4[%add3A_230] : memref<163840xi32, #tpu.memory_space<hbm>> -> memref<128xi32, #tpu.memory_space<hbm>>
      tpu.enqueue_dma source(%dma_start3A_239 : memref<128xi32, #tpu.memory_space<hbm>>) target(%dma_start3A_238 : memref<128xi32, #tpu.memory_space<vmem>>) target_semaphore(%arg11 : memref<!tpu.dma_semaphore, #tpu.memory_space<semaphore_mem>>)
      %add3A_240 = arith.constant 2 : i32
      %add3A_241 = arith.addi %add3A_178, %add3A_240 : i32
      %dma_start3A_242 = arith.constant 0 : i32
      %dma_start3A_243 = arith.constant 0 : i32
      %dma_start3A_244 = arith.constant 0 : i32
      %dma_start3A_245 = tpu.memref_slice %arg9[%dma_start3A_242, %dma_start3A_243, %dma_start3A_244] : memref<2x128x128xf32, #tpu.memory_space<vmem>> -> memref<1x128x128xf32, #tpu.memory_space<vmem>>
      %dma_start3A_246 = tpu.memref_squeeze %dma_start3A_245 : memref<1x128x128xf32, #tpu.memory_space<vmem>> -> memref<128x128xf32, #tpu.memory_space<vmem>>
      %dma_start3A_247 = arith.constant 0 : i32
      %dma_start3A_248 = tpu.memref_slice %arg7[%add3A_241, %dma_start3A_247] : memref<80x128xi32, #tpu.memory_space<vmem>> -> memref<1x128xi32, #tpu.memory_space<vmem>>
      %dma_start3A_249 = tpu.memref_squeeze %dma_start3A_248 : memref<1x128xi32, #tpu.memory_space<vmem>> -> memref<128xi32, #tpu.memory_space<vmem>>
      %dma_start3A_250 = arith.constant 0 : i32
      %dma_start3A_251 = arith.constant 0 : i32
      %dma_start3A_252 = tpu.memref_slice %arg2[%dma_start3A_250, %dma_start3A_251] : memref<20000x128xf32, #tpu.memory_space<hbm>> -> memref<20000x128xf32, #tpu.memory_space<hbm>>
      tpu.enqueue_indirect_dma source(%dma_start3A_252 : memref<20000x128xf32, #tpu.memory_space<hbm>>) target(%dma_start3A_246 : memref<128x128xf32, #tpu.memory_space<vmem>>) offsets(%dma_start3A_249 : memref<128xi32, #tpu.memory_space<vmem>>) semaphore(%arg11 : memref<!tpu.dma_semaphore, #tpu.memory_space<semaphore_mem>>)
      %add3A_253 = arith.constant 1 : i32
      %add3A_254 = arith.addi %add3A_176, %add3A_253 : i32
      %mul3A_255 = arith.constant 128 : i32
      %mul3A_256 = arith.muli %add3A_254, %mul3A_255 : i32
      %add3A_257 = arith.addi %mul3A_6, %mul3A_256 : i32
      %dma_wait3A_258 = arith.constant 1 : i32
      %dma_wait3A_259 = arith.constant 0 : i32
      %dma_wait3A_260 = tpu.memref_slice %arg8[%dma_wait3A_258, %dma_wait3A_259] : memref<2x128xi32, #tpu.memory_space<vmem>> -> memref<1x128xi32, #tpu.memory_space<vmem>>
      %dma_wait3A_261 = tpu.memref_squeeze %dma_wait3A_260 : memref<1x128xi32, #tpu.memory_space<vmem>> -> memref<128xi32, #tpu.memory_space<vmem>>
      %dma_wait3A_262 = tpu.memref_slice %arg4[%add3A_257] : memref<163840xi32, #tpu.memory_space<hbm>> -> memref<128xi32, #tpu.memory_space<hbm>>
      %dma_wait3A_263 = arith.constant 0 : i32
      %dma_wait3A_264 = tpu.memref_slice %arg8[%dma_wait3A_258, %dma_wait3A_263] : memref<2x128xi32, #tpu.memory_space<vmem>> -> memref<1x128xi32, #tpu.memory_space<vmem>>
      %dma_wait3A_265 = tpu.memref_squeeze %dma_wait3A_264 : memref<1x128xi32, #tpu.memory_space<vmem>> -> memref<128xi32, #tpu.memory_space<vmem>>
      %dma_wait3A_266 = tpu.memref_slice %arg4[%add3A_257] : memref<163840xi32, #tpu.memory_space<hbm>> -> memref<128xi32, #tpu.memory_space<hbm>>
      tpu.wait_dma2 semaphore(%arg12 : memref<!tpu.dma_semaphore, #tpu.memory_space<semaphore_mem>>) src(%dma_wait3A_266 : memref<128xi32, #tpu.memory_space<hbm>>) dst(%dma_wait3A_265 : memref<128xi32, #tpu.memory_space<vmem>>)
      %dma_wait3A_267 = arith.constant 1 : i32
      %dma_wait3A_268 = arith.constant 0 : i32
      %dma_wait3A_269 = arith.constant 0 : i32
      %dma_wait3A_270 = tpu.memref_slice %arg9[%dma_wait3A_267, %dma_wait3A_268, %dma_wait3A_269] : memref<2x128x128xf32, #tpu.memory_space<vmem>> -> memref<1x128x128xf32, #tpu.memory_space<vmem>>
      %dma_wait3A_271 = tpu.memref_squeeze %dma_wait3A_270 : memref<1x128x128xf32, #tpu.memory_space<vmem>> -> memref<128x128xf32, #tpu.memory_space<vmem>>
      %dma_wait3A_272 = arith.constant 0 : i32
      %dma_wait3A_273 = tpu.memref_slice %arg7[%add3A_254, %dma_wait3A_272] : memref<80x128xi32, #tpu.memory_space<vmem>> -> memref<1x128xi32, #tpu.memory_space<vmem>>
      %dma_wait3A_274 = tpu.memref_squeeze %dma_wait3A_273 : memref<1x128xi32, #tpu.memory_space<vmem>> -> memref<128xi32, #tpu.memory_space<vmem>>
      %dma_wait3A_275 = arith.constant 0 : i32
      %dma_wait3A_276 = arith.constant 0 : i32
      %dma_wait3A_277 = tpu.memref_slice %arg2[%dma_wait3A_275, %dma_wait3A_276] : memref<20000x128xf32, #tpu.memory_space<hbm>> -> memref<20000x128xf32, #tpu.memory_space<hbm>>
      tpu.wait_indirect_dma semaphore(%arg12 : memref<!tpu.dma_semaphore, #tpu.memory_space<semaphore_mem>>) src(%dma_wait3A_277 : memref<20000x128xf32, #tpu.memory_space<hbm>>) dst(%dma_wait3A_271 : memref<128x128xf32, #tpu.memory_space<vmem>>)
      %dma_start3A_278 = arith.constant 1 : i32
      %dma_start3A_279 = arith.constant 1 : i32
      %dma_start3A_280 = arith.constant 0 : i32
      %dma_start3A_281 = arith.constant 0 : i32
      %dma_start3A_282 = tpu.memref_slice %arg9[%dma_start3A_278, %dma_start3A_280, %dma_start3A_281] : memref<2x128x128xf32, #tpu.memory_space<vmem>> -> memref<1x128x128xf32, #tpu.memory_space<vmem>>
      %dma_start3A_283 = tpu.memref_squeeze %dma_start3A_282 : memref<1x128x128xf32, #tpu.memory_space<vmem>> -> memref<128x128xf32, #tpu.memory_space<vmem>>
      %dma_start3A_284 = arith.constant 0 : i32
      %dma_start3A_285 = tpu.memref_slice %arg8[%dma_start3A_279, %dma_start3A_284] : memref<2x128xi32, #tpu.memory_space<vmem>> -> memref<1x128xi32, #tpu.memory_space<vmem>>
      %dma_start3A_286 = tpu.memref_squeeze %dma_start3A_285 : memref<1x128xi32, #tpu.memory_space<vmem>> -> memref<128xi32, #tpu.memory_space<vmem>>
      %dma_start3A_287 = arith.constant 0 : i32
      %dma_start3A_288 = arith.constant 0 : i32
      %dma_start3A_289 = tpu.memref_slice %arg10[%dma_start3A_287, %dma_start3A_288] : memref<10240x128xf32, #tpu.memory_space<vmem_shared>> -> memref<10240x128xf32, #tpu.memory_space<vmem_shared>>
      tpu.enqueue_indirect_dma source(%dma_start3A_283 : memref<128x128xf32, #tpu.memory_space<vmem>>) target(%dma_start3A_289 : memref<10240x128xf32, #tpu.memory_space<vmem_shared>>) offsets(%dma_start3A_286 : memref<128xi32, #tpu.memory_space<vmem>>) semaphore(%arg14 : memref<!tpu.dma_semaphore, #tpu.memory_space<semaphore_mem>>) {add = true}
      %dma_wait3A_290 = arith.constant 1 : i32
      %dma_wait3A_291 = arith.constant 1 : i32
      %dma_wait3A_292 = arith.constant 0 : i32
      %dma_wait3A_293 = arith.constant 0 : i32
      %dma_wait3A_294 = tpu.memref_slice %arg9[%dma_wait3A_290, %dma_wait3A_292, %dma_wait3A_293] : memref<2x128x128xf32, #tpu.memory_space<vmem>> -> memref<1x128x128xf32, #tpu.memory_space<vmem>>
      %dma_wait3A_295 = tpu.memref_squeeze %dma_wait3A_294 : memref<1x128x128xf32, #tpu.memory_space<vmem>> -> memref<128x128xf32, #tpu.memory_space<vmem>>
      %dma_wait3A_296 = arith.constant 0 : i32
      %dma_wait3A_297 = tpu.memref_slice %arg8[%dma_wait3A_291, %dma_wait3A_296] : memref<2x128xi32, #tpu.memory_space<vmem>> -> memref<1x128xi32, #tpu.memory_space<vmem>>
      %dma_wait3A_298 = tpu.memref_squeeze %dma_wait3A_297 : memref<1x128xi32, #tpu.memory_space<vmem>> -> memref<128xi32, #tpu.memory_space<vmem>>
      %dma_wait3A_299 = arith.constant 0 : i32
      %dma_wait3A_300 = arith.constant 0 : i32
      %dma_wait3A_301 = tpu.memref_slice %arg10[%dma_wait3A_299, %dma_wait3A_300] : memref<10240x128xf32, #tpu.memory_space<vmem_shared>> -> memref<10240x128xf32, #tpu.memory_space<vmem_shared>>
      tpu.wait_indirect_dma semaphore(%arg14 : memref<!tpu.dma_semaphore, #tpu.memory_space<semaphore_mem>>) src(%dma_wait3A_295 : memref<128x128xf32, #tpu.memory_space<vmem>>) dst(%dma_wait3A_301 : memref<10240x128xf32, #tpu.memory_space<vmem_shared>>)
      %add3A_302 = arith.constant 2 : i32
      %add3A_303 = arith.addi %add3A_254, %add3A_302 : i32
      %mul3A_304 = arith.constant 128 : i32
      %mul3A_305 = arith.muli %add3A_303, %mul3A_304 : i32
      %add3A_306 = arith.addi %mul3A_6, %mul3A_305 : i32
      %dma_start3A_307 = arith.constant 1 : i32
      %dma_start3A_308 = arith.constant 0 : i32
      %dma_start3A_309 = tpu.memref_slice %arg8[%dma_start3A_307, %dma_start3A_308] : memref<2x128xi32, #tpu.memory_space<vmem>> -> memref<1x128xi32, #tpu.memory_space<vmem>>
      %dma_start3A_310 = tpu.memref_squeeze %dma_start3A_309 : memref<1x128xi32, #tpu.memory_space<vmem>> -> memref<128xi32, #tpu.memory_space<vmem>>
      %dma_start3A_311 = tpu.memref_slice %arg4[%add3A_306] : memref<163840xi32, #tpu.memory_space<hbm>> -> memref<128xi32, #tpu.memory_space<hbm>>
      %dma_start3A_312 = arith.constant 0 : i32
      %dma_start3A_313 = tpu.memref_slice %arg8[%dma_start3A_307, %dma_start3A_312] : memref<2x128xi32, #tpu.memory_space<vmem>> -> memref<1x128xi32, #tpu.memory_space<vmem>>
      %dma_start3A_314 = tpu.memref_squeeze %dma_start3A_313 : memref<1x128xi32, #tpu.memory_space<vmem>> -> memref<128xi32, #tpu.memory_space<vmem>>
      %dma_start3A_315 = tpu.memref_slice %arg4[%add3A_306] : memref<163840xi32, #tpu.memory_space<hbm>> -> memref<128xi32, #tpu.memory_space<hbm>>
      tpu.enqueue_dma source(%dma_start3A_315 : memref<128xi32, #tpu.memory_space<hbm>>) target(%dma_start3A_314 : memref<128xi32, #tpu.memory_space<vmem>>) target_semaphore(%arg12 : memref<!tpu.dma_semaphore, #tpu.memory_space<semaphore_mem>>)
      %add3A_316 = arith.constant 2 : i32
      %add3A_317 = arith.addi %add3A_254, %add3A_316 : i32
      %dma_start3A_318 = arith.constant 1 : i32
      %dma_start3A_319 = arith.constant 0 : i32
      %dma_start3A_320 = arith.constant 0 : i32
      %dma_start3A_321 = tpu.memref_slice %arg9[%dma_start3A_318, %dma_start3A_319, %dma_start3A_320] : memref<2x128x128xf32, #tpu.memory_space<vmem>> -> memref<1x128x128xf32, #tpu.memory_space<vmem>>
      %dma_start3A_322 = tpu.memref_squeeze %dma_start3A_321 : memref<1x128x128xf32, #tpu.memory_space<vmem>> -> memref<128x128xf32, #tpu.memory_space<vmem>>
      %dma_start3A_323 = arith.constant 0 : i32
      %dma_start3A_324 = tpu.memref_slice %arg7[%add3A_317, %dma_start3A_323] : memref<80x128xi32, #tpu.memory_space<vmem>> -> memref<1x128xi32, #tpu.memory_space<vmem>>
      %dma_start3A_325 = tpu.memref_squeeze %dma_start3A_324 : memref<1x128xi32, #tpu.memory_space<vmem>> -> memref<128xi32, #tpu.memory_space<vmem>>
      %dma_start3A_326 = arith.constant 0 : i32
      %dma_start3A_327 = arith.constant 0 : i32
      %dma_start3A_328 = tpu.memref_slice %arg2[%dma_start3A_326, %dma_start3A_327] : memref<20000x128xf32, #tpu.memory_space<hbm>> -> memref<20000x128xf32, #tpu.memory_space<hbm>>
      tpu.enqueue_indirect_dma source(%dma_start3A_328 : memref<20000x128xf32, #tpu.memory_space<hbm>>) target(%dma_start3A_322 : memref<128x128xf32, #tpu.memory_space<vmem>>) offsets(%dma_start3A_325 : memref<128xi32, #tpu.memory_space<vmem>>) semaphore(%arg12 : memref<!tpu.dma_semaphore, #tpu.memory_space<semaphore_mem>>)
    }
    %mul3A_72 = arith.constant 78 : i32
    %mul3A_73 = arith.constant 128 : i32
    %mul3A_74 = arith.muli %mul3A_72, %mul3A_73 : i32
    %add3A_75 = arith.addi %mul3A_6, %mul3A_74 : i32
    %dma_wait3A = arith.constant 0 : i32
    %dma_wait3A_76 = arith.constant 0 : i32
    %dma_wait3A_77 = tpu.memref_slice %arg8[%dma_wait3A, %dma_wait3A_76] : memref<2x128xi32, #tpu.memory_space<vmem>> -> memref<1x128xi32, #tpu.memory_space<vmem>>
    %dma_wait3A_78 = tpu.memref_squeeze %dma_wait3A_77 : memref<1x128xi32, #tpu.memory_space<vmem>> -> memref<128xi32, #tpu.memory_space<vmem>>
    %dma_wait3A_79 = tpu.memref_slice %arg4[%add3A_75] : memref<163840xi32, #tpu.memory_space<hbm>> -> memref<128xi32, #tpu.memory_space<hbm>>
    %dma_wait3A_80 = arith.constant 0 : i32
    %dma_wait3A_81 = tpu.memref_slice %arg8[%dma_wait3A, %dma_wait3A_80] : memref<2x128xi32, #tpu.memory_space<vmem>> -> memref<1x128xi32, #tpu.memory_space<vmem>>
    %dma_wait3A_82 = tpu.memref_squeeze %dma_wait3A_81 : memref<1x128xi32, #tpu.memory_space<vmem>> -> memref<128xi32, #tpu.memory_space<vmem>>
    %dma_wait3A_83 = tpu.memref_slice %arg4[%add3A_75] : memref<163840xi32, #tpu.memory_space<hbm>> -> memref<128xi32, #tpu.memory_space<hbm>>
    tpu.wait_dma2 semaphore(%arg11 : memref<!tpu.dma_semaphore, #tpu.memory_space<semaphore_mem>>) src(%dma_wait3A_83 : memref<128xi32, #tpu.memory_space<hbm>>) dst(%dma_wait3A_82 : memref<128xi32, #tpu.memory_space<vmem>>)
    %dma_wait3A_84 = arith.constant 78 : i32
    %dma_wait3A_85 = arith.constant 0 : i32
    %dma_wait3A_86 = arith.constant 0 : i32
    %dma_wait3A_87 = arith.constant 0 : i32
    %dma_wait3A_88 = tpu.memref_slice %arg9[%dma_wait3A_85, %dma_wait3A_86, %dma_wait3A_87] : memref<2x128x128xf32, #tpu.memory_space<vmem>> -> memref<1x128x128xf32, #tpu.memory_space<vmem>>
    %dma_wait3A_89 = tpu.memref_squeeze %dma_wait3A_88 : memref<1x128x128xf32, #tpu.memory_space<vmem>> -> memref<128x128xf32, #tpu.memory_space<vmem>>
    %dma_wait3A_90 = arith.constant 0 : i32
    %dma_wait3A_91 = tpu.memref_slice %arg7[%dma_wait3A_84, %dma_wait3A_90] : memref<80x128xi32, #tpu.memory_space<vmem>> -> memref<1x128xi32, #tpu.memory_space<vmem>>
    %dma_wait3A_92 = tpu.memref_squeeze %dma_wait3A_91 : memref<1x128xi32, #tpu.memory_space<vmem>> -> memref<128xi32, #tpu.memory_space<vmem>>
    %dma_wait3A_93 = arith.constant 0 : i32
    %dma_wait3A_94 = arith.constant 0 : i32
    %dma_wait3A_95 = tpu.memref_slice %arg2[%dma_wait3A_93, %dma_wait3A_94] : memref<20000x128xf32, #tpu.memory_space<hbm>> -> memref<20000x128xf32, #tpu.memory_space<hbm>>
    tpu.wait_indirect_dma semaphore(%arg11 : memref<!tpu.dma_semaphore, #tpu.memory_space<semaphore_mem>>) src(%dma_wait3A_95 : memref<20000x128xf32, #tpu.memory_space<hbm>>) dst(%dma_wait3A_89 : memref<128x128xf32, #tpu.memory_space<vmem>>)
    %dma_start3A_96 = arith.constant 0 : i32
    %dma_start3A_97 = arith.constant 0 : i32
    %dma_start3A_98 = arith.constant 0 : i32
    %dma_start3A_99 = arith.constant 0 : i32
    %dma_start3A_100 = tpu.memref_slice %arg9[%dma_start3A_96, %dma_start3A_98, %dma_start3A_99] : memref<2x128x128xf32, #tpu.memory_space<vmem>> -> memref<1x128x128xf32, #tpu.memory_space<vmem>>
    %dma_start3A_101 = tpu.memref_squeeze %dma_start3A_100 : memref<1x128x128xf32, #tpu.memory_space<vmem>> -> memref<128x128xf32, #tpu.memory_space<vmem>>
    %dma_start3A_102 = arith.constant 0 : i32
    %dma_start3A_103 = tpu.memref_slice %arg8[%dma_start3A_97, %dma_start3A_102] : memref<2x128xi32, #tpu.memory_space<vmem>> -> memref<1x128xi32, #tpu.memory_space<vmem>>
    %dma_start3A_104 = tpu.memref_squeeze %dma_start3A_103 : memref<1x128xi32, #tpu.memory_space<vmem>> -> memref<128xi32, #tpu.memory_space<vmem>>
    %dma_start3A_105 = arith.constant 0 : i32
    %dma_start3A_106 = arith.constant 0 : i32
    %dma_start3A_107 = tpu.memref_slice %arg10[%dma_start3A_105, %dma_start3A_106] : memref<10240x128xf32, #tpu.memory_space<vmem_shared>> -> memref<10240x128xf32, #tpu.memory_space<vmem_shared>>
    tpu.enqueue_indirect_dma source(%dma_start3A_101 : memref<128x128xf32, #tpu.memory_space<vmem>>) target(%dma_start3A_107 : memref<10240x128xf32, #tpu.memory_space<vmem_shared>>) offsets(%dma_start3A_104 : memref<128xi32, #tpu.memory_space<vmem>>) semaphore(%arg13 : memref<!tpu.dma_semaphore, #tpu.memory_space<semaphore_mem>>) {add = true}
    %dma_wait3A_108 = arith.constant 0 : i32
    %dma_wait3A_109 = arith.constant 0 : i32
    %dma_wait3A_110 = arith.constant 0 : i32
    %dma_wait3A_111 = arith.constant 0 : i32
    %dma_wait3A_112 = tpu.memref_slice %arg9[%dma_wait3A_108, %dma_wait3A_110, %dma_wait3A_111] : memref<2x128x128xf32, #tpu.memory_space<vmem>> -> memref<1x128x128xf32, #tpu.memory_space<vmem>>
    %dma_wait3A_113 = tpu.memref_squeeze %dma_wait3A_112 : memref<1x128x128xf32, #tpu.memory_space<vmem>> -> memref<128x128xf32, #tpu.memory_space<vmem>>
    %dma_wait3A_114 = arith.constant 0 : i32
    %dma_wait3A_115 = tpu.memref_slice %arg8[%dma_wait3A_109, %dma_wait3A_114] : memref<2x128xi32, #tpu.memory_space<vmem>> -> memref<1x128xi32, #tpu.memory_space<vmem>>
    %dma_wait3A_116 = tpu.memref_squeeze %dma_wait3A_115 : memref<1x128xi32, #tpu.memory_space<vmem>> -> memref<128xi32, #tpu.memory_space<vmem>>
    %dma_wait3A_117 = arith.constant 0 : i32
    %dma_wait3A_118 = arith.constant 0 : i32
    %dma_wait3A_119 = tpu.memref_slice %arg10[%dma_wait3A_117, %dma_wait3A_118] : memref<10240x128xf32, #tpu.memory_space<vmem_shared>> -> memref<10240x128xf32, #tpu.memory_space<vmem_shared>>
    tpu.wait_indirect_dma semaphore(%arg13 : memref<!tpu.dma_semaphore, #tpu.memory_space<semaphore_mem>>) src(%dma_wait3A_113 : memref<128x128xf32, #tpu.memory_space<vmem>>) dst(%dma_wait3A_119 : memref<10240x128xf32, #tpu.memory_space<vmem_shared>>)
    %mul3A_120 = arith.constant 79 : i32
    %mul3A_121 = arith.constant 128 : i32
    %mul3A_122 = arith.muli %mul3A_120, %mul3A_121 : i32
    %add3A_123 = arith.addi %mul3A_6, %mul3A_122 : i32
    %dma_wait3A_124 = arith.constant 1 : i32
    %dma_wait3A_125 = arith.constant 0 : i32
    %dma_wait3A_126 = tpu.memref_slice %arg8[%dma_wait3A_124, %dma_wait3A_125] : memref<2x128xi32, #tpu.memory_space<vmem>> -> memref<1x128xi32, #tpu.memory_space<vmem>>
    %dma_wait3A_127 = tpu.memref_squeeze %dma_wait3A_126 : memref<1x128xi32, #tpu.memory_space<vmem>> -> memref<128xi32, #tpu.memory_space<vmem>>
    %dma_wait3A_128 = tpu.memref_slice %arg4[%add3A_123] : memref<163840xi32, #tpu.memory_space<hbm>> -> memref<128xi32, #tpu.memory_space<hbm>>
    %dma_wait3A_129 = arith.constant 0 : i32
    %dma_wait3A_130 = tpu.memref_slice %arg8[%dma_wait3A_124, %dma_wait3A_129] : memref<2x128xi32, #tpu.memory_space<vmem>> -> memref<1x128xi32, #tpu.memory_space<vmem>>
    %dma_wait3A_131 = tpu.memref_squeeze %dma_wait3A_130 : memref<1x128xi32, #tpu.memory_space<vmem>> -> memref<128xi32, #tpu.memory_space<vmem>>
    %dma_wait3A_132 = tpu.memref_slice %arg4[%add3A_123] : memref<163840xi32, #tpu.memory_space<hbm>> -> memref<128xi32, #tpu.memory_space<hbm>>
    tpu.wait_dma2 semaphore(%arg12 : memref<!tpu.dma_semaphore, #tpu.memory_space<semaphore_mem>>) src(%dma_wait3A_132 : memref<128xi32, #tpu.memory_space<hbm>>) dst(%dma_wait3A_131 : memref<128xi32, #tpu.memory_space<vmem>>)
    %dma_wait3A_133 = arith.constant 79 : i32
    %dma_wait3A_134 = arith.constant 1 : i32
    %dma_wait3A_135 = arith.constant 0 : i32
    %dma_wait3A_136 = arith.constant 0 : i32
    %dma_wait3A_137 = tpu.memref_slice %arg9[%dma_wait3A_134, %dma_wait3A_135, %dma_wait3A_136] : memref<2x128x128xf32, #tpu.memory_space<vmem>> -> memref<1x128x128xf32, #tpu.memory_space<vmem>>
    %dma_wait3A_138 = tpu.memref_squeeze %dma_wait3A_137 : memref<1x128x128xf32, #tpu.memory_space<vmem>> -> memref<128x128xf32, #tpu.memory_space<vmem>>
    %dma_wait3A_139 = arith.constant 0 : i32
    %dma_wait3A_140 = tpu.memref_slice %arg7[%dma_wait3A_133, %dma_wait3A_139] : memref<80x128xi32, #tpu.memory_space<vmem>> -> memref<1x128xi32, #tpu.memory_space<vmem>>
    %dma_wait3A_141 = tpu.memref_squeeze %dma_wait3A_140 : memref<1x128xi32, #tpu.memory_space<vmem>> -> memref<128xi32, #tpu.memory_space<vmem>>
    %dma_wait3A_142 = arith.constant 0 : i32
    %dma_wait3A_143 = arith.constant 0 : i32
    %dma_wait3A_144 = tpu.memref_slice %arg2[%dma_wait3A_142, %dma_wait3A_143] : memref<20000x128xf32, #tpu.memory_space<hbm>> -> memref<20000x128xf32, #tpu.memory_space<hbm>>
    tpu.wait_indirect_dma semaphore(%arg12 : memref<!tpu.dma_semaphore, #tpu.memory_space<semaphore_mem>>) src(%dma_wait3A_144 : memref<20000x128xf32, #tpu.memory_space<hbm>>) dst(%dma_wait3A_138 : memref<128x128xf32, #tpu.memory_space<vmem>>)
    %dma_start3A_145 = arith.constant 1 : i32
    %dma_start3A_146 = arith.constant 1 : i32
    %dma_start3A_147 = arith.constant 0 : i32
    %dma_start3A_148 = arith.constant 0 : i32
    %dma_start3A_149 = tpu.memref_slice %arg9[%dma_start3A_145, %dma_start3A_147, %dma_start3A_148] : memref<2x128x128xf32, #tpu.memory_space<vmem>> -> memref<1x128x128xf32, #tpu.memory_space<vmem>>
    %dma_start3A_150 = tpu.memref_squeeze %dma_start3A_149 : memref<1x128x128xf32, #tpu.memory_space<vmem>> -> memref<128x128xf32, #tpu.memory_space<vmem>>
    %dma_start3A_151 = arith.constant 0 : i32
    %dma_start3A_152 = tpu.memref_slice %arg8[%dma_start3A_146, %dma_start3A_151] : memref<2x128xi32, #tpu.memory_space<vmem>> -> memref<1x128xi32, #tpu.memory_space<vmem>>
    %dma_start3A_153 = tpu.memref_squeeze %dma_start3A_152 : memref<1x128xi32, #tpu.memory_space<vmem>> -> memref<128xi32, #tpu.memory_space<vmem>>
    %dma_start3A_154 = arith.constant 0 : i32
    %dma_start3A_155 = arith.constant 0 : i32
    %dma_start3A_156 = tpu.memref_slice %arg10[%dma_start3A_154, %dma_start3A_155] : memref<10240x128xf32, #tpu.memory_space<vmem_shared>> -> memref<10240x128xf32, #tpu.memory_space<vmem_shared>>
    tpu.enqueue_indirect_dma source(%dma_start3A_150 : memref<128x128xf32, #tpu.memory_space<vmem>>) target(%dma_start3A_156 : memref<10240x128xf32, #tpu.memory_space<vmem_shared>>) offsets(%dma_start3A_153 : memref<128xi32, #tpu.memory_space<vmem>>) semaphore(%arg14 : memref<!tpu.dma_semaphore, #tpu.memory_space<semaphore_mem>>) {add = true}
    %dma_wait3A_157 = arith.constant 1 : i32
    %dma_wait3A_158 = arith.constant 1 : i32
    %dma_wait3A_159 = arith.constant 0 : i32
    %dma_wait3A_160 = arith.constant 0 : i32
    %dma_wait3A_161 = tpu.memref_slice %arg9[%dma_wait3A_157, %dma_wait3A_159, %dma_wait3A_160] : memref<2x128x128xf32, #tpu.memory_space<vmem>> -> memref<1x128x128xf32, #tpu.memory_space<vmem>>
    %dma_wait3A_162 = tpu.memref_squeeze %dma_wait3A_161 : memref<1x128x128xf32, #tpu.memory_space<vmem>> -> memref<128x128xf32, #tpu.memory_space<vmem>>
    %dma_wait3A_163 = arith.constant 0 : i32
    %dma_wait3A_164 = tpu.memref_slice %arg8[%dma_wait3A_158, %dma_wait3A_163] : memref<2x128xi32, #tpu.memory_space<vmem>> -> memref<1x128xi32, #tpu.memory_space<vmem>>
    %dma_wait3A_165 = tpu.memref_squeeze %dma_wait3A_164 : memref<1x128xi32, #tpu.memory_space<vmem>> -> memref<128xi32, #tpu.memory_space<vmem>>
    %dma_wait3A_166 = arith.constant 0 : i32
    %dma_wait3A_167 = arith.constant 0 : i32
    %dma_wait3A_168 = tpu.memref_slice %arg10[%dma_wait3A_166, %dma_wait3A_167] : memref<10240x128xf32, #tpu.memory_space<vmem_shared>> -> memref<10240x128xf32, #tpu.memory_space<vmem_shared>>
    tpu.wait_indirect_dma semaphore(%arg14 : memref<!tpu.dma_semaphore, #tpu.memory_space<semaphore_mem>>) src(%dma_wait3A_162 : memref<128x128xf32, #tpu.memory_space<vmem>>) dst(%dma_wait3A_168 : memref<10240x128xf32, #tpu.memory_space<vmem_shared>>)
    %barrier3A_169 = arith.constant 0 : index
    tpu.barrier barrier_id(%barrier3A_169)
    %mul3A_170 = arith.constant 640 : i32
    %mul3A_171 = arith.muli %arg1, %mul3A_170 : i32
    %mul3A_172 = arith.constant 640 : i32
    %mul3A_173 = arith.muli %arg1, %mul3A_172 : i32
    "tpu.region"() ({
      %run_scoped3A = tpu.sem_alloc : memref<!tpu.dma_semaphore, #tpu.memory_space<semaphore_mem>>
      %dma_start3A_174 = arith.constant 0 : i32
      %dma_start3A_175 = tpu.memref_slice %arg6[%arg0, %mul3A_173, %dma_start3A_174] : memref<2x10240x128xf32, #tpu.memory_space<hbm>> -> memref<1x640x128xf32, #tpu.memory_space<hbm>>
      %dma_start3A_176 = tpu.memref_squeeze %dma_start3A_175 : memref<1x640x128xf32, #tpu.memory_space<hbm>> -> memref<640x128xf32, #tpu.memory_space<hbm>>
      %dma_start3A_177 = arith.constant 0 : i32
      %dma_start3A_178 = tpu.memref_slice %arg10[%mul3A_171, %dma_start3A_177] : memref<10240x128xf32, #tpu.memory_space<vmem_shared>> -> memref<640x128xf32, #tpu.memory_space<vmem_shared>>
      tpu.enqueue_dma source(%dma_start3A_178 : memref<640x128xf32, #tpu.memory_space<vmem_shared>>) target(%dma_start3A_176 : memref<640x128xf32, #tpu.memory_space<hbm>>) target_semaphore(%run_scoped3A : memref<!tpu.dma_semaphore, #tpu.memory_space<semaphore_mem>>)
      %dma_wait3A_179 = arith.constant 0 : i32
      %dma_wait3A_180 = tpu.memref_slice %arg6[%arg0, %mul3A_173, %dma_wait3A_179] : memref<2x10240x128xf32, #tpu.memory_space<hbm>> -> memref<1x640x128xf32, #tpu.memory_space<hbm>>
      %dma_wait3A_181 = tpu.memref_squeeze %dma_wait3A_180 : memref<1x640x128xf32, #tpu.memory_space<hbm>> -> memref<640x128xf32, #tpu.memory_space<hbm>>
      %dma_wait3A_182 = arith.constant 0 : i32
      %dma_wait3A_183 = tpu.memref_slice %arg10[%mul3A_171, %dma_wait3A_182] : memref<10240x128xf32, #tpu.memory_space<vmem_shared>> -> memref<640x128xf32, #tpu.memory_space<vmem_shared>>
      tpu.wait_dma2 semaphore(%run_scoped3A : memref<!tpu.dma_semaphore, #tpu.memory_space<semaphore_mem>>) src(%dma_wait3A_183 : memref<640x128xf32, #tpu.memory_space<vmem_shared>>) dst(%dma_wait3A_181 : memref<640x128xf32, #tpu.memory_space<hbm>>)
      tpu.yield
    }) : () -> ()
    return
  }
}

#map = affine_map<(d0, d1) -> (0, 0)>
#map1 = affine_map<(d0, d1) -> (0)>
#map2 = affine_map<(d0, d1) -> (0, 0, 0)>
module attributes {stable_mosaic.version = 14 : i64} {
  func.func @_deg_body(%arg0: i32, %arg1: i32, %arg2: memref<128x128xf32, #tpu.memory_space<hbm>>, %arg3: memref<163840xi32, #tpu.memory_space<hbm>>, %arg4: memref<10240x128xf32, #tpu.memory_space<hbm>>, %arg5: memref<2x10240x128xf32, #tpu.memory_space<hbm>>, %arg6: memref<8x128xi32, #tpu.memory_space<vmem>>, %arg7: memref<128x128xf32, #tpu.memory_space<vmem>>, %arg8: memref<10240x128xf32, #tpu.memory_space<vmem_shared>>, %arg9: memref<!tpu.dma_semaphore, #tpu.memory_space<semaphore_mem>>, %arg10: memref<!tpu.dma_semaphore, #tpu.memory_space<semaphore_mem>>) attributes {dimension_semantics = [#tpu.dimension_semantics<core_parallel>, #tpu.dimension_semantics<subcore_parallel>], iteration_bounds = array<i64: 2, 16>, scalar_prefetch = 0 : i64, scratch_operands = 5 : i64, tpu.core_type = #tpu.core_type<sc_vector_subcore>, window_params = [{transform_indices = #map}, {transform_indices = #map1}, {transform_indices = #map}, {transform_indices = #map2}]} {
    %mul3A = arith.constant 640 : i32
    %mul3A_0 = arith.muli %arg1, %mul3A : i32
    %mul3A_1 = arith.constant 640 : i32
    %mul3A_2 = arith.muli %arg1, %mul3A_1 : i32
    "tpu.region"() ({
      %run_scoped3A = tpu.sem_alloc : memref<!tpu.dma_semaphore, #tpu.memory_space<semaphore_mem>>
      %dma_start3A = arith.constant 0 : i32
      %dma_start3A_26 = tpu.memref_slice %arg8[%mul3A_2, %dma_start3A] : memref<10240x128xf32, #tpu.memory_space<vmem_shared>> -> memref<640x128xf32, #tpu.memory_space<vmem_shared>>
      %dma_start3A_27 = arith.constant 0 : i32
      %dma_start3A_28 = tpu.memref_slice %arg4[%mul3A_0, %dma_start3A_27] : memref<10240x128xf32, #tpu.memory_space<hbm>> -> memref<640x128xf32, #tpu.memory_space<hbm>>
      tpu.enqueue_dma source(%dma_start3A_28 : memref<640x128xf32, #tpu.memory_space<hbm>>) target(%dma_start3A_26 : memref<640x128xf32, #tpu.memory_space<vmem_shared>>) target_semaphore(%run_scoped3A : memref<!tpu.dma_semaphore, #tpu.memory_space<semaphore_mem>>)
      %dma_wait3A = arith.constant 0 : i32
      %dma_wait3A_29 = tpu.memref_slice %arg8[%mul3A_2, %dma_wait3A] : memref<10240x128xf32, #tpu.memory_space<vmem_shared>> -> memref<640x128xf32, #tpu.memory_space<vmem_shared>>
      %dma_wait3A_30 = arith.constant 0 : i32
      %dma_wait3A_31 = tpu.memref_slice %arg4[%mul3A_0, %dma_wait3A_30] : memref<10240x128xf32, #tpu.memory_space<hbm>> -> memref<640x128xf32, #tpu.memory_space<hbm>>
      tpu.wait_dma2 semaphore(%run_scoped3A : memref<!tpu.dma_semaphore, #tpu.memory_space<semaphore_mem>>) src(%dma_wait3A_31 : memref<640x128xf32, #tpu.memory_space<hbm>>) dst(%dma_wait3A_29 : memref<640x128xf32, #tpu.memory_space<vmem_shared>>)
      tpu.yield
    }) : () -> ()
    "tpu.region"() ({
      %run_scoped3A = tpu.sem_alloc : memref<!tpu.dma_semaphore, #tpu.memory_space<semaphore_mem>>
      tpu.enqueue_dma source(%arg2 : memref<128x128xf32, #tpu.memory_space<hbm>>) target(%arg7 : memref<128x128xf32, #tpu.memory_space<vmem>>) target_semaphore(%run_scoped3A : memref<!tpu.dma_semaphore, #tpu.memory_space<semaphore_mem>>)
      tpu.wait_dma2 semaphore(%run_scoped3A : memref<!tpu.dma_semaphore, #tpu.memory_space<semaphore_mem>>) src(%arg2 : memref<128x128xf32, #tpu.memory_space<hbm>>) dst(%arg7 : memref<128x128xf32, #tpu.memory_space<vmem>>)
      tpu.yield
    }) : () -> ()
    %mul3A_3 = arith.constant 10240 : i32
    %mul3A_4 = arith.muli %arg1, %mul3A_3 : i32
    %barrier3A = arith.constant 0 : index
    tpu.barrier barrier_id(%barrier3A)
    %sub3A = arith.constant 80 : i32
    %sub3A_5 = arith.constant 0 : i32
    %sub3A_6 = arith.subi %sub3A, %sub3A_5 : i32
    %sub3A_7 = arith.constant 8 : i32
    %sub3A_8 = arith.constant 1 : i32
    %sub3A_9 = arith.subi %sub3A_7, %sub3A_8 : i32
    %add3A = arith.addi %sub3A_6, %sub3A_9 : i32
    %div3A = arith.constant 8 : i32
    %div3A_10 = arith.divsi %add3A, %div3A : i32
    %while3A = arith.constant 8 : i32
    %while3A_11 = arith.constant 0 : i32
    %while3A_12 = arith.constant 0 : i32
    %while3A_13 = arith.subi %div3A_10, %while3A_12 : i32
    %while3A_14 = arith.addi %while3A_12, %while3A_13 : i32
    %while3A_15 = arith.constant 1 : i32
    %while3A_16 = arith.divsi %while3A_13, %while3A_15 : i32
    %while3A_17 = arith.muli %while3A_16, %while3A_15 : i32
    %while3A_18 = arith.addi %while3A_12, %while3A_17 : i32
    %while3A_19 = arith.constant 1 : i32
    scf.for %while3A_26 = %while3A_12 to %while3A_18 step %while3A_19  : i32 {
      %mul3A_27 = arith.muli %while3A_26, %while3A : i32
      %add3A_28 = arith.addi %while3A_11, %mul3A_27 : i32
      %add3A_29 = arith.constant 0 : i32
      %add3A_30 = arith.addi %add3A_28, %add3A_29 : i32
      %mul3A_31 = arith.constant 128 : i32
      %mul3A_32 = arith.muli %add3A_30, %mul3A_31 : i32
      %add3A_33 = arith.addi %mul3A_4, %mul3A_32 : i32
      %dma_start3A = arith.constant 0 : i32
      %dma_start3A_34 = arith.constant 0 : i32
      %dma_start3A_35 = tpu.memref_slice %arg6[%dma_start3A, %dma_start3A_34] : memref<8x128xi32, #tpu.memory_space<vmem>> -> memref<1x128xi32, #tpu.memory_space<vmem>>
      %dma_start3A_36 = tpu.memref_squeeze %dma_start3A_35 : memref<1x128xi32, #tpu.memory_space<vmem>> -> memref<128xi32, #tpu.memory_space<vmem>>
      %dma_start3A_37 = tpu.memref_slice %arg3[%add3A_33] : memref<163840xi32, #tpu.memory_space<hbm>> -> memref<128xi32, #tpu.memory_space<hbm>>
      %dma_start3A_38 = arith.constant 0 : i32
      %dma_start3A_39 = tpu.memref_slice %arg6[%dma_start3A, %dma_start3A_38] : memref<8x128xi32, #tpu.memory_space<vmem>> -> memref<1x128xi32, #tpu.memory_space<vmem>>
      %dma_start3A_40 = tpu.memref_squeeze %dma_start3A_39 : memref<1x128xi32, #tpu.memory_space<vmem>> -> memref<128xi32, #tpu.memory_space<vmem>>
      %dma_start3A_41 = tpu.memref_slice %arg3[%add3A_33] : memref<163840xi32, #tpu.memory_space<hbm>> -> memref<128xi32, #tpu.memory_space<hbm>>
      tpu.enqueue_dma source(%dma_start3A_41 : memref<128xi32, #tpu.memory_space<hbm>>) target(%dma_start3A_40 : memref<128xi32, #tpu.memory_space<vmem>>) target_semaphore(%arg9 : memref<!tpu.dma_semaphore, #tpu.memory_space<semaphore_mem>>)
      %add3A_42 = arith.constant 1 : i32
      %add3A_43 = arith.addi %add3A_28, %add3A_42 : i32
      %mul3A_44 = arith.constant 128 : i32
      %mul3A_45 = arith.muli %add3A_43, %mul3A_44 : i32
      %add3A_46 = arith.addi %mul3A_4, %mul3A_45 : i32
      %dma_start3A_47 = arith.constant 1 : i32
      %dma_start3A_48 = arith.constant 0 : i32
      %dma_start3A_49 = tpu.memref_slice %arg6[%dma_start3A_47, %dma_start3A_48] : memref<8x128xi32, #tpu.memory_space<vmem>> -> memref<1x128xi32, #tpu.memory_space<vmem>>
      %dma_start3A_50 = tpu.memref_squeeze %dma_start3A_49 : memref<1x128xi32, #tpu.memory_space<vmem>> -> memref<128xi32, #tpu.memory_space<vmem>>
      %dma_start3A_51 = tpu.memref_slice %arg3[%add3A_46] : memref<163840xi32, #tpu.memory_space<hbm>> -> memref<128xi32, #tpu.memory_space<hbm>>
      %dma_start3A_52 = arith.constant 0 : i32
      %dma_start3A_53 = tpu.memref_slice %arg6[%dma_start3A_47, %dma_start3A_52] : memref<8x128xi32, #tpu.memory_space<vmem>> -> memref<1x128xi32, #tpu.memory_space<vmem>>
      %dma_start3A_54 = tpu.memref_squeeze %dma_start3A_53 : memref<1x128xi32, #tpu.memory_space<vmem>> -> memref<128xi32, #tpu.memory_space<vmem>>
      %dma_start3A_55 = tpu.memref_slice %arg3[%add3A_46] : memref<163840xi32, #tpu.memory_space<hbm>> -> memref<128xi32, #tpu.memory_space<hbm>>
      tpu.enqueue_dma source(%dma_start3A_55 : memref<128xi32, #tpu.memory_space<hbm>>) target(%dma_start3A_54 : memref<128xi32, #tpu.memory_space<vmem>>) target_semaphore(%arg9 : memref<!tpu.dma_semaphore, #tpu.memory_space<semaphore_mem>>)
      %add3A_56 = arith.constant 2 : i32
      %add3A_57 = arith.addi %add3A_28, %add3A_56 : i32
      %mul3A_58 = arith.constant 128 : i32
      %mul3A_59 = arith.muli %add3A_57, %mul3A_58 : i32
      %add3A_60 = arith.addi %mul3A_4, %mul3A_59 : i32
      %dma_start3A_61 = arith.constant 2 : i32
      %dma_start3A_62 = arith.constant 0 : i32
      %dma_start3A_63 = tpu.memref_slice %arg6[%dma_start3A_61, %dma_start3A_62] : memref<8x128xi32, #tpu.memory_space<vmem>> -> memref<1x128xi32, #tpu.memory_space<vmem>>
      %dma_start3A_64 = tpu.memref_squeeze %dma_start3A_63 : memref<1x128xi32, #tpu.memory_space<vmem>> -> memref<128xi32, #tpu.memory_space<vmem>>
      %dma_start3A_65 = tpu.memref_slice %arg3[%add3A_60] : memref<163840xi32, #tpu.memory_space<hbm>> -> memref<128xi32, #tpu.memory_space<hbm>>
      %dma_start3A_66 = arith.constant 0 : i32
      %dma_start3A_67 = tpu.memref_slice %arg6[%dma_start3A_61, %dma_start3A_66] : memref<8x128xi32, #tpu.memory_space<vmem>> -> memref<1x128xi32, #tpu.memory_space<vmem>>
      %dma_start3A_68 = tpu.memref_squeeze %dma_start3A_67 : memref<1x128xi32, #tpu.memory_space<vmem>> -> memref<128xi32, #tpu.memory_space<vmem>>
      %dma_start3A_69 = tpu.memref_slice %arg3[%add3A_60] : memref<163840xi32, #tpu.memory_space<hbm>> -> memref<128xi32, #tpu.memory_space<hbm>>
      tpu.enqueue_dma source(%dma_start3A_69 : memref<128xi32, #tpu.memory_space<hbm>>) target(%dma_start3A_68 : memref<128xi32, #tpu.memory_space<vmem>>) target_semaphore(%arg9 : memref<!tpu.dma_semaphore, #tpu.memory_space<semaphore_mem>>)
      %add3A_70 = arith.constant 3 : i32
      %add3A_71 = arith.addi %add3A_28, %add3A_70 : i32
      %mul3A_72 = arith.constant 128 : i32
      %mul3A_73 = arith.muli %add3A_71, %mul3A_72 : i32
      %add3A_74 = arith.addi %mul3A_4, %mul3A_73 : i32
      %dma_start3A_75 = arith.constant 3 : i32
      %dma_start3A_76 = arith.constant 0 : i32
      %dma_start3A_77 = tpu.memref_slice %arg6[%dma_start3A_75, %dma_start3A_76] : memref<8x128xi32, #tpu.memory_space<vmem>> -> memref<1x128xi32, #tpu.memory_space<vmem>>
      %dma_start3A_78 = tpu.memref_squeeze %dma_start3A_77 : memref<1x128xi32, #tpu.memory_space<vmem>> -> memref<128xi32, #tpu.memory_space<vmem>>
      %dma_start3A_79 = tpu.memref_slice %arg3[%add3A_74] : memref<163840xi32, #tpu.memory_space<hbm>> -> memref<128xi32, #tpu.memory_space<hbm>>
      %dma_start3A_80 = arith.constant 0 : i32
      %dma_start3A_81 = tpu.memref_slice %arg6[%dma_start3A_75, %dma_start3A_80] : memref<8x128xi32, #tpu.memory_space<vmem>> -> memref<1x128xi32, #tpu.memory_space<vmem>>
      %dma_start3A_82 = tpu.memref_squeeze %dma_start3A_81 : memref<1x128xi32, #tpu.memory_space<vmem>> -> memref<128xi32, #tpu.memory_space<vmem>>
      %dma_start3A_83 = tpu.memref_slice %arg3[%add3A_74] : memref<163840xi32, #tpu.memory_space<hbm>> -> memref<128xi32, #tpu.memory_space<hbm>>
      tpu.enqueue_dma source(%dma_start3A_83 : memref<128xi32, #tpu.memory_space<hbm>>) target(%dma_start3A_82 : memref<128xi32, #tpu.memory_space<vmem>>) target_semaphore(%arg9 : memref<!tpu.dma_semaphore, #tpu.memory_space<semaphore_mem>>)
      %add3A_84 = arith.constant 4 : i32
      %add3A_85 = arith.addi %add3A_28, %add3A_84 : i32
      %mul3A_86 = arith.constant 128 : i32
      %mul3A_87 = arith.muli %add3A_85, %mul3A_86 : i32
      %add3A_88 = arith.addi %mul3A_4, %mul3A_87 : i32
      %dma_start3A_89 = arith.constant 4 : i32
      %dma_start3A_90 = arith.constant 0 : i32
      %dma_start3A_91 = tpu.memref_slice %arg6[%dma_start3A_89, %dma_start3A_90] : memref<8x128xi32, #tpu.memory_space<vmem>> -> memref<1x128xi32, #tpu.memory_space<vmem>>
      %dma_start3A_92 = tpu.memref_squeeze %dma_start3A_91 : memref<1x128xi32, #tpu.memory_space<vmem>> -> memref<128xi32, #tpu.memory_space<vmem>>
      %dma_start3A_93 = tpu.memref_slice %arg3[%add3A_88] : memref<163840xi32, #tpu.memory_space<hbm>> -> memref<128xi32, #tpu.memory_space<hbm>>
      %dma_start3A_94 = arith.constant 0 : i32
      %dma_start3A_95 = tpu.memref_slice %arg6[%dma_start3A_89, %dma_start3A_94] : memref<8x128xi32, #tpu.memory_space<vmem>> -> memref<1x128xi32, #tpu.memory_space<vmem>>
      %dma_start3A_96 = tpu.memref_squeeze %dma_start3A_95 : memref<1x128xi32, #tpu.memory_space<vmem>> -> memref<128xi32, #tpu.memory_space<vmem>>
      %dma_start3A_97 = tpu.memref_slice %arg3[%add3A_88] : memref<163840xi32, #tpu.memory_space<hbm>> -> memref<128xi32, #tpu.memory_space<hbm>>
      tpu.enqueue_dma source(%dma_start3A_97 : memref<128xi32, #tpu.memory_space<hbm>>) target(%dma_start3A_96 : memref<128xi32, #tpu.memory_space<vmem>>) target_semaphore(%arg9 : memref<!tpu.dma_semaphore, #tpu.memory_space<semaphore_mem>>)
      %add3A_98 = arith.constant 5 : i32
      %add3A_99 = arith.addi %add3A_28, %add3A_98 : i32
      %mul3A_100 = arith.constant 128 : i32
      %mul3A_101 = arith.muli %add3A_99, %mul3A_100 : i32
      %add3A_102 = arith.addi %mul3A_4, %mul3A_101 : i32
      %dma_start3A_103 = arith.constant 5 : i32
      %dma_start3A_104 = arith.constant 0 : i32
      %dma_start3A_105 = tpu.memref_slice %arg6[%dma_start3A_103, %dma_start3A_104] : memref<8x128xi32, #tpu.memory_space<vmem>> -> memref<1x128xi32, #tpu.memory_space<vmem>>
      %dma_start3A_106 = tpu.memref_squeeze %dma_start3A_105 : memref<1x128xi32, #tpu.memory_space<vmem>> -> memref<128xi32, #tpu.memory_space<vmem>>
      %dma_start3A_107 = tpu.memref_slice %arg3[%add3A_102] : memref<163840xi32, #tpu.memory_space<hbm>> -> memref<128xi32, #tpu.memory_space<hbm>>
      %dma_start3A_108 = arith.constant 0 : i32
      %dma_start3A_109 = tpu.memref_slice %arg6[%dma_start3A_103, %dma_start3A_108] : memref<8x128xi32, #tpu.memory_space<vmem>> -> memref<1x128xi32, #tpu.memory_space<vmem>>
      %dma_start3A_110 = tpu.memref_squeeze %dma_start3A_109 : memref<1x128xi32, #tpu.memory_space<vmem>> -> memref<128xi32, #tpu.memory_space<vmem>>
      %dma_start3A_111 = tpu.memref_slice %arg3[%add3A_102] : memref<163840xi32, #tpu.memory_space<hbm>> -> memref<128xi32, #tpu.memory_space<hbm>>
      tpu.enqueue_dma source(%dma_start3A_111 : memref<128xi32, #tpu.memory_space<hbm>>) target(%dma_start3A_110 : memref<128xi32, #tpu.memory_space<vmem>>) target_semaphore(%arg9 : memref<!tpu.dma_semaphore, #tpu.memory_space<semaphore_mem>>)
      %add3A_112 = arith.constant 6 : i32
      %add3A_113 = arith.addi %add3A_28, %add3A_112 : i32
      %mul3A_114 = arith.constant 128 : i32
      %mul3A_115 = arith.muli %add3A_113, %mul3A_114 : i32
      %add3A_116 = arith.addi %mul3A_4, %mul3A_115 : i32
      %dma_start3A_117 = arith.constant 6 : i32
      %dma_start3A_118 = arith.constant 0 : i32
      %dma_start3A_119 = tpu.memref_slice %arg6[%dma_start3A_117, %dma_start3A_118] : memref<8x128xi32, #tpu.memory_space<vmem>> -> memref<1x128xi32, #tpu.memory_space<vmem>>
      %dma_start3A_120 = tpu.memref_squeeze %dma_start3A_119 : memref<1x128xi32, #tpu.memory_space<vmem>> -> memref<128xi32, #tpu.memory_space<vmem>>
      %dma_start3A_121 = tpu.memref_slice %arg3[%add3A_116] : memref<163840xi32, #tpu.memory_space<hbm>> -> memref<128xi32, #tpu.memory_space<hbm>>
      %dma_start3A_122 = arith.constant 0 : i32
      %dma_start3A_123 = tpu.memref_slice %arg6[%dma_start3A_117, %dma_start3A_122] : memref<8x128xi32, #tpu.memory_space<vmem>> -> memref<1x128xi32, #tpu.memory_space<vmem>>
      %dma_start3A_124 = tpu.memref_squeeze %dma_start3A_123 : memref<1x128xi32, #tpu.memory_space<vmem>> -> memref<128xi32, #tpu.memory_space<vmem>>
      %dma_start3A_125 = tpu.memref_slice %arg3[%add3A_116] : memref<163840xi32, #tpu.memory_space<hbm>> -> memref<128xi32, #tpu.memory_space<hbm>>
      tpu.enqueue_dma source(%dma_start3A_125 : memref<128xi32, #tpu.memory_space<hbm>>) target(%dma_start3A_124 : memref<128xi32, #tpu.memory_space<vmem>>) target_semaphore(%arg9 : memref<!tpu.dma_semaphore, #tpu.memory_space<semaphore_mem>>)
      %add3A_126 = arith.constant 7 : i32
      %add3A_127 = arith.addi %add3A_28, %add3A_126 : i32
      %mul3A_128 = arith.constant 128 : i32
      %mul3A_129 = arith.muli %add3A_127, %mul3A_128 : i32
      %add3A_130 = arith.addi %mul3A_4, %mul3A_129 : i32
      %dma_start3A_131 = arith.constant 7 : i32
      %dma_start3A_132 = arith.constant 0 : i32
      %dma_start3A_133 = tpu.memref_slice %arg6[%dma_start3A_131, %dma_start3A_132] : memref<8x128xi32, #tpu.memory_space<vmem>> -> memref<1x128xi32, #tpu.memory_space<vmem>>
      %dma_start3A_134 = tpu.memref_squeeze %dma_start3A_133 : memref<1x128xi32, #tpu.memory_space<vmem>> -> memref<128xi32, #tpu.memory_space<vmem>>
      %dma_start3A_135 = tpu.memref_slice %arg3[%add3A_130] : memref<163840xi32, #tpu.memory_space<hbm>> -> memref<128xi32, #tpu.memory_space<hbm>>
      %dma_start3A_136 = arith.constant 0 : i32
      %dma_start3A_137 = tpu.memref_slice %arg6[%dma_start3A_131, %dma_start3A_136] : memref<8x128xi32, #tpu.memory_space<vmem>> -> memref<1x128xi32, #tpu.memory_space<vmem>>
      %dma_start3A_138 = tpu.memref_squeeze %dma_start3A_137 : memref<1x128xi32, #tpu.memory_space<vmem>> -> memref<128xi32, #tpu.memory_space<vmem>>
      %dma_start3A_139 = tpu.memref_slice %arg3[%add3A_130] : memref<163840xi32, #tpu.memory_space<hbm>> -> memref<128xi32, #tpu.memory_space<hbm>>
      tpu.enqueue_dma source(%dma_start3A_139 : memref<128xi32, #tpu.memory_space<hbm>>) target(%dma_start3A_138 : memref<128xi32, #tpu.memory_space<vmem>>) target_semaphore(%arg9 : memref<!tpu.dma_semaphore, #tpu.memory_space<semaphore_mem>>)
      %add3A_140 = arith.constant 0 : i32
      %add3A_141 = arith.addi %add3A_28, %add3A_140 : i32
      %mul3A_142 = arith.constant 128 : i32
      %mul3A_143 = arith.muli %add3A_141, %mul3A_142 : i32
      %add3A_144 = arith.addi %mul3A_4, %mul3A_143 : i32
      %dma_wait3A = arith.constant 0 : i32
      %dma_wait3A_145 = arith.constant 0 : i32
      %dma_wait3A_146 = tpu.memref_slice %arg6[%dma_wait3A, %dma_wait3A_145] : memref<8x128xi32, #tpu.memory_space<vmem>> -> memref<1x128xi32, #tpu.memory_space<vmem>>
      %dma_wait3A_147 = tpu.memref_squeeze %dma_wait3A_146 : memref<1x128xi32, #tpu.memory_space<vmem>> -> memref<128xi32, #tpu.memory_space<vmem>>
      %dma_wait3A_148 = tpu.memref_slice %arg3[%add3A_144] : memref<163840xi32, #tpu.memory_space<hbm>> -> memref<128xi32, #tpu.memory_space<hbm>>
      %dma_wait3A_149 = arith.constant 0 : i32
      %dma_wait3A_150 = tpu.memref_slice %arg6[%dma_wait3A, %dma_wait3A_149] : memref<8x128xi32, #tpu.memory_space<vmem>> -> memref<1x128xi32, #tpu.memory_space<vmem>>
      %dma_wait3A_151 = tpu.memref_squeeze %dma_wait3A_150 : memref<1x128xi32, #tpu.memory_space<vmem>> -> memref<128xi32, #tpu.memory_space<vmem>>
      %dma_wait3A_152 = tpu.memref_slice %arg3[%add3A_144] : memref<163840xi32, #tpu.memory_space<hbm>> -> memref<128xi32, #tpu.memory_space<hbm>>
      tpu.wait_dma2 semaphore(%arg9 : memref<!tpu.dma_semaphore, #tpu.memory_space<semaphore_mem>>) src(%dma_wait3A_152 : memref<128xi32, #tpu.memory_space<hbm>>) dst(%dma_wait3A_151 : memref<128xi32, #tpu.memory_space<vmem>>)
      %add3A_153 = arith.constant 1 : i32
      %add3A_154 = arith.addi %add3A_28, %add3A_153 : i32
      %mul3A_155 = arith.constant 128 : i32
      %mul3A_156 = arith.muli %add3A_154, %mul3A_155 : i32
      %add3A_157 = arith.addi %mul3A_4, %mul3A_156 : i32
      %dma_wait3A_158 = arith.constant 1 : i32
      %dma_wait3A_159 = arith.constant 0 : i32
      %dma_wait3A_160 = tpu.memref_slice %arg6[%dma_wait3A_158, %dma_wait3A_159] : memref<8x128xi32, #tpu.memory_space<vmem>> -> memref<1x128xi32, #tpu.memory_space<vmem>>
      %dma_wait3A_161 = tpu.memref_squeeze %dma_wait3A_160 : memref<1x128xi32, #tpu.memory_space<vmem>> -> memref<128xi32, #tpu.memory_space<vmem>>
      %dma_wait3A_162 = tpu.memref_slice %arg3[%add3A_157] : memref<163840xi32, #tpu.memory_space<hbm>> -> memref<128xi32, #tpu.memory_space<hbm>>
      %dma_wait3A_163 = arith.constant 0 : i32
      %dma_wait3A_164 = tpu.memref_slice %arg6[%dma_wait3A_158, %dma_wait3A_163] : memref<8x128xi32, #tpu.memory_space<vmem>> -> memref<1x128xi32, #tpu.memory_space<vmem>>
      %dma_wait3A_165 = tpu.memref_squeeze %dma_wait3A_164 : memref<1x128xi32, #tpu.memory_space<vmem>> -> memref<128xi32, #tpu.memory_space<vmem>>
      %dma_wait3A_166 = tpu.memref_slice %arg3[%add3A_157] : memref<163840xi32, #tpu.memory_space<hbm>> -> memref<128xi32, #tpu.memory_space<hbm>>
      tpu.wait_dma2 semaphore(%arg9 : memref<!tpu.dma_semaphore, #tpu.memory_space<semaphore_mem>>) src(%dma_wait3A_166 : memref<128xi32, #tpu.memory_space<hbm>>) dst(%dma_wait3A_165 : memref<128xi32, #tpu.memory_space<vmem>>)
      %add3A_167 = arith.constant 2 : i32
      %add3A_168 = arith.addi %add3A_28, %add3A_167 : i32
      %mul3A_169 = arith.constant 128 : i32
      %mul3A_170 = arith.muli %add3A_168, %mul3A_169 : i32
      %add3A_171 = arith.addi %mul3A_4, %mul3A_170 : i32
      %dma_wait3A_172 = arith.constant 2 : i32
      %dma_wait3A_173 = arith.constant 0 : i32
      %dma_wait3A_174 = tpu.memref_slice %arg6[%dma_wait3A_172, %dma_wait3A_173] : memref<8x128xi32, #tpu.memory_space<vmem>> -> memref<1x128xi32, #tpu.memory_space<vmem>>
      %dma_wait3A_175 = tpu.memref_squeeze %dma_wait3A_174 : memref<1x128xi32, #tpu.memory_space<vmem>> -> memref<128xi32, #tpu.memory_space<vmem>>
      %dma_wait3A_176 = tpu.memref_slice %arg3[%add3A_171] : memref<163840xi32, #tpu.memory_space<hbm>> -> memref<128xi32, #tpu.memory_space<hbm>>
      %dma_wait3A_177 = arith.constant 0 : i32
      %dma_wait3A_178 = tpu.memref_slice %arg6[%dma_wait3A_172, %dma_wait3A_177] : memref<8x128xi32, #tpu.memory_space<vmem>> -> memref<1x128xi32, #tpu.memory_space<vmem>>
      %dma_wait3A_179 = tpu.memref_squeeze %dma_wait3A_178 : memref<1x128xi32, #tpu.memory_space<vmem>> -> memref<128xi32, #tpu.memory_space<vmem>>
      %dma_wait3A_180 = tpu.memref_slice %arg3[%add3A_171] : memref<163840xi32, #tpu.memory_space<hbm>> -> memref<128xi32, #tpu.memory_space<hbm>>
      tpu.wait_dma2 semaphore(%arg9 : memref<!tpu.dma_semaphore, #tpu.memory_space<semaphore_mem>>) src(%dma_wait3A_180 : memref<128xi32, #tpu.memory_space<hbm>>) dst(%dma_wait3A_179 : memref<128xi32, #tpu.memory_space<vmem>>)
      %add3A_181 = arith.constant 3 : i32
      %add3A_182 = arith.addi %add3A_28, %add3A_181 : i32
      %mul3A_183 = arith.constant 128 : i32
      %mul3A_184 = arith.muli %add3A_182, %mul3A_183 : i32
      %add3A_185 = arith.addi %mul3A_4, %mul3A_184 : i32
      %dma_wait3A_186 = arith.constant 3 : i32
      %dma_wait3A_187 = arith.constant 0 : i32
      %dma_wait3A_188 = tpu.memref_slice %arg6[%dma_wait3A_186, %dma_wait3A_187] : memref<8x128xi32, #tpu.memory_space<vmem>> -> memref<1x128xi32, #tpu.memory_space<vmem>>
      %dma_wait3A_189 = tpu.memref_squeeze %dma_wait3A_188 : memref<1x128xi32, #tpu.memory_space<vmem>> -> memref<128xi32, #tpu.memory_space<vmem>>
      %dma_wait3A_190 = tpu.memref_slice %arg3[%add3A_185] : memref<163840xi32, #tpu.memory_space<hbm>> -> memref<128xi32, #tpu.memory_space<hbm>>
      %dma_wait3A_191 = arith.constant 0 : i32
      %dma_wait3A_192 = tpu.memref_slice %arg6[%dma_wait3A_186, %dma_wait3A_191] : memref<8x128xi32, #tpu.memory_space<vmem>> -> memref<1x128xi32, #tpu.memory_space<vmem>>
      %dma_wait3A_193 = tpu.memref_squeeze %dma_wait3A_192 : memref<1x128xi32, #tpu.memory_space<vmem>> -> memref<128xi32, #tpu.memory_space<vmem>>
      %dma_wait3A_194 = tpu.memref_slice %arg3[%add3A_185] : memref<163840xi32, #tpu.memory_space<hbm>> -> memref<128xi32, #tpu.memory_space<hbm>>
      tpu.wait_dma2 semaphore(%arg9 : memref<!tpu.dma_semaphore, #tpu.memory_space<semaphore_mem>>) src(%dma_wait3A_194 : memref<128xi32, #tpu.memory_space<hbm>>) dst(%dma_wait3A_193 : memref<128xi32, #tpu.memory_space<vmem>>)
      %add3A_195 = arith.constant 4 : i32
      %add3A_196 = arith.addi %add3A_28, %add3A_195 : i32
      %mul3A_197 = arith.constant 128 : i32
      %mul3A_198 = arith.muli %add3A_196, %mul3A_197 : i32
      %add3A_199 = arith.addi %mul3A_4, %mul3A_198 : i32
      %dma_wait3A_200 = arith.constant 4 : i32
      %dma_wait3A_201 = arith.constant 0 : i32
      %dma_wait3A_202 = tpu.memref_slice %arg6[%dma_wait3A_200, %dma_wait3A_201] : memref<8x128xi32, #tpu.memory_space<vmem>> -> memref<1x128xi32, #tpu.memory_space<vmem>>
      %dma_wait3A_203 = tpu.memref_squeeze %dma_wait3A_202 : memref<1x128xi32, #tpu.memory_space<vmem>> -> memref<128xi32, #tpu.memory_space<vmem>>
      %dma_wait3A_204 = tpu.memref_slice %arg3[%add3A_199] : memref<163840xi32, #tpu.memory_space<hbm>> -> memref<128xi32, #tpu.memory_space<hbm>>
      %dma_wait3A_205 = arith.constant 0 : i32
      %dma_wait3A_206 = tpu.memref_slice %arg6[%dma_wait3A_200, %dma_wait3A_205] : memref<8x128xi32, #tpu.memory_space<vmem>> -> memref<1x128xi32, #tpu.memory_space<vmem>>
      %dma_wait3A_207 = tpu.memref_squeeze %dma_wait3A_206 : memref<1x128xi32, #tpu.memory_space<vmem>> -> memref<128xi32, #tpu.memory_space<vmem>>
      %dma_wait3A_208 = tpu.memref_slice %arg3[%add3A_199] : memref<163840xi32, #tpu.memory_space<hbm>> -> memref<128xi32, #tpu.memory_space<hbm>>
      tpu.wait_dma2 semaphore(%arg9 : memref<!tpu.dma_semaphore, #tpu.memory_space<semaphore_mem>>) src(%dma_wait3A_208 : memref<128xi32, #tpu.memory_space<hbm>>) dst(%dma_wait3A_207 : memref<128xi32, #tpu.memory_space<vmem>>)
      %add3A_209 = arith.constant 5 : i32
      %add3A_210 = arith.addi %add3A_28, %add3A_209 : i32
      %mul3A_211 = arith.constant 128 : i32
      %mul3A_212 = arith.muli %add3A_210, %mul3A_211 : i32
      %add3A_213 = arith.addi %mul3A_4, %mul3A_212 : i32
      %dma_wait3A_214 = arith.constant 5 : i32
      %dma_wait3A_215 = arith.constant 0 : i32
      %dma_wait3A_216 = tpu.memref_slice %arg6[%dma_wait3A_214, %dma_wait3A_215] : memref<8x128xi32, #tpu.memory_space<vmem>> -> memref<1x128xi32, #tpu.memory_space<vmem>>
      %dma_wait3A_217 = tpu.memref_squeeze %dma_wait3A_216 : memref<1x128xi32, #tpu.memory_space<vmem>> -> memref<128xi32, #tpu.memory_space<vmem>>
      %dma_wait3A_218 = tpu.memref_slice %arg3[%add3A_213] : memref<163840xi32, #tpu.memory_space<hbm>> -> memref<128xi32, #tpu.memory_space<hbm>>
      %dma_wait3A_219 = arith.constant 0 : i32
      %dma_wait3A_220 = tpu.memref_slice %arg6[%dma_wait3A_214, %dma_wait3A_219] : memref<8x128xi32, #tpu.memory_space<vmem>> -> memref<1x128xi32, #tpu.memory_space<vmem>>
      %dma_wait3A_221 = tpu.memref_squeeze %dma_wait3A_220 : memref<1x128xi32, #tpu.memory_space<vmem>> -> memref<128xi32, #tpu.memory_space<vmem>>
      %dma_wait3A_222 = tpu.memref_slice %arg3[%add3A_213] : memref<163840xi32, #tpu.memory_space<hbm>> -> memref<128xi32, #tpu.memory_space<hbm>>
      tpu.wait_dma2 semaphore(%arg9 : memref<!tpu.dma_semaphore, #tpu.memory_space<semaphore_mem>>) src(%dma_wait3A_222 : memref<128xi32, #tpu.memory_space<hbm>>) dst(%dma_wait3A_221 : memref<128xi32, #tpu.memory_space<vmem>>)
      %add3A_223 = arith.constant 6 : i32
      %add3A_224 = arith.addi %add3A_28, %add3A_223 : i32
      %mul3A_225 = arith.constant 128 : i32
      %mul3A_226 = arith.muli %add3A_224, %mul3A_225 : i32
      %add3A_227 = arith.addi %mul3A_4, %mul3A_226 : i32
      %dma_wait3A_228 = arith.constant 6 : i32
      %dma_wait3A_229 = arith.constant 0 : i32
      %dma_wait3A_230 = tpu.memref_slice %arg6[%dma_wait3A_228, %dma_wait3A_229] : memref<8x128xi32, #tpu.memory_space<vmem>> -> memref<1x128xi32, #tpu.memory_space<vmem>>
      %dma_wait3A_231 = tpu.memref_squeeze %dma_wait3A_230 : memref<1x128xi32, #tpu.memory_space<vmem>> -> memref<128xi32, #tpu.memory_space<vmem>>
      %dma_wait3A_232 = tpu.memref_slice %arg3[%add3A_227] : memref<163840xi32, #tpu.memory_space<hbm>> -> memref<128xi32, #tpu.memory_space<hbm>>
      %dma_wait3A_233 = arith.constant 0 : i32
      %dma_wait3A_234 = tpu.memref_slice %arg6[%dma_wait3A_228, %dma_wait3A_233] : memref<8x128xi32, #tpu.memory_space<vmem>> -> memref<1x128xi32, #tpu.memory_space<vmem>>
      %dma_wait3A_235 = tpu.memref_squeeze %dma_wait3A_234 : memref<1x128xi32, #tpu.memory_space<vmem>> -> memref<128xi32, #tpu.memory_space<vmem>>
      %dma_wait3A_236 = tpu.memref_slice %arg3[%add3A_227] : memref<163840xi32, #tpu.memory_space<hbm>> -> memref<128xi32, #tpu.memory_space<hbm>>
      tpu.wait_dma2 semaphore(%arg9 : memref<!tpu.dma_semaphore, #tpu.memory_space<semaphore_mem>>) src(%dma_wait3A_236 : memref<128xi32, #tpu.memory_space<hbm>>) dst(%dma_wait3A_235 : memref<128xi32, #tpu.memory_space<vmem>>)
      %add3A_237 = arith.constant 7 : i32
      %add3A_238 = arith.addi %add3A_28, %add3A_237 : i32
      %mul3A_239 = arith.constant 128 : i32
      %mul3A_240 = arith.muli %add3A_238, %mul3A_239 : i32
      %add3A_241 = arith.addi %mul3A_4, %mul3A_240 : i32
      %dma_wait3A_242 = arith.constant 7 : i32
      %dma_wait3A_243 = arith.constant 0 : i32
      %dma_wait3A_244 = tpu.memref_slice %arg6[%dma_wait3A_242, %dma_wait3A_243] : memref<8x128xi32, #tpu.memory_space<vmem>> -> memref<1x128xi32, #tpu.memory_space<vmem>>
      %dma_wait3A_245 = tpu.memref_squeeze %dma_wait3A_244 : memref<1x128xi32, #tpu.memory_space<vmem>> -> memref<128xi32, #tpu.memory_space<vmem>>
      %dma_wait3A_246 = tpu.memref_slice %arg3[%add3A_241] : memref<163840xi32, #tpu.memory_space<hbm>> -> memref<128xi32, #tpu.memory_space<hbm>>
      %dma_wait3A_247 = arith.constant 0 : i32
      %dma_wait3A_248 = tpu.memref_slice %arg6[%dma_wait3A_242, %dma_wait3A_247] : memref<8x128xi32, #tpu.memory_space<vmem>> -> memref<1x128xi32, #tpu.memory_space<vmem>>
      %dma_wait3A_249 = tpu.memref_squeeze %dma_wait3A_248 : memref<1x128xi32, #tpu.memory_space<vmem>> -> memref<128xi32, #tpu.memory_space<vmem>>
      %dma_wait3A_250 = tpu.memref_slice %arg3[%add3A_241] : memref<163840xi32, #tpu.memory_space<hbm>> -> memref<128xi32, #tpu.memory_space<hbm>>
      tpu.wait_dma2 semaphore(%arg9 : memref<!tpu.dma_semaphore, #tpu.memory_space<semaphore_mem>>) src(%dma_wait3A_250 : memref<128xi32, #tpu.memory_space<hbm>>) dst(%dma_wait3A_249 : memref<128xi32, #tpu.memory_space<vmem>>)
      %dma_start3A_251 = arith.constant 0 : i32
      %dma_start3A_252 = arith.constant 0 : i32
      %dma_start3A_253 = tpu.memref_slice %arg6[%dma_start3A_251, %dma_start3A_252] : memref<8x128xi32, #tpu.memory_space<vmem>> -> memref<1x128xi32, #tpu.memory_space<vmem>>
      %dma_start3A_254 = tpu.memref_squeeze %dma_start3A_253 : memref<1x128xi32, #tpu.memory_space<vmem>> -> memref<128xi32, #tpu.memory_space<vmem>>
      %dma_start3A_255 = arith.constant 0 : i32
      %dma_start3A_256 = arith.constant 0 : i32
      %dma_start3A_257 = tpu.memref_slice %arg8[%dma_start3A_255, %dma_start3A_256] : memref<10240x128xf32, #tpu.memory_space<vmem_shared>> -> memref<10240x128xf32, #tpu.memory_space<vmem_shared>>
      tpu.enqueue_indirect_dma source(%arg7 : memref<128x128xf32, #tpu.memory_space<vmem>>) target(%dma_start3A_257 : memref<10240x128xf32, #tpu.memory_space<vmem_shared>>) offsets(%dma_start3A_254 : memref<128xi32, #tpu.memory_space<vmem>>) semaphore(%arg10 : memref<!tpu.dma_semaphore, #tpu.memory_space<semaphore_mem>>) {add = true}
      %dma_start3A_258 = arith.constant 1 : i32
      %dma_start3A_259 = arith.constant 0 : i32
      %dma_start3A_260 = tpu.memref_slice %arg6[%dma_start3A_258, %dma_start3A_259] : memref<8x128xi32, #tpu.memory_space<vmem>> -> memref<1x128xi32, #tpu.memory_space<vmem>>
      %dma_start3A_261 = tpu.memref_squeeze %dma_start3A_260 : memref<1x128xi32, #tpu.memory_space<vmem>> -> memref<128xi32, #tpu.memory_space<vmem>>
      %dma_start3A_262 = arith.constant 0 : i32
      %dma_start3A_263 = arith.constant 0 : i32
      %dma_start3A_264 = tpu.memref_slice %arg8[%dma_start3A_262, %dma_start3A_263] : memref<10240x128xf32, #tpu.memory_space<vmem_shared>> -> memref<10240x128xf32, #tpu.memory_space<vmem_shared>>
      tpu.enqueue_indirect_dma source(%arg7 : memref<128x128xf32, #tpu.memory_space<vmem>>) target(%dma_start3A_264 : memref<10240x128xf32, #tpu.memory_space<vmem_shared>>) offsets(%dma_start3A_261 : memref<128xi32, #tpu.memory_space<vmem>>) semaphore(%arg10 : memref<!tpu.dma_semaphore, #tpu.memory_space<semaphore_mem>>) {add = true}
      %dma_start3A_265 = arith.constant 2 : i32
      %dma_start3A_266 = arith.constant 0 : i32
      %dma_start3A_267 = tpu.memref_slice %arg6[%dma_start3A_265, %dma_start3A_266] : memref<8x128xi32, #tpu.memory_space<vmem>> -> memref<1x128xi32, #tpu.memory_space<vmem>>
      %dma_start3A_268 = tpu.memref_squeeze %dma_start3A_267 : memref<1x128xi32, #tpu.memory_space<vmem>> -> memref<128xi32, #tpu.memory_space<vmem>>
      %dma_start3A_269 = arith.constant 0 : i32
      %dma_start3A_270 = arith.constant 0 : i32
      %dma_start3A_271 = tpu.memref_slice %arg8[%dma_start3A_269, %dma_start3A_270] : memref<10240x128xf32, #tpu.memory_space<vmem_shared>> -> memref<10240x128xf32, #tpu.memory_space<vmem_shared>>
      tpu.enqueue_indirect_dma source(%arg7 : memref<128x128xf32, #tpu.memory_space<vmem>>) target(%dma_start3A_271 : memref<10240x128xf32, #tpu.memory_space<vmem_shared>>) offsets(%dma_start3A_268 : memref<128xi32, #tpu.memory_space<vmem>>) semaphore(%arg10 : memref<!tpu.dma_semaphore, #tpu.memory_space<semaphore_mem>>) {add = true}
      %dma_start3A_272 = arith.constant 3 : i32
      %dma_start3A_273 = arith.constant 0 : i32
      %dma_start3A_274 = tpu.memref_slice %arg6[%dma_start3A_272, %dma_start3A_273] : memref<8x128xi32, #tpu.memory_space<vmem>> -> memref<1x128xi32, #tpu.memory_space<vmem>>
      %dma_start3A_275 = tpu.memref_squeeze %dma_start3A_274 : memref<1x128xi32, #tpu.memory_space<vmem>> -> memref<128xi32, #tpu.memory_space<vmem>>
      %dma_start3A_276 = arith.constant 0 : i32
      %dma_start3A_277 = arith.constant 0 : i32
      %dma_start3A_278 = tpu.memref_slice %arg8[%dma_start3A_276, %dma_start3A_277] : memref<10240x128xf32, #tpu.memory_space<vmem_shared>> -> memref<10240x128xf32, #tpu.memory_space<vmem_shared>>
      tpu.enqueue_indirect_dma source(%arg7 : memref<128x128xf32, #tpu.memory_space<vmem>>) target(%dma_start3A_278 : memref<10240x128xf32, #tpu.memory_space<vmem_shared>>) offsets(%dma_start3A_275 : memref<128xi32, #tpu.memory_space<vmem>>) semaphore(%arg10 : memref<!tpu.dma_semaphore, #tpu.memory_space<semaphore_mem>>) {add = true}
      %dma_start3A_279 = arith.constant 4 : i32
      %dma_start3A_280 = arith.constant 0 : i32
      %dma_start3A_281 = tpu.memref_slice %arg6[%dma_start3A_279, %dma_start3A_280] : memref<8x128xi32, #tpu.memory_space<vmem>> -> memref<1x128xi32, #tpu.memory_space<vmem>>
      %dma_start3A_282 = tpu.memref_squeeze %dma_start3A_281 : memref<1x128xi32, #tpu.memory_space<vmem>> -> memref<128xi32, #tpu.memory_space<vmem>>
      %dma_start3A_283 = arith.constant 0 : i32
      %dma_start3A_284 = arith.constant 0 : i32
      %dma_start3A_285 = tpu.memref_slice %arg8[%dma_start3A_283, %dma_start3A_284] : memref<10240x128xf32, #tpu.memory_space<vmem_shared>> -> memref<10240x128xf32, #tpu.memory_space<vmem_shared>>
      tpu.enqueue_indirect_dma source(%arg7 : memref<128x128xf32, #tpu.memory_space<vmem>>) target(%dma_start3A_285 : memref<10240x128xf32, #tpu.memory_space<vmem_shared>>) offsets(%dma_start3A_282 : memref<128xi32, #tpu.memory_space<vmem>>) semaphore(%arg10 : memref<!tpu.dma_semaphore, #tpu.memory_space<semaphore_mem>>) {add = true}
      %dma_start3A_286 = arith.constant 5 : i32
      %dma_start3A_287 = arith.constant 0 : i32
      %dma_start3A_288 = tpu.memref_slice %arg6[%dma_start3A_286, %dma_start3A_287] : memref<8x128xi32, #tpu.memory_space<vmem>> -> memref<1x128xi32, #tpu.memory_space<vmem>>
      %dma_start3A_289 = tpu.memref_squeeze %dma_start3A_288 : memref<1x128xi32, #tpu.memory_space<vmem>> -> memref<128xi32, #tpu.memory_space<vmem>>
      %dma_start3A_290 = arith.constant 0 : i32
      %dma_start3A_291 = arith.constant 0 : i32
      %dma_start3A_292 = tpu.memref_slice %arg8[%dma_start3A_290, %dma_start3A_291] : memref<10240x128xf32, #tpu.memory_space<vmem_shared>> -> memref<10240x128xf32, #tpu.memory_space<vmem_shared>>
      tpu.enqueue_indirect_dma source(%arg7 : memref<128x128xf32, #tpu.memory_space<vmem>>) target(%dma_start3A_292 : memref<10240x128xf32, #tpu.memory_space<vmem_shared>>) offsets(%dma_start3A_289 : memref<128xi32, #tpu.memory_space<vmem>>) semaphore(%arg10 : memref<!tpu.dma_semaphore, #tpu.memory_space<semaphore_mem>>) {add = true}
      %dma_start3A_293 = arith.constant 6 : i32
      %dma_start3A_294 = arith.constant 0 : i32
      %dma_start3A_295 = tpu.memref_slice %arg6[%dma_start3A_293, %dma_start3A_294] : memref<8x128xi32, #tpu.memory_space<vmem>> -> memref<1x128xi32, #tpu.memory_space<vmem>>
      %dma_start3A_296 = tpu.memref_squeeze %dma_start3A_295 : memref<1x128xi32, #tpu.memory_space<vmem>> -> memref<128xi32, #tpu.memory_space<vmem>>
      %dma_start3A_297 = arith.constant 0 : i32
      %dma_start3A_298 = arith.constant 0 : i32
      %dma_start3A_299 = tpu.memref_slice %arg8[%dma_start3A_297, %dma_start3A_298] : memref<10240x128xf32, #tpu.memory_space<vmem_shared>> -> memref<10240x128xf32, #tpu.memory_space<vmem_shared>>
      tpu.enqueue_indirect_dma source(%arg7 : memref<128x128xf32, #tpu.memory_space<vmem>>) target(%dma_start3A_299 : memref<10240x128xf32, #tpu.memory_space<vmem_shared>>) offsets(%dma_start3A_296 : memref<128xi32, #tpu.memory_space<vmem>>) semaphore(%arg10 : memref<!tpu.dma_semaphore, #tpu.memory_space<semaphore_mem>>) {add = true}
      %dma_start3A_300 = arith.constant 7 : i32
      %dma_start3A_301 = arith.constant 0 : i32
      %dma_start3A_302 = tpu.memref_slice %arg6[%dma_start3A_300, %dma_start3A_301] : memref<8x128xi32, #tpu.memory_space<vmem>> -> memref<1x128xi32, #tpu.memory_space<vmem>>
      %dma_start3A_303 = tpu.memref_squeeze %dma_start3A_302 : memref<1x128xi32, #tpu.memory_space<vmem>> -> memref<128xi32, #tpu.memory_space<vmem>>
      %dma_start3A_304 = arith.constant 0 : i32
      %dma_start3A_305 = arith.constant 0 : i32
      %dma_start3A_306 = tpu.memref_slice %arg8[%dma_start3A_304, %dma_start3A_305] : memref<10240x128xf32, #tpu.memory_space<vmem_shared>> -> memref<10240x128xf32, #tpu.memory_space<vmem_shared>>
      tpu.enqueue_indirect_dma source(%arg7 : memref<128x128xf32, #tpu.memory_space<vmem>>) target(%dma_start3A_306 : memref<10240x128xf32, #tpu.memory_space<vmem_shared>>) offsets(%dma_start3A_303 : memref<128xi32, #tpu.memory_space<vmem>>) semaphore(%arg10 : memref<!tpu.dma_semaphore, #tpu.memory_space<semaphore_mem>>) {add = true}
      %dma_wait3A_307 = arith.constant 0 : i32
      %dma_wait3A_308 = arith.constant 0 : i32
      %dma_wait3A_309 = tpu.memref_slice %arg6[%dma_wait3A_307, %dma_wait3A_308] : memref<8x128xi32, #tpu.memory_space<vmem>> -> memref<1x128xi32, #tpu.memory_space<vmem>>
      %dma_wait3A_310 = tpu.memref_squeeze %dma_wait3A_309 : memref<1x128xi32, #tpu.memory_space<vmem>> -> memref<128xi32, #tpu.memory_space<vmem>>
      %dma_wait3A_311 = arith.constant 0 : i32
      %dma_wait3A_312 = arith.constant 0 : i32
      %dma_wait3A_313 = tpu.memref_slice %arg8[%dma_wait3A_311, %dma_wait3A_312] : memref<10240x128xf32, #tpu.memory_space<vmem_shared>> -> memref<10240x128xf32, #tpu.memory_space<vmem_shared>>
      tpu.wait_indirect_dma semaphore(%arg10 : memref<!tpu.dma_semaphore, #tpu.memory_space<semaphore_mem>>) src(%arg7 : memref<128x128xf32, #tpu.memory_space<vmem>>) dst(%dma_wait3A_313 : memref<10240x128xf32, #tpu.memory_space<vmem_shared>>)
      %dma_wait3A_314 = arith.constant 1 : i32
      %dma_wait3A_315 = arith.constant 0 : i32
      %dma_wait3A_316 = tpu.memref_slice %arg6[%dma_wait3A_314, %dma_wait3A_315] : memref<8x128xi32, #tpu.memory_space<vmem>> -> memref<1x128xi32, #tpu.memory_space<vmem>>
      %dma_wait3A_317 = tpu.memref_squeeze %dma_wait3A_316 : memref<1x128xi32, #tpu.memory_space<vmem>> -> memref<128xi32, #tpu.memory_space<vmem>>
      %dma_wait3A_318 = arith.constant 0 : i32
      %dma_wait3A_319 = arith.constant 0 : i32
      %dma_wait3A_320 = tpu.memref_slice %arg8[%dma_wait3A_318, %dma_wait3A_319] : memref<10240x128xf32, #tpu.memory_space<vmem_shared>> -> memref<10240x128xf32, #tpu.memory_space<vmem_shared>>
      tpu.wait_indirect_dma semaphore(%arg10 : memref<!tpu.dma_semaphore, #tpu.memory_space<semaphore_mem>>) src(%arg7 : memref<128x128xf32, #tpu.memory_space<vmem>>) dst(%dma_wait3A_320 : memref<10240x128xf32, #tpu.memory_space<vmem_shared>>)
      %dma_wait3A_321 = arith.constant 2 : i32
      %dma_wait3A_322 = arith.constant 0 : i32
      %dma_wait3A_323 = tpu.memref_slice %arg6[%dma_wait3A_321, %dma_wait3A_322] : memref<8x128xi32, #tpu.memory_space<vmem>> -> memref<1x128xi32, #tpu.memory_space<vmem>>
      %dma_wait3A_324 = tpu.memref_squeeze %dma_wait3A_323 : memref<1x128xi32, #tpu.memory_space<vmem>> -> memref<128xi32, #tpu.memory_space<vmem>>
      %dma_wait3A_325 = arith.constant 0 : i32
      %dma_wait3A_326 = arith.constant 0 : i32
      %dma_wait3A_327 = tpu.memref_slice %arg8[%dma_wait3A_325, %dma_wait3A_326] : memref<10240x128xf32, #tpu.memory_space<vmem_shared>> -> memref<10240x128xf32, #tpu.memory_space<vmem_shared>>
      tpu.wait_indirect_dma semaphore(%arg10 : memref<!tpu.dma_semaphore, #tpu.memory_space<semaphore_mem>>) src(%arg7 : memref<128x128xf32, #tpu.memory_space<vmem>>) dst(%dma_wait3A_327 : memref<10240x128xf32, #tpu.memory_space<vmem_shared>>)
      %dma_wait3A_328 = arith.constant 3 : i32
      %dma_wait3A_329 = arith.constant 0 : i32
      %dma_wait3A_330 = tpu.memref_slice %arg6[%dma_wait3A_328, %dma_wait3A_329] : memref<8x128xi32, #tpu.memory_space<vmem>> -> memref<1x128xi32, #tpu.memory_space<vmem>>
      %dma_wait3A_331 = tpu.memref_squeeze %dma_wait3A_330 : memref<1x128xi32, #tpu.memory_space<vmem>> -> memref<128xi32, #tpu.memory_space<vmem>>
      %dma_wait3A_332 = arith.constant 0 : i32
      %dma_wait3A_333 = arith.constant 0 : i32
      %dma_wait3A_334 = tpu.memref_slice %arg8[%dma_wait3A_332, %dma_wait3A_333] : memref<10240x128xf32, #tpu.memory_space<vmem_shared>> -> memref<10240x128xf32, #tpu.memory_space<vmem_shared>>
      tpu.wait_indirect_dma semaphore(%arg10 : memref<!tpu.dma_semaphore, #tpu.memory_space<semaphore_mem>>) src(%arg7 : memref<128x128xf32, #tpu.memory_space<vmem>>) dst(%dma_wait3A_334 : memref<10240x128xf32, #tpu.memory_space<vmem_shared>>)
      %dma_wait3A_335 = arith.constant 4 : i32
      %dma_wait3A_336 = arith.constant 0 : i32
      %dma_wait3A_337 = tpu.memref_slice %arg6[%dma_wait3A_335, %dma_wait3A_336] : memref<8x128xi32, #tpu.memory_space<vmem>> -> memref<1x128xi32, #tpu.memory_space<vmem>>
      %dma_wait3A_338 = tpu.memref_squeeze %dma_wait3A_337 : memref<1x128xi32, #tpu.memory_space<vmem>> -> memref<128xi32, #tpu.memory_space<vmem>>
      %dma_wait3A_339 = arith.constant 0 : i32
      %dma_wait3A_340 = arith.constant 0 : i32
      %dma_wait3A_341 = tpu.memref_slice %arg8[%dma_wait3A_339, %dma_wait3A_340] : memref<10240x128xf32, #tpu.memory_space<vmem_shared>> -> memref<10240x128xf32, #tpu.memory_space<vmem_shared>>
      tpu.wait_indirect_dma semaphore(%arg10 : memref<!tpu.dma_semaphore, #tpu.memory_space<semaphore_mem>>) src(%arg7 : memref<128x128xf32, #tpu.memory_space<vmem>>) dst(%dma_wait3A_341 : memref<10240x128xf32, #tpu.memory_space<vmem_shared>>)
      %dma_wait3A_342 = arith.constant 5 : i32
      %dma_wait3A_343 = arith.constant 0 : i32
      %dma_wait3A_344 = tpu.memref_slice %arg6[%dma_wait3A_342, %dma_wait3A_343] : memref<8x128xi32, #tpu.memory_space<vmem>> -> memref<1x128xi32, #tpu.memory_space<vmem>>
      %dma_wait3A_345 = tpu.memref_squeeze %dma_wait3A_344 : memref<1x128xi32, #tpu.memory_space<vmem>> -> memref<128xi32, #tpu.memory_space<vmem>>
      %dma_wait3A_346 = arith.constant 0 : i32
      %dma_wait3A_347 = arith.constant 0 : i32
      %dma_wait3A_348 = tpu.memref_slice %arg8[%dma_wait3A_346, %dma_wait3A_347] : memref<10240x128xf32, #tpu.memory_space<vmem_shared>> -> memref<10240x128xf32, #tpu.memory_space<vmem_shared>>
      tpu.wait_indirect_dma semaphore(%arg10 : memref<!tpu.dma_semaphore, #tpu.memory_space<semaphore_mem>>) src(%arg7 : memref<128x128xf32, #tpu.memory_space<vmem>>) dst(%dma_wait3A_348 : memref<10240x128xf32, #tpu.memory_space<vmem_shared>>)
      %dma_wait3A_349 = arith.constant 6 : i32
      %dma_wait3A_350 = arith.constant 0 : i32
      %dma_wait3A_351 = tpu.memref_slice %arg6[%dma_wait3A_349, %dma_wait3A_350] : memref<8x128xi32, #tpu.memory_space<vmem>> -> memref<1x128xi32, #tpu.memory_space<vmem>>
      %dma_wait3A_352 = tpu.memref_squeeze %dma_wait3A_351 : memref<1x128xi32, #tpu.memory_space<vmem>> -> memref<128xi32, #tpu.memory_space<vmem>>
      %dma_wait3A_353 = arith.constant 0 : i32
      %dma_wait3A_354 = arith.constant 0 : i32
      %dma_wait3A_355 = tpu.memref_slice %arg8[%dma_wait3A_353, %dma_wait3A_354] : memref<10240x128xf32, #tpu.memory_space<vmem_shared>> -> memref<10240x128xf32, #tpu.memory_space<vmem_shared>>
      tpu.wait_indirect_dma semaphore(%arg10 : memref<!tpu.dma_semaphore, #tpu.memory_space<semaphore_mem>>) src(%arg7 : memref<128x128xf32, #tpu.memory_space<vmem>>) dst(%dma_wait3A_355 : memref<10240x128xf32, #tpu.memory_space<vmem_shared>>)
      %dma_wait3A_356 = arith.constant 7 : i32
      %dma_wait3A_357 = arith.constant 0 : i32
      %dma_wait3A_358 = tpu.memref_slice %arg6[%dma_wait3A_356, %dma_wait3A_357] : memref<8x128xi32, #tpu.memory_space<vmem>> -> memref<1x128xi32, #tpu.memory_space<vmem>>
      %dma_wait3A_359 = tpu.memref_squeeze %dma_wait3A_358 : memref<1x128xi32, #tpu.memory_space<vmem>> -> memref<128xi32, #tpu.memory_space<vmem>>
      %dma_wait3A_360 = arith.constant 0 : i32
      %dma_wait3A_361 = arith.constant 0 : i32
      %dma_wait3A_362 = tpu.memref_slice %arg8[%dma_wait3A_360, %dma_wait3A_361] : memref<10240x128xf32, #tpu.memory_space<vmem_shared>> -> memref<10240x128xf32, #tpu.memory_space<vmem_shared>>
      tpu.wait_indirect_dma semaphore(%arg10 : memref<!tpu.dma_semaphore, #tpu.memory_space<semaphore_mem>>) src(%arg7 : memref<128x128xf32, #tpu.memory_space<vmem>>) dst(%dma_wait3A_362 : memref<10240x128xf32, #tpu.memory_space<vmem_shared>>)
    }
    %while3A_20 = arith.constant 1 : i32
    scf.for %while3A_26 = %while3A_18 to %while3A_14 step %while3A_20  : i32 {
      %mul3A_27 = arith.muli %while3A_26, %while3A : i32
      %add3A_28 = arith.addi %while3A_11, %mul3A_27 : i32
      %add3A_29 = arith.constant 0 : i32
      %add3A_30 = arith.addi %add3A_28, %add3A_29 : i32
      %mul3A_31 = arith.constant 128 : i32
      %mul3A_32 = arith.muli %add3A_30, %mul3A_31 : i32
      %add3A_33 = arith.addi %mul3A_4, %mul3A_32 : i32
      %dma_start3A = arith.constant 0 : i32
      %dma_start3A_34 = arith.constant 0 : i32
      %dma_start3A_35 = tpu.memref_slice %arg6[%dma_start3A, %dma_start3A_34] : memref<8x128xi32, #tpu.memory_space<vmem>> -> memref<1x128xi32, #tpu.memory_space<vmem>>
      %dma_start3A_36 = tpu.memref_squeeze %dma_start3A_35 : memref<1x128xi32, #tpu.memory_space<vmem>> -> memref<128xi32, #tpu.memory_space<vmem>>
      %dma_start3A_37 = tpu.memref_slice %arg3[%add3A_33] : memref<163840xi32, #tpu.memory_space<hbm>> -> memref<128xi32, #tpu.memory_space<hbm>>
      %dma_start3A_38 = arith.constant 0 : i32
      %dma_start3A_39 = tpu.memref_slice %arg6[%dma_start3A, %dma_start3A_38] : memref<8x128xi32, #tpu.memory_space<vmem>> -> memref<1x128xi32, #tpu.memory_space<vmem>>
      %dma_start3A_40 = tpu.memref_squeeze %dma_start3A_39 : memref<1x128xi32, #tpu.memory_space<vmem>> -> memref<128xi32, #tpu.memory_space<vmem>>
      %dma_start3A_41 = tpu.memref_slice %arg3[%add3A_33] : memref<163840xi32, #tpu.memory_space<hbm>> -> memref<128xi32, #tpu.memory_space<hbm>>
      tpu.enqueue_dma source(%dma_start3A_41 : memref<128xi32, #tpu.memory_space<hbm>>) target(%dma_start3A_40 : memref<128xi32, #tpu.memory_space<vmem>>) target_semaphore(%arg9 : memref<!tpu.dma_semaphore, #tpu.memory_space<semaphore_mem>>)
      %add3A_42 = arith.constant 1 : i32
      %add3A_43 = arith.addi %add3A_28, %add3A_42 : i32
      %mul3A_44 = arith.constant 128 : i32
      %mul3A_45 = arith.muli %add3A_43, %mul3A_44 : i32
      %add3A_46 = arith.addi %mul3A_4, %mul3A_45 : i32
      %dma_start3A_47 = arith.constant 1 : i32
      %dma_start3A_48 = arith.constant 0 : i32
      %dma_start3A_49 = tpu.memref_slice %arg6[%dma_start3A_47, %dma_start3A_48] : memref<8x128xi32, #tpu.memory_space<vmem>> -> memref<1x128xi32, #tpu.memory_space<vmem>>
      %dma_start3A_50 = tpu.memref_squeeze %dma_start3A_49 : memref<1x128xi32, #tpu.memory_space<vmem>> -> memref<128xi32, #tpu.memory_space<vmem>>
      %dma_start3A_51 = tpu.memref_slice %arg3[%add3A_46] : memref<163840xi32, #tpu.memory_space<hbm>> -> memref<128xi32, #tpu.memory_space<hbm>>
      %dma_start3A_52 = arith.constant 0 : i32
      %dma_start3A_53 = tpu.memref_slice %arg6[%dma_start3A_47, %dma_start3A_52] : memref<8x128xi32, #tpu.memory_space<vmem>> -> memref<1x128xi32, #tpu.memory_space<vmem>>
      %dma_start3A_54 = tpu.memref_squeeze %dma_start3A_53 : memref<1x128xi32, #tpu.memory_space<vmem>> -> memref<128xi32, #tpu.memory_space<vmem>>
      %dma_start3A_55 = tpu.memref_slice %arg3[%add3A_46] : memref<163840xi32, #tpu.memory_space<hbm>> -> memref<128xi32, #tpu.memory_space<hbm>>
      tpu.enqueue_dma source(%dma_start3A_55 : memref<128xi32, #tpu.memory_space<hbm>>) target(%dma_start3A_54 : memref<128xi32, #tpu.memory_space<vmem>>) target_semaphore(%arg9 : memref<!tpu.dma_semaphore, #tpu.memory_space<semaphore_mem>>)
      %add3A_56 = arith.constant 2 : i32
      %add3A_57 = arith.addi %add3A_28, %add3A_56 : i32
      %mul3A_58 = arith.constant 128 : i32
      %mul3A_59 = arith.muli %add3A_57, %mul3A_58 : i32
      %add3A_60 = arith.addi %mul3A_4, %mul3A_59 : i32
      %dma_start3A_61 = arith.constant 2 : i32
      %dma_start3A_62 = arith.constant 0 : i32
      %dma_start3A_63 = tpu.memref_slice %arg6[%dma_start3A_61, %dma_start3A_62] : memref<8x128xi32, #tpu.memory_space<vmem>> -> memref<1x128xi32, #tpu.memory_space<vmem>>
      %dma_start3A_64 = tpu.memref_squeeze %dma_start3A_63 : memref<1x128xi32, #tpu.memory_space<vmem>> -> memref<128xi32, #tpu.memory_space<vmem>>
      %dma_start3A_65 = tpu.memref_slice %arg3[%add3A_60] : memref<163840xi32, #tpu.memory_space<hbm>> -> memref<128xi32, #tpu.memory_space<hbm>>
      %dma_start3A_66 = arith.constant 0 : i32
      %dma_start3A_67 = tpu.memref_slice %arg6[%dma_start3A_61, %dma_start3A_66] : memref<8x128xi32, #tpu.memory_space<vmem>> -> memref<1x128xi32, #tpu.memory_space<vmem>>
      %dma_start3A_68 = tpu.memref_squeeze %dma_start3A_67 : memref<1x128xi32, #tpu.memory_space<vmem>> -> memref<128xi32, #tpu.memory_space<vmem>>
      %dma_start3A_69 = tpu.memref_slice %arg3[%add3A_60] : memref<163840xi32, #tpu.memory_space<hbm>> -> memref<128xi32, #tpu.memory_space<hbm>>
      tpu.enqueue_dma source(%dma_start3A_69 : memref<128xi32, #tpu.memory_space<hbm>>) target(%dma_start3A_68 : memref<128xi32, #tpu.memory_space<vmem>>) target_semaphore(%arg9 : memref<!tpu.dma_semaphore, #tpu.memory_space<semaphore_mem>>)
      %add3A_70 = arith.constant 3 : i32
      %add3A_71 = arith.addi %add3A_28, %add3A_70 : i32
      %mul3A_72 = arith.constant 128 : i32
      %mul3A_73 = arith.muli %add3A_71, %mul3A_72 : i32
      %add3A_74 = arith.addi %mul3A_4, %mul3A_73 : i32
      %dma_start3A_75 = arith.constant 3 : i32
      %dma_start3A_76 = arith.constant 0 : i32
      %dma_start3A_77 = tpu.memref_slice %arg6[%dma_start3A_75, %dma_start3A_76] : memref<8x128xi32, #tpu.memory_space<vmem>> -> memref<1x128xi32, #tpu.memory_space<vmem>>
      %dma_start3A_78 = tpu.memref_squeeze %dma_start3A_77 : memref<1x128xi32, #tpu.memory_space<vmem>> -> memref<128xi32, #tpu.memory_space<vmem>>
      %dma_start3A_79 = tpu.memref_slice %arg3[%add3A_74] : memref<163840xi32, #tpu.memory_space<hbm>> -> memref<128xi32, #tpu.memory_space<hbm>>
      %dma_start3A_80 = arith.constant 0 : i32
      %dma_start3A_81 = tpu.memref_slice %arg6[%dma_start3A_75, %dma_start3A_80] : memref<8x128xi32, #tpu.memory_space<vmem>> -> memref<1x128xi32, #tpu.memory_space<vmem>>
      %dma_start3A_82 = tpu.memref_squeeze %dma_start3A_81 : memref<1x128xi32, #tpu.memory_space<vmem>> -> memref<128xi32, #tpu.memory_space<vmem>>
      %dma_start3A_83 = tpu.memref_slice %arg3[%add3A_74] : memref<163840xi32, #tpu.memory_space<hbm>> -> memref<128xi32, #tpu.memory_space<hbm>>
      tpu.enqueue_dma source(%dma_start3A_83 : memref<128xi32, #tpu.memory_space<hbm>>) target(%dma_start3A_82 : memref<128xi32, #tpu.memory_space<vmem>>) target_semaphore(%arg9 : memref<!tpu.dma_semaphore, #tpu.memory_space<semaphore_mem>>)
      %add3A_84 = arith.constant 4 : i32
      %add3A_85 = arith.addi %add3A_28, %add3A_84 : i32
      %mul3A_86 = arith.constant 128 : i32
      %mul3A_87 = arith.muli %add3A_85, %mul3A_86 : i32
      %add3A_88 = arith.addi %mul3A_4, %mul3A_87 : i32
      %dma_start3A_89 = arith.constant 4 : i32
      %dma_start3A_90 = arith.constant 0 : i32
      %dma_start3A_91 = tpu.memref_slice %arg6[%dma_start3A_89, %dma_start3A_90] : memref<8x128xi32, #tpu.memory_space<vmem>> -> memref<1x128xi32, #tpu.memory_space<vmem>>
      %dma_start3A_92 = tpu.memref_squeeze %dma_start3A_91 : memref<1x128xi32, #tpu.memory_space<vmem>> -> memref<128xi32, #tpu.memory_space<vmem>>
      %dma_start3A_93 = tpu.memref_slice %arg3[%add3A_88] : memref<163840xi32, #tpu.memory_space<hbm>> -> memref<128xi32, #tpu.memory_space<hbm>>
      %dma_start3A_94 = arith.constant 0 : i32
      %dma_start3A_95 = tpu.memref_slice %arg6[%dma_start3A_89, %dma_start3A_94] : memref<8x128xi32, #tpu.memory_space<vmem>> -> memref<1x128xi32, #tpu.memory_space<vmem>>
      %dma_start3A_96 = tpu.memref_squeeze %dma_start3A_95 : memref<1x128xi32, #tpu.memory_space<vmem>> -> memref<128xi32, #tpu.memory_space<vmem>>
      %dma_start3A_97 = tpu.memref_slice %arg3[%add3A_88] : memref<163840xi32, #tpu.memory_space<hbm>> -> memref<128xi32, #tpu.memory_space<hbm>>
      tpu.enqueue_dma source(%dma_start3A_97 : memref<128xi32, #tpu.memory_space<hbm>>) target(%dma_start3A_96 : memref<128xi32, #tpu.memory_space<vmem>>) target_semaphore(%arg9 : memref<!tpu.dma_semaphore, #tpu.memory_space<semaphore_mem>>)
      %add3A_98 = arith.constant 5 : i32
      %add3A_99 = arith.addi %add3A_28, %add3A_98 : i32
      %mul3A_100 = arith.constant 128 : i32
      %mul3A_101 = arith.muli %add3A_99, %mul3A_100 : i32
      %add3A_102 = arith.addi %mul3A_4, %mul3A_101 : i32
      %dma_start3A_103 = arith.constant 5 : i32
      %dma_start3A_104 = arith.constant 0 : i32
      %dma_start3A_105 = tpu.memref_slice %arg6[%dma_start3A_103, %dma_start3A_104] : memref<8x128xi32, #tpu.memory_space<vmem>> -> memref<1x128xi32, #tpu.memory_space<vmem>>
      %dma_start3A_106 = tpu.memref_squeeze %dma_start3A_105 : memref<1x128xi32, #tpu.memory_space<vmem>> -> memref<128xi32, #tpu.memory_space<vmem>>
      %dma_start3A_107 = tpu.memref_slice %arg3[%add3A_102] : memref<163840xi32, #tpu.memory_space<hbm>> -> memref<128xi32, #tpu.memory_space<hbm>>
      %dma_start3A_108 = arith.constant 0 : i32
      %dma_start3A_109 = tpu.memref_slice %arg6[%dma_start3A_103, %dma_start3A_108] : memref<8x128xi32, #tpu.memory_space<vmem>> -> memref<1x128xi32, #tpu.memory_space<vmem>>
      %dma_start3A_110 = tpu.memref_squeeze %dma_start3A_109 : memref<1x128xi32, #tpu.memory_space<vmem>> -> memref<128xi32, #tpu.memory_space<vmem>>
      %dma_start3A_111 = tpu.memref_slice %arg3[%add3A_102] : memref<163840xi32, #tpu.memory_space<hbm>> -> memref<128xi32, #tpu.memory_space<hbm>>
      tpu.enqueue_dma source(%dma_start3A_111 : memref<128xi32, #tpu.memory_space<hbm>>) target(%dma_start3A_110 : memref<128xi32, #tpu.memory_space<vmem>>) target_semaphore(%arg9 : memref<!tpu.dma_semaphore, #tpu.memory_space<semaphore_mem>>)
      %add3A_112 = arith.constant 6 : i32
      %add3A_113 = arith.addi %add3A_28, %add3A_112 : i32
      %mul3A_114 = arith.constant 128 : i32
      %mul3A_115 = arith.muli %add3A_113, %mul3A_114 : i32
      %add3A_116 = arith.addi %mul3A_4, %mul3A_115 : i32
      %dma_start3A_117 = arith.constant 6 : i32
      %dma_start3A_118 = arith.constant 0 : i32
      %dma_start3A_119 = tpu.memref_slice %arg6[%dma_start3A_117, %dma_start3A_118] : memref<8x128xi32, #tpu.memory_space<vmem>> -> memref<1x128xi32, #tpu.memory_space<vmem>>
      %dma_start3A_120 = tpu.memref_squeeze %dma_start3A_119 : memref<1x128xi32, #tpu.memory_space<vmem>> -> memref<128xi32, #tpu.memory_space<vmem>>
      %dma_start3A_121 = tpu.memref_slice %arg3[%add3A_116] : memref<163840xi32, #tpu.memory_space<hbm>> -> memref<128xi32, #tpu.memory_space<hbm>>
      %dma_start3A_122 = arith.constant 0 : i32
      %dma_start3A_123 = tpu.memref_slice %arg6[%dma_start3A_117, %dma_start3A_122] : memref<8x128xi32, #tpu.memory_space<vmem>> -> memref<1x128xi32, #tpu.memory_space<vmem>>
      %dma_start3A_124 = tpu.memref_squeeze %dma_start3A_123 : memref<1x128xi32, #tpu.memory_space<vmem>> -> memref<128xi32, #tpu.memory_space<vmem>>
      %dma_start3A_125 = tpu.memref_slice %arg3[%add3A_116] : memref<163840xi32, #tpu.memory_space<hbm>> -> memref<128xi32, #tpu.memory_space<hbm>>
      tpu.enqueue_dma source(%dma_start3A_125 : memref<128xi32, #tpu.memory_space<hbm>>) target(%dma_start3A_124 : memref<128xi32, #tpu.memory_space<vmem>>) target_semaphore(%arg9 : memref<!tpu.dma_semaphore, #tpu.memory_space<semaphore_mem>>)
      %add3A_126 = arith.constant 7 : i32
      %add3A_127 = arith.addi %add3A_28, %add3A_126 : i32
      %mul3A_128 = arith.constant 128 : i32
      %mul3A_129 = arith.muli %add3A_127, %mul3A_128 : i32
      %add3A_130 = arith.addi %mul3A_4, %mul3A_129 : i32
      %dma_start3A_131 = arith.constant 7 : i32
      %dma_start3A_132 = arith.constant 0 : i32
      %dma_start3A_133 = tpu.memref_slice %arg6[%dma_start3A_131, %dma_start3A_132] : memref<8x128xi32, #tpu.memory_space<vmem>> -> memref<1x128xi32, #tpu.memory_space<vmem>>
      %dma_start3A_134 = tpu.memref_squeeze %dma_start3A_133 : memref<1x128xi32, #tpu.memory_space<vmem>> -> memref<128xi32, #tpu.memory_space<vmem>>
      %dma_start3A_135 = tpu.memref_slice %arg3[%add3A_130] : memref<163840xi32, #tpu.memory_space<hbm>> -> memref<128xi32, #tpu.memory_space<hbm>>
      %dma_start3A_136 = arith.constant 0 : i32
      %dma_start3A_137 = tpu.memref_slice %arg6[%dma_start3A_131, %dma_start3A_136] : memref<8x128xi32, #tpu.memory_space<vmem>> -> memref<1x128xi32, #tpu.memory_space<vmem>>
      %dma_start3A_138 = tpu.memref_squeeze %dma_start3A_137 : memref<1x128xi32, #tpu.memory_space<vmem>> -> memref<128xi32, #tpu.memory_space<vmem>>
      %dma_start3A_139 = tpu.memref_slice %arg3[%add3A_130] : memref<163840xi32, #tpu.memory_space<hbm>> -> memref<128xi32, #tpu.memory_space<hbm>>
      tpu.enqueue_dma source(%dma_start3A_139 : memref<128xi32, #tpu.memory_space<hbm>>) target(%dma_start3A_138 : memref<128xi32, #tpu.memory_space<vmem>>) target_semaphore(%arg9 : memref<!tpu.dma_semaphore, #tpu.memory_space<semaphore_mem>>)
      %add3A_140 = arith.constant 0 : i32
      %add3A_141 = arith.addi %add3A_28, %add3A_140 : i32
      %mul3A_142 = arith.constant 128 : i32
      %mul3A_143 = arith.muli %add3A_141, %mul3A_142 : i32
      %add3A_144 = arith.addi %mul3A_4, %mul3A_143 : i32
      %dma_wait3A = arith.constant 0 : i32
      %dma_wait3A_145 = arith.constant 0 : i32
      %dma_wait3A_146 = tpu.memref_slice %arg6[%dma_wait3A, %dma_wait3A_145] : memref<8x128xi32, #tpu.memory_space<vmem>> -> memref<1x128xi32, #tpu.memory_space<vmem>>
      %dma_wait3A_147 = tpu.memref_squeeze %dma_wait3A_146 : memref<1x128xi32, #tpu.memory_space<vmem>> -> memref<128xi32, #tpu.memory_space<vmem>>
      %dma_wait3A_148 = tpu.memref_slice %arg3[%add3A_144] : memref<163840xi32, #tpu.memory_space<hbm>> -> memref<128xi32, #tpu.memory_space<hbm>>
      %dma_wait3A_149 = arith.constant 0 : i32
      %dma_wait3A_150 = tpu.memref_slice %arg6[%dma_wait3A, %dma_wait3A_149] : memref<8x128xi32, #tpu.memory_space<vmem>> -> memref<1x128xi32, #tpu.memory_space<vmem>>
      %dma_wait3A_151 = tpu.memref_squeeze %dma_wait3A_150 : memref<1x128xi32, #tpu.memory_space<vmem>> -> memref<128xi32, #tpu.memory_space<vmem>>
      %dma_wait3A_152 = tpu.memref_slice %arg3[%add3A_144] : memref<163840xi32, #tpu.memory_space<hbm>> -> memref<128xi32, #tpu.memory_space<hbm>>
      tpu.wait_dma2 semaphore(%arg9 : memref<!tpu.dma_semaphore, #tpu.memory_space<semaphore_mem>>) src(%dma_wait3A_152 : memref<128xi32, #tpu.memory_space<hbm>>) dst(%dma_wait3A_151 : memref<128xi32, #tpu.memory_space<vmem>>)
      %add3A_153 = arith.constant 1 : i32
      %add3A_154 = arith.addi %add3A_28, %add3A_153 : i32
      %mul3A_155 = arith.constant 128 : i32
      %mul3A_156 = arith.muli %add3A_154, %mul3A_155 : i32
      %add3A_157 = arith.addi %mul3A_4, %mul3A_156 : i32
      %dma_wait3A_158 = arith.constant 1 : i32
      %dma_wait3A_159 = arith.constant 0 : i32
      %dma_wait3A_160 = tpu.memref_slice %arg6[%dma_wait3A_158, %dma_wait3A_159] : memref<8x128xi32, #tpu.memory_space<vmem>> -> memref<1x128xi32, #tpu.memory_space<vmem>>
      %dma_wait3A_161 = tpu.memref_squeeze %dma_wait3A_160 : memref<1x128xi32, #tpu.memory_space<vmem>> -> memref<128xi32, #tpu.memory_space<vmem>>
      %dma_wait3A_162 = tpu.memref_slice %arg3[%add3A_157] : memref<163840xi32, #tpu.memory_space<hbm>> -> memref<128xi32, #tpu.memory_space<hbm>>
      %dma_wait3A_163 = arith.constant 0 : i32
      %dma_wait3A_164 = tpu.memref_slice %arg6[%dma_wait3A_158, %dma_wait3A_163] : memref<8x128xi32, #tpu.memory_space<vmem>> -> memref<1x128xi32, #tpu.memory_space<vmem>>
      %dma_wait3A_165 = tpu.memref_squeeze %dma_wait3A_164 : memref<1x128xi32, #tpu.memory_space<vmem>> -> memref<128xi32, #tpu.memory_space<vmem>>
      %dma_wait3A_166 = tpu.memref_slice %arg3[%add3A_157] : memref<163840xi32, #tpu.memory_space<hbm>> -> memref<128xi32, #tpu.memory_space<hbm>>
      tpu.wait_dma2 semaphore(%arg9 : memref<!tpu.dma_semaphore, #tpu.memory_space<semaphore_mem>>) src(%dma_wait3A_166 : memref<128xi32, #tpu.memory_space<hbm>>) dst(%dma_wait3A_165 : memref<128xi32, #tpu.memory_space<vmem>>)
      %add3A_167 = arith.constant 2 : i32
      %add3A_168 = arith.addi %add3A_28, %add3A_167 : i32
      %mul3A_169 = arith.constant 128 : i32
      %mul3A_170 = arith.muli %add3A_168, %mul3A_169 : i32
      %add3A_171 = arith.addi %mul3A_4, %mul3A_170 : i32
      %dma_wait3A_172 = arith.constant 2 : i32
      %dma_wait3A_173 = arith.constant 0 : i32
      %dma_wait3A_174 = tpu.memref_slice %arg6[%dma_wait3A_172, %dma_wait3A_173] : memref<8x128xi32, #tpu.memory_space<vmem>> -> memref<1x128xi32, #tpu.memory_space<vmem>>
      %dma_wait3A_175 = tpu.memref_squeeze %dma_wait3A_174 : memref<1x128xi32, #tpu.memory_space<vmem>> -> memref<128xi32, #tpu.memory_space<vmem>>
      %dma_wait3A_176 = tpu.memref_slice %arg3[%add3A_171] : memref<163840xi32, #tpu.memory_space<hbm>> -> memref<128xi32, #tpu.memory_space<hbm>>
      %dma_wait3A_177 = arith.constant 0 : i32
      %dma_wait3A_178 = tpu.memref_slice %arg6[%dma_wait3A_172, %dma_wait3A_177] : memref<8x128xi32, #tpu.memory_space<vmem>> -> memref<1x128xi32, #tpu.memory_space<vmem>>
      %dma_wait3A_179 = tpu.memref_squeeze %dma_wait3A_178 : memref<1x128xi32, #tpu.memory_space<vmem>> -> memref<128xi32, #tpu.memory_space<vmem>>
      %dma_wait3A_180 = tpu.memref_slice %arg3[%add3A_171] : memref<163840xi32, #tpu.memory_space<hbm>> -> memref<128xi32, #tpu.memory_space<hbm>>
      tpu.wait_dma2 semaphore(%arg9 : memref<!tpu.dma_semaphore, #tpu.memory_space<semaphore_mem>>) src(%dma_wait3A_180 : memref<128xi32, #tpu.memory_space<hbm>>) dst(%dma_wait3A_179 : memref<128xi32, #tpu.memory_space<vmem>>)
      %add3A_181 = arith.constant 3 : i32
      %add3A_182 = arith.addi %add3A_28, %add3A_181 : i32
      %mul3A_183 = arith.constant 128 : i32
      %mul3A_184 = arith.muli %add3A_182, %mul3A_183 : i32
      %add3A_185 = arith.addi %mul3A_4, %mul3A_184 : i32
      %dma_wait3A_186 = arith.constant 3 : i32
      %dma_wait3A_187 = arith.constant 0 : i32
      %dma_wait3A_188 = tpu.memref_slice %arg6[%dma_wait3A_186, %dma_wait3A_187] : memref<8x128xi32, #tpu.memory_space<vmem>> -> memref<1x128xi32, #tpu.memory_space<vmem>>
      %dma_wait3A_189 = tpu.memref_squeeze %dma_wait3A_188 : memref<1x128xi32, #tpu.memory_space<vmem>> -> memref<128xi32, #tpu.memory_space<vmem>>
      %dma_wait3A_190 = tpu.memref_slice %arg3[%add3A_185] : memref<163840xi32, #tpu.memory_space<hbm>> -> memref<128xi32, #tpu.memory_space<hbm>>
      %dma_wait3A_191 = arith.constant 0 : i32
      %dma_wait3A_192 = tpu.memref_slice %arg6[%dma_wait3A_186, %dma_wait3A_191] : memref<8x128xi32, #tpu.memory_space<vmem>> -> memref<1x128xi32, #tpu.memory_space<vmem>>
      %dma_wait3A_193 = tpu.memref_squeeze %dma_wait3A_192 : memref<1x128xi32, #tpu.memory_space<vmem>> -> memref<128xi32, #tpu.memory_space<vmem>>
      %dma_wait3A_194 = tpu.memref_slice %arg3[%add3A_185] : memref<163840xi32, #tpu.memory_space<hbm>> -> memref<128xi32, #tpu.memory_space<hbm>>
      tpu.wait_dma2 semaphore(%arg9 : memref<!tpu.dma_semaphore, #tpu.memory_space<semaphore_mem>>) src(%dma_wait3A_194 : memref<128xi32, #tpu.memory_space<hbm>>) dst(%dma_wait3A_193 : memref<128xi32, #tpu.memory_space<vmem>>)
      %add3A_195 = arith.constant 4 : i32
      %add3A_196 = arith.addi %add3A_28, %add3A_195 : i32
      %mul3A_197 = arith.constant 128 : i32
      %mul3A_198 = arith.muli %add3A_196, %mul3A_197 : i32
      %add3A_199 = arith.addi %mul3A_4, %mul3A_198 : i32
      %dma_wait3A_200 = arith.constant 4 : i32
      %dma_wait3A_201 = arith.constant 0 : i32
      %dma_wait3A_202 = tpu.memref_slice %arg6[%dma_wait3A_200, %dma_wait3A_201] : memref<8x128xi32, #tpu.memory_space<vmem>> -> memref<1x128xi32, #tpu.memory_space<vmem>>
      %dma_wait3A_203 = tpu.memref_squeeze %dma_wait3A_202 : memref<1x128xi32, #tpu.memory_space<vmem>> -> memref<128xi32, #tpu.memory_space<vmem>>
      %dma_wait3A_204 = tpu.memref_slice %arg3[%add3A_199] : memref<163840xi32, #tpu.memory_space<hbm>> -> memref<128xi32, #tpu.memory_space<hbm>>
      %dma_wait3A_205 = arith.constant 0 : i32
      %dma_wait3A_206 = tpu.memref_slice %arg6[%dma_wait3A_200, %dma_wait3A_205] : memref<8x128xi32, #tpu.memory_space<vmem>> -> memref<1x128xi32, #tpu.memory_space<vmem>>
      %dma_wait3A_207 = tpu.memref_squeeze %dma_wait3A_206 : memref<1x128xi32, #tpu.memory_space<vmem>> -> memref<128xi32, #tpu.memory_space<vmem>>
      %dma_wait3A_208 = tpu.memref_slice %arg3[%add3A_199] : memref<163840xi32, #tpu.memory_space<hbm>> -> memref<128xi32, #tpu.memory_space<hbm>>
      tpu.wait_dma2 semaphore(%arg9 : memref<!tpu.dma_semaphore, #tpu.memory_space<semaphore_mem>>) src(%dma_wait3A_208 : memref<128xi32, #tpu.memory_space<hbm>>) dst(%dma_wait3A_207 : memref<128xi32, #tpu.memory_space<vmem>>)
      %add3A_209 = arith.constant 5 : i32
      %add3A_210 = arith.addi %add3A_28, %add3A_209 : i32
      %mul3A_211 = arith.constant 128 : i32
      %mul3A_212 = arith.muli %add3A_210, %mul3A_211 : i32
      %add3A_213 = arith.addi %mul3A_4, %mul3A_212 : i32
      %dma_wait3A_214 = arith.constant 5 : i32
      %dma_wait3A_215 = arith.constant 0 : i32
      %dma_wait3A_216 = tpu.memref_slice %arg6[%dma_wait3A_214, %dma_wait3A_215] : memref<8x128xi32, #tpu.memory_space<vmem>> -> memref<1x128xi32, #tpu.memory_space<vmem>>
      %dma_wait3A_217 = tpu.memref_squeeze %dma_wait3A_216 : memref<1x128xi32, #tpu.memory_space<vmem>> -> memref<128xi32, #tpu.memory_space<vmem>>
      %dma_wait3A_218 = tpu.memref_slice %arg3[%add3A_213] : memref<163840xi32, #tpu.memory_space<hbm>> -> memref<128xi32, #tpu.memory_space<hbm>>
      %dma_wait3A_219 = arith.constant 0 : i32
      %dma_wait3A_220 = tpu.memref_slice %arg6[%dma_wait3A_214, %dma_wait3A_219] : memref<8x128xi32, #tpu.memory_space<vmem>> -> memref<1x128xi32, #tpu.memory_space<vmem>>
      %dma_wait3A_221 = tpu.memref_squeeze %dma_wait3A_220 : memref<1x128xi32, #tpu.memory_space<vmem>> -> memref<128xi32, #tpu.memory_space<vmem>>
      %dma_wait3A_222 = tpu.memref_slice %arg3[%add3A_213] : memref<163840xi32, #tpu.memory_space<hbm>> -> memref<128xi32, #tpu.memory_space<hbm>>
      tpu.wait_dma2 semaphore(%arg9 : memref<!tpu.dma_semaphore, #tpu.memory_space<semaphore_mem>>) src(%dma_wait3A_222 : memref<128xi32, #tpu.memory_space<hbm>>) dst(%dma_wait3A_221 : memref<128xi32, #tpu.memory_space<vmem>>)
      %add3A_223 = arith.constant 6 : i32
      %add3A_224 = arith.addi %add3A_28, %add3A_223 : i32
      %mul3A_225 = arith.constant 128 : i32
      %mul3A_226 = arith.muli %add3A_224, %mul3A_225 : i32
      %add3A_227 = arith.addi %mul3A_4, %mul3A_226 : i32
      %dma_wait3A_228 = arith.constant 6 : i32
      %dma_wait3A_229 = arith.constant 0 : i32
      %dma_wait3A_230 = tpu.memref_slice %arg6[%dma_wait3A_228, %dma_wait3A_229] : memref<8x128xi32, #tpu.memory_space<vmem>> -> memref<1x128xi32, #tpu.memory_space<vmem>>
      %dma_wait3A_231 = tpu.memref_squeeze %dma_wait3A_230 : memref<1x128xi32, #tpu.memory_space<vmem>> -> memref<128xi32, #tpu.memory_space<vmem>>
      %dma_wait3A_232 = tpu.memref_slice %arg3[%add3A_227] : memref<163840xi32, #tpu.memory_space<hbm>> -> memref<128xi32, #tpu.memory_space<hbm>>
      %dma_wait3A_233 = arith.constant 0 : i32
      %dma_wait3A_234 = tpu.memref_slice %arg6[%dma_wait3A_228, %dma_wait3A_233] : memref<8x128xi32, #tpu.memory_space<vmem>> -> memref<1x128xi32, #tpu.memory_space<vmem>>
      %dma_wait3A_235 = tpu.memref_squeeze %dma_wait3A_234 : memref<1x128xi32, #tpu.memory_space<vmem>> -> memref<128xi32, #tpu.memory_space<vmem>>
      %dma_wait3A_236 = tpu.memref_slice %arg3[%add3A_227] : memref<163840xi32, #tpu.memory_space<hbm>> -> memref<128xi32, #tpu.memory_space<hbm>>
      tpu.wait_dma2 semaphore(%arg9 : memref<!tpu.dma_semaphore, #tpu.memory_space<semaphore_mem>>) src(%dma_wait3A_236 : memref<128xi32, #tpu.memory_space<hbm>>) dst(%dma_wait3A_235 : memref<128xi32, #tpu.memory_space<vmem>>)
      %add3A_237 = arith.constant 7 : i32
      %add3A_238 = arith.addi %add3A_28, %add3A_237 : i32
      %mul3A_239 = arith.constant 128 : i32
      %mul3A_240 = arith.muli %add3A_238, %mul3A_239 : i32
      %add3A_241 = arith.addi %mul3A_4, %mul3A_240 : i32
      %dma_wait3A_242 = arith.constant 7 : i32
      %dma_wait3A_243 = arith.constant 0 : i32
      %dma_wait3A_244 = tpu.memref_slice %arg6[%dma_wait3A_242, %dma_wait3A_243] : memref<8x128xi32, #tpu.memory_space<vmem>> -> memref<1x128xi32, #tpu.memory_space<vmem>>
      %dma_wait3A_245 = tpu.memref_squeeze %dma_wait3A_244 : memref<1x128xi32, #tpu.memory_space<vmem>> -> memref<128xi32, #tpu.memory_space<vmem>>
      %dma_wait3A_246 = tpu.memref_slice %arg3[%add3A_241] : memref<163840xi32, #tpu.memory_space<hbm>> -> memref<128xi32, #tpu.memory_space<hbm>>
      %dma_wait3A_247 = arith.constant 0 : i32
      %dma_wait3A_248 = tpu.memref_slice %arg6[%dma_wait3A_242, %dma_wait3A_247] : memref<8x128xi32, #tpu.memory_space<vmem>> -> memref<1x128xi32, #tpu.memory_space<vmem>>
      %dma_wait3A_249 = tpu.memref_squeeze %dma_wait3A_248 : memref<1x128xi32, #tpu.memory_space<vmem>> -> memref<128xi32, #tpu.memory_space<vmem>>
      %dma_wait3A_250 = tpu.memref_slice %arg3[%add3A_241] : memref<163840xi32, #tpu.memory_space<hbm>> -> memref<128xi32, #tpu.memory_space<hbm>>
      tpu.wait_dma2 semaphore(%arg9 : memref<!tpu.dma_semaphore, #tpu.memory_space<semaphore_mem>>) src(%dma_wait3A_250 : memref<128xi32, #tpu.memory_space<hbm>>) dst(%dma_wait3A_249 : memref<128xi32, #tpu.memory_space<vmem>>)
      %dma_start3A_251 = arith.constant 0 : i32
      %dma_start3A_252 = arith.constant 0 : i32
      %dma_start3A_253 = tpu.memref_slice %arg6[%dma_start3A_251, %dma_start3A_252] : memref<8x128xi32, #tpu.memory_space<vmem>> -> memref<1x128xi32, #tpu.memory_space<vmem>>
      %dma_start3A_254 = tpu.memref_squeeze %dma_start3A_253 : memref<1x128xi32, #tpu.memory_space<vmem>> -> memref<128xi32, #tpu.memory_space<vmem>>
      %dma_start3A_255 = arith.constant 0 : i32
      %dma_start3A_256 = arith.constant 0 : i32
      %dma_start3A_257 = tpu.memref_slice %arg8[%dma_start3A_255, %dma_start3A_256] : memref<10240x128xf32, #tpu.memory_space<vmem_shared>> -> memref<10240x128xf32, #tpu.memory_space<vmem_shared>>
      tpu.enqueue_indirect_dma source(%arg7 : memref<128x128xf32, #tpu.memory_space<vmem>>) target(%dma_start3A_257 : memref<10240x128xf32, #tpu.memory_space<vmem_shared>>) offsets(%dma_start3A_254 : memref<128xi32, #tpu.memory_space<vmem>>) semaphore(%arg10 : memref<!tpu.dma_semaphore, #tpu.memory_space<semaphore_mem>>) {add = true}
      %dma_start3A_258 = arith.constant 1 : i32
      %dma_start3A_259 = arith.constant 0 : i32
      %dma_start3A_260 = tpu.memref_slice %arg6[%dma_start3A_258, %dma_start3A_259] : memref<8x128xi32, #tpu.memory_space<vmem>> -> memref<1x128xi32, #tpu.memory_space<vmem>>
      %dma_start3A_261 = tpu.memref_squeeze %dma_start3A_260 : memref<1x128xi32, #tpu.memory_space<vmem>> -> memref<128xi32, #tpu.memory_space<vmem>>
      %dma_start3A_262 = arith.constant 0 : i32
      %dma_start3A_263 = arith.constant 0 : i32
      %dma_start3A_264 = tpu.memref_slice %arg8[%dma_start3A_262, %dma_start3A_263] : memref<10240x128xf32, #tpu.memory_space<vmem_shared>> -> memref<10240x128xf32, #tpu.memory_space<vmem_shared>>
      tpu.enqueue_indirect_dma source(%arg7 : memref<128x128xf32, #tpu.memory_space<vmem>>) target(%dma_start3A_264 : memref<10240x128xf32, #tpu.memory_space<vmem_shared>>) offsets(%dma_start3A_261 : memref<128xi32, #tpu.memory_space<vmem>>) semaphore(%arg10 : memref<!tpu.dma_semaphore, #tpu.memory_space<semaphore_mem>>) {add = true}
      %dma_start3A_265 = arith.constant 2 : i32
      %dma_start3A_266 = arith.constant 0 : i32
      %dma_start3A_267 = tpu.memref_slice %arg6[%dma_start3A_265, %dma_start3A_266] : memref<8x128xi32, #tpu.memory_space<vmem>> -> memref<1x128xi32, #tpu.memory_space<vmem>>
      %dma_start3A_268 = tpu.memref_squeeze %dma_start3A_267 : memref<1x128xi32, #tpu.memory_space<vmem>> -> memref<128xi32, #tpu.memory_space<vmem>>
      %dma_start3A_269 = arith.constant 0 : i32
      %dma_start3A_270 = arith.constant 0 : i32
      %dma_start3A_271 = tpu.memref_slice %arg8[%dma_start3A_269, %dma_start3A_270] : memref<10240x128xf32, #tpu.memory_space<vmem_shared>> -> memref<10240x128xf32, #tpu.memory_space<vmem_shared>>
      tpu.enqueue_indirect_dma source(%arg7 : memref<128x128xf32, #tpu.memory_space<vmem>>) target(%dma_start3A_271 : memref<10240x128xf32, #tpu.memory_space<vmem_shared>>) offsets(%dma_start3A_268 : memref<128xi32, #tpu.memory_space<vmem>>) semaphore(%arg10 : memref<!tpu.dma_semaphore, #tpu.memory_space<semaphore_mem>>) {add = true}
      %dma_start3A_272 = arith.constant 3 : i32
      %dma_start3A_273 = arith.constant 0 : i32
      %dma_start3A_274 = tpu.memref_slice %arg6[%dma_start3A_272, %dma_start3A_273] : memref<8x128xi32, #tpu.memory_space<vmem>> -> memref<1x128xi32, #tpu.memory_space<vmem>>
      %dma_start3A_275 = tpu.memref_squeeze %dma_start3A_274 : memref<1x128xi32, #tpu.memory_space<vmem>> -> memref<128xi32, #tpu.memory_space<vmem>>
      %dma_start3A_276 = arith.constant 0 : i32
      %dma_start3A_277 = arith.constant 0 : i32
      %dma_start3A_278 = tpu.memref_slice %arg8[%dma_start3A_276, %dma_start3A_277] : memref<10240x128xf32, #tpu.memory_space<vmem_shared>> -> memref<10240x128xf32, #tpu.memory_space<vmem_shared>>
      tpu.enqueue_indirect_dma source(%arg7 : memref<128x128xf32, #tpu.memory_space<vmem>>) target(%dma_start3A_278 : memref<10240x128xf32, #tpu.memory_space<vmem_shared>>) offsets(%dma_start3A_275 : memref<128xi32, #tpu.memory_space<vmem>>) semaphore(%arg10 : memref<!tpu.dma_semaphore, #tpu.memory_space<semaphore_mem>>) {add = true}
      %dma_start3A_279 = arith.constant 4 : i32
      %dma_start3A_280 = arith.constant 0 : i32
      %dma_start3A_281 = tpu.memref_slice %arg6[%dma_start3A_279, %dma_start3A_280] : memref<8x128xi32, #tpu.memory_space<vmem>> -> memref<1x128xi32, #tpu.memory_space<vmem>>
      %dma_start3A_282 = tpu.memref_squeeze %dma_start3A_281 : memref<1x128xi32, #tpu.memory_space<vmem>> -> memref<128xi32, #tpu.memory_space<vmem>>
      %dma_start3A_283 = arith.constant 0 : i32
      %dma_start3A_284 = arith.constant 0 : i32
      %dma_start3A_285 = tpu.memref_slice %arg8[%dma_start3A_283, %dma_start3A_284] : memref<10240x128xf32, #tpu.memory_space<vmem_shared>> -> memref<10240x128xf32, #tpu.memory_space<vmem_shared>>
      tpu.enqueue_indirect_dma source(%arg7 : memref<128x128xf32, #tpu.memory_space<vmem>>) target(%dma_start3A_285 : memref<10240x128xf32, #tpu.memory_space<vmem_shared>>) offsets(%dma_start3A_282 : memref<128xi32, #tpu.memory_space<vmem>>) semaphore(%arg10 : memref<!tpu.dma_semaphore, #tpu.memory_space<semaphore_mem>>) {add = true}
      %dma_start3A_286 = arith.constant 5 : i32
      %dma_start3A_287 = arith.constant 0 : i32
      %dma_start3A_288 = tpu.memref_slice %arg6[%dma_start3A_286, %dma_start3A_287] : memref<8x128xi32, #tpu.memory_space<vmem>> -> memref<1x128xi32, #tpu.memory_space<vmem>>
      %dma_start3A_289 = tpu.memref_squeeze %dma_start3A_288 : memref<1x128xi32, #tpu.memory_space<vmem>> -> memref<128xi32, #tpu.memory_space<vmem>>
      %dma_start3A_290 = arith.constant 0 : i32
      %dma_start3A_291 = arith.constant 0 : i32
      %dma_start3A_292 = tpu.memref_slice %arg8[%dma_start3A_290, %dma_start3A_291] : memref<10240x128xf32, #tpu.memory_space<vmem_shared>> -> memref<10240x128xf32, #tpu.memory_space<vmem_shared>>
      tpu.enqueue_indirect_dma source(%arg7 : memref<128x128xf32, #tpu.memory_space<vmem>>) target(%dma_start3A_292 : memref<10240x128xf32, #tpu.memory_space<vmem_shared>>) offsets(%dma_start3A_289 : memref<128xi32, #tpu.memory_space<vmem>>) semaphore(%arg10 : memref<!tpu.dma_semaphore, #tpu.memory_space<semaphore_mem>>) {add = true}
      %dma_start3A_293 = arith.constant 6 : i32
      %dma_start3A_294 = arith.constant 0 : i32
      %dma_start3A_295 = tpu.memref_slice %arg6[%dma_start3A_293, %dma_start3A_294] : memref<8x128xi32, #tpu.memory_space<vmem>> -> memref<1x128xi32, #tpu.memory_space<vmem>>
      %dma_start3A_296 = tpu.memref_squeeze %dma_start3A_295 : memref<1x128xi32, #tpu.memory_space<vmem>> -> memref<128xi32, #tpu.memory_space<vmem>>
      %dma_start3A_297 = arith.constant 0 : i32
      %dma_start3A_298 = arith.constant 0 : i32
      %dma_start3A_299 = tpu.memref_slice %arg8[%dma_start3A_297, %dma_start3A_298] : memref<10240x128xf32, #tpu.memory_space<vmem_shared>> -> memref<10240x128xf32, #tpu.memory_space<vmem_shared>>
      tpu.enqueue_indirect_dma source(%arg7 : memref<128x128xf32, #tpu.memory_space<vmem>>) target(%dma_start3A_299 : memref<10240x128xf32, #tpu.memory_space<vmem_shared>>) offsets(%dma_start3A_296 : memref<128xi32, #tpu.memory_space<vmem>>) semaphore(%arg10 : memref<!tpu.dma_semaphore, #tpu.memory_space<semaphore_mem>>) {add = true}
      %dma_start3A_300 = arith.constant 7 : i32
      %dma_start3A_301 = arith.constant 0 : i32
      %dma_start3A_302 = tpu.memref_slice %arg6[%dma_start3A_300, %dma_start3A_301] : memref<8x128xi32, #tpu.memory_space<vmem>> -> memref<1x128xi32, #tpu.memory_space<vmem>>
      %dma_start3A_303 = tpu.memref_squeeze %dma_start3A_302 : memref<1x128xi32, #tpu.memory_space<vmem>> -> memref<128xi32, #tpu.memory_space<vmem>>
      %dma_start3A_304 = arith.constant 0 : i32
      %dma_start3A_305 = arith.constant 0 : i32
      %dma_start3A_306 = tpu.memref_slice %arg8[%dma_start3A_304, %dma_start3A_305] : memref<10240x128xf32, #tpu.memory_space<vmem_shared>> -> memref<10240x128xf32, #tpu.memory_space<vmem_shared>>
      tpu.enqueue_indirect_dma source(%arg7 : memref<128x128xf32, #tpu.memory_space<vmem>>) target(%dma_start3A_306 : memref<10240x128xf32, #tpu.memory_space<vmem_shared>>) offsets(%dma_start3A_303 : memref<128xi32, #tpu.memory_space<vmem>>) semaphore(%arg10 : memref<!tpu.dma_semaphore, #tpu.memory_space<semaphore_mem>>) {add = true}
      %dma_wait3A_307 = arith.constant 0 : i32
      %dma_wait3A_308 = arith.constant 0 : i32
      %dma_wait3A_309 = tpu.memref_slice %arg6[%dma_wait3A_307, %dma_wait3A_308] : memref<8x128xi32, #tpu.memory_space<vmem>> -> memref<1x128xi32, #tpu.memory_space<vmem>>
      %dma_wait3A_310 = tpu.memref_squeeze %dma_wait3A_309 : memref<1x128xi32, #tpu.memory_space<vmem>> -> memref<128xi32, #tpu.memory_space<vmem>>
      %dma_wait3A_311 = arith.constant 0 : i32
      %dma_wait3A_312 = arith.constant 0 : i32
      %dma_wait3A_313 = tpu.memref_slice %arg8[%dma_wait3A_311, %dma_wait3A_312] : memref<10240x128xf32, #tpu.memory_space<vmem_shared>> -> memref<10240x128xf32, #tpu.memory_space<vmem_shared>>
      tpu.wait_indirect_dma semaphore(%arg10 : memref<!tpu.dma_semaphore, #tpu.memory_space<semaphore_mem>>) src(%arg7 : memref<128x128xf32, #tpu.memory_space<vmem>>) dst(%dma_wait3A_313 : memref<10240x128xf32, #tpu.memory_space<vmem_shared>>)
      %dma_wait3A_314 = arith.constant 1 : i32
      %dma_wait3A_315 = arith.constant 0 : i32
      %dma_wait3A_316 = tpu.memref_slice %arg6[%dma_wait3A_314, %dma_wait3A_315] : memref<8x128xi32, #tpu.memory_space<vmem>> -> memref<1x128xi32, #tpu.memory_space<vmem>>
      %dma_wait3A_317 = tpu.memref_squeeze %dma_wait3A_316 : memref<1x128xi32, #tpu.memory_space<vmem>> -> memref<128xi32, #tpu.memory_space<vmem>>
      %dma_wait3A_318 = arith.constant 0 : i32
      %dma_wait3A_319 = arith.constant 0 : i32
      %dma_wait3A_320 = tpu.memref_slice %arg8[%dma_wait3A_318, %dma_wait3A_319] : memref<10240x128xf32, #tpu.memory_space<vmem_shared>> -> memref<10240x128xf32, #tpu.memory_space<vmem_shared>>
      tpu.wait_indirect_dma semaphore(%arg10 : memref<!tpu.dma_semaphore, #tpu.memory_space<semaphore_mem>>) src(%arg7 : memref<128x128xf32, #tpu.memory_space<vmem>>) dst(%dma_wait3A_320 : memref<10240x128xf32, #tpu.memory_space<vmem_shared>>)
      %dma_wait3A_321 = arith.constant 2 : i32
      %dma_wait3A_322 = arith.constant 0 : i32
      %dma_wait3A_323 = tpu.memref_slice %arg6[%dma_wait3A_321, %dma_wait3A_322] : memref<8x128xi32, #tpu.memory_space<vmem>> -> memref<1x128xi32, #tpu.memory_space<vmem>>
      %dma_wait3A_324 = tpu.memref_squeeze %dma_wait3A_323 : memref<1x128xi32, #tpu.memory_space<vmem>> -> memref<128xi32, #tpu.memory_space<vmem>>
      %dma_wait3A_325 = arith.constant 0 : i32
      %dma_wait3A_326 = arith.constant 0 : i32
      %dma_wait3A_327 = tpu.memref_slice %arg8[%dma_wait3A_325, %dma_wait3A_326] : memref<10240x128xf32, #tpu.memory_space<vmem_shared>> -> memref<10240x128xf32, #tpu.memory_space<vmem_shared>>
      tpu.wait_indirect_dma semaphore(%arg10 : memref<!tpu.dma_semaphore, #tpu.memory_space<semaphore_mem>>) src(%arg7 : memref<128x128xf32, #tpu.memory_space<vmem>>) dst(%dma_wait3A_327 : memref<10240x128xf32, #tpu.memory_space<vmem_shared>>)
      %dma_wait3A_328 = arith.constant 3 : i32
      %dma_wait3A_329 = arith.constant 0 : i32
      %dma_wait3A_330 = tpu.memref_slice %arg6[%dma_wait3A_328, %dma_wait3A_329] : memref<8x128xi32, #tpu.memory_space<vmem>> -> memref<1x128xi32, #tpu.memory_space<vmem>>
      %dma_wait3A_331 = tpu.memref_squeeze %dma_wait3A_330 : memref<1x128xi32, #tpu.memory_space<vmem>> -> memref<128xi32, #tpu.memory_space<vmem>>
      %dma_wait3A_332 = arith.constant 0 : i32
      %dma_wait3A_333 = arith.constant 0 : i32
      %dma_wait3A_334 = tpu.memref_slice %arg8[%dma_wait3A_332, %dma_wait3A_333] : memref<10240x128xf32, #tpu.memory_space<vmem_shared>> -> memref<10240x128xf32, #tpu.memory_space<vmem_shared>>
      tpu.wait_indirect_dma semaphore(%arg10 : memref<!tpu.dma_semaphore, #tpu.memory_space<semaphore_mem>>) src(%arg7 : memref<128x128xf32, #tpu.memory_space<vmem>>) dst(%dma_wait3A_334 : memref<10240x128xf32, #tpu.memory_space<vmem_shared>>)
      %dma_wait3A_335 = arith.constant 4 : i32
      %dma_wait3A_336 = arith.constant 0 : i32
      %dma_wait3A_337 = tpu.memref_slice %arg6[%dma_wait3A_335, %dma_wait3A_336] : memref<8x128xi32, #tpu.memory_space<vmem>> -> memref<1x128xi32, #tpu.memory_space<vmem>>
      %dma_wait3A_338 = tpu.memref_squeeze %dma_wait3A_337 : memref<1x128xi32, #tpu.memory_space<vmem>> -> memref<128xi32, #tpu.memory_space<vmem>>
      %dma_wait3A_339 = arith.constant 0 : i32
      %dma_wait3A_340 = arith.constant 0 : i32
      %dma_wait3A_341 = tpu.memref_slice %arg8[%dma_wait3A_339, %dma_wait3A_340] : memref<10240x128xf32, #tpu.memory_space<vmem_shared>> -> memref<10240x128xf32, #tpu.memory_space<vmem_shared>>
      tpu.wait_indirect_dma semaphore(%arg10 : memref<!tpu.dma_semaphore, #tpu.memory_space<semaphore_mem>>) src(%arg7 : memref<128x128xf32, #tpu.memory_space<vmem>>) dst(%dma_wait3A_341 : memref<10240x128xf32, #tpu.memory_space<vmem_shared>>)
      %dma_wait3A_342 = arith.constant 5 : i32
      %dma_wait3A_343 = arith.constant 0 : i32
      %dma_wait3A_344 = tpu.memref_slice %arg6[%dma_wait3A_342, %dma_wait3A_343] : memref<8x128xi32, #tpu.memory_space<vmem>> -> memref<1x128xi32, #tpu.memory_space<vmem>>
      %dma_wait3A_345 = tpu.memref_squeeze %dma_wait3A_344 : memref<1x128xi32, #tpu.memory_space<vmem>> -> memref<128xi32, #tpu.memory_space<vmem>>
      %dma_wait3A_346 = arith.constant 0 : i32
      %dma_wait3A_347 = arith.constant 0 : i32
      %dma_wait3A_348 = tpu.memref_slice %arg8[%dma_wait3A_346, %dma_wait3A_347] : memref<10240x128xf32, #tpu.memory_space<vmem_shared>> -> memref<10240x128xf32, #tpu.memory_space<vmem_shared>>
      tpu.wait_indirect_dma semaphore(%arg10 : memref<!tpu.dma_semaphore, #tpu.memory_space<semaphore_mem>>) src(%arg7 : memref<128x128xf32, #tpu.memory_space<vmem>>) dst(%dma_wait3A_348 : memref<10240x128xf32, #tpu.memory_space<vmem_shared>>)
      %dma_wait3A_349 = arith.constant 6 : i32
      %dma_wait3A_350 = arith.constant 0 : i32
      %dma_wait3A_351 = tpu.memref_slice %arg6[%dma_wait3A_349, %dma_wait3A_350] : memref<8x128xi32, #tpu.memory_space<vmem>> -> memref<1x128xi32, #tpu.memory_space<vmem>>
      %dma_wait3A_352 = tpu.memref_squeeze %dma_wait3A_351 : memref<1x128xi32, #tpu.memory_space<vmem>> -> memref<128xi32, #tpu.memory_space<vmem>>
      %dma_wait3A_353 = arith.constant 0 : i32
      %dma_wait3A_354 = arith.constant 0 : i32
      %dma_wait3A_355 = tpu.memref_slice %arg8[%dma_wait3A_353, %dma_wait3A_354] : memref<10240x128xf32, #tpu.memory_space<vmem_shared>> -> memref<10240x128xf32, #tpu.memory_space<vmem_shared>>
      tpu.wait_indirect_dma semaphore(%arg10 : memref<!tpu.dma_semaphore, #tpu.memory_space<semaphore_mem>>) src(%arg7 : memref<128x128xf32, #tpu.memory_space<vmem>>) dst(%dma_wait3A_355 : memref<10240x128xf32, #tpu.memory_space<vmem_shared>>)
      %dma_wait3A_356 = arith.constant 7 : i32
      %dma_wait3A_357 = arith.constant 0 : i32
      %dma_wait3A_358 = tpu.memref_slice %arg6[%dma_wait3A_356, %dma_wait3A_357] : memref<8x128xi32, #tpu.memory_space<vmem>> -> memref<1x128xi32, #tpu.memory_space<vmem>>
      %dma_wait3A_359 = tpu.memref_squeeze %dma_wait3A_358 : memref<1x128xi32, #tpu.memory_space<vmem>> -> memref<128xi32, #tpu.memory_space<vmem>>
      %dma_wait3A_360 = arith.constant 0 : i32
      %dma_wait3A_361 = arith.constant 0 : i32
      %dma_wait3A_362 = tpu.memref_slice %arg8[%dma_wait3A_360, %dma_wait3A_361] : memref<10240x128xf32, #tpu.memory_space<vmem_shared>> -> memref<10240x128xf32, #tpu.memory_space<vmem_shared>>
      tpu.wait_indirect_dma semaphore(%arg10 : memref<!tpu.dma_semaphore, #tpu.memory_space<semaphore_mem>>) src(%arg7 : memref<128x128xf32, #tpu.memory_space<vmem>>) dst(%dma_wait3A_362 : memref<10240x128xf32, #tpu.memory_space<vmem_shared>>)
    }
    %barrier3A_21 = arith.constant 0 : index
    tpu.barrier barrier_id(%barrier3A_21)
    %mul3A_22 = arith.constant 640 : i32
    %mul3A_23 = arith.muli %arg1, %mul3A_22 : i32
    %mul3A_24 = arith.constant 640 : i32
    %mul3A_25 = arith.muli %arg1, %mul3A_24 : i32
    "tpu.region"() ({
      %run_scoped3A = tpu.sem_alloc : memref<!tpu.dma_semaphore, #tpu.memory_space<semaphore_mem>>
      %dma_start3A = arith.constant 0 : i32
      %dma_start3A_26 = tpu.memref_slice %arg5[%arg0, %mul3A_25, %dma_start3A] : memref<2x10240x128xf32, #tpu.memory_space<hbm>> -> memref<1x640x128xf32, #tpu.memory_space<hbm>>
      %dma_start3A_27 = tpu.memref_squeeze %dma_start3A_26 : memref<1x640x128xf32, #tpu.memory_space<hbm>> -> memref<640x128xf32, #tpu.memory_space<hbm>>
      %dma_start3A_28 = arith.constant 0 : i32
      %dma_start3A_29 = tpu.memref_slice %arg8[%mul3A_23, %dma_start3A_28] : memref<10240x128xf32, #tpu.memory_space<vmem_shared>> -> memref<640x128xf32, #tpu.memory_space<vmem_shared>>
      tpu.enqueue_dma source(%dma_start3A_29 : memref<640x128xf32, #tpu.memory_space<vmem_shared>>) target(%dma_start3A_27 : memref<640x128xf32, #tpu.memory_space<hbm>>) target_semaphore(%run_scoped3A : memref<!tpu.dma_semaphore, #tpu.memory_space<semaphore_mem>>)
      %dma_wait3A = arith.constant 0 : i32
      %dma_wait3A_30 = tpu.memref_slice %arg5[%arg0, %mul3A_25, %dma_wait3A] : memref<2x10240x128xf32, #tpu.memory_space<hbm>> -> memref<1x640x128xf32, #tpu.memory_space<hbm>>
      %dma_wait3A_31 = tpu.memref_squeeze %dma_wait3A_30 : memref<1x640x128xf32, #tpu.memory_space<hbm>> -> memref<640x128xf32, #tpu.memory_space<hbm>>
      %dma_wait3A_32 = arith.constant 0 : i32
      %dma_wait3A_33 = tpu.memref_slice %arg8[%mul3A_23, %dma_wait3A_32] : memref<10240x128xf32, #tpu.memory_space<vmem_shared>> -> memref<640x128xf32, #tpu.memory_space<vmem_shared>>
      tpu.wait_dma2 semaphore(%run_scoped3A : memref<!tpu.dma_semaphore, #tpu.memory_space<semaphore_mem>>) src(%dma_wait3A_33 : memref<640x128xf32, #tpu.memory_space<vmem_shared>>) dst(%dma_wait3A_31 : memref<640x128xf32, #tpu.memory_space<hbm>>)
      tpu.yield
    }) : () -> ()
    return
  }
}

module attributes {stable_mosaic.version = 14 : i64} {
  func.func @_enc_body(%arg0: i32, %arg1: memref<400x384xf32, #tpu.memory_space<vmem>>, %arg2: memref<400x32xf32, #tpu.memory_space<vmem>>, %arg3: memref<16x512xf32, #tpu.memory_space<vmem>>, %arg4: memref<128x512xf32, #tpu.memory_space<vmem>>, %arg5: memref<1x512xf32, #tpu.memory_space<vmem>>, %arg6: memref<128x512xf32, #tpu.memory_space<vmem>>, %arg7: memref<128x512xf32, #tpu.memory_space<vmem>>, %arg8: memref<1x512xf32, #tpu.memory_space<vmem>>, %arg9: memref<32x64xf32, #tpu.memory_space<vmem>>, %arg10: memref<1x64xf32, #tpu.memory_space<vmem>>, %arg11: memref<128x128xf32, #tpu.memory_space<vmem>>, %arg12: memref<64x128xf32, #tpu.memory_space<vmem>>, %arg13: memref<1x128xf32, #tpu.memory_space<vmem>>, %arg14: memref<400x128xf32, #tpu.memory_space<vmem>>) attributes {dimension_semantics = [#tpu.dimension_semantics<arbitrary>], iteration_bounds = array<i64: 50>, scalar_prefetch = 0 : i64, scratch_operands = 0 : i64, tpu.core_type = #tpu.core_type<tc>, window_params = [{transform_indices = @transform_0, window_bounds = array<i64: 400, 384>}, {transform_indices = @transform_1, window_bounds = array<i64: 400, 32>}, {pipeline_mode = #tpu.pipeline_mode<synchronous>, transform_indices = @transform_2, window_bounds = array<i64: 16, 512>}, {pipeline_mode = #tpu.pipeline_mode<synchronous>, transform_indices = @transform_3, window_bounds = array<i64: 128, 512>}, {pipeline_mode = #tpu.pipeline_mode<synchronous>, transform_indices = @transform_4, window_bounds = array<i64: 1, 512>}, {pipeline_mode = #tpu.pipeline_mode<synchronous>, transform_indices = @transform_5, window_bounds = array<i64: 128, 512>}, {pipeline_mode = #tpu.pipeline_mode<synchronous>, transform_indices = @transform_6, window_bounds = array<i64: 128, 512>}, {pipeline_mode = #tpu.pipeline_mode<synchronous>, transform_indices = @transform_7, window_bounds = array<i64: 1, 512>}, {pipeline_mode = #tpu.pipeline_mode<synchronous>, transform_indices = @transform_8, window_bounds = array<i64: 32, 64>}, {pipeline_mode = #tpu.pipeline_mode<synchronous>, transform_indices = @transform_9, window_bounds = array<i64: 1, 64>}, {pipeline_mode = #tpu.pipeline_mode<synchronous>, transform_indices = @transform_10, window_bounds = array<i64: 128, 128>}, {pipeline_mode = #tpu.pipeline_mode<synchronous>, transform_indices = @transform_11, window_bounds = array<i64: 64, 128>}, {pipeline_mode = #tpu.pipeline_mode<synchronous>, transform_indices = @transform_12, window_bounds = array<i64: 1, 128>}, {transform_indices = @transform_13, window_bounds = array<i64: 400, 128>}]} {
    %get3A = arith.constant 0 : index
    %get3A_0 = arith.constant 0 : index
    %get3A_1 = vector.load %arg3[%get3A, %get3A_0] : memref<16x512xf32, #tpu.memory_space<vmem>>, vector<16x512xf32>
    %get3A_2 = arith.constant 0 : index
    %get3A_3 = arith.constant 0 : index
    %get3A_4 = vector.load %arg4[%get3A_2, %get3A_3] : memref<128x512xf32, #tpu.memory_space<vmem>>, vector<128x512xf32>
    %get3A_5 = arith.constant 0 : index
    %get3A_6 = arith.constant 0 : index
    %get3A_7 = vector.load %arg6[%get3A_5, %get3A_6] : memref<128x512xf32, #tpu.memory_space<vmem>>, vector<128x512xf32>
    %get3A_8 = arith.constant 0 : index
    %get3A_9 = arith.constant 0 : index
    %get3A_10 = vector.load %arg7[%get3A_8, %get3A_9] : memref<128x512xf32, #tpu.memory_space<vmem>>, vector<128x512xf32>
    %get3A_11 = arith.constant 0 : index
    %get3A_12 = arith.constant 0 : index
    %get3A_13 = vector.load %arg5[%get3A_11, %get3A_12] : memref<1x512xf32, #tpu.memory_space<vmem>>, vector<1x512xf32>
    %get3A_14 = arith.constant 0 : index
    %get3A_15 = arith.constant 0 : index
    %get3A_16 = vector.load %arg8[%get3A_14, %get3A_15] : memref<1x512xf32, #tpu.memory_space<vmem>>, vector<1x512xf32>
    %broadcast_in_dim3A = arith.constant 0.000000e+00 : f32
    %broadcast_in_dim3A_17 = vector.broadcast %broadcast_in_dim3A : f32 to vector<400x128xf32>
    %broadcast_in_dim3A_18 = arith.constant 0.000000e+00 : f32
    %broadcast_in_dim3A_19 = vector.broadcast %broadcast_in_dim3A_18 : f32 to vector<400x128xf32>
    %broadcast_in_dim3A_20 = arith.constant 0.000000e+00 : f32
    %broadcast_in_dim3A_21 = vector.broadcast %broadcast_in_dim3A_20 : f32 to vector<400x128xf32>
    %broadcast_in_dim3A_22 = arith.constant 0.000000e+00 : f32
    %broadcast_in_dim3A_23 = vector.broadcast %broadcast_in_dim3A_22 : f32 to vector<400x128xf32>
    %get3A_24 = arith.constant 0 : index
    %get3A_25 = arith.constant 0 : index
    %get3A_26 = vector.load %arg1[%get3A_24, %get3A_25] : memref<400x384xf32, #tpu.memory_space<vmem>>, vector<400x16xf32>
    %dot_general3A = arith.constant dense<0.000000e+00> : vector<400x512xf32>
    %dot_general3A_27 = tpu.matmul %get3A_26, %get3A_1, %dot_general3A {dimension_numbers = #tpu.dot_dimension_numbers<[1], [0], [0], [1], [0, 0, 1, 1], [], []>, transpose_lhs_hint = false} : vector<400x16xf32>, vector<16x512xf32>, vector<400x512xf32> -> vector<400x512xf32>
    %dot_general3A_28 = arith.constant dense<0.000000e+00> : vector<400x512xf32>
    %dot_general3A_29 = tpu.matmul %broadcast_in_dim3A_17, %get3A_4, %dot_general3A_28 {dimension_numbers = #tpu.dot_dimension_numbers<[1], [0], [0], [1], [0, 0, 1, 1], [], []>, transpose_lhs_hint = false} : vector<400x128xf32>, vector<128x512xf32>, vector<400x512xf32> -> vector<400x512xf32>
    %add3A = arith.addf %dot_general3A_27, %dot_general3A_29 : vector<400x512xf32>
    %add3A_30 = vector.broadcast %get3A_13 : vector<1x512xf32> to vector<400x512xf32>
    %add3A_31 = arith.addf %add3A, %add3A_30 : vector<400x512xf32>
    %slice3A = vector.extract_strided_slice %add3A_31 {offsets = [0, 0], sizes = [400, 128], strides = [1, 1]} : vector<400x512xf32> to vector<400x128xf32>
    %mul3A = arith.constant 5.000000e-01 : f32
    %mul3A_32 = vector.broadcast %mul3A : f32 to vector<400x128xf32>
    %mul3A_33 = arith.mulf %mul3A_32, %slice3A : vector<400x128xf32>
    %tanh3A = math.tanh %mul3A_33 : vector<400x128xf32>
    %mul3A_34 = arith.constant 5.000000e-01 : f32
    %mul3A_35 = vector.broadcast %mul3A_34 : f32 to vector<400x128xf32>
    %mul3A_36 = arith.mulf %mul3A_35, %tanh3A : vector<400x128xf32>
    %add3A_37 = arith.constant 5.000000e-01 : f32
    %add3A_38 = vector.broadcast %add3A_37 : f32 to vector<400x128xf32>
    %add3A_39 = arith.addf %mul3A_36, %add3A_38 : vector<400x128xf32>
    %slice3A_40 = vector.extract_strided_slice %add3A_31 {offsets = [0, 128], sizes = [400, 128], strides = [1, 1]} : vector<400x512xf32> to vector<400x128xf32>
    %mul3A_41 = arith.constant 5.000000e-01 : f32
    %mul3A_42 = vector.broadcast %mul3A_41 : f32 to vector<400x128xf32>
    %mul3A_43 = arith.mulf %mul3A_42, %slice3A_40 : vector<400x128xf32>
    %tanh3A_44 = math.tanh %mul3A_43 : vector<400x128xf32>
    %mul3A_45 = arith.constant 5.000000e-01 : f32
    %mul3A_46 = vector.broadcast %mul3A_45 : f32 to vector<400x128xf32>
    %mul3A_47 = arith.mulf %mul3A_46, %tanh3A_44 : vector<400x128xf32>
    %add3A_48 = arith.constant 5.000000e-01 : f32
    %add3A_49 = vector.broadcast %add3A_48 : f32 to vector<400x128xf32>
    %add3A_50 = arith.addf %mul3A_47, %add3A_49 : vector<400x128xf32>
    %slice3A_51 = vector.extract_strided_slice %add3A_31 {offsets = [0, 256], sizes = [400, 128], strides = [1, 1]} : vector<400x512xf32> to vector<400x128xf32>
    %tanh3A_52 = math.tanh %slice3A_51 : vector<400x128xf32>
    %slice3A_53 = vector.extract_strided_slice %add3A_31 {offsets = [0, 384], sizes = [400, 128], strides = [1, 1]} : vector<400x512xf32> to vector<400x128xf32>
    %mul3A_54 = arith.constant 5.000000e-01 : f32
    %mul3A_55 = vector.broadcast %mul3A_54 : f32 to vector<400x128xf32>
    %mul3A_56 = arith.mulf %mul3A_55, %slice3A_53 : vector<400x128xf32>
    %tanh3A_57 = math.tanh %mul3A_56 : vector<400x128xf32>
    %mul3A_58 = arith.constant 5.000000e-01 : f32
    %mul3A_59 = vector.broadcast %mul3A_58 : f32 to vector<400x128xf32>
    %mul3A_60 = arith.mulf %mul3A_59, %tanh3A_57 : vector<400x128xf32>
    %add3A_61 = arith.constant 5.000000e-01 : f32
    %add3A_62 = vector.broadcast %add3A_61 : f32 to vector<400x128xf32>
    %add3A_63 = arith.addf %mul3A_60, %add3A_62 : vector<400x128xf32>
    %mul3A_64 = arith.mulf %add3A_50, %broadcast_in_dim3A_19 : vector<400x128xf32>
    %mul3A_65 = arith.mulf %add3A_39, %tanh3A_52 : vector<400x128xf32>
    %add3A_66 = arith.addf %mul3A_64, %mul3A_65 : vector<400x128xf32>
    %tanh3A_67 = math.tanh %add3A_66 : vector<400x128xf32>
    %mul3A_68 = arith.mulf %add3A_63, %tanh3A_67 : vector<400x128xf32>
    %dot_general3A_69 = arith.constant dense<0.000000e+00> : vector<400x512xf32>
    %dot_general3A_70 = tpu.matmul %mul3A_68, %get3A_7, %dot_general3A_69 {dimension_numbers = #tpu.dot_dimension_numbers<[1], [0], [0], [1], [0, 0, 1, 1], [], []>, transpose_lhs_hint = false} : vector<400x128xf32>, vector<128x512xf32>, vector<400x512xf32> -> vector<400x512xf32>
    %dot_general3A_71 = arith.constant dense<0.000000e+00> : vector<400x512xf32>
    %dot_general3A_72 = tpu.matmul %broadcast_in_dim3A_21, %get3A_10, %dot_general3A_71 {dimension_numbers = #tpu.dot_dimension_numbers<[1], [0], [0], [1], [0, 0, 1, 1], [], []>, transpose_lhs_hint = false} : vector<400x128xf32>, vector<128x512xf32>, vector<400x512xf32> -> vector<400x512xf32>
    %add3A_73 = arith.addf %dot_general3A_70, %dot_general3A_72 : vector<400x512xf32>
    %add3A_74 = vector.broadcast %get3A_16 : vector<1x512xf32> to vector<400x512xf32>
    %add3A_75 = arith.addf %add3A_73, %add3A_74 : vector<400x512xf32>
    %slice3A_76 = vector.extract_strided_slice %add3A_75 {offsets = [0, 0], sizes = [400, 128], strides = [1, 1]} : vector<400x512xf32> to vector<400x128xf32>
    %mul3A_77 = arith.constant 5.000000e-01 : f32
    %mul3A_78 = vector.broadcast %mul3A_77 : f32 to vector<400x128xf32>
    %mul3A_79 = arith.mulf %mul3A_78, %slice3A_76 : vector<400x128xf32>
    %tanh3A_80 = math.tanh %mul3A_79 : vector<400x128xf32>
    %mul3A_81 = arith.constant 5.000000e-01 : f32
    %mul3A_82 = vector.broadcast %mul3A_81 : f32 to vector<400x128xf32>
    %mul3A_83 = arith.mulf %mul3A_82, %tanh3A_80 : vector<400x128xf32>
    %add3A_84 = arith.constant 5.000000e-01 : f32
    %add3A_85 = vector.broadcast %add3A_84 : f32 to vector<400x128xf32>
    %add3A_86 = arith.addf %mul3A_83, %add3A_85 : vector<400x128xf32>
    %slice3A_87 = vector.extract_strided_slice %add3A_75 {offsets = [0, 128], sizes = [400, 128], strides = [1, 1]} : vector<400x512xf32> to vector<400x128xf32>
    %mul3A_88 = arith.constant 5.000000e-01 : f32
    %mul3A_89 = vector.broadcast %mul3A_88 : f32 to vector<400x128xf32>
    %mul3A_90 = arith.mulf %mul3A_89, %slice3A_87 : vector<400x128xf32>
    %tanh3A_91 = math.tanh %mul3A_90 : vector<400x128xf32>
    %mul3A_92 = arith.constant 5.000000e-01 : f32
    %mul3A_93 = vector.broadcast %mul3A_92 : f32 to vector<400x128xf32>
    %mul3A_94 = arith.mulf %mul3A_93, %tanh3A_91 : vector<400x128xf32>
    %add3A_95 = arith.constant 5.000000e-01 : f32
    %add3A_96 = vector.broadcast %add3A_95 : f32 to vector<400x128xf32>
    %add3A_97 = arith.addf %mul3A_94, %add3A_96 : vector<400x128xf32>
    %slice3A_98 = vector.extract_strided_slice %add3A_75 {offsets = [0, 256], sizes = [400, 128], strides = [1, 1]} : vector<400x512xf32> to vector<400x128xf32>
    %tanh3A_99 = math.tanh %slice3A_98 : vector<400x128xf32>
    %slice3A_100 = vector.extract_strided_slice %add3A_75 {offsets = [0, 384], sizes = [400, 128], strides = [1, 1]} : vector<400x512xf32> to vector<400x128xf32>
    %mul3A_101 = arith.constant 5.000000e-01 : f32
    %mul3A_102 = vector.broadcast %mul3A_101 : f32 to vector<400x128xf32>
    %mul3A_103 = arith.mulf %mul3A_102, %slice3A_100 : vector<400x128xf32>
    %tanh3A_104 = math.tanh %mul3A_103 : vector<400x128xf32>
    %mul3A_105 = arith.constant 5.000000e-01 : f32
    %mul3A_106 = vector.broadcast %mul3A_105 : f32 to vector<400x128xf32>
    %mul3A_107 = arith.mulf %mul3A_106, %tanh3A_104 : vector<400x128xf32>
    %add3A_108 = arith.constant 5.000000e-01 : f32
    %add3A_109 = vector.broadcast %add3A_108 : f32 to vector<400x128xf32>
    %add3A_110 = arith.addf %mul3A_107, %add3A_109 : vector<400x128xf32>
    %mul3A_111 = arith.mulf %add3A_97, %broadcast_in_dim3A_23 : vector<400x128xf32>
    %mul3A_112 = arith.mulf %add3A_86, %tanh3A_99 : vector<400x128xf32>
    %add3A_113 = arith.addf %mul3A_111, %mul3A_112 : vector<400x128xf32>
    %tanh3A_114 = math.tanh %add3A_113 : vector<400x128xf32>
    %mul3A_115 = arith.mulf %add3A_110, %tanh3A_114 : vector<400x128xf32>
    %get3A_116 = arith.constant 0 : index
    %get3A_117 = arith.constant 16 : index
    %get3A_118 = vector.load %arg1[%get3A_116, %get3A_117] : memref<400x384xf32, #tpu.memory_space<vmem>>, vector<400x16xf32>
    %dot_general3A_119 = arith.constant dense<0.000000e+00> : vector<400x512xf32>
    %dot_general3A_120 = tpu.matmul %get3A_118, %get3A_1, %dot_general3A_119 {dimension_numbers = #tpu.dot_dimension_numbers<[1], [0], [0], [1], [0, 0, 1, 1], [], []>, transpose_lhs_hint = false} : vector<400x16xf32>, vector<16x512xf32>, vector<400x512xf32> -> vector<400x512xf32>
    %dot_general3A_121 = arith.constant dense<0.000000e+00> : vector<400x512xf32>
    %dot_general3A_122 = tpu.matmul %mul3A_68, %get3A_4, %dot_general3A_121 {dimension_numbers = #tpu.dot_dimension_numbers<[1], [0], [0], [1], [0, 0, 1, 1], [], []>, transpose_lhs_hint = false} : vector<400x128xf32>, vector<128x512xf32>, vector<400x512xf32> -> vector<400x512xf32>
    %add3A_123 = arith.addf %dot_general3A_120, %dot_general3A_122 : vector<400x512xf32>
    %add3A_124 = vector.broadcast %get3A_13 : vector<1x512xf32> to vector<400x512xf32>
    %add3A_125 = arith.addf %add3A_123, %add3A_124 : vector<400x512xf32>
    %slice3A_126 = vector.extract_strided_slice %add3A_125 {offsets = [0, 0], sizes = [400, 128], strides = [1, 1]} : vector<400x512xf32> to vector<400x128xf32>
    %mul3A_127 = arith.constant 5.000000e-01 : f32
    %mul3A_128 = vector.broadcast %mul3A_127 : f32 to vector<400x128xf32>
    %mul3A_129 = arith.mulf %mul3A_128, %slice3A_126 : vector<400x128xf32>
    %tanh3A_130 = math.tanh %mul3A_129 : vector<400x128xf32>
    %mul3A_131 = arith.constant 5.000000e-01 : f32
    %mul3A_132 = vector.broadcast %mul3A_131 : f32 to vector<400x128xf32>
    %mul3A_133 = arith.mulf %mul3A_132, %tanh3A_130 : vector<400x128xf32>
    %add3A_134 = arith.constant 5.000000e-01 : f32
    %add3A_135 = vector.broadcast %add3A_134 : f32 to vector<400x128xf32>
    %add3A_136 = arith.addf %mul3A_133, %add3A_135 : vector<400x128xf32>
    %slice3A_137 = vector.extract_strided_slice %add3A_125 {offsets = [0, 128], sizes = [400, 128], strides = [1, 1]} : vector<400x512xf32> to vector<400x128xf32>
    %mul3A_138 = arith.constant 5.000000e-01 : f32
    %mul3A_139 = vector.broadcast %mul3A_138 : f32 to vector<400x128xf32>
    %mul3A_140 = arith.mulf %mul3A_139, %slice3A_137 : vector<400x128xf32>
    %tanh3A_141 = math.tanh %mul3A_140 : vector<400x128xf32>
    %mul3A_142 = arith.constant 5.000000e-01 : f32
    %mul3A_143 = vector.broadcast %mul3A_142 : f32 to vector<400x128xf32>
    %mul3A_144 = arith.mulf %mul3A_143, %tanh3A_141 : vector<400x128xf32>
    %add3A_145 = arith.constant 5.000000e-01 : f32
    %add3A_146 = vector.broadcast %add3A_145 : f32 to vector<400x128xf32>
    %add3A_147 = arith.addf %mul3A_144, %add3A_146 : vector<400x128xf32>
    %slice3A_148 = vector.extract_strided_slice %add3A_125 {offsets = [0, 256], sizes = [400, 128], strides = [1, 1]} : vector<400x512xf32> to vector<400x128xf32>
    %tanh3A_149 = math.tanh %slice3A_148 : vector<400x128xf32>
    %slice3A_150 = vector.extract_strided_slice %add3A_125 {offsets = [0, 384], sizes = [400, 128], strides = [1, 1]} : vector<400x512xf32> to vector<400x128xf32>
    %mul3A_151 = arith.constant 5.000000e-01 : f32
    %mul3A_152 = vector.broadcast %mul3A_151 : f32 to vector<400x128xf32>
    %mul3A_153 = arith.mulf %mul3A_152, %slice3A_150 : vector<400x128xf32>
    %tanh3A_154 = math.tanh %mul3A_153 : vector<400x128xf32>
    %mul3A_155 = arith.constant 5.000000e-01 : f32
    %mul3A_156 = vector.broadcast %mul3A_155 : f32 to vector<400x128xf32>
    %mul3A_157 = arith.mulf %mul3A_156, %tanh3A_154 : vector<400x128xf32>
    %add3A_158 = arith.constant 5.000000e-01 : f32
    %add3A_159 = vector.broadcast %add3A_158 : f32 to vector<400x128xf32>
    %add3A_160 = arith.addf %mul3A_157, %add3A_159 : vector<400x128xf32>
    %mul3A_161 = arith.mulf %add3A_147, %add3A_66 : vector<400x128xf32>
    %mul3A_162 = arith.mulf %add3A_136, %tanh3A_149 : vector<400x128xf32>
    %add3A_163 = arith.addf %mul3A_161, %mul3A_162 : vector<400x128xf32>
    %tanh3A_164 = math.tanh %add3A_163 : vector<400x128xf32>
    %mul3A_165 = arith.mulf %add3A_160, %tanh3A_164 : vector<400x128xf32>
    %dot_general3A_166 = arith.constant dense<0.000000e+00> : vector<400x512xf32>
    %dot_general3A_167 = tpu.matmul %mul3A_165, %get3A_7, %dot_general3A_166 {dimension_numbers = #tpu.dot_dimension_numbers<[1], [0], [0], [1], [0, 0, 1, 1], [], []>, transpose_lhs_hint = false} : vector<400x128xf32>, vector<128x512xf32>, vector<400x512xf32> -> vector<400x512xf32>
    %dot_general3A_168 = arith.constant dense<0.000000e+00> : vector<400x512xf32>
    %dot_general3A_169 = tpu.matmul %mul3A_115, %get3A_10, %dot_general3A_168 {dimension_numbers = #tpu.dot_dimension_numbers<[1], [0], [0], [1], [0, 0, 1, 1], [], []>, transpose_lhs_hint = false} : vector<400x128xf32>, vector<128x512xf32>, vector<400x512xf32> -> vector<400x512xf32>
    %add3A_170 = arith.addf %dot_general3A_167, %dot_general3A_169 : vector<400x512xf32>
    %add3A_171 = vector.broadcast %get3A_16 : vector<1x512xf32> to vector<400x512xf32>
    %add3A_172 = arith.addf %add3A_170, %add3A_171 : vector<400x512xf32>
    %slice3A_173 = vector.extract_strided_slice %add3A_172 {offsets = [0, 0], sizes = [400, 128], strides = [1, 1]} : vector<400x512xf32> to vector<400x128xf32>
    %mul3A_174 = arith.constant 5.000000e-01 : f32
    %mul3A_175 = vector.broadcast %mul3A_174 : f32 to vector<400x128xf32>
    %mul3A_176 = arith.mulf %mul3A_175, %slice3A_173 : vector<400x128xf32>
    %tanh3A_177 = math.tanh %mul3A_176 : vector<400x128xf32>
    %mul3A_178 = arith.constant 5.000000e-01 : f32
    %mul3A_179 = vector.broadcast %mul3A_178 : f32 to vector<400x128xf32>
    %mul3A_180 = arith.mulf %mul3A_179, %tanh3A_177 : vector<400x128xf32>
    %add3A_181 = arith.constant 5.000000e-01 : f32
    %add3A_182 = vector.broadcast %add3A_181 : f32 to vector<400x128xf32>
    %add3A_183 = arith.addf %mul3A_180, %add3A_182 : vector<400x128xf32>
    %slice3A_184 = vector.extract_strided_slice %add3A_172 {offsets = [0, 128], sizes = [400, 128], strides = [1, 1]} : vector<400x512xf32> to vector<400x128xf32>
    %mul3A_185 = arith.constant 5.000000e-01 : f32
    %mul3A_186 = vector.broadcast %mul3A_185 : f32 to vector<400x128xf32>
    %mul3A_187 = arith.mulf %mul3A_186, %slice3A_184 : vector<400x128xf32>
    %tanh3A_188 = math.tanh %mul3A_187 : vector<400x128xf32>
    %mul3A_189 = arith.constant 5.000000e-01 : f32
    %mul3A_190 = vector.broadcast %mul3A_189 : f32 to vector<400x128xf32>
    %mul3A_191 = arith.mulf %mul3A_190, %tanh3A_188 : vector<400x128xf32>
    %add3A_192 = arith.constant 5.000000e-01 : f32
    %add3A_193 = vector.broadcast %add3A_192 : f32 to vector<400x128xf32>
    %add3A_194 = arith.addf %mul3A_191, %add3A_193 : vector<400x128xf32>
    %slice3A_195 = vector.extract_strided_slice %add3A_172 {offsets = [0, 256], sizes = [400, 128], strides = [1, 1]} : vector<400x512xf32> to vector<400x128xf32>
    %tanh3A_196 = math.tanh %slice3A_195 : vector<400x128xf32>
    %slice3A_197 = vector.extract_strided_slice %add3A_172 {offsets = [0, 384], sizes = [400, 128], strides = [1, 1]} : vector<400x512xf32> to vector<400x128xf32>
    %mul3A_198 = arith.constant 5.000000e-01 : f32
    %mul3A_199 = vector.broadcast %mul3A_198 : f32 to vector<400x128xf32>
    %mul3A_200 = arith.mulf %mul3A_199, %slice3A_197 : vector<400x128xf32>
    %tanh3A_201 = math.tanh %mul3A_200 : vector<400x128xf32>
    %mul3A_202 = arith.constant 5.000000e-01 : f32
    %mul3A_203 = vector.broadcast %mul3A_202 : f32 to vector<400x128xf32>
    %mul3A_204 = arith.mulf %mul3A_203, %tanh3A_201 : vector<400x128xf32>
    %add3A_205 = arith.constant 5.000000e-01 : f32
    %add3A_206 = vector.broadcast %add3A_205 : f32 to vector<400x128xf32>
    %add3A_207 = arith.addf %mul3A_204, %add3A_206 : vector<400x128xf32>
    %mul3A_208 = arith.mulf %add3A_194, %add3A_113 : vector<400x128xf32>
    %mul3A_209 = arith.mulf %add3A_183, %tanh3A_196 : vector<400x128xf32>
    %add3A_210 = arith.addf %mul3A_208, %mul3A_209 : vector<400x128xf32>
    %tanh3A_211 = math.tanh %add3A_210 : vector<400x128xf32>
    %mul3A_212 = arith.mulf %add3A_207, %tanh3A_211 : vector<400x128xf32>
    %get3A_213 = arith.constant 0 : index
    %get3A_214 = arith.constant 32 : index
    %get3A_215 = vector.load %arg1[%get3A_213, %get3A_214] : memref<400x384xf32, #tpu.memory_space<vmem>>, vector<400x16xf32>
    %dot_general3A_216 = arith.constant dense<0.000000e+00> : vector<400x512xf32>
    %dot_general3A_217 = tpu.matmul %get3A_215, %get3A_1, %dot_general3A_216 {dimension_numbers = #tpu.dot_dimension_numbers<[1], [0], [0], [1], [0, 0, 1, 1], [], []>, transpose_lhs_hint = false} : vector<400x16xf32>, vector<16x512xf32>, vector<400x512xf32> -> vector<400x512xf32>
    %dot_general3A_218 = arith.constant dense<0.000000e+00> : vector<400x512xf32>
    %dot_general3A_219 = tpu.matmul %mul3A_165, %get3A_4, %dot_general3A_218 {dimension_numbers = #tpu.dot_dimension_numbers<[1], [0], [0], [1], [0, 0, 1, 1], [], []>, transpose_lhs_hint = false} : vector<400x128xf32>, vector<128x512xf32>, vector<400x512xf32> -> vector<400x512xf32>
    %add3A_220 = arith.addf %dot_general3A_217, %dot_general3A_219 : vector<400x512xf32>
    %add3A_221 = vector.broadcast %get3A_13 : vector<1x512xf32> to vector<400x512xf32>
    %add3A_222 = arith.addf %add3A_220, %add3A_221 : vector<400x512xf32>
    %slice3A_223 = vector.extract_strided_slice %add3A_222 {offsets = [0, 0], sizes = [400, 128], strides = [1, 1]} : vector<400x512xf32> to vector<400x128xf32>
    %mul3A_224 = arith.constant 5.000000e-01 : f32
    %mul3A_225 = vector.broadcast %mul3A_224 : f32 to vector<400x128xf32>
    %mul3A_226 = arith.mulf %mul3A_225, %slice3A_223 : vector<400x128xf32>
    %tanh3A_227 = math.tanh %mul3A_226 : vector<400x128xf32>
    %mul3A_228 = arith.constant 5.000000e-01 : f32
    %mul3A_229 = vector.broadcast %mul3A_228 : f32 to vector<400x128xf32>
    %mul3A_230 = arith.mulf %mul3A_229, %tanh3A_227 : vector<400x128xf32>
    %add3A_231 = arith.constant 5.000000e-01 : f32
    %add3A_232 = vector.broadcast %add3A_231 : f32 to vector<400x128xf32>
    %add3A_233 = arith.addf %mul3A_230, %add3A_232 : vector<400x128xf32>
    %slice3A_234 = vector.extract_strided_slice %add3A_222 {offsets = [0, 128], sizes = [400, 128], strides = [1, 1]} : vector<400x512xf32> to vector<400x128xf32>
    %mul3A_235 = arith.constant 5.000000e-01 : f32
    %mul3A_236 = vector.broadcast %mul3A_235 : f32 to vector<400x128xf32>
    %mul3A_237 = arith.mulf %mul3A_236, %slice3A_234 : vector<400x128xf32>
    %tanh3A_238 = math.tanh %mul3A_237 : vector<400x128xf32>
    %mul3A_239 = arith.constant 5.000000e-01 : f32
    %mul3A_240 = vector.broadcast %mul3A_239 : f32 to vector<400x128xf32>
    %mul3A_241 = arith.mulf %mul3A_240, %tanh3A_238 : vector<400x128xf32>
    %add3A_242 = arith.constant 5.000000e-01 : f32
    %add3A_243 = vector.broadcast %add3A_242 : f32 to vector<400x128xf32>
    %add3A_244 = arith.addf %mul3A_241, %add3A_243 : vector<400x128xf32>
    %slice3A_245 = vector.extract_strided_slice %add3A_222 {offsets = [0, 256], sizes = [400, 128], strides = [1, 1]} : vector<400x512xf32> to vector<400x128xf32>
    %tanh3A_246 = math.tanh %slice3A_245 : vector<400x128xf32>
    %slice3A_247 = vector.extract_strided_slice %add3A_222 {offsets = [0, 384], sizes = [400, 128], strides = [1, 1]} : vector<400x512xf32> to vector<400x128xf32>
    %mul3A_248 = arith.constant 5.000000e-01 : f32
    %mul3A_249 = vector.broadcast %mul3A_248 : f32 to vector<400x128xf32>
    %mul3A_250 = arith.mulf %mul3A_249, %slice3A_247 : vector<400x128xf32>
    %tanh3A_251 = math.tanh %mul3A_250 : vector<400x128xf32>
    %mul3A_252 = arith.constant 5.000000e-01 : f32
    %mul3A_253 = vector.broadcast %mul3A_252 : f32 to vector<400x128xf32>
    %mul3A_254 = arith.mulf %mul3A_253, %tanh3A_251 : vector<400x128xf32>
    %add3A_255 = arith.constant 5.000000e-01 : f32
    %add3A_256 = vector.broadcast %add3A_255 : f32 to vector<400x128xf32>
    %add3A_257 = arith.addf %mul3A_254, %add3A_256 : vector<400x128xf32>
    %mul3A_258 = arith.mulf %add3A_244, %add3A_163 : vector<400x128xf32>
    %mul3A_259 = arith.mulf %add3A_233, %tanh3A_246 : vector<400x128xf32>
    %add3A_260 = arith.addf %mul3A_258, %mul3A_259 : vector<400x128xf32>
    %tanh3A_261 = math.tanh %add3A_260 : vector<400x128xf32>
    %mul3A_262 = arith.mulf %add3A_257, %tanh3A_261 : vector<400x128xf32>
    %dot_general3A_263 = arith.constant dense<0.000000e+00> : vector<400x512xf32>
    %dot_general3A_264 = tpu.matmul %mul3A_262, %get3A_7, %dot_general3A_263 {dimension_numbers = #tpu.dot_dimension_numbers<[1], [0], [0], [1], [0, 0, 1, 1], [], []>, transpose_lhs_hint = false} : vector<400x128xf32>, vector<128x512xf32>, vector<400x512xf32> -> vector<400x512xf32>
    %dot_general3A_265 = arith.constant dense<0.000000e+00> : vector<400x512xf32>
    %dot_general3A_266 = tpu.matmul %mul3A_212, %get3A_10, %dot_general3A_265 {dimension_numbers = #tpu.dot_dimension_numbers<[1], [0], [0], [1], [0, 0, 1, 1], [], []>, transpose_lhs_hint = false} : vector<400x128xf32>, vector<128x512xf32>, vector<400x512xf32> -> vector<400x512xf32>
    %add3A_267 = arith.addf %dot_general3A_264, %dot_general3A_266 : vector<400x512xf32>
    %add3A_268 = vector.broadcast %get3A_16 : vector<1x512xf32> to vector<400x512xf32>
    %add3A_269 = arith.addf %add3A_267, %add3A_268 : vector<400x512xf32>
    %slice3A_270 = vector.extract_strided_slice %add3A_269 {offsets = [0, 0], sizes = [400, 128], strides = [1, 1]} : vector<400x512xf32> to vector<400x128xf32>
    %mul3A_271 = arith.constant 5.000000e-01 : f32
    %mul3A_272 = vector.broadcast %mul3A_271 : f32 to vector<400x128xf32>
    %mul3A_273 = arith.mulf %mul3A_272, %slice3A_270 : vector<400x128xf32>
    %tanh3A_274 = math.tanh %mul3A_273 : vector<400x128xf32>
    %mul3A_275 = arith.constant 5.000000e-01 : f32
    %mul3A_276 = vector.broadcast %mul3A_275 : f32 to vector<400x128xf32>
    %mul3A_277 = arith.mulf %mul3A_276, %tanh3A_274 : vector<400x128xf32>
    %add3A_278 = arith.constant 5.000000e-01 : f32
    %add3A_279 = vector.broadcast %add3A_278 : f32 to vector<400x128xf32>
    %add3A_280 = arith.addf %mul3A_277, %add3A_279 : vector<400x128xf32>
    %slice3A_281 = vector.extract_strided_slice %add3A_269 {offsets = [0, 128], sizes = [400, 128], strides = [1, 1]} : vector<400x512xf32> to vector<400x128xf32>
    %mul3A_282 = arith.constant 5.000000e-01 : f32
    %mul3A_283 = vector.broadcast %mul3A_282 : f32 to vector<400x128xf32>
    %mul3A_284 = arith.mulf %mul3A_283, %slice3A_281 : vector<400x128xf32>
    %tanh3A_285 = math.tanh %mul3A_284 : vector<400x128xf32>
    %mul3A_286 = arith.constant 5.000000e-01 : f32
    %mul3A_287 = vector.broadcast %mul3A_286 : f32 to vector<400x128xf32>
    %mul3A_288 = arith.mulf %mul3A_287, %tanh3A_285 : vector<400x128xf32>
    %add3A_289 = arith.constant 5.000000e-01 : f32
    %add3A_290 = vector.broadcast %add3A_289 : f32 to vector<400x128xf32>
    %add3A_291 = arith.addf %mul3A_288, %add3A_290 : vector<400x128xf32>
    %slice3A_292 = vector.extract_strided_slice %add3A_269 {offsets = [0, 256], sizes = [400, 128], strides = [1, 1]} : vector<400x512xf32> to vector<400x128xf32>
    %tanh3A_293 = math.tanh %slice3A_292 : vector<400x128xf32>
    %slice3A_294 = vector.extract_strided_slice %add3A_269 {offsets = [0, 384], sizes = [400, 128], strides = [1, 1]} : vector<400x512xf32> to vector<400x128xf32>
    %mul3A_295 = arith.constant 5.000000e-01 : f32
    %mul3A_296 = vector.broadcast %mul3A_295 : f32 to vector<400x128xf32>
    %mul3A_297 = arith.mulf %mul3A_296, %slice3A_294 : vector<400x128xf32>
    %tanh3A_298 = math.tanh %mul3A_297 : vector<400x128xf32>
    %mul3A_299 = arith.constant 5.000000e-01 : f32
    %mul3A_300 = vector.broadcast %mul3A_299 : f32 to vector<400x128xf32>
    %mul3A_301 = arith.mulf %mul3A_300, %tanh3A_298 : vector<400x128xf32>
    %add3A_302 = arith.constant 5.000000e-01 : f32
    %add3A_303 = vector.broadcast %add3A_302 : f32 to vector<400x128xf32>
    %add3A_304 = arith.addf %mul3A_301, %add3A_303 : vector<400x128xf32>
    %mul3A_305 = arith.mulf %add3A_291, %add3A_210 : vector<400x128xf32>
    %mul3A_306 = arith.mulf %add3A_280, %tanh3A_293 : vector<400x128xf32>
    %add3A_307 = arith.addf %mul3A_305, %mul3A_306 : vector<400x128xf32>
    %tanh3A_308 = math.tanh %add3A_307 : vector<400x128xf32>
    %mul3A_309 = arith.mulf %add3A_304, %tanh3A_308 : vector<400x128xf32>
    %get3A_310 = arith.constant 0 : index
    %get3A_311 = arith.constant 48 : index
    %get3A_312 = vector.load %arg1[%get3A_310, %get3A_311] : memref<400x384xf32, #tpu.memory_space<vmem>>, vector<400x16xf32>
    %dot_general3A_313 = arith.constant dense<0.000000e+00> : vector<400x512xf32>
    %dot_general3A_314 = tpu.matmul %get3A_312, %get3A_1, %dot_general3A_313 {dimension_numbers = #tpu.dot_dimension_numbers<[1], [0], [0], [1], [0, 0, 1, 1], [], []>, transpose_lhs_hint = false} : vector<400x16xf32>, vector<16x512xf32>, vector<400x512xf32> -> vector<400x512xf32>
    %dot_general3A_315 = arith.constant dense<0.000000e+00> : vector<400x512xf32>
    %dot_general3A_316 = tpu.matmul %mul3A_262, %get3A_4, %dot_general3A_315 {dimension_numbers = #tpu.dot_dimension_numbers<[1], [0], [0], [1], [0, 0, 1, 1], [], []>, transpose_lhs_hint = false} : vector<400x128xf32>, vector<128x512xf32>, vector<400x512xf32> -> vector<400x512xf32>
    %add3A_317 = arith.addf %dot_general3A_314, %dot_general3A_316 : vector<400x512xf32>
    %add3A_318 = vector.broadcast %get3A_13 : vector<1x512xf32> to vector<400x512xf32>
    %add3A_319 = arith.addf %add3A_317, %add3A_318 : vector<400x512xf32>
    %slice3A_320 = vector.extract_strided_slice %add3A_319 {offsets = [0, 0], sizes = [400, 128], strides = [1, 1]} : vector<400x512xf32> to vector<400x128xf32>
    %mul3A_321 = arith.constant 5.000000e-01 : f32
    %mul3A_322 = vector.broadcast %mul3A_321 : f32 to vector<400x128xf32>
    %mul3A_323 = arith.mulf %mul3A_322, %slice3A_320 : vector<400x128xf32>
    %tanh3A_324 = math.tanh %mul3A_323 : vector<400x128xf32>
    %mul3A_325 = arith.constant 5.000000e-01 : f32
    %mul3A_326 = vector.broadcast %mul3A_325 : f32 to vector<400x128xf32>
    %mul3A_327 = arith.mulf %mul3A_326, %tanh3A_324 : vector<400x128xf32>
    %add3A_328 = arith.constant 5.000000e-01 : f32
    %add3A_329 = vector.broadcast %add3A_328 : f32 to vector<400x128xf32>
    %add3A_330 = arith.addf %mul3A_327, %add3A_329 : vector<400x128xf32>
    %slice3A_331 = vector.extract_strided_slice %add3A_319 {offsets = [0, 128], sizes = [400, 128], strides = [1, 1]} : vector<400x512xf32> to vector<400x128xf32>
    %mul3A_332 = arith.constant 5.000000e-01 : f32
    %mul3A_333 = vector.broadcast %mul3A_332 : f32 to vector<400x128xf32>
    %mul3A_334 = arith.mulf %mul3A_333, %slice3A_331 : vector<400x128xf32>
    %tanh3A_335 = math.tanh %mul3A_334 : vector<400x128xf32>
    %mul3A_336 = arith.constant 5.000000e-01 : f32
    %mul3A_337 = vector.broadcast %mul3A_336 : f32 to vector<400x128xf32>
    %mul3A_338 = arith.mulf %mul3A_337, %tanh3A_335 : vector<400x128xf32>
    %add3A_339 = arith.constant 5.000000e-01 : f32
    %add3A_340 = vector.broadcast %add3A_339 : f32 to vector<400x128xf32>
    %add3A_341 = arith.addf %mul3A_338, %add3A_340 : vector<400x128xf32>
    %slice3A_342 = vector.extract_strided_slice %add3A_319 {offsets = [0, 256], sizes = [400, 128], strides = [1, 1]} : vector<400x512xf32> to vector<400x128xf32>
    %tanh3A_343 = math.tanh %slice3A_342 : vector<400x128xf32>
    %slice3A_344 = vector.extract_strided_slice %add3A_319 {offsets = [0, 384], sizes = [400, 128], strides = [1, 1]} : vector<400x512xf32> to vector<400x128xf32>
    %mul3A_345 = arith.constant 5.000000e-01 : f32
    %mul3A_346 = vector.broadcast %mul3A_345 : f32 to vector<400x128xf32>
    %mul3A_347 = arith.mulf %mul3A_346, %slice3A_344 : vector<400x128xf32>
    %tanh3A_348 = math.tanh %mul3A_347 : vector<400x128xf32>
    %mul3A_349 = arith.constant 5.000000e-01 : f32
    %mul3A_350 = vector.broadcast %mul3A_349 : f32 to vector<400x128xf32>
    %mul3A_351 = arith.mulf %mul3A_350, %tanh3A_348 : vector<400x128xf32>
    %add3A_352 = arith.constant 5.000000e-01 : f32
    %add3A_353 = vector.broadcast %add3A_352 : f32 to vector<400x128xf32>
    %add3A_354 = arith.addf %mul3A_351, %add3A_353 : vector<400x128xf32>
    %mul3A_355 = arith.mulf %add3A_341, %add3A_260 : vector<400x128xf32>
    %mul3A_356 = arith.mulf %add3A_330, %tanh3A_343 : vector<400x128xf32>
    %add3A_357 = arith.addf %mul3A_355, %mul3A_356 : vector<400x128xf32>
    %tanh3A_358 = math.tanh %add3A_357 : vector<400x128xf32>
    %mul3A_359 = arith.mulf %add3A_354, %tanh3A_358 : vector<400x128xf32>
    %dot_general3A_360 = arith.constant dense<0.000000e+00> : vector<400x512xf32>
    %dot_general3A_361 = tpu.matmul %mul3A_359, %get3A_7, %dot_general3A_360 {dimension_numbers = #tpu.dot_dimension_numbers<[1], [0], [0], [1], [0, 0, 1, 1], [], []>, transpose_lhs_hint = false} : vector<400x128xf32>, vector<128x512xf32>, vector<400x512xf32> -> vector<400x512xf32>
    %dot_general3A_362 = arith.constant dense<0.000000e+00> : vector<400x512xf32>
    %dot_general3A_363 = tpu.matmul %mul3A_309, %get3A_10, %dot_general3A_362 {dimension_numbers = #tpu.dot_dimension_numbers<[1], [0], [0], [1], [0, 0, 1, 1], [], []>, transpose_lhs_hint = false} : vector<400x128xf32>, vector<128x512xf32>, vector<400x512xf32> -> vector<400x512xf32>
    %add3A_364 = arith.addf %dot_general3A_361, %dot_general3A_363 : vector<400x512xf32>
    %add3A_365 = vector.broadcast %get3A_16 : vector<1x512xf32> to vector<400x512xf32>
    %add3A_366 = arith.addf %add3A_364, %add3A_365 : vector<400x512xf32>
    %slice3A_367 = vector.extract_strided_slice %add3A_366 {offsets = [0, 0], sizes = [400, 128], strides = [1, 1]} : vector<400x512xf32> to vector<400x128xf32>
    %mul3A_368 = arith.constant 5.000000e-01 : f32
    %mul3A_369 = vector.broadcast %mul3A_368 : f32 to vector<400x128xf32>
    %mul3A_370 = arith.mulf %mul3A_369, %slice3A_367 : vector<400x128xf32>
    %tanh3A_371 = math.tanh %mul3A_370 : vector<400x128xf32>
    %mul3A_372 = arith.constant 5.000000e-01 : f32
    %mul3A_373 = vector.broadcast %mul3A_372 : f32 to vector<400x128xf32>
    %mul3A_374 = arith.mulf %mul3A_373, %tanh3A_371 : vector<400x128xf32>
    %add3A_375 = arith.constant 5.000000e-01 : f32
    %add3A_376 = vector.broadcast %add3A_375 : f32 to vector<400x128xf32>
    %add3A_377 = arith.addf %mul3A_374, %add3A_376 : vector<400x128xf32>
    %slice3A_378 = vector.extract_strided_slice %add3A_366 {offsets = [0, 128], sizes = [400, 128], strides = [1, 1]} : vector<400x512xf32> to vector<400x128xf32>
    %mul3A_379 = arith.constant 5.000000e-01 : f32
    %mul3A_380 = vector.broadcast %mul3A_379 : f32 to vector<400x128xf32>
    %mul3A_381 = arith.mulf %mul3A_380, %slice3A_378 : vector<400x128xf32>
    %tanh3A_382 = math.tanh %mul3A_381 : vector<400x128xf32>
    %mul3A_383 = arith.constant 5.000000e-01 : f32
    %mul3A_384 = vector.broadcast %mul3A_383 : f32 to vector<400x128xf32>
    %mul3A_385 = arith.mulf %mul3A_384, %tanh3A_382 : vector<400x128xf32>
    %add3A_386 = arith.constant 5.000000e-01 : f32
    %add3A_387 = vector.broadcast %add3A_386 : f32 to vector<400x128xf32>
    %add3A_388 = arith.addf %mul3A_385, %add3A_387 : vector<400x128xf32>
    %slice3A_389 = vector.extract_strided_slice %add3A_366 {offsets = [0, 256], sizes = [400, 128], strides = [1, 1]} : vector<400x512xf32> to vector<400x128xf32>
    %tanh3A_390 = math.tanh %slice3A_389 : vector<400x128xf32>
    %slice3A_391 = vector.extract_strided_slice %add3A_366 {offsets = [0, 384], sizes = [400, 128], strides = [1, 1]} : vector<400x512xf32> to vector<400x128xf32>
    %mul3A_392 = arith.constant 5.000000e-01 : f32
    %mul3A_393 = vector.broadcast %mul3A_392 : f32 to vector<400x128xf32>
    %mul3A_394 = arith.mulf %mul3A_393, %slice3A_391 : vector<400x128xf32>
    %tanh3A_395 = math.tanh %mul3A_394 : vector<400x128xf32>
    %mul3A_396 = arith.constant 5.000000e-01 : f32
    %mul3A_397 = vector.broadcast %mul3A_396 : f32 to vector<400x128xf32>
    %mul3A_398 = arith.mulf %mul3A_397, %tanh3A_395 : vector<400x128xf32>
    %add3A_399 = arith.constant 5.000000e-01 : f32
    %add3A_400 = vector.broadcast %add3A_399 : f32 to vector<400x128xf32>
    %add3A_401 = arith.addf %mul3A_398, %add3A_400 : vector<400x128xf32>
    %mul3A_402 = arith.mulf %add3A_388, %add3A_307 : vector<400x128xf32>
    %mul3A_403 = arith.mulf %add3A_377, %tanh3A_390 : vector<400x128xf32>
    %add3A_404 = arith.addf %mul3A_402, %mul3A_403 : vector<400x128xf32>
    %tanh3A_405 = math.tanh %add3A_404 : vector<400x128xf32>
    %mul3A_406 = arith.mulf %add3A_401, %tanh3A_405 : vector<400x128xf32>
    %get3A_407 = arith.constant 0 : index
    %get3A_408 = arith.constant 64 : index
    %get3A_409 = vector.load %arg1[%get3A_407, %get3A_408] : memref<400x384xf32, #tpu.memory_space<vmem>>, vector<400x16xf32>
    %dot_general3A_410 = arith.constant dense<0.000000e+00> : vector<400x512xf32>
    %dot_general3A_411 = tpu.matmul %get3A_409, %get3A_1, %dot_general3A_410 {dimension_numbers = #tpu.dot_dimension_numbers<[1], [0], [0], [1], [0, 0, 1, 1], [], []>, transpose_lhs_hint = false} : vector<400x16xf32>, vector<16x512xf32>, vector<400x512xf32> -> vector<400x512xf32>
    %dot_general3A_412 = arith.constant dense<0.000000e+00> : vector<400x512xf32>
    %dot_general3A_413 = tpu.matmul %mul3A_359, %get3A_4, %dot_general3A_412 {dimension_numbers = #tpu.dot_dimension_numbers<[1], [0], [0], [1], [0, 0, 1, 1], [], []>, transpose_lhs_hint = false} : vector<400x128xf32>, vector<128x512xf32>, vector<400x512xf32> -> vector<400x512xf32>
    %add3A_414 = arith.addf %dot_general3A_411, %dot_general3A_413 : vector<400x512xf32>
    %add3A_415 = vector.broadcast %get3A_13 : vector<1x512xf32> to vector<400x512xf32>
    %add3A_416 = arith.addf %add3A_414, %add3A_415 : vector<400x512xf32>
    %slice3A_417 = vector.extract_strided_slice %add3A_416 {offsets = [0, 0], sizes = [400, 128], strides = [1, 1]} : vector<400x512xf32> to vector<400x128xf32>
    %mul3A_418 = arith.constant 5.000000e-01 : f32
    %mul3A_419 = vector.broadcast %mul3A_418 : f32 to vector<400x128xf32>
    %mul3A_420 = arith.mulf %mul3A_419, %slice3A_417 : vector<400x128xf32>
    %tanh3A_421 = math.tanh %mul3A_420 : vector<400x128xf32>
    %mul3A_422 = arith.constant 5.000000e-01 : f32
    %mul3A_423 = vector.broadcast %mul3A_422 : f32 to vector<400x128xf32>
    %mul3A_424 = arith.mulf %mul3A_423, %tanh3A_421 : vector<400x128xf32>
    %add3A_425 = arith.constant 5.000000e-01 : f32
    %add3A_426 = vector.broadcast %add3A_425 : f32 to vector<400x128xf32>
    %add3A_427 = arith.addf %mul3A_424, %add3A_426 : vector<400x128xf32>
    %slice3A_428 = vector.extract_strided_slice %add3A_416 {offsets = [0, 128], sizes = [400, 128], strides = [1, 1]} : vector<400x512xf32> to vector<400x128xf32>
    %mul3A_429 = arith.constant 5.000000e-01 : f32
    %mul3A_430 = vector.broadcast %mul3A_429 : f32 to vector<400x128xf32>
    %mul3A_431 = arith.mulf %mul3A_430, %slice3A_428 : vector<400x128xf32>
    %tanh3A_432 = math.tanh %mul3A_431 : vector<400x128xf32>
    %mul3A_433 = arith.constant 5.000000e-01 : f32
    %mul3A_434 = vector.broadcast %mul3A_433 : f32 to vector<400x128xf32>
    %mul3A_435 = arith.mulf %mul3A_434, %tanh3A_432 : vector<400x128xf32>
    %add3A_436 = arith.constant 5.000000e-01 : f32
    %add3A_437 = vector.broadcast %add3A_436 : f32 to vector<400x128xf32>
    %add3A_438 = arith.addf %mul3A_435, %add3A_437 : vector<400x128xf32>
    %slice3A_439 = vector.extract_strided_slice %add3A_416 {offsets = [0, 256], sizes = [400, 128], strides = [1, 1]} : vector<400x512xf32> to vector<400x128xf32>
    %tanh3A_440 = math.tanh %slice3A_439 : vector<400x128xf32>
    %slice3A_441 = vector.extract_strided_slice %add3A_416 {offsets = [0, 384], sizes = [400, 128], strides = [1, 1]} : vector<400x512xf32> to vector<400x128xf32>
    %mul3A_442 = arith.constant 5.000000e-01 : f32
    %mul3A_443 = vector.broadcast %mul3A_442 : f32 to vector<400x128xf32>
    %mul3A_444 = arith.mulf %mul3A_443, %slice3A_441 : vector<400x128xf32>
    %tanh3A_445 = math.tanh %mul3A_444 : vector<400x128xf32>
    %mul3A_446 = arith.constant 5.000000e-01 : f32
    %mul3A_447 = vector.broadcast %mul3A_446 : f32 to vector<400x128xf32>
    %mul3A_448 = arith.mulf %mul3A_447, %tanh3A_445 : vector<400x128xf32>
    %add3A_449 = arith.constant 5.000000e-01 : f32
    %add3A_450 = vector.broadcast %add3A_449 : f32 to vector<400x128xf32>
    %add3A_451 = arith.addf %mul3A_448, %add3A_450 : vector<400x128xf32>
    %mul3A_452 = arith.mulf %add3A_438, %add3A_357 : vector<400x128xf32>
    %mul3A_453 = arith.mulf %add3A_427, %tanh3A_440 : vector<400x128xf32>
    %add3A_454 = arith.addf %mul3A_452, %mul3A_453 : vector<400x128xf32>
    %tanh3A_455 = math.tanh %add3A_454 : vector<400x128xf32>
    %mul3A_456 = arith.mulf %add3A_451, %tanh3A_455 : vector<400x128xf32>
    %dot_general3A_457 = arith.constant dense<0.000000e+00> : vector<400x512xf32>
    %dot_general3A_458 = tpu.matmul %mul3A_456, %get3A_7, %dot_general3A_457 {dimension_numbers = #tpu.dot_dimension_numbers<[1], [0], [0], [1], [0, 0, 1, 1], [], []>, transpose_lhs_hint = false} : vector<400x128xf32>, vector<128x512xf32>, vector<400x512xf32> -> vector<400x512xf32>
    %dot_general3A_459 = arith.constant dense<0.000000e+00> : vector<400x512xf32>
    %dot_general3A_460 = tpu.matmul %mul3A_406, %get3A_10, %dot_general3A_459 {dimension_numbers = #tpu.dot_dimension_numbers<[1], [0], [0], [1], [0, 0, 1, 1], [], []>, transpose_lhs_hint = false} : vector<400x128xf32>, vector<128x512xf32>, vector<400x512xf32> -> vector<400x512xf32>
    %add3A_461 = arith.addf %dot_general3A_458, %dot_general3A_460 : vector<400x512xf32>
    %add3A_462 = vector.broadcast %get3A_16 : vector<1x512xf32> to vector<400x512xf32>
    %add3A_463 = arith.addf %add3A_461, %add3A_462 : vector<400x512xf32>
    %slice3A_464 = vector.extract_strided_slice %add3A_463 {offsets = [0, 0], sizes = [400, 128], strides = [1, 1]} : vector<400x512xf32> to vector<400x128xf32>
    %mul3A_465 = arith.constant 5.000000e-01 : f32
    %mul3A_466 = vector.broadcast %mul3A_465 : f32 to vector<400x128xf32>
    %mul3A_467 = arith.mulf %mul3A_466, %slice3A_464 : vector<400x128xf32>
    %tanh3A_468 = math.tanh %mul3A_467 : vector<400x128xf32>
    %mul3A_469 = arith.constant 5.000000e-01 : f32
    %mul3A_470 = vector.broadcast %mul3A_469 : f32 to vector<400x128xf32>
    %mul3A_471 = arith.mulf %mul3A_470, %tanh3A_468 : vector<400x128xf32>
    %add3A_472 = arith.constant 5.000000e-01 : f32
    %add3A_473 = vector.broadcast %add3A_472 : f32 to vector<400x128xf32>
    %add3A_474 = arith.addf %mul3A_471, %add3A_473 : vector<400x128xf32>
    %slice3A_475 = vector.extract_strided_slice %add3A_463 {offsets = [0, 128], sizes = [400, 128], strides = [1, 1]} : vector<400x512xf32> to vector<400x128xf32>
    %mul3A_476 = arith.constant 5.000000e-01 : f32
    %mul3A_477 = vector.broadcast %mul3A_476 : f32 to vector<400x128xf32>
    %mul3A_478 = arith.mulf %mul3A_477, %slice3A_475 : vector<400x128xf32>
    %tanh3A_479 = math.tanh %mul3A_478 : vector<400x128xf32>
    %mul3A_480 = arith.constant 5.000000e-01 : f32
    %mul3A_481 = vector.broadcast %mul3A_480 : f32 to vector<400x128xf32>
    %mul3A_482 = arith.mulf %mul3A_481, %tanh3A_479 : vector<400x128xf32>
    %add3A_483 = arith.constant 5.000000e-01 : f32
    %add3A_484 = vector.broadcast %add3A_483 : f32 to vector<400x128xf32>
    %add3A_485 = arith.addf %mul3A_482, %add3A_484 : vector<400x128xf32>
    %slice3A_486 = vector.extract_strided_slice %add3A_463 {offsets = [0, 256], sizes = [400, 128], strides = [1, 1]} : vector<400x512xf32> to vector<400x128xf32>
    %tanh3A_487 = math.tanh %slice3A_486 : vector<400x128xf32>
    %slice3A_488 = vector.extract_strided_slice %add3A_463 {offsets = [0, 384], sizes = [400, 128], strides = [1, 1]} : vector<400x512xf32> to vector<400x128xf32>
    %mul3A_489 = arith.constant 5.000000e-01 : f32
    %mul3A_490 = vector.broadcast %mul3A_489 : f32 to vector<400x128xf32>
    %mul3A_491 = arith.mulf %mul3A_490, %slice3A_488 : vector<400x128xf32>
    %tanh3A_492 = math.tanh %mul3A_491 : vector<400x128xf32>
    %mul3A_493 = arith.constant 5.000000e-01 : f32
    %mul3A_494 = vector.broadcast %mul3A_493 : f32 to vector<400x128xf32>
    %mul3A_495 = arith.mulf %mul3A_494, %tanh3A_492 : vector<400x128xf32>
    %add3A_496 = arith.constant 5.000000e-01 : f32
    %add3A_497 = vector.broadcast %add3A_496 : f32 to vector<400x128xf32>
    %add3A_498 = arith.addf %mul3A_495, %add3A_497 : vector<400x128xf32>
    %mul3A_499 = arith.mulf %add3A_485, %add3A_404 : vector<400x128xf32>
    %mul3A_500 = arith.mulf %add3A_474, %tanh3A_487 : vector<400x128xf32>
    %add3A_501 = arith.addf %mul3A_499, %mul3A_500 : vector<400x128xf32>
    %tanh3A_502 = math.tanh %add3A_501 : vector<400x128xf32>
    %mul3A_503 = arith.mulf %add3A_498, %tanh3A_502 : vector<400x128xf32>
    %get3A_504 = arith.constant 0 : index
    %get3A_505 = arith.constant 80 : index
    %get3A_506 = vector.load %arg1[%get3A_504, %get3A_505] : memref<400x384xf32, #tpu.memory_space<vmem>>, vector<400x16xf32>
    %dot_general3A_507 = arith.constant dense<0.000000e+00> : vector<400x512xf32>
    %dot_general3A_508 = tpu.matmul %get3A_506, %get3A_1, %dot_general3A_507 {dimension_numbers = #tpu.dot_dimension_numbers<[1], [0], [0], [1], [0, 0, 1, 1], [], []>, transpose_lhs_hint = false} : vector<400x16xf32>, vector<16x512xf32>, vector<400x512xf32> -> vector<400x512xf32>
    %dot_general3A_509 = arith.constant dense<0.000000e+00> : vector<400x512xf32>
    %dot_general3A_510 = tpu.matmul %mul3A_456, %get3A_4, %dot_general3A_509 {dimension_numbers = #tpu.dot_dimension_numbers<[1], [0], [0], [1], [0, 0, 1, 1], [], []>, transpose_lhs_hint = false} : vector<400x128xf32>, vector<128x512xf32>, vector<400x512xf32> -> vector<400x512xf32>
    %add3A_511 = arith.addf %dot_general3A_508, %dot_general3A_510 : vector<400x512xf32>
    %add3A_512 = vector.broadcast %get3A_13 : vector<1x512xf32> to vector<400x512xf32>
    %add3A_513 = arith.addf %add3A_511, %add3A_512 : vector<400x512xf32>
    %slice3A_514 = vector.extract_strided_slice %add3A_513 {offsets = [0, 0], sizes = [400, 128], strides = [1, 1]} : vector<400x512xf32> to vector<400x128xf32>
    %mul3A_515 = arith.constant 5.000000e-01 : f32
    %mul3A_516 = vector.broadcast %mul3A_515 : f32 to vector<400x128xf32>
    %mul3A_517 = arith.mulf %mul3A_516, %slice3A_514 : vector<400x128xf32>
    %tanh3A_518 = math.tanh %mul3A_517 : vector<400x128xf32>
    %mul3A_519 = arith.constant 5.000000e-01 : f32
    %mul3A_520 = vector.broadcast %mul3A_519 : f32 to vector<400x128xf32>
    %mul3A_521 = arith.mulf %mul3A_520, %tanh3A_518 : vector<400x128xf32>
    %add3A_522 = arith.constant 5.000000e-01 : f32
    %add3A_523 = vector.broadcast %add3A_522 : f32 to vector<400x128xf32>
    %add3A_524 = arith.addf %mul3A_521, %add3A_523 : vector<400x128xf32>
    %slice3A_525 = vector.extract_strided_slice %add3A_513 {offsets = [0, 128], sizes = [400, 128], strides = [1, 1]} : vector<400x512xf32> to vector<400x128xf32>
    %mul3A_526 = arith.constant 5.000000e-01 : f32
    %mul3A_527 = vector.broadcast %mul3A_526 : f32 to vector<400x128xf32>
    %mul3A_528 = arith.mulf %mul3A_527, %slice3A_525 : vector<400x128xf32>
    %tanh3A_529 = math.tanh %mul3A_528 : vector<400x128xf32>
    %mul3A_530 = arith.constant 5.000000e-01 : f32
    %mul3A_531 = vector.broadcast %mul3A_530 : f32 to vector<400x128xf32>
    %mul3A_532 = arith.mulf %mul3A_531, %tanh3A_529 : vector<400x128xf32>
    %add3A_533 = arith.constant 5.000000e-01 : f32
    %add3A_534 = vector.broadcast %add3A_533 : f32 to vector<400x128xf32>
    %add3A_535 = arith.addf %mul3A_532, %add3A_534 : vector<400x128xf32>
    %slice3A_536 = vector.extract_strided_slice %add3A_513 {offsets = [0, 256], sizes = [400, 128], strides = [1, 1]} : vector<400x512xf32> to vector<400x128xf32>
    %tanh3A_537 = math.tanh %slice3A_536 : vector<400x128xf32>
    %slice3A_538 = vector.extract_strided_slice %add3A_513 {offsets = [0, 384], sizes = [400, 128], strides = [1, 1]} : vector<400x512xf32> to vector<400x128xf32>
    %mul3A_539 = arith.constant 5.000000e-01 : f32
    %mul3A_540 = vector.broadcast %mul3A_539 : f32 to vector<400x128xf32>
    %mul3A_541 = arith.mulf %mul3A_540, %slice3A_538 : vector<400x128xf32>
    %tanh3A_542 = math.tanh %mul3A_541 : vector<400x128xf32>
    %mul3A_543 = arith.constant 5.000000e-01 : f32
    %mul3A_544 = vector.broadcast %mul3A_543 : f32 to vector<400x128xf32>
    %mul3A_545 = arith.mulf %mul3A_544, %tanh3A_542 : vector<400x128xf32>
    %add3A_546 = arith.constant 5.000000e-01 : f32
    %add3A_547 = vector.broadcast %add3A_546 : f32 to vector<400x128xf32>
    %add3A_548 = arith.addf %mul3A_545, %add3A_547 : vector<400x128xf32>
    %mul3A_549 = arith.mulf %add3A_535, %add3A_454 : vector<400x128xf32>
    %mul3A_550 = arith.mulf %add3A_524, %tanh3A_537 : vector<400x128xf32>
    %add3A_551 = arith.addf %mul3A_549, %mul3A_550 : vector<400x128xf32>
    %tanh3A_552 = math.tanh %add3A_551 : vector<400x128xf32>
    %mul3A_553 = arith.mulf %add3A_548, %tanh3A_552 : vector<400x128xf32>
    %dot_general3A_554 = arith.constant dense<0.000000e+00> : vector<400x512xf32>
    %dot_general3A_555 = tpu.matmul %mul3A_553, %get3A_7, %dot_general3A_554 {dimension_numbers = #tpu.dot_dimension_numbers<[1], [0], [0], [1], [0, 0, 1, 1], [], []>, transpose_lhs_hint = false} : vector<400x128xf32>, vector<128x512xf32>, vector<400x512xf32> -> vector<400x512xf32>
    %dot_general3A_556 = arith.constant dense<0.000000e+00> : vector<400x512xf32>
    %dot_general3A_557 = tpu.matmul %mul3A_503, %get3A_10, %dot_general3A_556 {dimension_numbers = #tpu.dot_dimension_numbers<[1], [0], [0], [1], [0, 0, 1, 1], [], []>, transpose_lhs_hint = false} : vector<400x128xf32>, vector<128x512xf32>, vector<400x512xf32> -> vector<400x512xf32>
    %add3A_558 = arith.addf %dot_general3A_555, %dot_general3A_557 : vector<400x512xf32>
    %add3A_559 = vector.broadcast %get3A_16 : vector<1x512xf32> to vector<400x512xf32>
    %add3A_560 = arith.addf %add3A_558, %add3A_559 : vector<400x512xf32>
    %slice3A_561 = vector.extract_strided_slice %add3A_560 {offsets = [0, 0], sizes = [400, 128], strides = [1, 1]} : vector<400x512xf32> to vector<400x128xf32>
    %mul3A_562 = arith.constant 5.000000e-01 : f32
    %mul3A_563 = vector.broadcast %mul3A_562 : f32 to vector<400x128xf32>
    %mul3A_564 = arith.mulf %mul3A_563, %slice3A_561 : vector<400x128xf32>
    %tanh3A_565 = math.tanh %mul3A_564 : vector<400x128xf32>
    %mul3A_566 = arith.constant 5.000000e-01 : f32
    %mul3A_567 = vector.broadcast %mul3A_566 : f32 to vector<400x128xf32>
    %mul3A_568 = arith.mulf %mul3A_567, %tanh3A_565 : vector<400x128xf32>
    %add3A_569 = arith.constant 5.000000e-01 : f32
    %add3A_570 = vector.broadcast %add3A_569 : f32 to vector<400x128xf32>
    %add3A_571 = arith.addf %mul3A_568, %add3A_570 : vector<400x128xf32>
    %slice3A_572 = vector.extract_strided_slice %add3A_560 {offsets = [0, 128], sizes = [400, 128], strides = [1, 1]} : vector<400x512xf32> to vector<400x128xf32>
    %mul3A_573 = arith.constant 5.000000e-01 : f32
    %mul3A_574 = vector.broadcast %mul3A_573 : f32 to vector<400x128xf32>
    %mul3A_575 = arith.mulf %mul3A_574, %slice3A_572 : vector<400x128xf32>
    %tanh3A_576 = math.tanh %mul3A_575 : vector<400x128xf32>
    %mul3A_577 = arith.constant 5.000000e-01 : f32
    %mul3A_578 = vector.broadcast %mul3A_577 : f32 to vector<400x128xf32>
    %mul3A_579 = arith.mulf %mul3A_578, %tanh3A_576 : vector<400x128xf32>
    %add3A_580 = arith.constant 5.000000e-01 : f32
    %add3A_581 = vector.broadcast %add3A_580 : f32 to vector<400x128xf32>
    %add3A_582 = arith.addf %mul3A_579, %add3A_581 : vector<400x128xf32>
    %slice3A_583 = vector.extract_strided_slice %add3A_560 {offsets = [0, 256], sizes = [400, 128], strides = [1, 1]} : vector<400x512xf32> to vector<400x128xf32>
    %tanh3A_584 = math.tanh %slice3A_583 : vector<400x128xf32>
    %slice3A_585 = vector.extract_strided_slice %add3A_560 {offsets = [0, 384], sizes = [400, 128], strides = [1, 1]} : vector<400x512xf32> to vector<400x128xf32>
    %mul3A_586 = arith.constant 5.000000e-01 : f32
    %mul3A_587 = vector.broadcast %mul3A_586 : f32 to vector<400x128xf32>
    %mul3A_588 = arith.mulf %mul3A_587, %slice3A_585 : vector<400x128xf32>
    %tanh3A_589 = math.tanh %mul3A_588 : vector<400x128xf32>
    %mul3A_590 = arith.constant 5.000000e-01 : f32
    %mul3A_591 = vector.broadcast %mul3A_590 : f32 to vector<400x128xf32>
    %mul3A_592 = arith.mulf %mul3A_591, %tanh3A_589 : vector<400x128xf32>
    %add3A_593 = arith.constant 5.000000e-01 : f32
    %add3A_594 = vector.broadcast %add3A_593 : f32 to vector<400x128xf32>
    %add3A_595 = arith.addf %mul3A_592, %add3A_594 : vector<400x128xf32>
    %mul3A_596 = arith.mulf %add3A_582, %add3A_501 : vector<400x128xf32>
    %mul3A_597 = arith.mulf %add3A_571, %tanh3A_584 : vector<400x128xf32>
    %add3A_598 = arith.addf %mul3A_596, %mul3A_597 : vector<400x128xf32>
    %tanh3A_599 = math.tanh %add3A_598 : vector<400x128xf32>
    %mul3A_600 = arith.mulf %add3A_595, %tanh3A_599 : vector<400x128xf32>
    %get3A_601 = arith.constant 0 : index
    %get3A_602 = arith.constant 96 : index
    %get3A_603 = vector.load %arg1[%get3A_601, %get3A_602] : memref<400x384xf32, #tpu.memory_space<vmem>>, vector<400x16xf32>
    %dot_general3A_604 = arith.constant dense<0.000000e+00> : vector<400x512xf32>
    %dot_general3A_605 = tpu.matmul %get3A_603, %get3A_1, %dot_general3A_604 {dimension_numbers = #tpu.dot_dimension_numbers<[1], [0], [0], [1], [0, 0, 1, 1], [], []>, transpose_lhs_hint = false} : vector<400x16xf32>, vector<16x512xf32>, vector<400x512xf32> -> vector<400x512xf32>
    %dot_general3A_606 = arith.constant dense<0.000000e+00> : vector<400x512xf32>
    %dot_general3A_607 = tpu.matmul %mul3A_553, %get3A_4, %dot_general3A_606 {dimension_numbers = #tpu.dot_dimension_numbers<[1], [0], [0], [1], [0, 0, 1, 1], [], []>, transpose_lhs_hint = false} : vector<400x128xf32>, vector<128x512xf32>, vector<400x512xf32> -> vector<400x512xf32>
    %add3A_608 = arith.addf %dot_general3A_605, %dot_general3A_607 : vector<400x512xf32>
    %add3A_609 = vector.broadcast %get3A_13 : vector<1x512xf32> to vector<400x512xf32>
    %add3A_610 = arith.addf %add3A_608, %add3A_609 : vector<400x512xf32>
    %slice3A_611 = vector.extract_strided_slice %add3A_610 {offsets = [0, 0], sizes = [400, 128], strides = [1, 1]} : vector<400x512xf32> to vector<400x128xf32>
    %mul3A_612 = arith.constant 5.000000e-01 : f32
    %mul3A_613 = vector.broadcast %mul3A_612 : f32 to vector<400x128xf32>
    %mul3A_614 = arith.mulf %mul3A_613, %slice3A_611 : vector<400x128xf32>
    %tanh3A_615 = math.tanh %mul3A_614 : vector<400x128xf32>
    %mul3A_616 = arith.constant 5.000000e-01 : f32
    %mul3A_617 = vector.broadcast %mul3A_616 : f32 to vector<400x128xf32>
    %mul3A_618 = arith.mulf %mul3A_617, %tanh3A_615 : vector<400x128xf32>
    %add3A_619 = arith.constant 5.000000e-01 : f32
    %add3A_620 = vector.broadcast %add3A_619 : f32 to vector<400x128xf32>
    %add3A_621 = arith.addf %mul3A_618, %add3A_620 : vector<400x128xf32>
    %slice3A_622 = vector.extract_strided_slice %add3A_610 {offsets = [0, 128], sizes = [400, 128], strides = [1, 1]} : vector<400x512xf32> to vector<400x128xf32>
    %mul3A_623 = arith.constant 5.000000e-01 : f32
    %mul3A_624 = vector.broadcast %mul3A_623 : f32 to vector<400x128xf32>
    %mul3A_625 = arith.mulf %mul3A_624, %slice3A_622 : vector<400x128xf32>
    %tanh3A_626 = math.tanh %mul3A_625 : vector<400x128xf32>
    %mul3A_627 = arith.constant 5.000000e-01 : f32
    %mul3A_628 = vector.broadcast %mul3A_627 : f32 to vector<400x128xf32>
    %mul3A_629 = arith.mulf %mul3A_628, %tanh3A_626 : vector<400x128xf32>
    %add3A_630 = arith.constant 5.000000e-01 : f32
    %add3A_631 = vector.broadcast %add3A_630 : f32 to vector<400x128xf32>
    %add3A_632 = arith.addf %mul3A_629, %add3A_631 : vector<400x128xf32>
    %slice3A_633 = vector.extract_strided_slice %add3A_610 {offsets = [0, 256], sizes = [400, 128], strides = [1, 1]} : vector<400x512xf32> to vector<400x128xf32>
    %tanh3A_634 = math.tanh %slice3A_633 : vector<400x128xf32>
    %slice3A_635 = vector.extract_strided_slice %add3A_610 {offsets = [0, 384], sizes = [400, 128], strides = [1, 1]} : vector<400x512xf32> to vector<400x128xf32>
    %mul3A_636 = arith.constant 5.000000e-01 : f32
    %mul3A_637 = vector.broadcast %mul3A_636 : f32 to vector<400x128xf32>
    %mul3A_638 = arith.mulf %mul3A_637, %slice3A_635 : vector<400x128xf32>
    %tanh3A_639 = math.tanh %mul3A_638 : vector<400x128xf32>
    %mul3A_640 = arith.constant 5.000000e-01 : f32
    %mul3A_641 = vector.broadcast %mul3A_640 : f32 to vector<400x128xf32>
    %mul3A_642 = arith.mulf %mul3A_641, %tanh3A_639 : vector<400x128xf32>
    %add3A_643 = arith.constant 5.000000e-01 : f32
    %add3A_644 = vector.broadcast %add3A_643 : f32 to vector<400x128xf32>
    %add3A_645 = arith.addf %mul3A_642, %add3A_644 : vector<400x128xf32>
    %mul3A_646 = arith.mulf %add3A_632, %add3A_551 : vector<400x128xf32>
    %mul3A_647 = arith.mulf %add3A_621, %tanh3A_634 : vector<400x128xf32>
    %add3A_648 = arith.addf %mul3A_646, %mul3A_647 : vector<400x128xf32>
    %tanh3A_649 = math.tanh %add3A_648 : vector<400x128xf32>
    %mul3A_650 = arith.mulf %add3A_645, %tanh3A_649 : vector<400x128xf32>
    %dot_general3A_651 = arith.constant dense<0.000000e+00> : vector<400x512xf32>
    %dot_general3A_652 = tpu.matmul %mul3A_650, %get3A_7, %dot_general3A_651 {dimension_numbers = #tpu.dot_dimension_numbers<[1], [0], [0], [1], [0, 0, 1, 1], [], []>, transpose_lhs_hint = false} : vector<400x128xf32>, vector<128x512xf32>, vector<400x512xf32> -> vector<400x512xf32>
    %dot_general3A_653 = arith.constant dense<0.000000e+00> : vector<400x512xf32>
    %dot_general3A_654 = tpu.matmul %mul3A_600, %get3A_10, %dot_general3A_653 {dimension_numbers = #tpu.dot_dimension_numbers<[1], [0], [0], [1], [0, 0, 1, 1], [], []>, transpose_lhs_hint = false} : vector<400x128xf32>, vector<128x512xf32>, vector<400x512xf32> -> vector<400x512xf32>
    %add3A_655 = arith.addf %dot_general3A_652, %dot_general3A_654 : vector<400x512xf32>
    %add3A_656 = vector.broadcast %get3A_16 : vector<1x512xf32> to vector<400x512xf32>
    %add3A_657 = arith.addf %add3A_655, %add3A_656 : vector<400x512xf32>
    %slice3A_658 = vector.extract_strided_slice %add3A_657 {offsets = [0, 0], sizes = [400, 128], strides = [1, 1]} : vector<400x512xf32> to vector<400x128xf32>
    %mul3A_659 = arith.constant 5.000000e-01 : f32
    %mul3A_660 = vector.broadcast %mul3A_659 : f32 to vector<400x128xf32>
    %mul3A_661 = arith.mulf %mul3A_660, %slice3A_658 : vector<400x128xf32>
    %tanh3A_662 = math.tanh %mul3A_661 : vector<400x128xf32>
    %mul3A_663 = arith.constant 5.000000e-01 : f32
    %mul3A_664 = vector.broadcast %mul3A_663 : f32 to vector<400x128xf32>
    %mul3A_665 = arith.mulf %mul3A_664, %tanh3A_662 : vector<400x128xf32>
    %add3A_666 = arith.constant 5.000000e-01 : f32
    %add3A_667 = vector.broadcast %add3A_666 : f32 to vector<400x128xf32>
    %add3A_668 = arith.addf %mul3A_665, %add3A_667 : vector<400x128xf32>
    %slice3A_669 = vector.extract_strided_slice %add3A_657 {offsets = [0, 128], sizes = [400, 128], strides = [1, 1]} : vector<400x512xf32> to vector<400x128xf32>
    %mul3A_670 = arith.constant 5.000000e-01 : f32
    %mul3A_671 = vector.broadcast %mul3A_670 : f32 to vector<400x128xf32>
    %mul3A_672 = arith.mulf %mul3A_671, %slice3A_669 : vector<400x128xf32>
    %tanh3A_673 = math.tanh %mul3A_672 : vector<400x128xf32>
    %mul3A_674 = arith.constant 5.000000e-01 : f32
    %mul3A_675 = vector.broadcast %mul3A_674 : f32 to vector<400x128xf32>
    %mul3A_676 = arith.mulf %mul3A_675, %tanh3A_673 : vector<400x128xf32>
    %add3A_677 = arith.constant 5.000000e-01 : f32
    %add3A_678 = vector.broadcast %add3A_677 : f32 to vector<400x128xf32>
    %add3A_679 = arith.addf %mul3A_676, %add3A_678 : vector<400x128xf32>
    %slice3A_680 = vector.extract_strided_slice %add3A_657 {offsets = [0, 256], sizes = [400, 128], strides = [1, 1]} : vector<400x512xf32> to vector<400x128xf32>
    %tanh3A_681 = math.tanh %slice3A_680 : vector<400x128xf32>
    %slice3A_682 = vector.extract_strided_slice %add3A_657 {offsets = [0, 384], sizes = [400, 128], strides = [1, 1]} : vector<400x512xf32> to vector<400x128xf32>
    %mul3A_683 = arith.constant 5.000000e-01 : f32
    %mul3A_684 = vector.broadcast %mul3A_683 : f32 to vector<400x128xf32>
    %mul3A_685 = arith.mulf %mul3A_684, %slice3A_682 : vector<400x128xf32>
    %tanh3A_686 = math.tanh %mul3A_685 : vector<400x128xf32>
    %mul3A_687 = arith.constant 5.000000e-01 : f32
    %mul3A_688 = vector.broadcast %mul3A_687 : f32 to vector<400x128xf32>
    %mul3A_689 = arith.mulf %mul3A_688, %tanh3A_686 : vector<400x128xf32>
    %add3A_690 = arith.constant 5.000000e-01 : f32
    %add3A_691 = vector.broadcast %add3A_690 : f32 to vector<400x128xf32>
    %add3A_692 = arith.addf %mul3A_689, %add3A_691 : vector<400x128xf32>
    %mul3A_693 = arith.mulf %add3A_679, %add3A_598 : vector<400x128xf32>
    %mul3A_694 = arith.mulf %add3A_668, %tanh3A_681 : vector<400x128xf32>
    %add3A_695 = arith.addf %mul3A_693, %mul3A_694 : vector<400x128xf32>
    %tanh3A_696 = math.tanh %add3A_695 : vector<400x128xf32>
    %mul3A_697 = arith.mulf %add3A_692, %tanh3A_696 : vector<400x128xf32>
    %get3A_698 = arith.constant 0 : index
    %get3A_699 = arith.constant 112 : index
    %get3A_700 = vector.load %arg1[%get3A_698, %get3A_699] : memref<400x384xf32, #tpu.memory_space<vmem>>, vector<400x16xf32>
    %dot_general3A_701 = arith.constant dense<0.000000e+00> : vector<400x512xf32>
    %dot_general3A_702 = tpu.matmul %get3A_700, %get3A_1, %dot_general3A_701 {dimension_numbers = #tpu.dot_dimension_numbers<[1], [0], [0], [1], [0, 0, 1, 1], [], []>, transpose_lhs_hint = false} : vector<400x16xf32>, vector<16x512xf32>, vector<400x512xf32> -> vector<400x512xf32>
    %dot_general3A_703 = arith.constant dense<0.000000e+00> : vector<400x512xf32>
    %dot_general3A_704 = tpu.matmul %mul3A_650, %get3A_4, %dot_general3A_703 {dimension_numbers = #tpu.dot_dimension_numbers<[1], [0], [0], [1], [0, 0, 1, 1], [], []>, transpose_lhs_hint = false} : vector<400x128xf32>, vector<128x512xf32>, vector<400x512xf32> -> vector<400x512xf32>
    %add3A_705 = arith.addf %dot_general3A_702, %dot_general3A_704 : vector<400x512xf32>
    %add3A_706 = vector.broadcast %get3A_13 : vector<1x512xf32> to vector<400x512xf32>
    %add3A_707 = arith.addf %add3A_705, %add3A_706 : vector<400x512xf32>
    %slice3A_708 = vector.extract_strided_slice %add3A_707 {offsets = [0, 0], sizes = [400, 128], strides = [1, 1]} : vector<400x512xf32> to vector<400x128xf32>
    %mul3A_709 = arith.constant 5.000000e-01 : f32
    %mul3A_710 = vector.broadcast %mul3A_709 : f32 to vector<400x128xf32>
    %mul3A_711 = arith.mulf %mul3A_710, %slice3A_708 : vector<400x128xf32>
    %tanh3A_712 = math.tanh %mul3A_711 : vector<400x128xf32>
    %mul3A_713 = arith.constant 5.000000e-01 : f32
    %mul3A_714 = vector.broadcast %mul3A_713 : f32 to vector<400x128xf32>
    %mul3A_715 = arith.mulf %mul3A_714, %tanh3A_712 : vector<400x128xf32>
    %add3A_716 = arith.constant 5.000000e-01 : f32
    %add3A_717 = vector.broadcast %add3A_716 : f32 to vector<400x128xf32>
    %add3A_718 = arith.addf %mul3A_715, %add3A_717 : vector<400x128xf32>
    %slice3A_719 = vector.extract_strided_slice %add3A_707 {offsets = [0, 128], sizes = [400, 128], strides = [1, 1]} : vector<400x512xf32> to vector<400x128xf32>
    %mul3A_720 = arith.constant 5.000000e-01 : f32
    %mul3A_721 = vector.broadcast %mul3A_720 : f32 to vector<400x128xf32>
    %mul3A_722 = arith.mulf %mul3A_721, %slice3A_719 : vector<400x128xf32>
    %tanh3A_723 = math.tanh %mul3A_722 : vector<400x128xf32>
    %mul3A_724 = arith.constant 5.000000e-01 : f32
    %mul3A_725 = vector.broadcast %mul3A_724 : f32 to vector<400x128xf32>
    %mul3A_726 = arith.mulf %mul3A_725, %tanh3A_723 : vector<400x128xf32>
    %add3A_727 = arith.constant 5.000000e-01 : f32
    %add3A_728 = vector.broadcast %add3A_727 : f32 to vector<400x128xf32>
    %add3A_729 = arith.addf %mul3A_726, %add3A_728 : vector<400x128xf32>
    %slice3A_730 = vector.extract_strided_slice %add3A_707 {offsets = [0, 256], sizes = [400, 128], strides = [1, 1]} : vector<400x512xf32> to vector<400x128xf32>
    %tanh3A_731 = math.tanh %slice3A_730 : vector<400x128xf32>
    %slice3A_732 = vector.extract_strided_slice %add3A_707 {offsets = [0, 384], sizes = [400, 128], strides = [1, 1]} : vector<400x512xf32> to vector<400x128xf32>
    %mul3A_733 = arith.constant 5.000000e-01 : f32
    %mul3A_734 = vector.broadcast %mul3A_733 : f32 to vector<400x128xf32>
    %mul3A_735 = arith.mulf %mul3A_734, %slice3A_732 : vector<400x128xf32>
    %tanh3A_736 = math.tanh %mul3A_735 : vector<400x128xf32>
    %mul3A_737 = arith.constant 5.000000e-01 : f32
    %mul3A_738 = vector.broadcast %mul3A_737 : f32 to vector<400x128xf32>
    %mul3A_739 = arith.mulf %mul3A_738, %tanh3A_736 : vector<400x128xf32>
    %add3A_740 = arith.constant 5.000000e-01 : f32
    %add3A_741 = vector.broadcast %add3A_740 : f32 to vector<400x128xf32>
    %add3A_742 = arith.addf %mul3A_739, %add3A_741 : vector<400x128xf32>
    %mul3A_743 = arith.mulf %add3A_729, %add3A_648 : vector<400x128xf32>
    %mul3A_744 = arith.mulf %add3A_718, %tanh3A_731 : vector<400x128xf32>
    %add3A_745 = arith.addf %mul3A_743, %mul3A_744 : vector<400x128xf32>
    %tanh3A_746 = math.tanh %add3A_745 : vector<400x128xf32>
    %mul3A_747 = arith.mulf %add3A_742, %tanh3A_746 : vector<400x128xf32>
    %dot_general3A_748 = arith.constant dense<0.000000e+00> : vector<400x512xf32>
    %dot_general3A_749 = tpu.matmul %mul3A_747, %get3A_7, %dot_general3A_748 {dimension_numbers = #tpu.dot_dimension_numbers<[1], [0], [0], [1], [0, 0, 1, 1], [], []>, transpose_lhs_hint = false} : vector<400x128xf32>, vector<128x512xf32>, vector<400x512xf32> -> vector<400x512xf32>
    %dot_general3A_750 = arith.constant dense<0.000000e+00> : vector<400x512xf32>
    %dot_general3A_751 = tpu.matmul %mul3A_697, %get3A_10, %dot_general3A_750 {dimension_numbers = #tpu.dot_dimension_numbers<[1], [0], [0], [1], [0, 0, 1, 1], [], []>, transpose_lhs_hint = false} : vector<400x128xf32>, vector<128x512xf32>, vector<400x512xf32> -> vector<400x512xf32>
    %add3A_752 = arith.addf %dot_general3A_749, %dot_general3A_751 : vector<400x512xf32>
    %add3A_753 = vector.broadcast %get3A_16 : vector<1x512xf32> to vector<400x512xf32>
    %add3A_754 = arith.addf %add3A_752, %add3A_753 : vector<400x512xf32>
    %slice3A_755 = vector.extract_strided_slice %add3A_754 {offsets = [0, 0], sizes = [400, 128], strides = [1, 1]} : vector<400x512xf32> to vector<400x128xf32>
    %mul3A_756 = arith.constant 5.000000e-01 : f32
    %mul3A_757 = vector.broadcast %mul3A_756 : f32 to vector<400x128xf32>
    %mul3A_758 = arith.mulf %mul3A_757, %slice3A_755 : vector<400x128xf32>
    %tanh3A_759 = math.tanh %mul3A_758 : vector<400x128xf32>
    %mul3A_760 = arith.constant 5.000000e-01 : f32
    %mul3A_761 = vector.broadcast %mul3A_760 : f32 to vector<400x128xf32>
    %mul3A_762 = arith.mulf %mul3A_761, %tanh3A_759 : vector<400x128xf32>
    %add3A_763 = arith.constant 5.000000e-01 : f32
    %add3A_764 = vector.broadcast %add3A_763 : f32 to vector<400x128xf32>
    %add3A_765 = arith.addf %mul3A_762, %add3A_764 : vector<400x128xf32>
    %slice3A_766 = vector.extract_strided_slice %add3A_754 {offsets = [0, 128], sizes = [400, 128], strides = [1, 1]} : vector<400x512xf32> to vector<400x128xf32>
    %mul3A_767 = arith.constant 5.000000e-01 : f32
    %mul3A_768 = vector.broadcast %mul3A_767 : f32 to vector<400x128xf32>
    %mul3A_769 = arith.mulf %mul3A_768, %slice3A_766 : vector<400x128xf32>
    %tanh3A_770 = math.tanh %mul3A_769 : vector<400x128xf32>
    %mul3A_771 = arith.constant 5.000000e-01 : f32
    %mul3A_772 = vector.broadcast %mul3A_771 : f32 to vector<400x128xf32>
    %mul3A_773 = arith.mulf %mul3A_772, %tanh3A_770 : vector<400x128xf32>
    %add3A_774 = arith.constant 5.000000e-01 : f32
    %add3A_775 = vector.broadcast %add3A_774 : f32 to vector<400x128xf32>
    %add3A_776 = arith.addf %mul3A_773, %add3A_775 : vector<400x128xf32>
    %slice3A_777 = vector.extract_strided_slice %add3A_754 {offsets = [0, 256], sizes = [400, 128], strides = [1, 1]} : vector<400x512xf32> to vector<400x128xf32>
    %tanh3A_778 = math.tanh %slice3A_777 : vector<400x128xf32>
    %slice3A_779 = vector.extract_strided_slice %add3A_754 {offsets = [0, 384], sizes = [400, 128], strides = [1, 1]} : vector<400x512xf32> to vector<400x128xf32>
    %mul3A_780 = arith.constant 5.000000e-01 : f32
    %mul3A_781 = vector.broadcast %mul3A_780 : f32 to vector<400x128xf32>
    %mul3A_782 = arith.mulf %mul3A_781, %slice3A_779 : vector<400x128xf32>
    %tanh3A_783 = math.tanh %mul3A_782 : vector<400x128xf32>
    %mul3A_784 = arith.constant 5.000000e-01 : f32
    %mul3A_785 = vector.broadcast %mul3A_784 : f32 to vector<400x128xf32>
    %mul3A_786 = arith.mulf %mul3A_785, %tanh3A_783 : vector<400x128xf32>
    %add3A_787 = arith.constant 5.000000e-01 : f32
    %add3A_788 = vector.broadcast %add3A_787 : f32 to vector<400x128xf32>
    %add3A_789 = arith.addf %mul3A_786, %add3A_788 : vector<400x128xf32>
    %mul3A_790 = arith.mulf %add3A_776, %add3A_695 : vector<400x128xf32>
    %mul3A_791 = arith.mulf %add3A_765, %tanh3A_778 : vector<400x128xf32>
    %add3A_792 = arith.addf %mul3A_790, %mul3A_791 : vector<400x128xf32>
    %tanh3A_793 = math.tanh %add3A_792 : vector<400x128xf32>
    %mul3A_794 = arith.mulf %add3A_789, %tanh3A_793 : vector<400x128xf32>
    %get3A_795 = arith.constant 0 : index
    %get3A_796 = arith.constant 128 : index
    %get3A_797 = vector.load %arg1[%get3A_795, %get3A_796] : memref<400x384xf32, #tpu.memory_space<vmem>>, vector<400x16xf32>
    %dot_general3A_798 = arith.constant dense<0.000000e+00> : vector<400x512xf32>
    %dot_general3A_799 = tpu.matmul %get3A_797, %get3A_1, %dot_general3A_798 {dimension_numbers = #tpu.dot_dimension_numbers<[1], [0], [0], [1], [0, 0, 1, 1], [], []>, transpose_lhs_hint = false} : vector<400x16xf32>, vector<16x512xf32>, vector<400x512xf32> -> vector<400x512xf32>
    %dot_general3A_800 = arith.constant dense<0.000000e+00> : vector<400x512xf32>
    %dot_general3A_801 = tpu.matmul %mul3A_747, %get3A_4, %dot_general3A_800 {dimension_numbers = #tpu.dot_dimension_numbers<[1], [0], [0], [1], [0, 0, 1, 1], [], []>, transpose_lhs_hint = false} : vector<400x128xf32>, vector<128x512xf32>, vector<400x512xf32> -> vector<400x512xf32>
    %add3A_802 = arith.addf %dot_general3A_799, %dot_general3A_801 : vector<400x512xf32>
    %add3A_803 = vector.broadcast %get3A_13 : vector<1x512xf32> to vector<400x512xf32>
    %add3A_804 = arith.addf %add3A_802, %add3A_803 : vector<400x512xf32>
    %slice3A_805 = vector.extract_strided_slice %add3A_804 {offsets = [0, 0], sizes = [400, 128], strides = [1, 1]} : vector<400x512xf32> to vector<400x128xf32>
    %mul3A_806 = arith.constant 5.000000e-01 : f32
    %mul3A_807 = vector.broadcast %mul3A_806 : f32 to vector<400x128xf32>
    %mul3A_808 = arith.mulf %mul3A_807, %slice3A_805 : vector<400x128xf32>
    %tanh3A_809 = math.tanh %mul3A_808 : vector<400x128xf32>
    %mul3A_810 = arith.constant 5.000000e-01 : f32
    %mul3A_811 = vector.broadcast %mul3A_810 : f32 to vector<400x128xf32>
    %mul3A_812 = arith.mulf %mul3A_811, %tanh3A_809 : vector<400x128xf32>
    %add3A_813 = arith.constant 5.000000e-01 : f32
    %add3A_814 = vector.broadcast %add3A_813 : f32 to vector<400x128xf32>
    %add3A_815 = arith.addf %mul3A_812, %add3A_814 : vector<400x128xf32>
    %slice3A_816 = vector.extract_strided_slice %add3A_804 {offsets = [0, 128], sizes = [400, 128], strides = [1, 1]} : vector<400x512xf32> to vector<400x128xf32>
    %mul3A_817 = arith.constant 5.000000e-01 : f32
    %mul3A_818 = vector.broadcast %mul3A_817 : f32 to vector<400x128xf32>
    %mul3A_819 = arith.mulf %mul3A_818, %slice3A_816 : vector<400x128xf32>
    %tanh3A_820 = math.tanh %mul3A_819 : vector<400x128xf32>
    %mul3A_821 = arith.constant 5.000000e-01 : f32
    %mul3A_822 = vector.broadcast %mul3A_821 : f32 to vector<400x128xf32>
    %mul3A_823 = arith.mulf %mul3A_822, %tanh3A_820 : vector<400x128xf32>
    %add3A_824 = arith.constant 5.000000e-01 : f32
    %add3A_825 = vector.broadcast %add3A_824 : f32 to vector<400x128xf32>
    %add3A_826 = arith.addf %mul3A_823, %add3A_825 : vector<400x128xf32>
    %slice3A_827 = vector.extract_strided_slice %add3A_804 {offsets = [0, 256], sizes = [400, 128], strides = [1, 1]} : vector<400x512xf32> to vector<400x128xf32>
    %tanh3A_828 = math.tanh %slice3A_827 : vector<400x128xf32>
    %slice3A_829 = vector.extract_strided_slice %add3A_804 {offsets = [0, 384], sizes = [400, 128], strides = [1, 1]} : vector<400x512xf32> to vector<400x128xf32>
    %mul3A_830 = arith.constant 5.000000e-01 : f32
    %mul3A_831 = vector.broadcast %mul3A_830 : f32 to vector<400x128xf32>
    %mul3A_832 = arith.mulf %mul3A_831, %slice3A_829 : vector<400x128xf32>
    %tanh3A_833 = math.tanh %mul3A_832 : vector<400x128xf32>
    %mul3A_834 = arith.constant 5.000000e-01 : f32
    %mul3A_835 = vector.broadcast %mul3A_834 : f32 to vector<400x128xf32>
    %mul3A_836 = arith.mulf %mul3A_835, %tanh3A_833 : vector<400x128xf32>
    %add3A_837 = arith.constant 5.000000e-01 : f32
    %add3A_838 = vector.broadcast %add3A_837 : f32 to vector<400x128xf32>
    %add3A_839 = arith.addf %mul3A_836, %add3A_838 : vector<400x128xf32>
    %mul3A_840 = arith.mulf %add3A_826, %add3A_745 : vector<400x128xf32>
    %mul3A_841 = arith.mulf %add3A_815, %tanh3A_828 : vector<400x128xf32>
    %add3A_842 = arith.addf %mul3A_840, %mul3A_841 : vector<400x128xf32>
    %tanh3A_843 = math.tanh %add3A_842 : vector<400x128xf32>
    %mul3A_844 = arith.mulf %add3A_839, %tanh3A_843 : vector<400x128xf32>
    %dot_general3A_845 = arith.constant dense<0.000000e+00> : vector<400x512xf32>
    %dot_general3A_846 = tpu.matmul %mul3A_844, %get3A_7, %dot_general3A_845 {dimension_numbers = #tpu.dot_dimension_numbers<[1], [0], [0], [1], [0, 0, 1, 1], [], []>, transpose_lhs_hint = false} : vector<400x128xf32>, vector<128x512xf32>, vector<400x512xf32> -> vector<400x512xf32>
    %dot_general3A_847 = arith.constant dense<0.000000e+00> : vector<400x512xf32>
    %dot_general3A_848 = tpu.matmul %mul3A_794, %get3A_10, %dot_general3A_847 {dimension_numbers = #tpu.dot_dimension_numbers<[1], [0], [0], [1], [0, 0, 1, 1], [], []>, transpose_lhs_hint = false} : vector<400x128xf32>, vector<128x512xf32>, vector<400x512xf32> -> vector<400x512xf32>
    %add3A_849 = arith.addf %dot_general3A_846, %dot_general3A_848 : vector<400x512xf32>
    %add3A_850 = vector.broadcast %get3A_16 : vector<1x512xf32> to vector<400x512xf32>
    %add3A_851 = arith.addf %add3A_849, %add3A_850 : vector<400x512xf32>
    %slice3A_852 = vector.extract_strided_slice %add3A_851 {offsets = [0, 0], sizes = [400, 128], strides = [1, 1]} : vector<400x512xf32> to vector<400x128xf32>
    %mul3A_853 = arith.constant 5.000000e-01 : f32
    %mul3A_854 = vector.broadcast %mul3A_853 : f32 to vector<400x128xf32>
    %mul3A_855 = arith.mulf %mul3A_854, %slice3A_852 : vector<400x128xf32>
    %tanh3A_856 = math.tanh %mul3A_855 : vector<400x128xf32>
    %mul3A_857 = arith.constant 5.000000e-01 : f32
    %mul3A_858 = vector.broadcast %mul3A_857 : f32 to vector<400x128xf32>
    %mul3A_859 = arith.mulf %mul3A_858, %tanh3A_856 : vector<400x128xf32>
    %add3A_860 = arith.constant 5.000000e-01 : f32
    %add3A_861 = vector.broadcast %add3A_860 : f32 to vector<400x128xf32>
    %add3A_862 = arith.addf %mul3A_859, %add3A_861 : vector<400x128xf32>
    %slice3A_863 = vector.extract_strided_slice %add3A_851 {offsets = [0, 128], sizes = [400, 128], strides = [1, 1]} : vector<400x512xf32> to vector<400x128xf32>
    %mul3A_864 = arith.constant 5.000000e-01 : f32
    %mul3A_865 = vector.broadcast %mul3A_864 : f32 to vector<400x128xf32>
    %mul3A_866 = arith.mulf %mul3A_865, %slice3A_863 : vector<400x128xf32>
    %tanh3A_867 = math.tanh %mul3A_866 : vector<400x128xf32>
    %mul3A_868 = arith.constant 5.000000e-01 : f32
    %mul3A_869 = vector.broadcast %mul3A_868 : f32 to vector<400x128xf32>
    %mul3A_870 = arith.mulf %mul3A_869, %tanh3A_867 : vector<400x128xf32>
    %add3A_871 = arith.constant 5.000000e-01 : f32
    %add3A_872 = vector.broadcast %add3A_871 : f32 to vector<400x128xf32>
    %add3A_873 = arith.addf %mul3A_870, %add3A_872 : vector<400x128xf32>
    %slice3A_874 = vector.extract_strided_slice %add3A_851 {offsets = [0, 256], sizes = [400, 128], strides = [1, 1]} : vector<400x512xf32> to vector<400x128xf32>
    %tanh3A_875 = math.tanh %slice3A_874 : vector<400x128xf32>
    %slice3A_876 = vector.extract_strided_slice %add3A_851 {offsets = [0, 384], sizes = [400, 128], strides = [1, 1]} : vector<400x512xf32> to vector<400x128xf32>
    %mul3A_877 = arith.constant 5.000000e-01 : f32
    %mul3A_878 = vector.broadcast %mul3A_877 : f32 to vector<400x128xf32>
    %mul3A_879 = arith.mulf %mul3A_878, %slice3A_876 : vector<400x128xf32>
    %tanh3A_880 = math.tanh %mul3A_879 : vector<400x128xf32>
    %mul3A_881 = arith.constant 5.000000e-01 : f32
    %mul3A_882 = vector.broadcast %mul3A_881 : f32 to vector<400x128xf32>
    %mul3A_883 = arith.mulf %mul3A_882, %tanh3A_880 : vector<400x128xf32>
    %add3A_884 = arith.constant 5.000000e-01 : f32
    %add3A_885 = vector.broadcast %add3A_884 : f32 to vector<400x128xf32>
    %add3A_886 = arith.addf %mul3A_883, %add3A_885 : vector<400x128xf32>
    %mul3A_887 = arith.mulf %add3A_873, %add3A_792 : vector<400x128xf32>
    %mul3A_888 = arith.mulf %add3A_862, %tanh3A_875 : vector<400x128xf32>
    %add3A_889 = arith.addf %mul3A_887, %mul3A_888 : vector<400x128xf32>
    %tanh3A_890 = math.tanh %add3A_889 : vector<400x128xf32>
    %mul3A_891 = arith.mulf %add3A_886, %tanh3A_890 : vector<400x128xf32>
    %get3A_892 = arith.constant 0 : index
    %get3A_893 = arith.constant 144 : index
    %get3A_894 = vector.load %arg1[%get3A_892, %get3A_893] : memref<400x384xf32, #tpu.memory_space<vmem>>, vector<400x16xf32>
    %dot_general3A_895 = arith.constant dense<0.000000e+00> : vector<400x512xf32>
    %dot_general3A_896 = tpu.matmul %get3A_894, %get3A_1, %dot_general3A_895 {dimension_numbers = #tpu.dot_dimension_numbers<[1], [0], [0], [1], [0, 0, 1, 1], [], []>, transpose_lhs_hint = false} : vector<400x16xf32>, vector<16x512xf32>, vector<400x512xf32> -> vector<400x512xf32>
    %dot_general3A_897 = arith.constant dense<0.000000e+00> : vector<400x512xf32>
    %dot_general3A_898 = tpu.matmul %mul3A_844, %get3A_4, %dot_general3A_897 {dimension_numbers = #tpu.dot_dimension_numbers<[1], [0], [0], [1], [0, 0, 1, 1], [], []>, transpose_lhs_hint = false} : vector<400x128xf32>, vector<128x512xf32>, vector<400x512xf32> -> vector<400x512xf32>
    %add3A_899 = arith.addf %dot_general3A_896, %dot_general3A_898 : vector<400x512xf32>
    %add3A_900 = vector.broadcast %get3A_13 : vector<1x512xf32> to vector<400x512xf32>
    %add3A_901 = arith.addf %add3A_899, %add3A_900 : vector<400x512xf32>
    %slice3A_902 = vector.extract_strided_slice %add3A_901 {offsets = [0, 0], sizes = [400, 128], strides = [1, 1]} : vector<400x512xf32> to vector<400x128xf32>
    %mul3A_903 = arith.constant 5.000000e-01 : f32
    %mul3A_904 = vector.broadcast %mul3A_903 : f32 to vector<400x128xf32>
    %mul3A_905 = arith.mulf %mul3A_904, %slice3A_902 : vector<400x128xf32>
    %tanh3A_906 = math.tanh %mul3A_905 : vector<400x128xf32>
    %mul3A_907 = arith.constant 5.000000e-01 : f32
    %mul3A_908 = vector.broadcast %mul3A_907 : f32 to vector<400x128xf32>
    %mul3A_909 = arith.mulf %mul3A_908, %tanh3A_906 : vector<400x128xf32>
    %add3A_910 = arith.constant 5.000000e-01 : f32
    %add3A_911 = vector.broadcast %add3A_910 : f32 to vector<400x128xf32>
    %add3A_912 = arith.addf %mul3A_909, %add3A_911 : vector<400x128xf32>
    %slice3A_913 = vector.extract_strided_slice %add3A_901 {offsets = [0, 128], sizes = [400, 128], strides = [1, 1]} : vector<400x512xf32> to vector<400x128xf32>
    %mul3A_914 = arith.constant 5.000000e-01 : f32
    %mul3A_915 = vector.broadcast %mul3A_914 : f32 to vector<400x128xf32>
    %mul3A_916 = arith.mulf %mul3A_915, %slice3A_913 : vector<400x128xf32>
    %tanh3A_917 = math.tanh %mul3A_916 : vector<400x128xf32>
    %mul3A_918 = arith.constant 5.000000e-01 : f32
    %mul3A_919 = vector.broadcast %mul3A_918 : f32 to vector<400x128xf32>
    %mul3A_920 = arith.mulf %mul3A_919, %tanh3A_917 : vector<400x128xf32>
    %add3A_921 = arith.constant 5.000000e-01 : f32
    %add3A_922 = vector.broadcast %add3A_921 : f32 to vector<400x128xf32>
    %add3A_923 = arith.addf %mul3A_920, %add3A_922 : vector<400x128xf32>
    %slice3A_924 = vector.extract_strided_slice %add3A_901 {offsets = [0, 256], sizes = [400, 128], strides = [1, 1]} : vector<400x512xf32> to vector<400x128xf32>
    %tanh3A_925 = math.tanh %slice3A_924 : vector<400x128xf32>
    %slice3A_926 = vector.extract_strided_slice %add3A_901 {offsets = [0, 384], sizes = [400, 128], strides = [1, 1]} : vector<400x512xf32> to vector<400x128xf32>
    %mul3A_927 = arith.constant 5.000000e-01 : f32
    %mul3A_928 = vector.broadcast %mul3A_927 : f32 to vector<400x128xf32>
    %mul3A_929 = arith.mulf %mul3A_928, %slice3A_926 : vector<400x128xf32>
    %tanh3A_930 = math.tanh %mul3A_929 : vector<400x128xf32>
    %mul3A_931 = arith.constant 5.000000e-01 : f32
    %mul3A_932 = vector.broadcast %mul3A_931 : f32 to vector<400x128xf32>
    %mul3A_933 = arith.mulf %mul3A_932, %tanh3A_930 : vector<400x128xf32>
    %add3A_934 = arith.constant 5.000000e-01 : f32
    %add3A_935 = vector.broadcast %add3A_934 : f32 to vector<400x128xf32>
    %add3A_936 = arith.addf %mul3A_933, %add3A_935 : vector<400x128xf32>
    %mul3A_937 = arith.mulf %add3A_923, %add3A_842 : vector<400x128xf32>
    %mul3A_938 = arith.mulf %add3A_912, %tanh3A_925 : vector<400x128xf32>
    %add3A_939 = arith.addf %mul3A_937, %mul3A_938 : vector<400x128xf32>
    %tanh3A_940 = math.tanh %add3A_939 : vector<400x128xf32>
    %mul3A_941 = arith.mulf %add3A_936, %tanh3A_940 : vector<400x128xf32>
    %dot_general3A_942 = arith.constant dense<0.000000e+00> : vector<400x512xf32>
    %dot_general3A_943 = tpu.matmul %mul3A_941, %get3A_7, %dot_general3A_942 {dimension_numbers = #tpu.dot_dimension_numbers<[1], [0], [0], [1], [0, 0, 1, 1], [], []>, transpose_lhs_hint = false} : vector<400x128xf32>, vector<128x512xf32>, vector<400x512xf32> -> vector<400x512xf32>
    %dot_general3A_944 = arith.constant dense<0.000000e+00> : vector<400x512xf32>
    %dot_general3A_945 = tpu.matmul %mul3A_891, %get3A_10, %dot_general3A_944 {dimension_numbers = #tpu.dot_dimension_numbers<[1], [0], [0], [1], [0, 0, 1, 1], [], []>, transpose_lhs_hint = false} : vector<400x128xf32>, vector<128x512xf32>, vector<400x512xf32> -> vector<400x512xf32>
    %add3A_946 = arith.addf %dot_general3A_943, %dot_general3A_945 : vector<400x512xf32>
    %add3A_947 = vector.broadcast %get3A_16 : vector<1x512xf32> to vector<400x512xf32>
    %add3A_948 = arith.addf %add3A_946, %add3A_947 : vector<400x512xf32>
    %slice3A_949 = vector.extract_strided_slice %add3A_948 {offsets = [0, 0], sizes = [400, 128], strides = [1, 1]} : vector<400x512xf32> to vector<400x128xf32>
    %mul3A_950 = arith.constant 5.000000e-01 : f32
    %mul3A_951 = vector.broadcast %mul3A_950 : f32 to vector<400x128xf32>
    %mul3A_952 = arith.mulf %mul3A_951, %slice3A_949 : vector<400x128xf32>
    %tanh3A_953 = math.tanh %mul3A_952 : vector<400x128xf32>
    %mul3A_954 = arith.constant 5.000000e-01 : f32
    %mul3A_955 = vector.broadcast %mul3A_954 : f32 to vector<400x128xf32>
    %mul3A_956 = arith.mulf %mul3A_955, %tanh3A_953 : vector<400x128xf32>
    %add3A_957 = arith.constant 5.000000e-01 : f32
    %add3A_958 = vector.broadcast %add3A_957 : f32 to vector<400x128xf32>
    %add3A_959 = arith.addf %mul3A_956, %add3A_958 : vector<400x128xf32>
    %slice3A_960 = vector.extract_strided_slice %add3A_948 {offsets = [0, 128], sizes = [400, 128], strides = [1, 1]} : vector<400x512xf32> to vector<400x128xf32>
    %mul3A_961 = arith.constant 5.000000e-01 : f32
    %mul3A_962 = vector.broadcast %mul3A_961 : f32 to vector<400x128xf32>
    %mul3A_963 = arith.mulf %mul3A_962, %slice3A_960 : vector<400x128xf32>
    %tanh3A_964 = math.tanh %mul3A_963 : vector<400x128xf32>
    %mul3A_965 = arith.constant 5.000000e-01 : f32
    %mul3A_966 = vector.broadcast %mul3A_965 : f32 to vector<400x128xf32>
    %mul3A_967 = arith.mulf %mul3A_966, %tanh3A_964 : vector<400x128xf32>
    %add3A_968 = arith.constant 5.000000e-01 : f32
    %add3A_969 = vector.broadcast %add3A_968 : f32 to vector<400x128xf32>
    %add3A_970 = arith.addf %mul3A_967, %add3A_969 : vector<400x128xf32>
    %slice3A_971 = vector.extract_strided_slice %add3A_948 {offsets = [0, 256], sizes = [400, 128], strides = [1, 1]} : vector<400x512xf32> to vector<400x128xf32>
    %tanh3A_972 = math.tanh %slice3A_971 : vector<400x128xf32>
    %slice3A_973 = vector.extract_strided_slice %add3A_948 {offsets = [0, 384], sizes = [400, 128], strides = [1, 1]} : vector<400x512xf32> to vector<400x128xf32>
    %mul3A_974 = arith.constant 5.000000e-01 : f32
    %mul3A_975 = vector.broadcast %mul3A_974 : f32 to vector<400x128xf32>
    %mul3A_976 = arith.mulf %mul3A_975, %slice3A_973 : vector<400x128xf32>
    %tanh3A_977 = math.tanh %mul3A_976 : vector<400x128xf32>
    %mul3A_978 = arith.constant 5.000000e-01 : f32
    %mul3A_979 = vector.broadcast %mul3A_978 : f32 to vector<400x128xf32>
    %mul3A_980 = arith.mulf %mul3A_979, %tanh3A_977 : vector<400x128xf32>
    %add3A_981 = arith.constant 5.000000e-01 : f32
    %add3A_982 = vector.broadcast %add3A_981 : f32 to vector<400x128xf32>
    %add3A_983 = arith.addf %mul3A_980, %add3A_982 : vector<400x128xf32>
    %mul3A_984 = arith.mulf %add3A_970, %add3A_889 : vector<400x128xf32>
    %mul3A_985 = arith.mulf %add3A_959, %tanh3A_972 : vector<400x128xf32>
    %add3A_986 = arith.addf %mul3A_984, %mul3A_985 : vector<400x128xf32>
    %tanh3A_987 = math.tanh %add3A_986 : vector<400x128xf32>
    %mul3A_988 = arith.mulf %add3A_983, %tanh3A_987 : vector<400x128xf32>
    %get3A_989 = arith.constant 0 : index
    %get3A_990 = arith.constant 160 : index
    %get3A_991 = vector.load %arg1[%get3A_989, %get3A_990] : memref<400x384xf32, #tpu.memory_space<vmem>>, vector<400x16xf32>
    %dot_general3A_992 = arith.constant dense<0.000000e+00> : vector<400x512xf32>
    %dot_general3A_993 = tpu.matmul %get3A_991, %get3A_1, %dot_general3A_992 {dimension_numbers = #tpu.dot_dimension_numbers<[1], [0], [0], [1], [0, 0, 1, 1], [], []>, transpose_lhs_hint = false} : vector<400x16xf32>, vector<16x512xf32>, vector<400x512xf32> -> vector<400x512xf32>
    %dot_general3A_994 = arith.constant dense<0.000000e+00> : vector<400x512xf32>
    %dot_general3A_995 = tpu.matmul %mul3A_941, %get3A_4, %dot_general3A_994 {dimension_numbers = #tpu.dot_dimension_numbers<[1], [0], [0], [1], [0, 0, 1, 1], [], []>, transpose_lhs_hint = false} : vector<400x128xf32>, vector<128x512xf32>, vector<400x512xf32> -> vector<400x512xf32>
    %add3A_996 = arith.addf %dot_general3A_993, %dot_general3A_995 : vector<400x512xf32>
    %add3A_997 = vector.broadcast %get3A_13 : vector<1x512xf32> to vector<400x512xf32>
    %add3A_998 = arith.addf %add3A_996, %add3A_997 : vector<400x512xf32>
    %slice3A_999 = vector.extract_strided_slice %add3A_998 {offsets = [0, 0], sizes = [400, 128], strides = [1, 1]} : vector<400x512xf32> to vector<400x128xf32>
    %mul3A_1000 = arith.constant 5.000000e-01 : f32
    %mul3A_1001 = vector.broadcast %mul3A_1000 : f32 to vector<400x128xf32>
    %mul3A_1002 = arith.mulf %mul3A_1001, %slice3A_999 : vector<400x128xf32>
    %tanh3A_1003 = math.tanh %mul3A_1002 : vector<400x128xf32>
    %mul3A_1004 = arith.constant 5.000000e-01 : f32
    %mul3A_1005 = vector.broadcast %mul3A_1004 : f32 to vector<400x128xf32>
    %mul3A_1006 = arith.mulf %mul3A_1005, %tanh3A_1003 : vector<400x128xf32>
    %add3A_1007 = arith.constant 5.000000e-01 : f32
    %add3A_1008 = vector.broadcast %add3A_1007 : f32 to vector<400x128xf32>
    %add3A_1009 = arith.addf %mul3A_1006, %add3A_1008 : vector<400x128xf32>
    %slice3A_1010 = vector.extract_strided_slice %add3A_998 {offsets = [0, 128], sizes = [400, 128], strides = [1, 1]} : vector<400x512xf32> to vector<400x128xf32>
    %mul3A_1011 = arith.constant 5.000000e-01 : f32
    %mul3A_1012 = vector.broadcast %mul3A_1011 : f32 to vector<400x128xf32>
    %mul3A_1013 = arith.mulf %mul3A_1012, %slice3A_1010 : vector<400x128xf32>
    %tanh3A_1014 = math.tanh %mul3A_1013 : vector<400x128xf32>
    %mul3A_1015 = arith.constant 5.000000e-01 : f32
    %mul3A_1016 = vector.broadcast %mul3A_1015 : f32 to vector<400x128xf32>
    %mul3A_1017 = arith.mulf %mul3A_1016, %tanh3A_1014 : vector<400x128xf32>
    %add3A_1018 = arith.constant 5.000000e-01 : f32
    %add3A_1019 = vector.broadcast %add3A_1018 : f32 to vector<400x128xf32>
    %add3A_1020 = arith.addf %mul3A_1017, %add3A_1019 : vector<400x128xf32>
    %slice3A_1021 = vector.extract_strided_slice %add3A_998 {offsets = [0, 256], sizes = [400, 128], strides = [1, 1]} : vector<400x512xf32> to vector<400x128xf32>
    %tanh3A_1022 = math.tanh %slice3A_1021 : vector<400x128xf32>
    %slice3A_1023 = vector.extract_strided_slice %add3A_998 {offsets = [0, 384], sizes = [400, 128], strides = [1, 1]} : vector<400x512xf32> to vector<400x128xf32>
    %mul3A_1024 = arith.constant 5.000000e-01 : f32
    %mul3A_1025 = vector.broadcast %mul3A_1024 : f32 to vector<400x128xf32>
    %mul3A_1026 = arith.mulf %mul3A_1025, %slice3A_1023 : vector<400x128xf32>
    %tanh3A_1027 = math.tanh %mul3A_1026 : vector<400x128xf32>
    %mul3A_1028 = arith.constant 5.000000e-01 : f32
    %mul3A_1029 = vector.broadcast %mul3A_1028 : f32 to vector<400x128xf32>
    %mul3A_1030 = arith.mulf %mul3A_1029, %tanh3A_1027 : vector<400x128xf32>
    %add3A_1031 = arith.constant 5.000000e-01 : f32
    %add3A_1032 = vector.broadcast %add3A_1031 : f32 to vector<400x128xf32>
    %add3A_1033 = arith.addf %mul3A_1030, %add3A_1032 : vector<400x128xf32>
    %mul3A_1034 = arith.mulf %add3A_1020, %add3A_939 : vector<400x128xf32>
    %mul3A_1035 = arith.mulf %add3A_1009, %tanh3A_1022 : vector<400x128xf32>
    %add3A_1036 = arith.addf %mul3A_1034, %mul3A_1035 : vector<400x128xf32>
    %tanh3A_1037 = math.tanh %add3A_1036 : vector<400x128xf32>
    %mul3A_1038 = arith.mulf %add3A_1033, %tanh3A_1037 : vector<400x128xf32>
    %dot_general3A_1039 = arith.constant dense<0.000000e+00> : vector<400x512xf32>
    %dot_general3A_1040 = tpu.matmul %mul3A_1038, %get3A_7, %dot_general3A_1039 {dimension_numbers = #tpu.dot_dimension_numbers<[1], [0], [0], [1], [0, 0, 1, 1], [], []>, transpose_lhs_hint = false} : vector<400x128xf32>, vector<128x512xf32>, vector<400x512xf32> -> vector<400x512xf32>
    %dot_general3A_1041 = arith.constant dense<0.000000e+00> : vector<400x512xf32>
    %dot_general3A_1042 = tpu.matmul %mul3A_988, %get3A_10, %dot_general3A_1041 {dimension_numbers = #tpu.dot_dimension_numbers<[1], [0], [0], [1], [0, 0, 1, 1], [], []>, transpose_lhs_hint = false} : vector<400x128xf32>, vector<128x512xf32>, vector<400x512xf32> -> vector<400x512xf32>
    %add3A_1043 = arith.addf %dot_general3A_1040, %dot_general3A_1042 : vector<400x512xf32>
    %add3A_1044 = vector.broadcast %get3A_16 : vector<1x512xf32> to vector<400x512xf32>
    %add3A_1045 = arith.addf %add3A_1043, %add3A_1044 : vector<400x512xf32>
    %slice3A_1046 = vector.extract_strided_slice %add3A_1045 {offsets = [0, 0], sizes = [400, 128], strides = [1, 1]} : vector<400x512xf32> to vector<400x128xf32>
    %mul3A_1047 = arith.constant 5.000000e-01 : f32
    %mul3A_1048 = vector.broadcast %mul3A_1047 : f32 to vector<400x128xf32>
    %mul3A_1049 = arith.mulf %mul3A_1048, %slice3A_1046 : vector<400x128xf32>
    %tanh3A_1050 = math.tanh %mul3A_1049 : vector<400x128xf32>
    %mul3A_1051 = arith.constant 5.000000e-01 : f32
    %mul3A_1052 = vector.broadcast %mul3A_1051 : f32 to vector<400x128xf32>
    %mul3A_1053 = arith.mulf %mul3A_1052, %tanh3A_1050 : vector<400x128xf32>
    %add3A_1054 = arith.constant 5.000000e-01 : f32
    %add3A_1055 = vector.broadcast %add3A_1054 : f32 to vector<400x128xf32>
    %add3A_1056 = arith.addf %mul3A_1053, %add3A_1055 : vector<400x128xf32>
    %slice3A_1057 = vector.extract_strided_slice %add3A_1045 {offsets = [0, 128], sizes = [400, 128], strides = [1, 1]} : vector<400x512xf32> to vector<400x128xf32>
    %mul3A_1058 = arith.constant 5.000000e-01 : f32
    %mul3A_1059 = vector.broadcast %mul3A_1058 : f32 to vector<400x128xf32>
    %mul3A_1060 = arith.mulf %mul3A_1059, %slice3A_1057 : vector<400x128xf32>
    %tanh3A_1061 = math.tanh %mul3A_1060 : vector<400x128xf32>
    %mul3A_1062 = arith.constant 5.000000e-01 : f32
    %mul3A_1063 = vector.broadcast %mul3A_1062 : f32 to vector<400x128xf32>
    %mul3A_1064 = arith.mulf %mul3A_1063, %tanh3A_1061 : vector<400x128xf32>
    %add3A_1065 = arith.constant 5.000000e-01 : f32
    %add3A_1066 = vector.broadcast %add3A_1065 : f32 to vector<400x128xf32>
    %add3A_1067 = arith.addf %mul3A_1064, %add3A_1066 : vector<400x128xf32>
    %slice3A_1068 = vector.extract_strided_slice %add3A_1045 {offsets = [0, 256], sizes = [400, 128], strides = [1, 1]} : vector<400x512xf32> to vector<400x128xf32>
    %tanh3A_1069 = math.tanh %slice3A_1068 : vector<400x128xf32>
    %slice3A_1070 = vector.extract_strided_slice %add3A_1045 {offsets = [0, 384], sizes = [400, 128], strides = [1, 1]} : vector<400x512xf32> to vector<400x128xf32>
    %mul3A_1071 = arith.constant 5.000000e-01 : f32
    %mul3A_1072 = vector.broadcast %mul3A_1071 : f32 to vector<400x128xf32>
    %mul3A_1073 = arith.mulf %mul3A_1072, %slice3A_1070 : vector<400x128xf32>
    %tanh3A_1074 = math.tanh %mul3A_1073 : vector<400x128xf32>
    %mul3A_1075 = arith.constant 5.000000e-01 : f32
    %mul3A_1076 = vector.broadcast %mul3A_1075 : f32 to vector<400x128xf32>
    %mul3A_1077 = arith.mulf %mul3A_1076, %tanh3A_1074 : vector<400x128xf32>
    %add3A_1078 = arith.constant 5.000000e-01 : f32
    %add3A_1079 = vector.broadcast %add3A_1078 : f32 to vector<400x128xf32>
    %add3A_1080 = arith.addf %mul3A_1077, %add3A_1079 : vector<400x128xf32>
    %mul3A_1081 = arith.mulf %add3A_1067, %add3A_986 : vector<400x128xf32>
    %mul3A_1082 = arith.mulf %add3A_1056, %tanh3A_1069 : vector<400x128xf32>
    %add3A_1083 = arith.addf %mul3A_1081, %mul3A_1082 : vector<400x128xf32>
    %tanh3A_1084 = math.tanh %add3A_1083 : vector<400x128xf32>
    %mul3A_1085 = arith.mulf %add3A_1080, %tanh3A_1084 : vector<400x128xf32>
    %get3A_1086 = arith.constant 0 : index
    %get3A_1087 = arith.constant 176 : index
    %get3A_1088 = vector.load %arg1[%get3A_1086, %get3A_1087] : memref<400x384xf32, #tpu.memory_space<vmem>>, vector<400x16xf32>
    %dot_general3A_1089 = arith.constant dense<0.000000e+00> : vector<400x512xf32>
    %dot_general3A_1090 = tpu.matmul %get3A_1088, %get3A_1, %dot_general3A_1089 {dimension_numbers = #tpu.dot_dimension_numbers<[1], [0], [0], [1], [0, 0, 1, 1], [], []>, transpose_lhs_hint = false} : vector<400x16xf32>, vector<16x512xf32>, vector<400x512xf32> -> vector<400x512xf32>
    %dot_general3A_1091 = arith.constant dense<0.000000e+00> : vector<400x512xf32>
    %dot_general3A_1092 = tpu.matmul %mul3A_1038, %get3A_4, %dot_general3A_1091 {dimension_numbers = #tpu.dot_dimension_numbers<[1], [0], [0], [1], [0, 0, 1, 1], [], []>, transpose_lhs_hint = false} : vector<400x128xf32>, vector<128x512xf32>, vector<400x512xf32> -> vector<400x512xf32>
    %add3A_1093 = arith.addf %dot_general3A_1090, %dot_general3A_1092 : vector<400x512xf32>
    %add3A_1094 = vector.broadcast %get3A_13 : vector<1x512xf32> to vector<400x512xf32>
    %add3A_1095 = arith.addf %add3A_1093, %add3A_1094 : vector<400x512xf32>
    %slice3A_1096 = vector.extract_strided_slice %add3A_1095 {offsets = [0, 0], sizes = [400, 128], strides = [1, 1]} : vector<400x512xf32> to vector<400x128xf32>
    %mul3A_1097 = arith.constant 5.000000e-01 : f32
    %mul3A_1098 = vector.broadcast %mul3A_1097 : f32 to vector<400x128xf32>
    %mul3A_1099 = arith.mulf %mul3A_1098, %slice3A_1096 : vector<400x128xf32>
    %tanh3A_1100 = math.tanh %mul3A_1099 : vector<400x128xf32>
    %mul3A_1101 = arith.constant 5.000000e-01 : f32
    %mul3A_1102 = vector.broadcast %mul3A_1101 : f32 to vector<400x128xf32>
    %mul3A_1103 = arith.mulf %mul3A_1102, %tanh3A_1100 : vector<400x128xf32>
    %add3A_1104 = arith.constant 5.000000e-01 : f32
    %add3A_1105 = vector.broadcast %add3A_1104 : f32 to vector<400x128xf32>
    %add3A_1106 = arith.addf %mul3A_1103, %add3A_1105 : vector<400x128xf32>
    %slice3A_1107 = vector.extract_strided_slice %add3A_1095 {offsets = [0, 128], sizes = [400, 128], strides = [1, 1]} : vector<400x512xf32> to vector<400x128xf32>
    %mul3A_1108 = arith.constant 5.000000e-01 : f32
    %mul3A_1109 = vector.broadcast %mul3A_1108 : f32 to vector<400x128xf32>
    %mul3A_1110 = arith.mulf %mul3A_1109, %slice3A_1107 : vector<400x128xf32>
    %tanh3A_1111 = math.tanh %mul3A_1110 : vector<400x128xf32>
    %mul3A_1112 = arith.constant 5.000000e-01 : f32
    %mul3A_1113 = vector.broadcast %mul3A_1112 : f32 to vector<400x128xf32>
    %mul3A_1114 = arith.mulf %mul3A_1113, %tanh3A_1111 : vector<400x128xf32>
    %add3A_1115 = arith.constant 5.000000e-01 : f32
    %add3A_1116 = vector.broadcast %add3A_1115 : f32 to vector<400x128xf32>
    %add3A_1117 = arith.addf %mul3A_1114, %add3A_1116 : vector<400x128xf32>
    %slice3A_1118 = vector.extract_strided_slice %add3A_1095 {offsets = [0, 256], sizes = [400, 128], strides = [1, 1]} : vector<400x512xf32> to vector<400x128xf32>
    %tanh3A_1119 = math.tanh %slice3A_1118 : vector<400x128xf32>
    %slice3A_1120 = vector.extract_strided_slice %add3A_1095 {offsets = [0, 384], sizes = [400, 128], strides = [1, 1]} : vector<400x512xf32> to vector<400x128xf32>
    %mul3A_1121 = arith.constant 5.000000e-01 : f32
    %mul3A_1122 = vector.broadcast %mul3A_1121 : f32 to vector<400x128xf32>
    %mul3A_1123 = arith.mulf %mul3A_1122, %slice3A_1120 : vector<400x128xf32>
    %tanh3A_1124 = math.tanh %mul3A_1123 : vector<400x128xf32>
    %mul3A_1125 = arith.constant 5.000000e-01 : f32
    %mul3A_1126 = vector.broadcast %mul3A_1125 : f32 to vector<400x128xf32>
    %mul3A_1127 = arith.mulf %mul3A_1126, %tanh3A_1124 : vector<400x128xf32>
    %add3A_1128 = arith.constant 5.000000e-01 : f32
    %add3A_1129 = vector.broadcast %add3A_1128 : f32 to vector<400x128xf32>
    %add3A_1130 = arith.addf %mul3A_1127, %add3A_1129 : vector<400x128xf32>
    %mul3A_1131 = arith.mulf %add3A_1117, %add3A_1036 : vector<400x128xf32>
    %mul3A_1132 = arith.mulf %add3A_1106, %tanh3A_1119 : vector<400x128xf32>
    %add3A_1133 = arith.addf %mul3A_1131, %mul3A_1132 : vector<400x128xf32>
    %tanh3A_1134 = math.tanh %add3A_1133 : vector<400x128xf32>
    %mul3A_1135 = arith.mulf %add3A_1130, %tanh3A_1134 : vector<400x128xf32>
    %dot_general3A_1136 = arith.constant dense<0.000000e+00> : vector<400x512xf32>
    %dot_general3A_1137 = tpu.matmul %mul3A_1135, %get3A_7, %dot_general3A_1136 {dimension_numbers = #tpu.dot_dimension_numbers<[1], [0], [0], [1], [0, 0, 1, 1], [], []>, transpose_lhs_hint = false} : vector<400x128xf32>, vector<128x512xf32>, vector<400x512xf32> -> vector<400x512xf32>
    %dot_general3A_1138 = arith.constant dense<0.000000e+00> : vector<400x512xf32>
    %dot_general3A_1139 = tpu.matmul %mul3A_1085, %get3A_10, %dot_general3A_1138 {dimension_numbers = #tpu.dot_dimension_numbers<[1], [0], [0], [1], [0, 0, 1, 1], [], []>, transpose_lhs_hint = false} : vector<400x128xf32>, vector<128x512xf32>, vector<400x512xf32> -> vector<400x512xf32>
    %add3A_1140 = arith.addf %dot_general3A_1137, %dot_general3A_1139 : vector<400x512xf32>
    %add3A_1141 = vector.broadcast %get3A_16 : vector<1x512xf32> to vector<400x512xf32>
    %add3A_1142 = arith.addf %add3A_1140, %add3A_1141 : vector<400x512xf32>
    %slice3A_1143 = vector.extract_strided_slice %add3A_1142 {offsets = [0, 0], sizes = [400, 128], strides = [1, 1]} : vector<400x512xf32> to vector<400x128xf32>
    %mul3A_1144 = arith.constant 5.000000e-01 : f32
    %mul3A_1145 = vector.broadcast %mul3A_1144 : f32 to vector<400x128xf32>
    %mul3A_1146 = arith.mulf %mul3A_1145, %slice3A_1143 : vector<400x128xf32>
    %tanh3A_1147 = math.tanh %mul3A_1146 : vector<400x128xf32>
    %mul3A_1148 = arith.constant 5.000000e-01 : f32
    %mul3A_1149 = vector.broadcast %mul3A_1148 : f32 to vector<400x128xf32>
    %mul3A_1150 = arith.mulf %mul3A_1149, %tanh3A_1147 : vector<400x128xf32>
    %add3A_1151 = arith.constant 5.000000e-01 : f32
    %add3A_1152 = vector.broadcast %add3A_1151 : f32 to vector<400x128xf32>
    %add3A_1153 = arith.addf %mul3A_1150, %add3A_1152 : vector<400x128xf32>
    %slice3A_1154 = vector.extract_strided_slice %add3A_1142 {offsets = [0, 128], sizes = [400, 128], strides = [1, 1]} : vector<400x512xf32> to vector<400x128xf32>
    %mul3A_1155 = arith.constant 5.000000e-01 : f32
    %mul3A_1156 = vector.broadcast %mul3A_1155 : f32 to vector<400x128xf32>
    %mul3A_1157 = arith.mulf %mul3A_1156, %slice3A_1154 : vector<400x128xf32>
    %tanh3A_1158 = math.tanh %mul3A_1157 : vector<400x128xf32>
    %mul3A_1159 = arith.constant 5.000000e-01 : f32
    %mul3A_1160 = vector.broadcast %mul3A_1159 : f32 to vector<400x128xf32>
    %mul3A_1161 = arith.mulf %mul3A_1160, %tanh3A_1158 : vector<400x128xf32>
    %add3A_1162 = arith.constant 5.000000e-01 : f32
    %add3A_1163 = vector.broadcast %add3A_1162 : f32 to vector<400x128xf32>
    %add3A_1164 = arith.addf %mul3A_1161, %add3A_1163 : vector<400x128xf32>
    %slice3A_1165 = vector.extract_strided_slice %add3A_1142 {offsets = [0, 256], sizes = [400, 128], strides = [1, 1]} : vector<400x512xf32> to vector<400x128xf32>
    %tanh3A_1166 = math.tanh %slice3A_1165 : vector<400x128xf32>
    %slice3A_1167 = vector.extract_strided_slice %add3A_1142 {offsets = [0, 384], sizes = [400, 128], strides = [1, 1]} : vector<400x512xf32> to vector<400x128xf32>
    %mul3A_1168 = arith.constant 5.000000e-01 : f32
    %mul3A_1169 = vector.broadcast %mul3A_1168 : f32 to vector<400x128xf32>
    %mul3A_1170 = arith.mulf %mul3A_1169, %slice3A_1167 : vector<400x128xf32>
    %tanh3A_1171 = math.tanh %mul3A_1170 : vector<400x128xf32>
    %mul3A_1172 = arith.constant 5.000000e-01 : f32
    %mul3A_1173 = vector.broadcast %mul3A_1172 : f32 to vector<400x128xf32>
    %mul3A_1174 = arith.mulf %mul3A_1173, %tanh3A_1171 : vector<400x128xf32>
    %add3A_1175 = arith.constant 5.000000e-01 : f32
    %add3A_1176 = vector.broadcast %add3A_1175 : f32 to vector<400x128xf32>
    %add3A_1177 = arith.addf %mul3A_1174, %add3A_1176 : vector<400x128xf32>
    %mul3A_1178 = arith.mulf %add3A_1164, %add3A_1083 : vector<400x128xf32>
    %mul3A_1179 = arith.mulf %add3A_1153, %tanh3A_1166 : vector<400x128xf32>
    %add3A_1180 = arith.addf %mul3A_1178, %mul3A_1179 : vector<400x128xf32>
    %tanh3A_1181 = math.tanh %add3A_1180 : vector<400x128xf32>
    %mul3A_1182 = arith.mulf %add3A_1177, %tanh3A_1181 : vector<400x128xf32>
    %get3A_1183 = arith.constant 0 : index
    %get3A_1184 = arith.constant 192 : index
    %get3A_1185 = vector.load %arg1[%get3A_1183, %get3A_1184] : memref<400x384xf32, #tpu.memory_space<vmem>>, vector<400x16xf32>
    %dot_general3A_1186 = arith.constant dense<0.000000e+00> : vector<400x512xf32>
    %dot_general3A_1187 = tpu.matmul %get3A_1185, %get3A_1, %dot_general3A_1186 {dimension_numbers = #tpu.dot_dimension_numbers<[1], [0], [0], [1], [0, 0, 1, 1], [], []>, transpose_lhs_hint = false} : vector<400x16xf32>, vector<16x512xf32>, vector<400x512xf32> -> vector<400x512xf32>
    %dot_general3A_1188 = arith.constant dense<0.000000e+00> : vector<400x512xf32>
    %dot_general3A_1189 = tpu.matmul %mul3A_1135, %get3A_4, %dot_general3A_1188 {dimension_numbers = #tpu.dot_dimension_numbers<[1], [0], [0], [1], [0, 0, 1, 1], [], []>, transpose_lhs_hint = false} : vector<400x128xf32>, vector<128x512xf32>, vector<400x512xf32> -> vector<400x512xf32>
    %add3A_1190 = arith.addf %dot_general3A_1187, %dot_general3A_1189 : vector<400x512xf32>
    %add3A_1191 = vector.broadcast %get3A_13 : vector<1x512xf32> to vector<400x512xf32>
    %add3A_1192 = arith.addf %add3A_1190, %add3A_1191 : vector<400x512xf32>
    %slice3A_1193 = vector.extract_strided_slice %add3A_1192 {offsets = [0, 0], sizes = [400, 128], strides = [1, 1]} : vector<400x512xf32> to vector<400x128xf32>
    %mul3A_1194 = arith.constant 5.000000e-01 : f32
    %mul3A_1195 = vector.broadcast %mul3A_1194 : f32 to vector<400x128xf32>
    %mul3A_1196 = arith.mulf %mul3A_1195, %slice3A_1193 : vector<400x128xf32>
    %tanh3A_1197 = math.tanh %mul3A_1196 : vector<400x128xf32>
    %mul3A_1198 = arith.constant 5.000000e-01 : f32
    %mul3A_1199 = vector.broadcast %mul3A_1198 : f32 to vector<400x128xf32>
    %mul3A_1200 = arith.mulf %mul3A_1199, %tanh3A_1197 : vector<400x128xf32>
    %add3A_1201 = arith.constant 5.000000e-01 : f32
    %add3A_1202 = vector.broadcast %add3A_1201 : f32 to vector<400x128xf32>
    %add3A_1203 = arith.addf %mul3A_1200, %add3A_1202 : vector<400x128xf32>
    %slice3A_1204 = vector.extract_strided_slice %add3A_1192 {offsets = [0, 128], sizes = [400, 128], strides = [1, 1]} : vector<400x512xf32> to vector<400x128xf32>
    %mul3A_1205 = arith.constant 5.000000e-01 : f32
    %mul3A_1206 = vector.broadcast %mul3A_1205 : f32 to vector<400x128xf32>
    %mul3A_1207 = arith.mulf %mul3A_1206, %slice3A_1204 : vector<400x128xf32>
    %tanh3A_1208 = math.tanh %mul3A_1207 : vector<400x128xf32>
    %mul3A_1209 = arith.constant 5.000000e-01 : f32
    %mul3A_1210 = vector.broadcast %mul3A_1209 : f32 to vector<400x128xf32>
    %mul3A_1211 = arith.mulf %mul3A_1210, %tanh3A_1208 : vector<400x128xf32>
    %add3A_1212 = arith.constant 5.000000e-01 : f32
    %add3A_1213 = vector.broadcast %add3A_1212 : f32 to vector<400x128xf32>
    %add3A_1214 = arith.addf %mul3A_1211, %add3A_1213 : vector<400x128xf32>
    %slice3A_1215 = vector.extract_strided_slice %add3A_1192 {offsets = [0, 256], sizes = [400, 128], strides = [1, 1]} : vector<400x512xf32> to vector<400x128xf32>
    %tanh3A_1216 = math.tanh %slice3A_1215 : vector<400x128xf32>
    %slice3A_1217 = vector.extract_strided_slice %add3A_1192 {offsets = [0, 384], sizes = [400, 128], strides = [1, 1]} : vector<400x512xf32> to vector<400x128xf32>
    %mul3A_1218 = arith.constant 5.000000e-01 : f32
    %mul3A_1219 = vector.broadcast %mul3A_1218 : f32 to vector<400x128xf32>
    %mul3A_1220 = arith.mulf %mul3A_1219, %slice3A_1217 : vector<400x128xf32>
    %tanh3A_1221 = math.tanh %mul3A_1220 : vector<400x128xf32>
    %mul3A_1222 = arith.constant 5.000000e-01 : f32
    %mul3A_1223 = vector.broadcast %mul3A_1222 : f32 to vector<400x128xf32>
    %mul3A_1224 = arith.mulf %mul3A_1223, %tanh3A_1221 : vector<400x128xf32>
    %add3A_1225 = arith.constant 5.000000e-01 : f32
    %add3A_1226 = vector.broadcast %add3A_1225 : f32 to vector<400x128xf32>
    %add3A_1227 = arith.addf %mul3A_1224, %add3A_1226 : vector<400x128xf32>
    %mul3A_1228 = arith.mulf %add3A_1214, %add3A_1133 : vector<400x128xf32>
    %mul3A_1229 = arith.mulf %add3A_1203, %tanh3A_1216 : vector<400x128xf32>
    %add3A_1230 = arith.addf %mul3A_1228, %mul3A_1229 : vector<400x128xf32>
    %tanh3A_1231 = math.tanh %add3A_1230 : vector<400x128xf32>
    %mul3A_1232 = arith.mulf %add3A_1227, %tanh3A_1231 : vector<400x128xf32>
    %dot_general3A_1233 = arith.constant dense<0.000000e+00> : vector<400x512xf32>
    %dot_general3A_1234 = tpu.matmul %mul3A_1232, %get3A_7, %dot_general3A_1233 {dimension_numbers = #tpu.dot_dimension_numbers<[1], [0], [0], [1], [0, 0, 1, 1], [], []>, transpose_lhs_hint = false} : vector<400x128xf32>, vector<128x512xf32>, vector<400x512xf32> -> vector<400x512xf32>
    %dot_general3A_1235 = arith.constant dense<0.000000e+00> : vector<400x512xf32>
    %dot_general3A_1236 = tpu.matmul %mul3A_1182, %get3A_10, %dot_general3A_1235 {dimension_numbers = #tpu.dot_dimension_numbers<[1], [0], [0], [1], [0, 0, 1, 1], [], []>, transpose_lhs_hint = false} : vector<400x128xf32>, vector<128x512xf32>, vector<400x512xf32> -> vector<400x512xf32>
    %add3A_1237 = arith.addf %dot_general3A_1234, %dot_general3A_1236 : vector<400x512xf32>
    %add3A_1238 = vector.broadcast %get3A_16 : vector<1x512xf32> to vector<400x512xf32>
    %add3A_1239 = arith.addf %add3A_1237, %add3A_1238 : vector<400x512xf32>
    %slice3A_1240 = vector.extract_strided_slice %add3A_1239 {offsets = [0, 0], sizes = [400, 128], strides = [1, 1]} : vector<400x512xf32> to vector<400x128xf32>
    %mul3A_1241 = arith.constant 5.000000e-01 : f32
    %mul3A_1242 = vector.broadcast %mul3A_1241 : f32 to vector<400x128xf32>
    %mul3A_1243 = arith.mulf %mul3A_1242, %slice3A_1240 : vector<400x128xf32>
    %tanh3A_1244 = math.tanh %mul3A_1243 : vector<400x128xf32>
    %mul3A_1245 = arith.constant 5.000000e-01 : f32
    %mul3A_1246 = vector.broadcast %mul3A_1245 : f32 to vector<400x128xf32>
    %mul3A_1247 = arith.mulf %mul3A_1246, %tanh3A_1244 : vector<400x128xf32>
    %add3A_1248 = arith.constant 5.000000e-01 : f32
    %add3A_1249 = vector.broadcast %add3A_1248 : f32 to vector<400x128xf32>
    %add3A_1250 = arith.addf %mul3A_1247, %add3A_1249 : vector<400x128xf32>
    %slice3A_1251 = vector.extract_strided_slice %add3A_1239 {offsets = [0, 128], sizes = [400, 128], strides = [1, 1]} : vector<400x512xf32> to vector<400x128xf32>
    %mul3A_1252 = arith.constant 5.000000e-01 : f32
    %mul3A_1253 = vector.broadcast %mul3A_1252 : f32 to vector<400x128xf32>
    %mul3A_1254 = arith.mulf %mul3A_1253, %slice3A_1251 : vector<400x128xf32>
    %tanh3A_1255 = math.tanh %mul3A_1254 : vector<400x128xf32>
    %mul3A_1256 = arith.constant 5.000000e-01 : f32
    %mul3A_1257 = vector.broadcast %mul3A_1256 : f32 to vector<400x128xf32>
    %mul3A_1258 = arith.mulf %mul3A_1257, %tanh3A_1255 : vector<400x128xf32>
    %add3A_1259 = arith.constant 5.000000e-01 : f32
    %add3A_1260 = vector.broadcast %add3A_1259 : f32 to vector<400x128xf32>
    %add3A_1261 = arith.addf %mul3A_1258, %add3A_1260 : vector<400x128xf32>
    %slice3A_1262 = vector.extract_strided_slice %add3A_1239 {offsets = [0, 256], sizes = [400, 128], strides = [1, 1]} : vector<400x512xf32> to vector<400x128xf32>
    %tanh3A_1263 = math.tanh %slice3A_1262 : vector<400x128xf32>
    %slice3A_1264 = vector.extract_strided_slice %add3A_1239 {offsets = [0, 384], sizes = [400, 128], strides = [1, 1]} : vector<400x512xf32> to vector<400x128xf32>
    %mul3A_1265 = arith.constant 5.000000e-01 : f32
    %mul3A_1266 = vector.broadcast %mul3A_1265 : f32 to vector<400x128xf32>
    %mul3A_1267 = arith.mulf %mul3A_1266, %slice3A_1264 : vector<400x128xf32>
    %tanh3A_1268 = math.tanh %mul3A_1267 : vector<400x128xf32>
    %mul3A_1269 = arith.constant 5.000000e-01 : f32
    %mul3A_1270 = vector.broadcast %mul3A_1269 : f32 to vector<400x128xf32>
    %mul3A_1271 = arith.mulf %mul3A_1270, %tanh3A_1268 : vector<400x128xf32>
    %add3A_1272 = arith.constant 5.000000e-01 : f32
    %add3A_1273 = vector.broadcast %add3A_1272 : f32 to vector<400x128xf32>
    %add3A_1274 = arith.addf %mul3A_1271, %add3A_1273 : vector<400x128xf32>
    %mul3A_1275 = arith.mulf %add3A_1261, %add3A_1180 : vector<400x128xf32>
    %mul3A_1276 = arith.mulf %add3A_1250, %tanh3A_1263 : vector<400x128xf32>
    %add3A_1277 = arith.addf %mul3A_1275, %mul3A_1276 : vector<400x128xf32>
    %tanh3A_1278 = math.tanh %add3A_1277 : vector<400x128xf32>
    %mul3A_1279 = arith.mulf %add3A_1274, %tanh3A_1278 : vector<400x128xf32>
    %get3A_1280 = arith.constant 0 : index
    %get3A_1281 = arith.constant 208 : index
    %get3A_1282 = vector.load %arg1[%get3A_1280, %get3A_1281] : memref<400x384xf32, #tpu.memory_space<vmem>>, vector<400x16xf32>
    %dot_general3A_1283 = arith.constant dense<0.000000e+00> : vector<400x512xf32>
    %dot_general3A_1284 = tpu.matmul %get3A_1282, %get3A_1, %dot_general3A_1283 {dimension_numbers = #tpu.dot_dimension_numbers<[1], [0], [0], [1], [0, 0, 1, 1], [], []>, transpose_lhs_hint = false} : vector<400x16xf32>, vector<16x512xf32>, vector<400x512xf32> -> vector<400x512xf32>
    %dot_general3A_1285 = arith.constant dense<0.000000e+00> : vector<400x512xf32>
    %dot_general3A_1286 = tpu.matmul %mul3A_1232, %get3A_4, %dot_general3A_1285 {dimension_numbers = #tpu.dot_dimension_numbers<[1], [0], [0], [1], [0, 0, 1, 1], [], []>, transpose_lhs_hint = false} : vector<400x128xf32>, vector<128x512xf32>, vector<400x512xf32> -> vector<400x512xf32>
    %add3A_1287 = arith.addf %dot_general3A_1284, %dot_general3A_1286 : vector<400x512xf32>
    %add3A_1288 = vector.broadcast %get3A_13 : vector<1x512xf32> to vector<400x512xf32>
    %add3A_1289 = arith.addf %add3A_1287, %add3A_1288 : vector<400x512xf32>
    %slice3A_1290 = vector.extract_strided_slice %add3A_1289 {offsets = [0, 0], sizes = [400, 128], strides = [1, 1]} : vector<400x512xf32> to vector<400x128xf32>
    %mul3A_1291 = arith.constant 5.000000e-01 : f32
    %mul3A_1292 = vector.broadcast %mul3A_1291 : f32 to vector<400x128xf32>
    %mul3A_1293 = arith.mulf %mul3A_1292, %slice3A_1290 : vector<400x128xf32>
    %tanh3A_1294 = math.tanh %mul3A_1293 : vector<400x128xf32>
    %mul3A_1295 = arith.constant 5.000000e-01 : f32
    %mul3A_1296 = vector.broadcast %mul3A_1295 : f32 to vector<400x128xf32>
    %mul3A_1297 = arith.mulf %mul3A_1296, %tanh3A_1294 : vector<400x128xf32>
    %add3A_1298 = arith.constant 5.000000e-01 : f32
    %add3A_1299 = vector.broadcast %add3A_1298 : f32 to vector<400x128xf32>
    %add3A_1300 = arith.addf %mul3A_1297, %add3A_1299 : vector<400x128xf32>
    %slice3A_1301 = vector.extract_strided_slice %add3A_1289 {offsets = [0, 128], sizes = [400, 128], strides = [1, 1]} : vector<400x512xf32> to vector<400x128xf32>
    %mul3A_1302 = arith.constant 5.000000e-01 : f32
    %mul3A_1303 = vector.broadcast %mul3A_1302 : f32 to vector<400x128xf32>
    %mul3A_1304 = arith.mulf %mul3A_1303, %slice3A_1301 : vector<400x128xf32>
    %tanh3A_1305 = math.tanh %mul3A_1304 : vector<400x128xf32>
    %mul3A_1306 = arith.constant 5.000000e-01 : f32
    %mul3A_1307 = vector.broadcast %mul3A_1306 : f32 to vector<400x128xf32>
    %mul3A_1308 = arith.mulf %mul3A_1307, %tanh3A_1305 : vector<400x128xf32>
    %add3A_1309 = arith.constant 5.000000e-01 : f32
    %add3A_1310 = vector.broadcast %add3A_1309 : f32 to vector<400x128xf32>
    %add3A_1311 = arith.addf %mul3A_1308, %add3A_1310 : vector<400x128xf32>
    %slice3A_1312 = vector.extract_strided_slice %add3A_1289 {offsets = [0, 256], sizes = [400, 128], strides = [1, 1]} : vector<400x512xf32> to vector<400x128xf32>
    %tanh3A_1313 = math.tanh %slice3A_1312 : vector<400x128xf32>
    %slice3A_1314 = vector.extract_strided_slice %add3A_1289 {offsets = [0, 384], sizes = [400, 128], strides = [1, 1]} : vector<400x512xf32> to vector<400x128xf32>
    %mul3A_1315 = arith.constant 5.000000e-01 : f32
    %mul3A_1316 = vector.broadcast %mul3A_1315 : f32 to vector<400x128xf32>
    %mul3A_1317 = arith.mulf %mul3A_1316, %slice3A_1314 : vector<400x128xf32>
    %tanh3A_1318 = math.tanh %mul3A_1317 : vector<400x128xf32>
    %mul3A_1319 = arith.constant 5.000000e-01 : f32
    %mul3A_1320 = vector.broadcast %mul3A_1319 : f32 to vector<400x128xf32>
    %mul3A_1321 = arith.mulf %mul3A_1320, %tanh3A_1318 : vector<400x128xf32>
    %add3A_1322 = arith.constant 5.000000e-01 : f32
    %add3A_1323 = vector.broadcast %add3A_1322 : f32 to vector<400x128xf32>
    %add3A_1324 = arith.addf %mul3A_1321, %add3A_1323 : vector<400x128xf32>
    %mul3A_1325 = arith.mulf %add3A_1311, %add3A_1230 : vector<400x128xf32>
    %mul3A_1326 = arith.mulf %add3A_1300, %tanh3A_1313 : vector<400x128xf32>
    %add3A_1327 = arith.addf %mul3A_1325, %mul3A_1326 : vector<400x128xf32>
    %tanh3A_1328 = math.tanh %add3A_1327 : vector<400x128xf32>
    %mul3A_1329 = arith.mulf %add3A_1324, %tanh3A_1328 : vector<400x128xf32>
    %dot_general3A_1330 = arith.constant dense<0.000000e+00> : vector<400x512xf32>
    %dot_general3A_1331 = tpu.matmul %mul3A_1329, %get3A_7, %dot_general3A_1330 {dimension_numbers = #tpu.dot_dimension_numbers<[1], [0], [0], [1], [0, 0, 1, 1], [], []>, transpose_lhs_hint = false} : vector<400x128xf32>, vector<128x512xf32>, vector<400x512xf32> -> vector<400x512xf32>
    %dot_general3A_1332 = arith.constant dense<0.000000e+00> : vector<400x512xf32>
    %dot_general3A_1333 = tpu.matmul %mul3A_1279, %get3A_10, %dot_general3A_1332 {dimension_numbers = #tpu.dot_dimension_numbers<[1], [0], [0], [1], [0, 0, 1, 1], [], []>, transpose_lhs_hint = false} : vector<400x128xf32>, vector<128x512xf32>, vector<400x512xf32> -> vector<400x512xf32>
    %add3A_1334 = arith.addf %dot_general3A_1331, %dot_general3A_1333 : vector<400x512xf32>
    %add3A_1335 = vector.broadcast %get3A_16 : vector<1x512xf32> to vector<400x512xf32>
    %add3A_1336 = arith.addf %add3A_1334, %add3A_1335 : vector<400x512xf32>
    %slice3A_1337 = vector.extract_strided_slice %add3A_1336 {offsets = [0, 0], sizes = [400, 128], strides = [1, 1]} : vector<400x512xf32> to vector<400x128xf32>
    %mul3A_1338 = arith.constant 5.000000e-01 : f32
    %mul3A_1339 = vector.broadcast %mul3A_1338 : f32 to vector<400x128xf32>
    %mul3A_1340 = arith.mulf %mul3A_1339, %slice3A_1337 : vector<400x128xf32>
    %tanh3A_1341 = math.tanh %mul3A_1340 : vector<400x128xf32>
    %mul3A_1342 = arith.constant 5.000000e-01 : f32
    %mul3A_1343 = vector.broadcast %mul3A_1342 : f32 to vector<400x128xf32>
    %mul3A_1344 = arith.mulf %mul3A_1343, %tanh3A_1341 : vector<400x128xf32>
    %add3A_1345 = arith.constant 5.000000e-01 : f32
    %add3A_1346 = vector.broadcast %add3A_1345 : f32 to vector<400x128xf32>
    %add3A_1347 = arith.addf %mul3A_1344, %add3A_1346 : vector<400x128xf32>
    %slice3A_1348 = vector.extract_strided_slice %add3A_1336 {offsets = [0, 128], sizes = [400, 128], strides = [1, 1]} : vector<400x512xf32> to vector<400x128xf32>
    %mul3A_1349 = arith.constant 5.000000e-01 : f32
    %mul3A_1350 = vector.broadcast %mul3A_1349 : f32 to vector<400x128xf32>
    %mul3A_1351 = arith.mulf %mul3A_1350, %slice3A_1348 : vector<400x128xf32>
    %tanh3A_1352 = math.tanh %mul3A_1351 : vector<400x128xf32>
    %mul3A_1353 = arith.constant 5.000000e-01 : f32
    %mul3A_1354 = vector.broadcast %mul3A_1353 : f32 to vector<400x128xf32>
    %mul3A_1355 = arith.mulf %mul3A_1354, %tanh3A_1352 : vector<400x128xf32>
    %add3A_1356 = arith.constant 5.000000e-01 : f32
    %add3A_1357 = vector.broadcast %add3A_1356 : f32 to vector<400x128xf32>
    %add3A_1358 = arith.addf %mul3A_1355, %add3A_1357 : vector<400x128xf32>
    %slice3A_1359 = vector.extract_strided_slice %add3A_1336 {offsets = [0, 256], sizes = [400, 128], strides = [1, 1]} : vector<400x512xf32> to vector<400x128xf32>
    %tanh3A_1360 = math.tanh %slice3A_1359 : vector<400x128xf32>
    %slice3A_1361 = vector.extract_strided_slice %add3A_1336 {offsets = [0, 384], sizes = [400, 128], strides = [1, 1]} : vector<400x512xf32> to vector<400x128xf32>
    %mul3A_1362 = arith.constant 5.000000e-01 : f32
    %mul3A_1363 = vector.broadcast %mul3A_1362 : f32 to vector<400x128xf32>
    %mul3A_1364 = arith.mulf %mul3A_1363, %slice3A_1361 : vector<400x128xf32>
    %tanh3A_1365 = math.tanh %mul3A_1364 : vector<400x128xf32>
    %mul3A_1366 = arith.constant 5.000000e-01 : f32
    %mul3A_1367 = vector.broadcast %mul3A_1366 : f32 to vector<400x128xf32>
    %mul3A_1368 = arith.mulf %mul3A_1367, %tanh3A_1365 : vector<400x128xf32>
    %add3A_1369 = arith.constant 5.000000e-01 : f32
    %add3A_1370 = vector.broadcast %add3A_1369 : f32 to vector<400x128xf32>
    %add3A_1371 = arith.addf %mul3A_1368, %add3A_1370 : vector<400x128xf32>
    %mul3A_1372 = arith.mulf %add3A_1358, %add3A_1277 : vector<400x128xf32>
    %mul3A_1373 = arith.mulf %add3A_1347, %tanh3A_1360 : vector<400x128xf32>
    %add3A_1374 = arith.addf %mul3A_1372, %mul3A_1373 : vector<400x128xf32>
    %tanh3A_1375 = math.tanh %add3A_1374 : vector<400x128xf32>
    %mul3A_1376 = arith.mulf %add3A_1371, %tanh3A_1375 : vector<400x128xf32>
    %get3A_1377 = arith.constant 0 : index
    %get3A_1378 = arith.constant 224 : index
    %get3A_1379 = vector.load %arg1[%get3A_1377, %get3A_1378] : memref<400x384xf32, #tpu.memory_space<vmem>>, vector<400x16xf32>
    %dot_general3A_1380 = arith.constant dense<0.000000e+00> : vector<400x512xf32>
    %dot_general3A_1381 = tpu.matmul %get3A_1379, %get3A_1, %dot_general3A_1380 {dimension_numbers = #tpu.dot_dimension_numbers<[1], [0], [0], [1], [0, 0, 1, 1], [], []>, transpose_lhs_hint = false} : vector<400x16xf32>, vector<16x512xf32>, vector<400x512xf32> -> vector<400x512xf32>
    %dot_general3A_1382 = arith.constant dense<0.000000e+00> : vector<400x512xf32>
    %dot_general3A_1383 = tpu.matmul %mul3A_1329, %get3A_4, %dot_general3A_1382 {dimension_numbers = #tpu.dot_dimension_numbers<[1], [0], [0], [1], [0, 0, 1, 1], [], []>, transpose_lhs_hint = false} : vector<400x128xf32>, vector<128x512xf32>, vector<400x512xf32> -> vector<400x512xf32>
    %add3A_1384 = arith.addf %dot_general3A_1381, %dot_general3A_1383 : vector<400x512xf32>
    %add3A_1385 = vector.broadcast %get3A_13 : vector<1x512xf32> to vector<400x512xf32>
    %add3A_1386 = arith.addf %add3A_1384, %add3A_1385 : vector<400x512xf32>
    %slice3A_1387 = vector.extract_strided_slice %add3A_1386 {offsets = [0, 0], sizes = [400, 128], strides = [1, 1]} : vector<400x512xf32> to vector<400x128xf32>
    %mul3A_1388 = arith.constant 5.000000e-01 : f32
    %mul3A_1389 = vector.broadcast %mul3A_1388 : f32 to vector<400x128xf32>
    %mul3A_1390 = arith.mulf %mul3A_1389, %slice3A_1387 : vector<400x128xf32>
    %tanh3A_1391 = math.tanh %mul3A_1390 : vector<400x128xf32>
    %mul3A_1392 = arith.constant 5.000000e-01 : f32
    %mul3A_1393 = vector.broadcast %mul3A_1392 : f32 to vector<400x128xf32>
    %mul3A_1394 = arith.mulf %mul3A_1393, %tanh3A_1391 : vector<400x128xf32>
    %add3A_1395 = arith.constant 5.000000e-01 : f32
    %add3A_1396 = vector.broadcast %add3A_1395 : f32 to vector<400x128xf32>
    %add3A_1397 = arith.addf %mul3A_1394, %add3A_1396 : vector<400x128xf32>
    %slice3A_1398 = vector.extract_strided_slice %add3A_1386 {offsets = [0, 128], sizes = [400, 128], strides = [1, 1]} : vector<400x512xf32> to vector<400x128xf32>
    %mul3A_1399 = arith.constant 5.000000e-01 : f32
    %mul3A_1400 = vector.broadcast %mul3A_1399 : f32 to vector<400x128xf32>
    %mul3A_1401 = arith.mulf %mul3A_1400, %slice3A_1398 : vector<400x128xf32>
    %tanh3A_1402 = math.tanh %mul3A_1401 : vector<400x128xf32>
    %mul3A_1403 = arith.constant 5.000000e-01 : f32
    %mul3A_1404 = vector.broadcast %mul3A_1403 : f32 to vector<400x128xf32>
    %mul3A_1405 = arith.mulf %mul3A_1404, %tanh3A_1402 : vector<400x128xf32>
    %add3A_1406 = arith.constant 5.000000e-01 : f32
    %add3A_1407 = vector.broadcast %add3A_1406 : f32 to vector<400x128xf32>
    %add3A_1408 = arith.addf %mul3A_1405, %add3A_1407 : vector<400x128xf32>
    %slice3A_1409 = vector.extract_strided_slice %add3A_1386 {offsets = [0, 256], sizes = [400, 128], strides = [1, 1]} : vector<400x512xf32> to vector<400x128xf32>
    %tanh3A_1410 = math.tanh %slice3A_1409 : vector<400x128xf32>
    %slice3A_1411 = vector.extract_strided_slice %add3A_1386 {offsets = [0, 384], sizes = [400, 128], strides = [1, 1]} : vector<400x512xf32> to vector<400x128xf32>
    %mul3A_1412 = arith.constant 5.000000e-01 : f32
    %mul3A_1413 = vector.broadcast %mul3A_1412 : f32 to vector<400x128xf32>
    %mul3A_1414 = arith.mulf %mul3A_1413, %slice3A_1411 : vector<400x128xf32>
    %tanh3A_1415 = math.tanh %mul3A_1414 : vector<400x128xf32>
    %mul3A_1416 = arith.constant 5.000000e-01 : f32
    %mul3A_1417 = vector.broadcast %mul3A_1416 : f32 to vector<400x128xf32>
    %mul3A_1418 = arith.mulf %mul3A_1417, %tanh3A_1415 : vector<400x128xf32>
    %add3A_1419 = arith.constant 5.000000e-01 : f32
    %add3A_1420 = vector.broadcast %add3A_1419 : f32 to vector<400x128xf32>
    %add3A_1421 = arith.addf %mul3A_1418, %add3A_1420 : vector<400x128xf32>
    %mul3A_1422 = arith.mulf %add3A_1408, %add3A_1327 : vector<400x128xf32>
    %mul3A_1423 = arith.mulf %add3A_1397, %tanh3A_1410 : vector<400x128xf32>
    %add3A_1424 = arith.addf %mul3A_1422, %mul3A_1423 : vector<400x128xf32>
    %tanh3A_1425 = math.tanh %add3A_1424 : vector<400x128xf32>
    %mul3A_1426 = arith.mulf %add3A_1421, %tanh3A_1425 : vector<400x128xf32>
    %dot_general3A_1427 = arith.constant dense<0.000000e+00> : vector<400x512xf32>
    %dot_general3A_1428 = tpu.matmul %mul3A_1426, %get3A_7, %dot_general3A_1427 {dimension_numbers = #tpu.dot_dimension_numbers<[1], [0], [0], [1], [0, 0, 1, 1], [], []>, transpose_lhs_hint = false} : vector<400x128xf32>, vector<128x512xf32>, vector<400x512xf32> -> vector<400x512xf32>
    %dot_general3A_1429 = arith.constant dense<0.000000e+00> : vector<400x512xf32>
    %dot_general3A_1430 = tpu.matmul %mul3A_1376, %get3A_10, %dot_general3A_1429 {dimension_numbers = #tpu.dot_dimension_numbers<[1], [0], [0], [1], [0, 0, 1, 1], [], []>, transpose_lhs_hint = false} : vector<400x128xf32>, vector<128x512xf32>, vector<400x512xf32> -> vector<400x512xf32>
    %add3A_1431 = arith.addf %dot_general3A_1428, %dot_general3A_1430 : vector<400x512xf32>
    %add3A_1432 = vector.broadcast %get3A_16 : vector<1x512xf32> to vector<400x512xf32>
    %add3A_1433 = arith.addf %add3A_1431, %add3A_1432 : vector<400x512xf32>
    %slice3A_1434 = vector.extract_strided_slice %add3A_1433 {offsets = [0, 0], sizes = [400, 128], strides = [1, 1]} : vector<400x512xf32> to vector<400x128xf32>
    %mul3A_1435 = arith.constant 5.000000e-01 : f32
    %mul3A_1436 = vector.broadcast %mul3A_1435 : f32 to vector<400x128xf32>
    %mul3A_1437 = arith.mulf %mul3A_1436, %slice3A_1434 : vector<400x128xf32>
    %tanh3A_1438 = math.tanh %mul3A_1437 : vector<400x128xf32>
    %mul3A_1439 = arith.constant 5.000000e-01 : f32
    %mul3A_1440 = vector.broadcast %mul3A_1439 : f32 to vector<400x128xf32>
    %mul3A_1441 = arith.mulf %mul3A_1440, %tanh3A_1438 : vector<400x128xf32>
    %add3A_1442 = arith.constant 5.000000e-01 : f32
    %add3A_1443 = vector.broadcast %add3A_1442 : f32 to vector<400x128xf32>
    %add3A_1444 = arith.addf %mul3A_1441, %add3A_1443 : vector<400x128xf32>
    %slice3A_1445 = vector.extract_strided_slice %add3A_1433 {offsets = [0, 128], sizes = [400, 128], strides = [1, 1]} : vector<400x512xf32> to vector<400x128xf32>
    %mul3A_1446 = arith.constant 5.000000e-01 : f32
    %mul3A_1447 = vector.broadcast %mul3A_1446 : f32 to vector<400x128xf32>
    %mul3A_1448 = arith.mulf %mul3A_1447, %slice3A_1445 : vector<400x128xf32>
    %tanh3A_1449 = math.tanh %mul3A_1448 : vector<400x128xf32>
    %mul3A_1450 = arith.constant 5.000000e-01 : f32
    %mul3A_1451 = vector.broadcast %mul3A_1450 : f32 to vector<400x128xf32>
    %mul3A_1452 = arith.mulf %mul3A_1451, %tanh3A_1449 : vector<400x128xf32>
    %add3A_1453 = arith.constant 5.000000e-01 : f32
    %add3A_1454 = vector.broadcast %add3A_1453 : f32 to vector<400x128xf32>
    %add3A_1455 = arith.addf %mul3A_1452, %add3A_1454 : vector<400x128xf32>
    %slice3A_1456 = vector.extract_strided_slice %add3A_1433 {offsets = [0, 256], sizes = [400, 128], strides = [1, 1]} : vector<400x512xf32> to vector<400x128xf32>
    %tanh3A_1457 = math.tanh %slice3A_1456 : vector<400x128xf32>
    %slice3A_1458 = vector.extract_strided_slice %add3A_1433 {offsets = [0, 384], sizes = [400, 128], strides = [1, 1]} : vector<400x512xf32> to vector<400x128xf32>
    %mul3A_1459 = arith.constant 5.000000e-01 : f32
    %mul3A_1460 = vector.broadcast %mul3A_1459 : f32 to vector<400x128xf32>
    %mul3A_1461 = arith.mulf %mul3A_1460, %slice3A_1458 : vector<400x128xf32>
    %tanh3A_1462 = math.tanh %mul3A_1461 : vector<400x128xf32>
    %mul3A_1463 = arith.constant 5.000000e-01 : f32
    %mul3A_1464 = vector.broadcast %mul3A_1463 : f32 to vector<400x128xf32>
    %mul3A_1465 = arith.mulf %mul3A_1464, %tanh3A_1462 : vector<400x128xf32>
    %add3A_1466 = arith.constant 5.000000e-01 : f32
    %add3A_1467 = vector.broadcast %add3A_1466 : f32 to vector<400x128xf32>
    %add3A_1468 = arith.addf %mul3A_1465, %add3A_1467 : vector<400x128xf32>
    %mul3A_1469 = arith.mulf %add3A_1455, %add3A_1374 : vector<400x128xf32>
    %mul3A_1470 = arith.mulf %add3A_1444, %tanh3A_1457 : vector<400x128xf32>
    %add3A_1471 = arith.addf %mul3A_1469, %mul3A_1470 : vector<400x128xf32>
    %tanh3A_1472 = math.tanh %add3A_1471 : vector<400x128xf32>
    %mul3A_1473 = arith.mulf %add3A_1468, %tanh3A_1472 : vector<400x128xf32>
    %get3A_1474 = arith.constant 0 : index
    %get3A_1475 = arith.constant 240 : index
    %get3A_1476 = vector.load %arg1[%get3A_1474, %get3A_1475] : memref<400x384xf32, #tpu.memory_space<vmem>>, vector<400x16xf32>
    %dot_general3A_1477 = arith.constant dense<0.000000e+00> : vector<400x512xf32>
    %dot_general3A_1478 = tpu.matmul %get3A_1476, %get3A_1, %dot_general3A_1477 {dimension_numbers = #tpu.dot_dimension_numbers<[1], [0], [0], [1], [0, 0, 1, 1], [], []>, transpose_lhs_hint = false} : vector<400x16xf32>, vector<16x512xf32>, vector<400x512xf32> -> vector<400x512xf32>
    %dot_general3A_1479 = arith.constant dense<0.000000e+00> : vector<400x512xf32>
    %dot_general3A_1480 = tpu.matmul %mul3A_1426, %get3A_4, %dot_general3A_1479 {dimension_numbers = #tpu.dot_dimension_numbers<[1], [0], [0], [1], [0, 0, 1, 1], [], []>, transpose_lhs_hint = false} : vector<400x128xf32>, vector<128x512xf32>, vector<400x512xf32> -> vector<400x512xf32>
    %add3A_1481 = arith.addf %dot_general3A_1478, %dot_general3A_1480 : vector<400x512xf32>
    %add3A_1482 = vector.broadcast %get3A_13 : vector<1x512xf32> to vector<400x512xf32>
    %add3A_1483 = arith.addf %add3A_1481, %add3A_1482 : vector<400x512xf32>
    %slice3A_1484 = vector.extract_strided_slice %add3A_1483 {offsets = [0, 0], sizes = [400, 128], strides = [1, 1]} : vector<400x512xf32> to vector<400x128xf32>
    %mul3A_1485 = arith.constant 5.000000e-01 : f32
    %mul3A_1486 = vector.broadcast %mul3A_1485 : f32 to vector<400x128xf32>
    %mul3A_1487 = arith.mulf %mul3A_1486, %slice3A_1484 : vector<400x128xf32>
    %tanh3A_1488 = math.tanh %mul3A_1487 : vector<400x128xf32>
    %mul3A_1489 = arith.constant 5.000000e-01 : f32
    %mul3A_1490 = vector.broadcast %mul3A_1489 : f32 to vector<400x128xf32>
    %mul3A_1491 = arith.mulf %mul3A_1490, %tanh3A_1488 : vector<400x128xf32>
    %add3A_1492 = arith.constant 5.000000e-01 : f32
    %add3A_1493 = vector.broadcast %add3A_1492 : f32 to vector<400x128xf32>
    %add3A_1494 = arith.addf %mul3A_1491, %add3A_1493 : vector<400x128xf32>
    %slice3A_1495 = vector.extract_strided_slice %add3A_1483 {offsets = [0, 128], sizes = [400, 128], strides = [1, 1]} : vector<400x512xf32> to vector<400x128xf32>
    %mul3A_1496 = arith.constant 5.000000e-01 : f32
    %mul3A_1497 = vector.broadcast %mul3A_1496 : f32 to vector<400x128xf32>
    %mul3A_1498 = arith.mulf %mul3A_1497, %slice3A_1495 : vector<400x128xf32>
    %tanh3A_1499 = math.tanh %mul3A_1498 : vector<400x128xf32>
    %mul3A_1500 = arith.constant 5.000000e-01 : f32
    %mul3A_1501 = vector.broadcast %mul3A_1500 : f32 to vector<400x128xf32>
    %mul3A_1502 = arith.mulf %mul3A_1501, %tanh3A_1499 : vector<400x128xf32>
    %add3A_1503 = arith.constant 5.000000e-01 : f32
    %add3A_1504 = vector.broadcast %add3A_1503 : f32 to vector<400x128xf32>
    %add3A_1505 = arith.addf %mul3A_1502, %add3A_1504 : vector<400x128xf32>
    %slice3A_1506 = vector.extract_strided_slice %add3A_1483 {offsets = [0, 256], sizes = [400, 128], strides = [1, 1]} : vector<400x512xf32> to vector<400x128xf32>
    %tanh3A_1507 = math.tanh %slice3A_1506 : vector<400x128xf32>
    %slice3A_1508 = vector.extract_strided_slice %add3A_1483 {offsets = [0, 384], sizes = [400, 128], strides = [1, 1]} : vector<400x512xf32> to vector<400x128xf32>
    %mul3A_1509 = arith.constant 5.000000e-01 : f32
    %mul3A_1510 = vector.broadcast %mul3A_1509 : f32 to vector<400x128xf32>
    %mul3A_1511 = arith.mulf %mul3A_1510, %slice3A_1508 : vector<400x128xf32>
    %tanh3A_1512 = math.tanh %mul3A_1511 : vector<400x128xf32>
    %mul3A_1513 = arith.constant 5.000000e-01 : f32
    %mul3A_1514 = vector.broadcast %mul3A_1513 : f32 to vector<400x128xf32>
    %mul3A_1515 = arith.mulf %mul3A_1514, %tanh3A_1512 : vector<400x128xf32>
    %add3A_1516 = arith.constant 5.000000e-01 : f32
    %add3A_1517 = vector.broadcast %add3A_1516 : f32 to vector<400x128xf32>
    %add3A_1518 = arith.addf %mul3A_1515, %add3A_1517 : vector<400x128xf32>
    %mul3A_1519 = arith.mulf %add3A_1505, %add3A_1424 : vector<400x128xf32>
    %mul3A_1520 = arith.mulf %add3A_1494, %tanh3A_1507 : vector<400x128xf32>
    %add3A_1521 = arith.addf %mul3A_1519, %mul3A_1520 : vector<400x128xf32>
    %tanh3A_1522 = math.tanh %add3A_1521 : vector<400x128xf32>
    %mul3A_1523 = arith.mulf %add3A_1518, %tanh3A_1522 : vector<400x128xf32>
    %dot_general3A_1524 = arith.constant dense<0.000000e+00> : vector<400x512xf32>
    %dot_general3A_1525 = tpu.matmul %mul3A_1523, %get3A_7, %dot_general3A_1524 {dimension_numbers = #tpu.dot_dimension_numbers<[1], [0], [0], [1], [0, 0, 1, 1], [], []>, transpose_lhs_hint = false} : vector<400x128xf32>, vector<128x512xf32>, vector<400x512xf32> -> vector<400x512xf32>
    %dot_general3A_1526 = arith.constant dense<0.000000e+00> : vector<400x512xf32>
    %dot_general3A_1527 = tpu.matmul %mul3A_1473, %get3A_10, %dot_general3A_1526 {dimension_numbers = #tpu.dot_dimension_numbers<[1], [0], [0], [1], [0, 0, 1, 1], [], []>, transpose_lhs_hint = false} : vector<400x128xf32>, vector<128x512xf32>, vector<400x512xf32> -> vector<400x512xf32>
    %add3A_1528 = arith.addf %dot_general3A_1525, %dot_general3A_1527 : vector<400x512xf32>
    %add3A_1529 = vector.broadcast %get3A_16 : vector<1x512xf32> to vector<400x512xf32>
    %add3A_1530 = arith.addf %add3A_1528, %add3A_1529 : vector<400x512xf32>
    %slice3A_1531 = vector.extract_strided_slice %add3A_1530 {offsets = [0, 0], sizes = [400, 128], strides = [1, 1]} : vector<400x512xf32> to vector<400x128xf32>
    %mul3A_1532 = arith.constant 5.000000e-01 : f32
    %mul3A_1533 = vector.broadcast %mul3A_1532 : f32 to vector<400x128xf32>
    %mul3A_1534 = arith.mulf %mul3A_1533, %slice3A_1531 : vector<400x128xf32>
    %tanh3A_1535 = math.tanh %mul3A_1534 : vector<400x128xf32>
    %mul3A_1536 = arith.constant 5.000000e-01 : f32
    %mul3A_1537 = vector.broadcast %mul3A_1536 : f32 to vector<400x128xf32>
    %mul3A_1538 = arith.mulf %mul3A_1537, %tanh3A_1535 : vector<400x128xf32>
    %add3A_1539 = arith.constant 5.000000e-01 : f32
    %add3A_1540 = vector.broadcast %add3A_1539 : f32 to vector<400x128xf32>
    %add3A_1541 = arith.addf %mul3A_1538, %add3A_1540 : vector<400x128xf32>
    %slice3A_1542 = vector.extract_strided_slice %add3A_1530 {offsets = [0, 128], sizes = [400, 128], strides = [1, 1]} : vector<400x512xf32> to vector<400x128xf32>
    %mul3A_1543 = arith.constant 5.000000e-01 : f32
    %mul3A_1544 = vector.broadcast %mul3A_1543 : f32 to vector<400x128xf32>
    %mul3A_1545 = arith.mulf %mul3A_1544, %slice3A_1542 : vector<400x128xf32>
    %tanh3A_1546 = math.tanh %mul3A_1545 : vector<400x128xf32>
    %mul3A_1547 = arith.constant 5.000000e-01 : f32
    %mul3A_1548 = vector.broadcast %mul3A_1547 : f32 to vector<400x128xf32>
    %mul3A_1549 = arith.mulf %mul3A_1548, %tanh3A_1546 : vector<400x128xf32>
    %add3A_1550 = arith.constant 5.000000e-01 : f32
    %add3A_1551 = vector.broadcast %add3A_1550 : f32 to vector<400x128xf32>
    %add3A_1552 = arith.addf %mul3A_1549, %add3A_1551 : vector<400x128xf32>
    %slice3A_1553 = vector.extract_strided_slice %add3A_1530 {offsets = [0, 256], sizes = [400, 128], strides = [1, 1]} : vector<400x512xf32> to vector<400x128xf32>
    %tanh3A_1554 = math.tanh %slice3A_1553 : vector<400x128xf32>
    %slice3A_1555 = vector.extract_strided_slice %add3A_1530 {offsets = [0, 384], sizes = [400, 128], strides = [1, 1]} : vector<400x512xf32> to vector<400x128xf32>
    %mul3A_1556 = arith.constant 5.000000e-01 : f32
    %mul3A_1557 = vector.broadcast %mul3A_1556 : f32 to vector<400x128xf32>
    %mul3A_1558 = arith.mulf %mul3A_1557, %slice3A_1555 : vector<400x128xf32>
    %tanh3A_1559 = math.tanh %mul3A_1558 : vector<400x128xf32>
    %mul3A_1560 = arith.constant 5.000000e-01 : f32
    %mul3A_1561 = vector.broadcast %mul3A_1560 : f32 to vector<400x128xf32>
    %mul3A_1562 = arith.mulf %mul3A_1561, %tanh3A_1559 : vector<400x128xf32>
    %add3A_1563 = arith.constant 5.000000e-01 : f32
    %add3A_1564 = vector.broadcast %add3A_1563 : f32 to vector<400x128xf32>
    %add3A_1565 = arith.addf %mul3A_1562, %add3A_1564 : vector<400x128xf32>
    %mul3A_1566 = arith.mulf %add3A_1552, %add3A_1471 : vector<400x128xf32>
    %mul3A_1567 = arith.mulf %add3A_1541, %tanh3A_1554 : vector<400x128xf32>
    %add3A_1568 = arith.addf %mul3A_1566, %mul3A_1567 : vector<400x128xf32>
    %tanh3A_1569 = math.tanh %add3A_1568 : vector<400x128xf32>
    %mul3A_1570 = arith.mulf %add3A_1565, %tanh3A_1569 : vector<400x128xf32>
    %get3A_1571 = arith.constant 0 : index
    %get3A_1572 = arith.constant 256 : index
    %get3A_1573 = vector.load %arg1[%get3A_1571, %get3A_1572] : memref<400x384xf32, #tpu.memory_space<vmem>>, vector<400x16xf32>
    %dot_general3A_1574 = arith.constant dense<0.000000e+00> : vector<400x512xf32>
    %dot_general3A_1575 = tpu.matmul %get3A_1573, %get3A_1, %dot_general3A_1574 {dimension_numbers = #tpu.dot_dimension_numbers<[1], [0], [0], [1], [0, 0, 1, 1], [], []>, transpose_lhs_hint = false} : vector<400x16xf32>, vector<16x512xf32>, vector<400x512xf32> -> vector<400x512xf32>
    %dot_general3A_1576 = arith.constant dense<0.000000e+00> : vector<400x512xf32>
    %dot_general3A_1577 = tpu.matmul %mul3A_1523, %get3A_4, %dot_general3A_1576 {dimension_numbers = #tpu.dot_dimension_numbers<[1], [0], [0], [1], [0, 0, 1, 1], [], []>, transpose_lhs_hint = false} : vector<400x128xf32>, vector<128x512xf32>, vector<400x512xf32> -> vector<400x512xf32>
    %add3A_1578 = arith.addf %dot_general3A_1575, %dot_general3A_1577 : vector<400x512xf32>
    %add3A_1579 = vector.broadcast %get3A_13 : vector<1x512xf32> to vector<400x512xf32>
    %add3A_1580 = arith.addf %add3A_1578, %add3A_1579 : vector<400x512xf32>
    %slice3A_1581 = vector.extract_strided_slice %add3A_1580 {offsets = [0, 0], sizes = [400, 128], strides = [1, 1]} : vector<400x512xf32> to vector<400x128xf32>
    %mul3A_1582 = arith.constant 5.000000e-01 : f32
    %mul3A_1583 = vector.broadcast %mul3A_1582 : f32 to vector<400x128xf32>
    %mul3A_1584 = arith.mulf %mul3A_1583, %slice3A_1581 : vector<400x128xf32>
    %tanh3A_1585 = math.tanh %mul3A_1584 : vector<400x128xf32>
    %mul3A_1586 = arith.constant 5.000000e-01 : f32
    %mul3A_1587 = vector.broadcast %mul3A_1586 : f32 to vector<400x128xf32>
    %mul3A_1588 = arith.mulf %mul3A_1587, %tanh3A_1585 : vector<400x128xf32>
    %add3A_1589 = arith.constant 5.000000e-01 : f32
    %add3A_1590 = vector.broadcast %add3A_1589 : f32 to vector<400x128xf32>
    %add3A_1591 = arith.addf %mul3A_1588, %add3A_1590 : vector<400x128xf32>
    %slice3A_1592 = vector.extract_strided_slice %add3A_1580 {offsets = [0, 128], sizes = [400, 128], strides = [1, 1]} : vector<400x512xf32> to vector<400x128xf32>
    %mul3A_1593 = arith.constant 5.000000e-01 : f32
    %mul3A_1594 = vector.broadcast %mul3A_1593 : f32 to vector<400x128xf32>
    %mul3A_1595 = arith.mulf %mul3A_1594, %slice3A_1592 : vector<400x128xf32>
    %tanh3A_1596 = math.tanh %mul3A_1595 : vector<400x128xf32>
    %mul3A_1597 = arith.constant 5.000000e-01 : f32
    %mul3A_1598 = vector.broadcast %mul3A_1597 : f32 to vector<400x128xf32>
    %mul3A_1599 = arith.mulf %mul3A_1598, %tanh3A_1596 : vector<400x128xf32>
    %add3A_1600 = arith.constant 5.000000e-01 : f32
    %add3A_1601 = vector.broadcast %add3A_1600 : f32 to vector<400x128xf32>
    %add3A_1602 = arith.addf %mul3A_1599, %add3A_1601 : vector<400x128xf32>
    %slice3A_1603 = vector.extract_strided_slice %add3A_1580 {offsets = [0, 256], sizes = [400, 128], strides = [1, 1]} : vector<400x512xf32> to vector<400x128xf32>
    %tanh3A_1604 = math.tanh %slice3A_1603 : vector<400x128xf32>
    %slice3A_1605 = vector.extract_strided_slice %add3A_1580 {offsets = [0, 384], sizes = [400, 128], strides = [1, 1]} : vector<400x512xf32> to vector<400x128xf32>
    %mul3A_1606 = arith.constant 5.000000e-01 : f32
    %mul3A_1607 = vector.broadcast %mul3A_1606 : f32 to vector<400x128xf32>
    %mul3A_1608 = arith.mulf %mul3A_1607, %slice3A_1605 : vector<400x128xf32>
    %tanh3A_1609 = math.tanh %mul3A_1608 : vector<400x128xf32>
    %mul3A_1610 = arith.constant 5.000000e-01 : f32
    %mul3A_1611 = vector.broadcast %mul3A_1610 : f32 to vector<400x128xf32>
    %mul3A_1612 = arith.mulf %mul3A_1611, %tanh3A_1609 : vector<400x128xf32>
    %add3A_1613 = arith.constant 5.000000e-01 : f32
    %add3A_1614 = vector.broadcast %add3A_1613 : f32 to vector<400x128xf32>
    %add3A_1615 = arith.addf %mul3A_1612, %add3A_1614 : vector<400x128xf32>
    %mul3A_1616 = arith.mulf %add3A_1602, %add3A_1521 : vector<400x128xf32>
    %mul3A_1617 = arith.mulf %add3A_1591, %tanh3A_1604 : vector<400x128xf32>
    %add3A_1618 = arith.addf %mul3A_1616, %mul3A_1617 : vector<400x128xf32>
    %tanh3A_1619 = math.tanh %add3A_1618 : vector<400x128xf32>
    %mul3A_1620 = arith.mulf %add3A_1615, %tanh3A_1619 : vector<400x128xf32>
    %dot_general3A_1621 = arith.constant dense<0.000000e+00> : vector<400x512xf32>
    %dot_general3A_1622 = tpu.matmul %mul3A_1620, %get3A_7, %dot_general3A_1621 {dimension_numbers = #tpu.dot_dimension_numbers<[1], [0], [0], [1], [0, 0, 1, 1], [], []>, transpose_lhs_hint = false} : vector<400x128xf32>, vector<128x512xf32>, vector<400x512xf32> -> vector<400x512xf32>
    %dot_general3A_1623 = arith.constant dense<0.000000e+00> : vector<400x512xf32>
    %dot_general3A_1624 = tpu.matmul %mul3A_1570, %get3A_10, %dot_general3A_1623 {dimension_numbers = #tpu.dot_dimension_numbers<[1], [0], [0], [1], [0, 0, 1, 1], [], []>, transpose_lhs_hint = false} : vector<400x128xf32>, vector<128x512xf32>, vector<400x512xf32> -> vector<400x512xf32>
    %add3A_1625 = arith.addf %dot_general3A_1622, %dot_general3A_1624 : vector<400x512xf32>
    %add3A_1626 = vector.broadcast %get3A_16 : vector<1x512xf32> to vector<400x512xf32>
    %add3A_1627 = arith.addf %add3A_1625, %add3A_1626 : vector<400x512xf32>
    %slice3A_1628 = vector.extract_strided_slice %add3A_1627 {offsets = [0, 0], sizes = [400, 128], strides = [1, 1]} : vector<400x512xf32> to vector<400x128xf32>
    %mul3A_1629 = arith.constant 5.000000e-01 : f32
    %mul3A_1630 = vector.broadcast %mul3A_1629 : f32 to vector<400x128xf32>
    %mul3A_1631 = arith.mulf %mul3A_1630, %slice3A_1628 : vector<400x128xf32>
    %tanh3A_1632 = math.tanh %mul3A_1631 : vector<400x128xf32>
    %mul3A_1633 = arith.constant 5.000000e-01 : f32
    %mul3A_1634 = vector.broadcast %mul3A_1633 : f32 to vector<400x128xf32>
    %mul3A_1635 = arith.mulf %mul3A_1634, %tanh3A_1632 : vector<400x128xf32>
    %add3A_1636 = arith.constant 5.000000e-01 : f32
    %add3A_1637 = vector.broadcast %add3A_1636 : f32 to vector<400x128xf32>
    %add3A_1638 = arith.addf %mul3A_1635, %add3A_1637 : vector<400x128xf32>
    %slice3A_1639 = vector.extract_strided_slice %add3A_1627 {offsets = [0, 128], sizes = [400, 128], strides = [1, 1]} : vector<400x512xf32> to vector<400x128xf32>
    %mul3A_1640 = arith.constant 5.000000e-01 : f32
    %mul3A_1641 = vector.broadcast %mul3A_1640 : f32 to vector<400x128xf32>
    %mul3A_1642 = arith.mulf %mul3A_1641, %slice3A_1639 : vector<400x128xf32>
    %tanh3A_1643 = math.tanh %mul3A_1642 : vector<400x128xf32>
    %mul3A_1644 = arith.constant 5.000000e-01 : f32
    %mul3A_1645 = vector.broadcast %mul3A_1644 : f32 to vector<400x128xf32>
    %mul3A_1646 = arith.mulf %mul3A_1645, %tanh3A_1643 : vector<400x128xf32>
    %add3A_1647 = arith.constant 5.000000e-01 : f32
    %add3A_1648 = vector.broadcast %add3A_1647 : f32 to vector<400x128xf32>
    %add3A_1649 = arith.addf %mul3A_1646, %add3A_1648 : vector<400x128xf32>
    %slice3A_1650 = vector.extract_strided_slice %add3A_1627 {offsets = [0, 256], sizes = [400, 128], strides = [1, 1]} : vector<400x512xf32> to vector<400x128xf32>
    %tanh3A_1651 = math.tanh %slice3A_1650 : vector<400x128xf32>
    %slice3A_1652 = vector.extract_strided_slice %add3A_1627 {offsets = [0, 384], sizes = [400, 128], strides = [1, 1]} : vector<400x512xf32> to vector<400x128xf32>
    %mul3A_1653 = arith.constant 5.000000e-01 : f32
    %mul3A_1654 = vector.broadcast %mul3A_1653 : f32 to vector<400x128xf32>
    %mul3A_1655 = arith.mulf %mul3A_1654, %slice3A_1652 : vector<400x128xf32>
    %tanh3A_1656 = math.tanh %mul3A_1655 : vector<400x128xf32>
    %mul3A_1657 = arith.constant 5.000000e-01 : f32
    %mul3A_1658 = vector.broadcast %mul3A_1657 : f32 to vector<400x128xf32>
    %mul3A_1659 = arith.mulf %mul3A_1658, %tanh3A_1656 : vector<400x128xf32>
    %add3A_1660 = arith.constant 5.000000e-01 : f32
    %add3A_1661 = vector.broadcast %add3A_1660 : f32 to vector<400x128xf32>
    %add3A_1662 = arith.addf %mul3A_1659, %add3A_1661 : vector<400x128xf32>
    %mul3A_1663 = arith.mulf %add3A_1649, %add3A_1568 : vector<400x128xf32>
    %mul3A_1664 = arith.mulf %add3A_1638, %tanh3A_1651 : vector<400x128xf32>
    %add3A_1665 = arith.addf %mul3A_1663, %mul3A_1664 : vector<400x128xf32>
    %tanh3A_1666 = math.tanh %add3A_1665 : vector<400x128xf32>
    %mul3A_1667 = arith.mulf %add3A_1662, %tanh3A_1666 : vector<400x128xf32>
    %get3A_1668 = arith.constant 0 : index
    %get3A_1669 = arith.constant 272 : index
    %get3A_1670 = vector.load %arg1[%get3A_1668, %get3A_1669] : memref<400x384xf32, #tpu.memory_space<vmem>>, vector<400x16xf32>
    %dot_general3A_1671 = arith.constant dense<0.000000e+00> : vector<400x512xf32>
    %dot_general3A_1672 = tpu.matmul %get3A_1670, %get3A_1, %dot_general3A_1671 {dimension_numbers = #tpu.dot_dimension_numbers<[1], [0], [0], [1], [0, 0, 1, 1], [], []>, transpose_lhs_hint = false} : vector<400x16xf32>, vector<16x512xf32>, vector<400x512xf32> -> vector<400x512xf32>
    %dot_general3A_1673 = arith.constant dense<0.000000e+00> : vector<400x512xf32>
    %dot_general3A_1674 = tpu.matmul %mul3A_1620, %get3A_4, %dot_general3A_1673 {dimension_numbers = #tpu.dot_dimension_numbers<[1], [0], [0], [1], [0, 0, 1, 1], [], []>, transpose_lhs_hint = false} : vector<400x128xf32>, vector<128x512xf32>, vector<400x512xf32> -> vector<400x512xf32>
    %add3A_1675 = arith.addf %dot_general3A_1672, %dot_general3A_1674 : vector<400x512xf32>
    %add3A_1676 = vector.broadcast %get3A_13 : vector<1x512xf32> to vector<400x512xf32>
    %add3A_1677 = arith.addf %add3A_1675, %add3A_1676 : vector<400x512xf32>
    %slice3A_1678 = vector.extract_strided_slice %add3A_1677 {offsets = [0, 0], sizes = [400, 128], strides = [1, 1]} : vector<400x512xf32> to vector<400x128xf32>
    %mul3A_1679 = arith.constant 5.000000e-01 : f32
    %mul3A_1680 = vector.broadcast %mul3A_1679 : f32 to vector<400x128xf32>
    %mul3A_1681 = arith.mulf %mul3A_1680, %slice3A_1678 : vector<400x128xf32>
    %tanh3A_1682 = math.tanh %mul3A_1681 : vector<400x128xf32>
    %mul3A_1683 = arith.constant 5.000000e-01 : f32
    %mul3A_1684 = vector.broadcast %mul3A_1683 : f32 to vector<400x128xf32>
    %mul3A_1685 = arith.mulf %mul3A_1684, %tanh3A_1682 : vector<400x128xf32>
    %add3A_1686 = arith.constant 5.000000e-01 : f32
    %add3A_1687 = vector.broadcast %add3A_1686 : f32 to vector<400x128xf32>
    %add3A_1688 = arith.addf %mul3A_1685, %add3A_1687 : vector<400x128xf32>
    %slice3A_1689 = vector.extract_strided_slice %add3A_1677 {offsets = [0, 128], sizes = [400, 128], strides = [1, 1]} : vector<400x512xf32> to vector<400x128xf32>
    %mul3A_1690 = arith.constant 5.000000e-01 : f32
    %mul3A_1691 = vector.broadcast %mul3A_1690 : f32 to vector<400x128xf32>
    %mul3A_1692 = arith.mulf %mul3A_1691, %slice3A_1689 : vector<400x128xf32>
    %tanh3A_1693 = math.tanh %mul3A_1692 : vector<400x128xf32>
    %mul3A_1694 = arith.constant 5.000000e-01 : f32
    %mul3A_1695 = vector.broadcast %mul3A_1694 : f32 to vector<400x128xf32>
    %mul3A_1696 = arith.mulf %mul3A_1695, %tanh3A_1693 : vector<400x128xf32>
    %add3A_1697 = arith.constant 5.000000e-01 : f32
    %add3A_1698 = vector.broadcast %add3A_1697 : f32 to vector<400x128xf32>
    %add3A_1699 = arith.addf %mul3A_1696, %add3A_1698 : vector<400x128xf32>
    %slice3A_1700 = vector.extract_strided_slice %add3A_1677 {offsets = [0, 256], sizes = [400, 128], strides = [1, 1]} : vector<400x512xf32> to vector<400x128xf32>
    %tanh3A_1701 = math.tanh %slice3A_1700 : vector<400x128xf32>
    %slice3A_1702 = vector.extract_strided_slice %add3A_1677 {offsets = [0, 384], sizes = [400, 128], strides = [1, 1]} : vector<400x512xf32> to vector<400x128xf32>
    %mul3A_1703 = arith.constant 5.000000e-01 : f32
    %mul3A_1704 = vector.broadcast %mul3A_1703 : f32 to vector<400x128xf32>
    %mul3A_1705 = arith.mulf %mul3A_1704, %slice3A_1702 : vector<400x128xf32>
    %tanh3A_1706 = math.tanh %mul3A_1705 : vector<400x128xf32>
    %mul3A_1707 = arith.constant 5.000000e-01 : f32
    %mul3A_1708 = vector.broadcast %mul3A_1707 : f32 to vector<400x128xf32>
    %mul3A_1709 = arith.mulf %mul3A_1708, %tanh3A_1706 : vector<400x128xf32>
    %add3A_1710 = arith.constant 5.000000e-01 : f32
    %add3A_1711 = vector.broadcast %add3A_1710 : f32 to vector<400x128xf32>
    %add3A_1712 = arith.addf %mul3A_1709, %add3A_1711 : vector<400x128xf32>
    %mul3A_1713 = arith.mulf %add3A_1699, %add3A_1618 : vector<400x128xf32>
    %mul3A_1714 = arith.mulf %add3A_1688, %tanh3A_1701 : vector<400x128xf32>
    %add3A_1715 = arith.addf %mul3A_1713, %mul3A_1714 : vector<400x128xf32>
    %tanh3A_1716 = math.tanh %add3A_1715 : vector<400x128xf32>
    %mul3A_1717 = arith.mulf %add3A_1712, %tanh3A_1716 : vector<400x128xf32>
    %dot_general3A_1718 = arith.constant dense<0.000000e+00> : vector<400x512xf32>
    %dot_general3A_1719 = tpu.matmul %mul3A_1717, %get3A_7, %dot_general3A_1718 {dimension_numbers = #tpu.dot_dimension_numbers<[1], [0], [0], [1], [0, 0, 1, 1], [], []>, transpose_lhs_hint = false} : vector<400x128xf32>, vector<128x512xf32>, vector<400x512xf32> -> vector<400x512xf32>
    %dot_general3A_1720 = arith.constant dense<0.000000e+00> : vector<400x512xf32>
    %dot_general3A_1721 = tpu.matmul %mul3A_1667, %get3A_10, %dot_general3A_1720 {dimension_numbers = #tpu.dot_dimension_numbers<[1], [0], [0], [1], [0, 0, 1, 1], [], []>, transpose_lhs_hint = false} : vector<400x128xf32>, vector<128x512xf32>, vector<400x512xf32> -> vector<400x512xf32>
    %add3A_1722 = arith.addf %dot_general3A_1719, %dot_general3A_1721 : vector<400x512xf32>
    %add3A_1723 = vector.broadcast %get3A_16 : vector<1x512xf32> to vector<400x512xf32>
    %add3A_1724 = arith.addf %add3A_1722, %add3A_1723 : vector<400x512xf32>
    %slice3A_1725 = vector.extract_strided_slice %add3A_1724 {offsets = [0, 0], sizes = [400, 128], strides = [1, 1]} : vector<400x512xf32> to vector<400x128xf32>
    %mul3A_1726 = arith.constant 5.000000e-01 : f32
    %mul3A_1727 = vector.broadcast %mul3A_1726 : f32 to vector<400x128xf32>
    %mul3A_1728 = arith.mulf %mul3A_1727, %slice3A_1725 : vector<400x128xf32>
    %tanh3A_1729 = math.tanh %mul3A_1728 : vector<400x128xf32>
    %mul3A_1730 = arith.constant 5.000000e-01 : f32
    %mul3A_1731 = vector.broadcast %mul3A_1730 : f32 to vector<400x128xf32>
    %mul3A_1732 = arith.mulf %mul3A_1731, %tanh3A_1729 : vector<400x128xf32>
    %add3A_1733 = arith.constant 5.000000e-01 : f32
    %add3A_1734 = vector.broadcast %add3A_1733 : f32 to vector<400x128xf32>
    %add3A_1735 = arith.addf %mul3A_1732, %add3A_1734 : vector<400x128xf32>
    %slice3A_1736 = vector.extract_strided_slice %add3A_1724 {offsets = [0, 128], sizes = [400, 128], strides = [1, 1]} : vector<400x512xf32> to vector<400x128xf32>
    %mul3A_1737 = arith.constant 5.000000e-01 : f32
    %mul3A_1738 = vector.broadcast %mul3A_1737 : f32 to vector<400x128xf32>
    %mul3A_1739 = arith.mulf %mul3A_1738, %slice3A_1736 : vector<400x128xf32>
    %tanh3A_1740 = math.tanh %mul3A_1739 : vector<400x128xf32>
    %mul3A_1741 = arith.constant 5.000000e-01 : f32
    %mul3A_1742 = vector.broadcast %mul3A_1741 : f32 to vector<400x128xf32>
    %mul3A_1743 = arith.mulf %mul3A_1742, %tanh3A_1740 : vector<400x128xf32>
    %add3A_1744 = arith.constant 5.000000e-01 : f32
    %add3A_1745 = vector.broadcast %add3A_1744 : f32 to vector<400x128xf32>
    %add3A_1746 = arith.addf %mul3A_1743, %add3A_1745 : vector<400x128xf32>
    %slice3A_1747 = vector.extract_strided_slice %add3A_1724 {offsets = [0, 256], sizes = [400, 128], strides = [1, 1]} : vector<400x512xf32> to vector<400x128xf32>
    %tanh3A_1748 = math.tanh %slice3A_1747 : vector<400x128xf32>
    %slice3A_1749 = vector.extract_strided_slice %add3A_1724 {offsets = [0, 384], sizes = [400, 128], strides = [1, 1]} : vector<400x512xf32> to vector<400x128xf32>
    %mul3A_1750 = arith.constant 5.000000e-01 : f32
    %mul3A_1751 = vector.broadcast %mul3A_1750 : f32 to vector<400x128xf32>
    %mul3A_1752 = arith.mulf %mul3A_1751, %slice3A_1749 : vector<400x128xf32>
    %tanh3A_1753 = math.tanh %mul3A_1752 : vector<400x128xf32>
    %mul3A_1754 = arith.constant 5.000000e-01 : f32
    %mul3A_1755 = vector.broadcast %mul3A_1754 : f32 to vector<400x128xf32>
    %mul3A_1756 = arith.mulf %mul3A_1755, %tanh3A_1753 : vector<400x128xf32>
    %add3A_1757 = arith.constant 5.000000e-01 : f32
    %add3A_1758 = vector.broadcast %add3A_1757 : f32 to vector<400x128xf32>
    %add3A_1759 = arith.addf %mul3A_1756, %add3A_1758 : vector<400x128xf32>
    %mul3A_1760 = arith.mulf %add3A_1746, %add3A_1665 : vector<400x128xf32>
    %mul3A_1761 = arith.mulf %add3A_1735, %tanh3A_1748 : vector<400x128xf32>
    %add3A_1762 = arith.addf %mul3A_1760, %mul3A_1761 : vector<400x128xf32>
    %tanh3A_1763 = math.tanh %add3A_1762 : vector<400x128xf32>
    %mul3A_1764 = arith.mulf %add3A_1759, %tanh3A_1763 : vector<400x128xf32>
    %get3A_1765 = arith.constant 0 : index
    %get3A_1766 = arith.constant 288 : index
    %get3A_1767 = vector.load %arg1[%get3A_1765, %get3A_1766] : memref<400x384xf32, #tpu.memory_space<vmem>>, vector<400x16xf32>
    %dot_general3A_1768 = arith.constant dense<0.000000e+00> : vector<400x512xf32>
    %dot_general3A_1769 = tpu.matmul %get3A_1767, %get3A_1, %dot_general3A_1768 {dimension_numbers = #tpu.dot_dimension_numbers<[1], [0], [0], [1], [0, 0, 1, 1], [], []>, transpose_lhs_hint = false} : vector<400x16xf32>, vector<16x512xf32>, vector<400x512xf32> -> vector<400x512xf32>
    %dot_general3A_1770 = arith.constant dense<0.000000e+00> : vector<400x512xf32>
    %dot_general3A_1771 = tpu.matmul %mul3A_1717, %get3A_4, %dot_general3A_1770 {dimension_numbers = #tpu.dot_dimension_numbers<[1], [0], [0], [1], [0, 0, 1, 1], [], []>, transpose_lhs_hint = false} : vector<400x128xf32>, vector<128x512xf32>, vector<400x512xf32> -> vector<400x512xf32>
    %add3A_1772 = arith.addf %dot_general3A_1769, %dot_general3A_1771 : vector<400x512xf32>
    %add3A_1773 = vector.broadcast %get3A_13 : vector<1x512xf32> to vector<400x512xf32>
    %add3A_1774 = arith.addf %add3A_1772, %add3A_1773 : vector<400x512xf32>
    %slice3A_1775 = vector.extract_strided_slice %add3A_1774 {offsets = [0, 0], sizes = [400, 128], strides = [1, 1]} : vector<400x512xf32> to vector<400x128xf32>
    %mul3A_1776 = arith.constant 5.000000e-01 : f32
    %mul3A_1777 = vector.broadcast %mul3A_1776 : f32 to vector<400x128xf32>
    %mul3A_1778 = arith.mulf %mul3A_1777, %slice3A_1775 : vector<400x128xf32>
    %tanh3A_1779 = math.tanh %mul3A_1778 : vector<400x128xf32>
    %mul3A_1780 = arith.constant 5.000000e-01 : f32
    %mul3A_1781 = vector.broadcast %mul3A_1780 : f32 to vector<400x128xf32>
    %mul3A_1782 = arith.mulf %mul3A_1781, %tanh3A_1779 : vector<400x128xf32>
    %add3A_1783 = arith.constant 5.000000e-01 : f32
    %add3A_1784 = vector.broadcast %add3A_1783 : f32 to vector<400x128xf32>
    %add3A_1785 = arith.addf %mul3A_1782, %add3A_1784 : vector<400x128xf32>
    %slice3A_1786 = vector.extract_strided_slice %add3A_1774 {offsets = [0, 128], sizes = [400, 128], strides = [1, 1]} : vector<400x512xf32> to vector<400x128xf32>
    %mul3A_1787 = arith.constant 5.000000e-01 : f32
    %mul3A_1788 = vector.broadcast %mul3A_1787 : f32 to vector<400x128xf32>
    %mul3A_1789 = arith.mulf %mul3A_1788, %slice3A_1786 : vector<400x128xf32>
    %tanh3A_1790 = math.tanh %mul3A_1789 : vector<400x128xf32>
    %mul3A_1791 = arith.constant 5.000000e-01 : f32
    %mul3A_1792 = vector.broadcast %mul3A_1791 : f32 to vector<400x128xf32>
    %mul3A_1793 = arith.mulf %mul3A_1792, %tanh3A_1790 : vector<400x128xf32>
    %add3A_1794 = arith.constant 5.000000e-01 : f32
    %add3A_1795 = vector.broadcast %add3A_1794 : f32 to vector<400x128xf32>
    %add3A_1796 = arith.addf %mul3A_1793, %add3A_1795 : vector<400x128xf32>
    %slice3A_1797 = vector.extract_strided_slice %add3A_1774 {offsets = [0, 256], sizes = [400, 128], strides = [1, 1]} : vector<400x512xf32> to vector<400x128xf32>
    %tanh3A_1798 = math.tanh %slice3A_1797 : vector<400x128xf32>
    %slice3A_1799 = vector.extract_strided_slice %add3A_1774 {offsets = [0, 384], sizes = [400, 128], strides = [1, 1]} : vector<400x512xf32> to vector<400x128xf32>
    %mul3A_1800 = arith.constant 5.000000e-01 : f32
    %mul3A_1801 = vector.broadcast %mul3A_1800 : f32 to vector<400x128xf32>
    %mul3A_1802 = arith.mulf %mul3A_1801, %slice3A_1799 : vector<400x128xf32>
    %tanh3A_1803 = math.tanh %mul3A_1802 : vector<400x128xf32>
    %mul3A_1804 = arith.constant 5.000000e-01 : f32
    %mul3A_1805 = vector.broadcast %mul3A_1804 : f32 to vector<400x128xf32>
    %mul3A_1806 = arith.mulf %mul3A_1805, %tanh3A_1803 : vector<400x128xf32>
    %add3A_1807 = arith.constant 5.000000e-01 : f32
    %add3A_1808 = vector.broadcast %add3A_1807 : f32 to vector<400x128xf32>
    %add3A_1809 = arith.addf %mul3A_1806, %add3A_1808 : vector<400x128xf32>
    %mul3A_1810 = arith.mulf %add3A_1796, %add3A_1715 : vector<400x128xf32>
    %mul3A_1811 = arith.mulf %add3A_1785, %tanh3A_1798 : vector<400x128xf32>
    %add3A_1812 = arith.addf %mul3A_1810, %mul3A_1811 : vector<400x128xf32>
    %tanh3A_1813 = math.tanh %add3A_1812 : vector<400x128xf32>
    %mul3A_1814 = arith.mulf %add3A_1809, %tanh3A_1813 : vector<400x128xf32>
    %dot_general3A_1815 = arith.constant dense<0.000000e+00> : vector<400x512xf32>
    %dot_general3A_1816 = tpu.matmul %mul3A_1814, %get3A_7, %dot_general3A_1815 {dimension_numbers = #tpu.dot_dimension_numbers<[1], [0], [0], [1], [0, 0, 1, 1], [], []>, transpose_lhs_hint = false} : vector<400x128xf32>, vector<128x512xf32>, vector<400x512xf32> -> vector<400x512xf32>
    %dot_general3A_1817 = arith.constant dense<0.000000e+00> : vector<400x512xf32>
    %dot_general3A_1818 = tpu.matmul %mul3A_1764, %get3A_10, %dot_general3A_1817 {dimension_numbers = #tpu.dot_dimension_numbers<[1], [0], [0], [1], [0, 0, 1, 1], [], []>, transpose_lhs_hint = false} : vector<400x128xf32>, vector<128x512xf32>, vector<400x512xf32> -> vector<400x512xf32>
    %add3A_1819 = arith.addf %dot_general3A_1816, %dot_general3A_1818 : vector<400x512xf32>
    %add3A_1820 = vector.broadcast %get3A_16 : vector<1x512xf32> to vector<400x512xf32>
    %add3A_1821 = arith.addf %add3A_1819, %add3A_1820 : vector<400x512xf32>
    %slice3A_1822 = vector.extract_strided_slice %add3A_1821 {offsets = [0, 0], sizes = [400, 128], strides = [1, 1]} : vector<400x512xf32> to vector<400x128xf32>
    %mul3A_1823 = arith.constant 5.000000e-01 : f32
    %mul3A_1824 = vector.broadcast %mul3A_1823 : f32 to vector<400x128xf32>
    %mul3A_1825 = arith.mulf %mul3A_1824, %slice3A_1822 : vector<400x128xf32>
    %tanh3A_1826 = math.tanh %mul3A_1825 : vector<400x128xf32>
    %mul3A_1827 = arith.constant 5.000000e-01 : f32
    %mul3A_1828 = vector.broadcast %mul3A_1827 : f32 to vector<400x128xf32>
    %mul3A_1829 = arith.mulf %mul3A_1828, %tanh3A_1826 : vector<400x128xf32>
    %add3A_1830 = arith.constant 5.000000e-01 : f32
    %add3A_1831 = vector.broadcast %add3A_1830 : f32 to vector<400x128xf32>
    %add3A_1832 = arith.addf %mul3A_1829, %add3A_1831 : vector<400x128xf32>
    %slice3A_1833 = vector.extract_strided_slice %add3A_1821 {offsets = [0, 128], sizes = [400, 128], strides = [1, 1]} : vector<400x512xf32> to vector<400x128xf32>
    %mul3A_1834 = arith.constant 5.000000e-01 : f32
    %mul3A_1835 = vector.broadcast %mul3A_1834 : f32 to vector<400x128xf32>
    %mul3A_1836 = arith.mulf %mul3A_1835, %slice3A_1833 : vector<400x128xf32>
    %tanh3A_1837 = math.tanh %mul3A_1836 : vector<400x128xf32>
    %mul3A_1838 = arith.constant 5.000000e-01 : f32
    %mul3A_1839 = vector.broadcast %mul3A_1838 : f32 to vector<400x128xf32>
    %mul3A_1840 = arith.mulf %mul3A_1839, %tanh3A_1837 : vector<400x128xf32>
    %add3A_1841 = arith.constant 5.000000e-01 : f32
    %add3A_1842 = vector.broadcast %add3A_1841 : f32 to vector<400x128xf32>
    %add3A_1843 = arith.addf %mul3A_1840, %add3A_1842 : vector<400x128xf32>
    %slice3A_1844 = vector.extract_strided_slice %add3A_1821 {offsets = [0, 256], sizes = [400, 128], strides = [1, 1]} : vector<400x512xf32> to vector<400x128xf32>
    %tanh3A_1845 = math.tanh %slice3A_1844 : vector<400x128xf32>
    %slice3A_1846 = vector.extract_strided_slice %add3A_1821 {offsets = [0, 384], sizes = [400, 128], strides = [1, 1]} : vector<400x512xf32> to vector<400x128xf32>
    %mul3A_1847 = arith.constant 5.000000e-01 : f32
    %mul3A_1848 = vector.broadcast %mul3A_1847 : f32 to vector<400x128xf32>
    %mul3A_1849 = arith.mulf %mul3A_1848, %slice3A_1846 : vector<400x128xf32>
    %tanh3A_1850 = math.tanh %mul3A_1849 : vector<400x128xf32>
    %mul3A_1851 = arith.constant 5.000000e-01 : f32
    %mul3A_1852 = vector.broadcast %mul3A_1851 : f32 to vector<400x128xf32>
    %mul3A_1853 = arith.mulf %mul3A_1852, %tanh3A_1850 : vector<400x128xf32>
    %add3A_1854 = arith.constant 5.000000e-01 : f32
    %add3A_1855 = vector.broadcast %add3A_1854 : f32 to vector<400x128xf32>
    %add3A_1856 = arith.addf %mul3A_1853, %add3A_1855 : vector<400x128xf32>
    %mul3A_1857 = arith.mulf %add3A_1843, %add3A_1762 : vector<400x128xf32>
    %mul3A_1858 = arith.mulf %add3A_1832, %tanh3A_1845 : vector<400x128xf32>
    %add3A_1859 = arith.addf %mul3A_1857, %mul3A_1858 : vector<400x128xf32>
    %tanh3A_1860 = math.tanh %add3A_1859 : vector<400x128xf32>
    %mul3A_1861 = arith.mulf %add3A_1856, %tanh3A_1860 : vector<400x128xf32>
    %get3A_1862 = arith.constant 0 : index
    %get3A_1863 = arith.constant 304 : index
    %get3A_1864 = vector.load %arg1[%get3A_1862, %get3A_1863] : memref<400x384xf32, #tpu.memory_space<vmem>>, vector<400x16xf32>
    %dot_general3A_1865 = arith.constant dense<0.000000e+00> : vector<400x512xf32>
    %dot_general3A_1866 = tpu.matmul %get3A_1864, %get3A_1, %dot_general3A_1865 {dimension_numbers = #tpu.dot_dimension_numbers<[1], [0], [0], [1], [0, 0, 1, 1], [], []>, transpose_lhs_hint = false} : vector<400x16xf32>, vector<16x512xf32>, vector<400x512xf32> -> vector<400x512xf32>
    %dot_general3A_1867 = arith.constant dense<0.000000e+00> : vector<400x512xf32>
    %dot_general3A_1868 = tpu.matmul %mul3A_1814, %get3A_4, %dot_general3A_1867 {dimension_numbers = #tpu.dot_dimension_numbers<[1], [0], [0], [1], [0, 0, 1, 1], [], []>, transpose_lhs_hint = false} : vector<400x128xf32>, vector<128x512xf32>, vector<400x512xf32> -> vector<400x512xf32>
    %add3A_1869 = arith.addf %dot_general3A_1866, %dot_general3A_1868 : vector<400x512xf32>
    %add3A_1870 = vector.broadcast %get3A_13 : vector<1x512xf32> to vector<400x512xf32>
    %add3A_1871 = arith.addf %add3A_1869, %add3A_1870 : vector<400x512xf32>
    %slice3A_1872 = vector.extract_strided_slice %add3A_1871 {offsets = [0, 0], sizes = [400, 128], strides = [1, 1]} : vector<400x512xf32> to vector<400x128xf32>
    %mul3A_1873 = arith.constant 5.000000e-01 : f32
    %mul3A_1874 = vector.broadcast %mul3A_1873 : f32 to vector<400x128xf32>
    %mul3A_1875 = arith.mulf %mul3A_1874, %slice3A_1872 : vector<400x128xf32>
    %tanh3A_1876 = math.tanh %mul3A_1875 : vector<400x128xf32>
    %mul3A_1877 = arith.constant 5.000000e-01 : f32
    %mul3A_1878 = vector.broadcast %mul3A_1877 : f32 to vector<400x128xf32>
    %mul3A_1879 = arith.mulf %mul3A_1878, %tanh3A_1876 : vector<400x128xf32>
    %add3A_1880 = arith.constant 5.000000e-01 : f32
    %add3A_1881 = vector.broadcast %add3A_1880 : f32 to vector<400x128xf32>
    %add3A_1882 = arith.addf %mul3A_1879, %add3A_1881 : vector<400x128xf32>
    %slice3A_1883 = vector.extract_strided_slice %add3A_1871 {offsets = [0, 128], sizes = [400, 128], strides = [1, 1]} : vector<400x512xf32> to vector<400x128xf32>
    %mul3A_1884 = arith.constant 5.000000e-01 : f32
    %mul3A_1885 = vector.broadcast %mul3A_1884 : f32 to vector<400x128xf32>
    %mul3A_1886 = arith.mulf %mul3A_1885, %slice3A_1883 : vector<400x128xf32>
    %tanh3A_1887 = math.tanh %mul3A_1886 : vector<400x128xf32>
    %mul3A_1888 = arith.constant 5.000000e-01 : f32
    %mul3A_1889 = vector.broadcast %mul3A_1888 : f32 to vector<400x128xf32>
    %mul3A_1890 = arith.mulf %mul3A_1889, %tanh3A_1887 : vector<400x128xf32>
    %add3A_1891 = arith.constant 5.000000e-01 : f32
    %add3A_1892 = vector.broadcast %add3A_1891 : f32 to vector<400x128xf32>
    %add3A_1893 = arith.addf %mul3A_1890, %add3A_1892 : vector<400x128xf32>
    %slice3A_1894 = vector.extract_strided_slice %add3A_1871 {offsets = [0, 256], sizes = [400, 128], strides = [1, 1]} : vector<400x512xf32> to vector<400x128xf32>
    %tanh3A_1895 = math.tanh %slice3A_1894 : vector<400x128xf32>
    %slice3A_1896 = vector.extract_strided_slice %add3A_1871 {offsets = [0, 384], sizes = [400, 128], strides = [1, 1]} : vector<400x512xf32> to vector<400x128xf32>
    %mul3A_1897 = arith.constant 5.000000e-01 : f32
    %mul3A_1898 = vector.broadcast %mul3A_1897 : f32 to vector<400x128xf32>
    %mul3A_1899 = arith.mulf %mul3A_1898, %slice3A_1896 : vector<400x128xf32>
    %tanh3A_1900 = math.tanh %mul3A_1899 : vector<400x128xf32>
    %mul3A_1901 = arith.constant 5.000000e-01 : f32
    %mul3A_1902 = vector.broadcast %mul3A_1901 : f32 to vector<400x128xf32>
    %mul3A_1903 = arith.mulf %mul3A_1902, %tanh3A_1900 : vector<400x128xf32>
    %add3A_1904 = arith.constant 5.000000e-01 : f32
    %add3A_1905 = vector.broadcast %add3A_1904 : f32 to vector<400x128xf32>
    %add3A_1906 = arith.addf %mul3A_1903, %add3A_1905 : vector<400x128xf32>
    %mul3A_1907 = arith.mulf %add3A_1893, %add3A_1812 : vector<400x128xf32>
    %mul3A_1908 = arith.mulf %add3A_1882, %tanh3A_1895 : vector<400x128xf32>
    %add3A_1909 = arith.addf %mul3A_1907, %mul3A_1908 : vector<400x128xf32>
    %tanh3A_1910 = math.tanh %add3A_1909 : vector<400x128xf32>
    %mul3A_1911 = arith.mulf %add3A_1906, %tanh3A_1910 : vector<400x128xf32>
    %dot_general3A_1912 = arith.constant dense<0.000000e+00> : vector<400x512xf32>
    %dot_general3A_1913 = tpu.matmul %mul3A_1911, %get3A_7, %dot_general3A_1912 {dimension_numbers = #tpu.dot_dimension_numbers<[1], [0], [0], [1], [0, 0, 1, 1], [], []>, transpose_lhs_hint = false} : vector<400x128xf32>, vector<128x512xf32>, vector<400x512xf32> -> vector<400x512xf32>
    %dot_general3A_1914 = arith.constant dense<0.000000e+00> : vector<400x512xf32>
    %dot_general3A_1915 = tpu.matmul %mul3A_1861, %get3A_10, %dot_general3A_1914 {dimension_numbers = #tpu.dot_dimension_numbers<[1], [0], [0], [1], [0, 0, 1, 1], [], []>, transpose_lhs_hint = false} : vector<400x128xf32>, vector<128x512xf32>, vector<400x512xf32> -> vector<400x512xf32>
    %add3A_1916 = arith.addf %dot_general3A_1913, %dot_general3A_1915 : vector<400x512xf32>
    %add3A_1917 = vector.broadcast %get3A_16 : vector<1x512xf32> to vector<400x512xf32>
    %add3A_1918 = arith.addf %add3A_1916, %add3A_1917 : vector<400x512xf32>
    %slice3A_1919 = vector.extract_strided_slice %add3A_1918 {offsets = [0, 0], sizes = [400, 128], strides = [1, 1]} : vector<400x512xf32> to vector<400x128xf32>
    %mul3A_1920 = arith.constant 5.000000e-01 : f32
    %mul3A_1921 = vector.broadcast %mul3A_1920 : f32 to vector<400x128xf32>
    %mul3A_1922 = arith.mulf %mul3A_1921, %slice3A_1919 : vector<400x128xf32>
    %tanh3A_1923 = math.tanh %mul3A_1922 : vector<400x128xf32>
    %mul3A_1924 = arith.constant 5.000000e-01 : f32
    %mul3A_1925 = vector.broadcast %mul3A_1924 : f32 to vector<400x128xf32>
    %mul3A_1926 = arith.mulf %mul3A_1925, %tanh3A_1923 : vector<400x128xf32>
    %add3A_1927 = arith.constant 5.000000e-01 : f32
    %add3A_1928 = vector.broadcast %add3A_1927 : f32 to vector<400x128xf32>
    %add3A_1929 = arith.addf %mul3A_1926, %add3A_1928 : vector<400x128xf32>
    %slice3A_1930 = vector.extract_strided_slice %add3A_1918 {offsets = [0, 128], sizes = [400, 128], strides = [1, 1]} : vector<400x512xf32> to vector<400x128xf32>
    %mul3A_1931 = arith.constant 5.000000e-01 : f32
    %mul3A_1932 = vector.broadcast %mul3A_1931 : f32 to vector<400x128xf32>
    %mul3A_1933 = arith.mulf %mul3A_1932, %slice3A_1930 : vector<400x128xf32>
    %tanh3A_1934 = math.tanh %mul3A_1933 : vector<400x128xf32>
    %mul3A_1935 = arith.constant 5.000000e-01 : f32
    %mul3A_1936 = vector.broadcast %mul3A_1935 : f32 to vector<400x128xf32>
    %mul3A_1937 = arith.mulf %mul3A_1936, %tanh3A_1934 : vector<400x128xf32>
    %add3A_1938 = arith.constant 5.000000e-01 : f32
    %add3A_1939 = vector.broadcast %add3A_1938 : f32 to vector<400x128xf32>
    %add3A_1940 = arith.addf %mul3A_1937, %add3A_1939 : vector<400x128xf32>
    %slice3A_1941 = vector.extract_strided_slice %add3A_1918 {offsets = [0, 256], sizes = [400, 128], strides = [1, 1]} : vector<400x512xf32> to vector<400x128xf32>
    %tanh3A_1942 = math.tanh %slice3A_1941 : vector<400x128xf32>
    %slice3A_1943 = vector.extract_strided_slice %add3A_1918 {offsets = [0, 384], sizes = [400, 128], strides = [1, 1]} : vector<400x512xf32> to vector<400x128xf32>
    %mul3A_1944 = arith.constant 5.000000e-01 : f32
    %mul3A_1945 = vector.broadcast %mul3A_1944 : f32 to vector<400x128xf32>
    %mul3A_1946 = arith.mulf %mul3A_1945, %slice3A_1943 : vector<400x128xf32>
    %tanh3A_1947 = math.tanh %mul3A_1946 : vector<400x128xf32>
    %mul3A_1948 = arith.constant 5.000000e-01 : f32
    %mul3A_1949 = vector.broadcast %mul3A_1948 : f32 to vector<400x128xf32>
    %mul3A_1950 = arith.mulf %mul3A_1949, %tanh3A_1947 : vector<400x128xf32>
    %add3A_1951 = arith.constant 5.000000e-01 : f32
    %add3A_1952 = vector.broadcast %add3A_1951 : f32 to vector<400x128xf32>
    %add3A_1953 = arith.addf %mul3A_1950, %add3A_1952 : vector<400x128xf32>
    %mul3A_1954 = arith.mulf %add3A_1940, %add3A_1859 : vector<400x128xf32>
    %mul3A_1955 = arith.mulf %add3A_1929, %tanh3A_1942 : vector<400x128xf32>
    %add3A_1956 = arith.addf %mul3A_1954, %mul3A_1955 : vector<400x128xf32>
    %tanh3A_1957 = math.tanh %add3A_1956 : vector<400x128xf32>
    %mul3A_1958 = arith.mulf %add3A_1953, %tanh3A_1957 : vector<400x128xf32>
    %get3A_1959 = arith.constant 0 : index
    %get3A_1960 = arith.constant 320 : index
    %get3A_1961 = vector.load %arg1[%get3A_1959, %get3A_1960] : memref<400x384xf32, #tpu.memory_space<vmem>>, vector<400x16xf32>
    %dot_general3A_1962 = arith.constant dense<0.000000e+00> : vector<400x512xf32>
    %dot_general3A_1963 = tpu.matmul %get3A_1961, %get3A_1, %dot_general3A_1962 {dimension_numbers = #tpu.dot_dimension_numbers<[1], [0], [0], [1], [0, 0, 1, 1], [], []>, transpose_lhs_hint = false} : vector<400x16xf32>, vector<16x512xf32>, vector<400x512xf32> -> vector<400x512xf32>
    %dot_general3A_1964 = arith.constant dense<0.000000e+00> : vector<400x512xf32>
    %dot_general3A_1965 = tpu.matmul %mul3A_1911, %get3A_4, %dot_general3A_1964 {dimension_numbers = #tpu.dot_dimension_numbers<[1], [0], [0], [1], [0, 0, 1, 1], [], []>, transpose_lhs_hint = false} : vector<400x128xf32>, vector<128x512xf32>, vector<400x512xf32> -> vector<400x512xf32>
    %add3A_1966 = arith.addf %dot_general3A_1963, %dot_general3A_1965 : vector<400x512xf32>
    %add3A_1967 = vector.broadcast %get3A_13 : vector<1x512xf32> to vector<400x512xf32>
    %add3A_1968 = arith.addf %add3A_1966, %add3A_1967 : vector<400x512xf32>
    %slice3A_1969 = vector.extract_strided_slice %add3A_1968 {offsets = [0, 0], sizes = [400, 128], strides = [1, 1]} : vector<400x512xf32> to vector<400x128xf32>
    %mul3A_1970 = arith.constant 5.000000e-01 : f32
    %mul3A_1971 = vector.broadcast %mul3A_1970 : f32 to vector<400x128xf32>
    %mul3A_1972 = arith.mulf %mul3A_1971, %slice3A_1969 : vector<400x128xf32>
    %tanh3A_1973 = math.tanh %mul3A_1972 : vector<400x128xf32>
    %mul3A_1974 = arith.constant 5.000000e-01 : f32
    %mul3A_1975 = vector.broadcast %mul3A_1974 : f32 to vector<400x128xf32>
    %mul3A_1976 = arith.mulf %mul3A_1975, %tanh3A_1973 : vector<400x128xf32>
    %add3A_1977 = arith.constant 5.000000e-01 : f32
    %add3A_1978 = vector.broadcast %add3A_1977 : f32 to vector<400x128xf32>
    %add3A_1979 = arith.addf %mul3A_1976, %add3A_1978 : vector<400x128xf32>
    %slice3A_1980 = vector.extract_strided_slice %add3A_1968 {offsets = [0, 128], sizes = [400, 128], strides = [1, 1]} : vector<400x512xf32> to vector<400x128xf32>
    %mul3A_1981 = arith.constant 5.000000e-01 : f32
    %mul3A_1982 = vector.broadcast %mul3A_1981 : f32 to vector<400x128xf32>
    %mul3A_1983 = arith.mulf %mul3A_1982, %slice3A_1980 : vector<400x128xf32>
    %tanh3A_1984 = math.tanh %mul3A_1983 : vector<400x128xf32>
    %mul3A_1985 = arith.constant 5.000000e-01 : f32
    %mul3A_1986 = vector.broadcast %mul3A_1985 : f32 to vector<400x128xf32>
    %mul3A_1987 = arith.mulf %mul3A_1986, %tanh3A_1984 : vector<400x128xf32>
    %add3A_1988 = arith.constant 5.000000e-01 : f32
    %add3A_1989 = vector.broadcast %add3A_1988 : f32 to vector<400x128xf32>
    %add3A_1990 = arith.addf %mul3A_1987, %add3A_1989 : vector<400x128xf32>
    %slice3A_1991 = vector.extract_strided_slice %add3A_1968 {offsets = [0, 256], sizes = [400, 128], strides = [1, 1]} : vector<400x512xf32> to vector<400x128xf32>
    %tanh3A_1992 = math.tanh %slice3A_1991 : vector<400x128xf32>
    %slice3A_1993 = vector.extract_strided_slice %add3A_1968 {offsets = [0, 384], sizes = [400, 128], strides = [1, 1]} : vector<400x512xf32> to vector<400x128xf32>
    %mul3A_1994 = arith.constant 5.000000e-01 : f32
    %mul3A_1995 = vector.broadcast %mul3A_1994 : f32 to vector<400x128xf32>
    %mul3A_1996 = arith.mulf %mul3A_1995, %slice3A_1993 : vector<400x128xf32>
    %tanh3A_1997 = math.tanh %mul3A_1996 : vector<400x128xf32>
    %mul3A_1998 = arith.constant 5.000000e-01 : f32
    %mul3A_1999 = vector.broadcast %mul3A_1998 : f32 to vector<400x128xf32>
    %mul3A_2000 = arith.mulf %mul3A_1999, %tanh3A_1997 : vector<400x128xf32>
    %add3A_2001 = arith.constant 5.000000e-01 : f32
    %add3A_2002 = vector.broadcast %add3A_2001 : f32 to vector<400x128xf32>
    %add3A_2003 = arith.addf %mul3A_2000, %add3A_2002 : vector<400x128xf32>
    %mul3A_2004 = arith.mulf %add3A_1990, %add3A_1909 : vector<400x128xf32>
    %mul3A_2005 = arith.mulf %add3A_1979, %tanh3A_1992 : vector<400x128xf32>
    %add3A_2006 = arith.addf %mul3A_2004, %mul3A_2005 : vector<400x128xf32>
    %tanh3A_2007 = math.tanh %add3A_2006 : vector<400x128xf32>
    %mul3A_2008 = arith.mulf %add3A_2003, %tanh3A_2007 : vector<400x128xf32>
    %dot_general3A_2009 = arith.constant dense<0.000000e+00> : vector<400x512xf32>
    %dot_general3A_2010 = tpu.matmul %mul3A_2008, %get3A_7, %dot_general3A_2009 {dimension_numbers = #tpu.dot_dimension_numbers<[1], [0], [0], [1], [0, 0, 1, 1], [], []>, transpose_lhs_hint = false} : vector<400x128xf32>, vector<128x512xf32>, vector<400x512xf32> -> vector<400x512xf32>
    %dot_general3A_2011 = arith.constant dense<0.000000e+00> : vector<400x512xf32>
    %dot_general3A_2012 = tpu.matmul %mul3A_1958, %get3A_10, %dot_general3A_2011 {dimension_numbers = #tpu.dot_dimension_numbers<[1], [0], [0], [1], [0, 0, 1, 1], [], []>, transpose_lhs_hint = false} : vector<400x128xf32>, vector<128x512xf32>, vector<400x512xf32> -> vector<400x512xf32>
    %add3A_2013 = arith.addf %dot_general3A_2010, %dot_general3A_2012 : vector<400x512xf32>
    %add3A_2014 = vector.broadcast %get3A_16 : vector<1x512xf32> to vector<400x512xf32>
    %add3A_2015 = arith.addf %add3A_2013, %add3A_2014 : vector<400x512xf32>
    %slice3A_2016 = vector.extract_strided_slice %add3A_2015 {offsets = [0, 0], sizes = [400, 128], strides = [1, 1]} : vector<400x512xf32> to vector<400x128xf32>
    %mul3A_2017 = arith.constant 5.000000e-01 : f32
    %mul3A_2018 = vector.broadcast %mul3A_2017 : f32 to vector<400x128xf32>
    %mul3A_2019 = arith.mulf %mul3A_2018, %slice3A_2016 : vector<400x128xf32>
    %tanh3A_2020 = math.tanh %mul3A_2019 : vector<400x128xf32>
    %mul3A_2021 = arith.constant 5.000000e-01 : f32
    %mul3A_2022 = vector.broadcast %mul3A_2021 : f32 to vector<400x128xf32>
    %mul3A_2023 = arith.mulf %mul3A_2022, %tanh3A_2020 : vector<400x128xf32>
    %add3A_2024 = arith.constant 5.000000e-01 : f32
    %add3A_2025 = vector.broadcast %add3A_2024 : f32 to vector<400x128xf32>
    %add3A_2026 = arith.addf %mul3A_2023, %add3A_2025 : vector<400x128xf32>
    %slice3A_2027 = vector.extract_strided_slice %add3A_2015 {offsets = [0, 128], sizes = [400, 128], strides = [1, 1]} : vector<400x512xf32> to vector<400x128xf32>
    %mul3A_2028 = arith.constant 5.000000e-01 : f32
    %mul3A_2029 = vector.broadcast %mul3A_2028 : f32 to vector<400x128xf32>
    %mul3A_2030 = arith.mulf %mul3A_2029, %slice3A_2027 : vector<400x128xf32>
    %tanh3A_2031 = math.tanh %mul3A_2030 : vector<400x128xf32>
    %mul3A_2032 = arith.constant 5.000000e-01 : f32
    %mul3A_2033 = vector.broadcast %mul3A_2032 : f32 to vector<400x128xf32>
    %mul3A_2034 = arith.mulf %mul3A_2033, %tanh3A_2031 : vector<400x128xf32>
    %add3A_2035 = arith.constant 5.000000e-01 : f32
    %add3A_2036 = vector.broadcast %add3A_2035 : f32 to vector<400x128xf32>
    %add3A_2037 = arith.addf %mul3A_2034, %add3A_2036 : vector<400x128xf32>
    %slice3A_2038 = vector.extract_strided_slice %add3A_2015 {offsets = [0, 256], sizes = [400, 128], strides = [1, 1]} : vector<400x512xf32> to vector<400x128xf32>
    %tanh3A_2039 = math.tanh %slice3A_2038 : vector<400x128xf32>
    %slice3A_2040 = vector.extract_strided_slice %add3A_2015 {offsets = [0, 384], sizes = [400, 128], strides = [1, 1]} : vector<400x512xf32> to vector<400x128xf32>
    %mul3A_2041 = arith.constant 5.000000e-01 : f32
    %mul3A_2042 = vector.broadcast %mul3A_2041 : f32 to vector<400x128xf32>
    %mul3A_2043 = arith.mulf %mul3A_2042, %slice3A_2040 : vector<400x128xf32>
    %tanh3A_2044 = math.tanh %mul3A_2043 : vector<400x128xf32>
    %mul3A_2045 = arith.constant 5.000000e-01 : f32
    %mul3A_2046 = vector.broadcast %mul3A_2045 : f32 to vector<400x128xf32>
    %mul3A_2047 = arith.mulf %mul3A_2046, %tanh3A_2044 : vector<400x128xf32>
    %add3A_2048 = arith.constant 5.000000e-01 : f32
    %add3A_2049 = vector.broadcast %add3A_2048 : f32 to vector<400x128xf32>
    %add3A_2050 = arith.addf %mul3A_2047, %add3A_2049 : vector<400x128xf32>
    %mul3A_2051 = arith.mulf %add3A_2037, %add3A_1956 : vector<400x128xf32>
    %mul3A_2052 = arith.mulf %add3A_2026, %tanh3A_2039 : vector<400x128xf32>
    %add3A_2053 = arith.addf %mul3A_2051, %mul3A_2052 : vector<400x128xf32>
    %tanh3A_2054 = math.tanh %add3A_2053 : vector<400x128xf32>
    %mul3A_2055 = arith.mulf %add3A_2050, %tanh3A_2054 : vector<400x128xf32>
    %get3A_2056 = arith.constant 0 : index
    %get3A_2057 = arith.constant 336 : index
    %get3A_2058 = vector.load %arg1[%get3A_2056, %get3A_2057] : memref<400x384xf32, #tpu.memory_space<vmem>>, vector<400x16xf32>
    %dot_general3A_2059 = arith.constant dense<0.000000e+00> : vector<400x512xf32>
    %dot_general3A_2060 = tpu.matmul %get3A_2058, %get3A_1, %dot_general3A_2059 {dimension_numbers = #tpu.dot_dimension_numbers<[1], [0], [0], [1], [0, 0, 1, 1], [], []>, transpose_lhs_hint = false} : vector<400x16xf32>, vector<16x512xf32>, vector<400x512xf32> -> vector<400x512xf32>
    %dot_general3A_2061 = arith.constant dense<0.000000e+00> : vector<400x512xf32>
    %dot_general3A_2062 = tpu.matmul %mul3A_2008, %get3A_4, %dot_general3A_2061 {dimension_numbers = #tpu.dot_dimension_numbers<[1], [0], [0], [1], [0, 0, 1, 1], [], []>, transpose_lhs_hint = false} : vector<400x128xf32>, vector<128x512xf32>, vector<400x512xf32> -> vector<400x512xf32>
    %add3A_2063 = arith.addf %dot_general3A_2060, %dot_general3A_2062 : vector<400x512xf32>
    %add3A_2064 = vector.broadcast %get3A_13 : vector<1x512xf32> to vector<400x512xf32>
    %add3A_2065 = arith.addf %add3A_2063, %add3A_2064 : vector<400x512xf32>
    %slice3A_2066 = vector.extract_strided_slice %add3A_2065 {offsets = [0, 0], sizes = [400, 128], strides = [1, 1]} : vector<400x512xf32> to vector<400x128xf32>
    %mul3A_2067 = arith.constant 5.000000e-01 : f32
    %mul3A_2068 = vector.broadcast %mul3A_2067 : f32 to vector<400x128xf32>
    %mul3A_2069 = arith.mulf %mul3A_2068, %slice3A_2066 : vector<400x128xf32>
    %tanh3A_2070 = math.tanh %mul3A_2069 : vector<400x128xf32>
    %mul3A_2071 = arith.constant 5.000000e-01 : f32
    %mul3A_2072 = vector.broadcast %mul3A_2071 : f32 to vector<400x128xf32>
    %mul3A_2073 = arith.mulf %mul3A_2072, %tanh3A_2070 : vector<400x128xf32>
    %add3A_2074 = arith.constant 5.000000e-01 : f32
    %add3A_2075 = vector.broadcast %add3A_2074 : f32 to vector<400x128xf32>
    %add3A_2076 = arith.addf %mul3A_2073, %add3A_2075 : vector<400x128xf32>
    %slice3A_2077 = vector.extract_strided_slice %add3A_2065 {offsets = [0, 128], sizes = [400, 128], strides = [1, 1]} : vector<400x512xf32> to vector<400x128xf32>
    %mul3A_2078 = arith.constant 5.000000e-01 : f32
    %mul3A_2079 = vector.broadcast %mul3A_2078 : f32 to vector<400x128xf32>
    %mul3A_2080 = arith.mulf %mul3A_2079, %slice3A_2077 : vector<400x128xf32>
    %tanh3A_2081 = math.tanh %mul3A_2080 : vector<400x128xf32>
    %mul3A_2082 = arith.constant 5.000000e-01 : f32
    %mul3A_2083 = vector.broadcast %mul3A_2082 : f32 to vector<400x128xf32>
    %mul3A_2084 = arith.mulf %mul3A_2083, %tanh3A_2081 : vector<400x128xf32>
    %add3A_2085 = arith.constant 5.000000e-01 : f32
    %add3A_2086 = vector.broadcast %add3A_2085 : f32 to vector<400x128xf32>
    %add3A_2087 = arith.addf %mul3A_2084, %add3A_2086 : vector<400x128xf32>
    %slice3A_2088 = vector.extract_strided_slice %add3A_2065 {offsets = [0, 256], sizes = [400, 128], strides = [1, 1]} : vector<400x512xf32> to vector<400x128xf32>
    %tanh3A_2089 = math.tanh %slice3A_2088 : vector<400x128xf32>
    %slice3A_2090 = vector.extract_strided_slice %add3A_2065 {offsets = [0, 384], sizes = [400, 128], strides = [1, 1]} : vector<400x512xf32> to vector<400x128xf32>
    %mul3A_2091 = arith.constant 5.000000e-01 : f32
    %mul3A_2092 = vector.broadcast %mul3A_2091 : f32 to vector<400x128xf32>
    %mul3A_2093 = arith.mulf %mul3A_2092, %slice3A_2090 : vector<400x128xf32>
    %tanh3A_2094 = math.tanh %mul3A_2093 : vector<400x128xf32>
    %mul3A_2095 = arith.constant 5.000000e-01 : f32
    %mul3A_2096 = vector.broadcast %mul3A_2095 : f32 to vector<400x128xf32>
    %mul3A_2097 = arith.mulf %mul3A_2096, %tanh3A_2094 : vector<400x128xf32>
    %add3A_2098 = arith.constant 5.000000e-01 : f32
    %add3A_2099 = vector.broadcast %add3A_2098 : f32 to vector<400x128xf32>
    %add3A_2100 = arith.addf %mul3A_2097, %add3A_2099 : vector<400x128xf32>
    %mul3A_2101 = arith.mulf %add3A_2087, %add3A_2006 : vector<400x128xf32>
    %mul3A_2102 = arith.mulf %add3A_2076, %tanh3A_2089 : vector<400x128xf32>
    %add3A_2103 = arith.addf %mul3A_2101, %mul3A_2102 : vector<400x128xf32>
    %tanh3A_2104 = math.tanh %add3A_2103 : vector<400x128xf32>
    %mul3A_2105 = arith.mulf %add3A_2100, %tanh3A_2104 : vector<400x128xf32>
    %dot_general3A_2106 = arith.constant dense<0.000000e+00> : vector<400x512xf32>
    %dot_general3A_2107 = tpu.matmul %mul3A_2105, %get3A_7, %dot_general3A_2106 {dimension_numbers = #tpu.dot_dimension_numbers<[1], [0], [0], [1], [0, 0, 1, 1], [], []>, transpose_lhs_hint = false} : vector<400x128xf32>, vector<128x512xf32>, vector<400x512xf32> -> vector<400x512xf32>
    %dot_general3A_2108 = arith.constant dense<0.000000e+00> : vector<400x512xf32>
    %dot_general3A_2109 = tpu.matmul %mul3A_2055, %get3A_10, %dot_general3A_2108 {dimension_numbers = #tpu.dot_dimension_numbers<[1], [0], [0], [1], [0, 0, 1, 1], [], []>, transpose_lhs_hint = false} : vector<400x128xf32>, vector<128x512xf32>, vector<400x512xf32> -> vector<400x512xf32>
    %add3A_2110 = arith.addf %dot_general3A_2107, %dot_general3A_2109 : vector<400x512xf32>
    %add3A_2111 = vector.broadcast %get3A_16 : vector<1x512xf32> to vector<400x512xf32>
    %add3A_2112 = arith.addf %add3A_2110, %add3A_2111 : vector<400x512xf32>
    %slice3A_2113 = vector.extract_strided_slice %add3A_2112 {offsets = [0, 0], sizes = [400, 128], strides = [1, 1]} : vector<400x512xf32> to vector<400x128xf32>
    %mul3A_2114 = arith.constant 5.000000e-01 : f32
    %mul3A_2115 = vector.broadcast %mul3A_2114 : f32 to vector<400x128xf32>
    %mul3A_2116 = arith.mulf %mul3A_2115, %slice3A_2113 : vector<400x128xf32>
    %tanh3A_2117 = math.tanh %mul3A_2116 : vector<400x128xf32>
    %mul3A_2118 = arith.constant 5.000000e-01 : f32
    %mul3A_2119 = vector.broadcast %mul3A_2118 : f32 to vector<400x128xf32>
    %mul3A_2120 = arith.mulf %mul3A_2119, %tanh3A_2117 : vector<400x128xf32>
    %add3A_2121 = arith.constant 5.000000e-01 : f32
    %add3A_2122 = vector.broadcast %add3A_2121 : f32 to vector<400x128xf32>
    %add3A_2123 = arith.addf %mul3A_2120, %add3A_2122 : vector<400x128xf32>
    %slice3A_2124 = vector.extract_strided_slice %add3A_2112 {offsets = [0, 128], sizes = [400, 128], strides = [1, 1]} : vector<400x512xf32> to vector<400x128xf32>
    %mul3A_2125 = arith.constant 5.000000e-01 : f32
    %mul3A_2126 = vector.broadcast %mul3A_2125 : f32 to vector<400x128xf32>
    %mul3A_2127 = arith.mulf %mul3A_2126, %slice3A_2124 : vector<400x128xf32>
    %tanh3A_2128 = math.tanh %mul3A_2127 : vector<400x128xf32>
    %mul3A_2129 = arith.constant 5.000000e-01 : f32
    %mul3A_2130 = vector.broadcast %mul3A_2129 : f32 to vector<400x128xf32>
    %mul3A_2131 = arith.mulf %mul3A_2130, %tanh3A_2128 : vector<400x128xf32>
    %add3A_2132 = arith.constant 5.000000e-01 : f32
    %add3A_2133 = vector.broadcast %add3A_2132 : f32 to vector<400x128xf32>
    %add3A_2134 = arith.addf %mul3A_2131, %add3A_2133 : vector<400x128xf32>
    %slice3A_2135 = vector.extract_strided_slice %add3A_2112 {offsets = [0, 256], sizes = [400, 128], strides = [1, 1]} : vector<400x512xf32> to vector<400x128xf32>
    %tanh3A_2136 = math.tanh %slice3A_2135 : vector<400x128xf32>
    %slice3A_2137 = vector.extract_strided_slice %add3A_2112 {offsets = [0, 384], sizes = [400, 128], strides = [1, 1]} : vector<400x512xf32> to vector<400x128xf32>
    %mul3A_2138 = arith.constant 5.000000e-01 : f32
    %mul3A_2139 = vector.broadcast %mul3A_2138 : f32 to vector<400x128xf32>
    %mul3A_2140 = arith.mulf %mul3A_2139, %slice3A_2137 : vector<400x128xf32>
    %tanh3A_2141 = math.tanh %mul3A_2140 : vector<400x128xf32>
    %mul3A_2142 = arith.constant 5.000000e-01 : f32
    %mul3A_2143 = vector.broadcast %mul3A_2142 : f32 to vector<400x128xf32>
    %mul3A_2144 = arith.mulf %mul3A_2143, %tanh3A_2141 : vector<400x128xf32>
    %add3A_2145 = arith.constant 5.000000e-01 : f32
    %add3A_2146 = vector.broadcast %add3A_2145 : f32 to vector<400x128xf32>
    %add3A_2147 = arith.addf %mul3A_2144, %add3A_2146 : vector<400x128xf32>
    %mul3A_2148 = arith.mulf %add3A_2134, %add3A_2053 : vector<400x128xf32>
    %mul3A_2149 = arith.mulf %add3A_2123, %tanh3A_2136 : vector<400x128xf32>
    %add3A_2150 = arith.addf %mul3A_2148, %mul3A_2149 : vector<400x128xf32>
    %tanh3A_2151 = math.tanh %add3A_2150 : vector<400x128xf32>
    %mul3A_2152 = arith.mulf %add3A_2147, %tanh3A_2151 : vector<400x128xf32>
    %get3A_2153 = arith.constant 0 : index
    %get3A_2154 = arith.constant 352 : index
    %get3A_2155 = vector.load %arg1[%get3A_2153, %get3A_2154] : memref<400x384xf32, #tpu.memory_space<vmem>>, vector<400x16xf32>
    %dot_general3A_2156 = arith.constant dense<0.000000e+00> : vector<400x512xf32>
    %dot_general3A_2157 = tpu.matmul %get3A_2155, %get3A_1, %dot_general3A_2156 {dimension_numbers = #tpu.dot_dimension_numbers<[1], [0], [0], [1], [0, 0, 1, 1], [], []>, transpose_lhs_hint = false} : vector<400x16xf32>, vector<16x512xf32>, vector<400x512xf32> -> vector<400x512xf32>
    %dot_general3A_2158 = arith.constant dense<0.000000e+00> : vector<400x512xf32>
    %dot_general3A_2159 = tpu.matmul %mul3A_2105, %get3A_4, %dot_general3A_2158 {dimension_numbers = #tpu.dot_dimension_numbers<[1], [0], [0], [1], [0, 0, 1, 1], [], []>, transpose_lhs_hint = false} : vector<400x128xf32>, vector<128x512xf32>, vector<400x512xf32> -> vector<400x512xf32>
    %add3A_2160 = arith.addf %dot_general3A_2157, %dot_general3A_2159 : vector<400x512xf32>
    %add3A_2161 = vector.broadcast %get3A_13 : vector<1x512xf32> to vector<400x512xf32>
    %add3A_2162 = arith.addf %add3A_2160, %add3A_2161 : vector<400x512xf32>
    %slice3A_2163 = vector.extract_strided_slice %add3A_2162 {offsets = [0, 0], sizes = [400, 128], strides = [1, 1]} : vector<400x512xf32> to vector<400x128xf32>
    %mul3A_2164 = arith.constant 5.000000e-01 : f32
    %mul3A_2165 = vector.broadcast %mul3A_2164 : f32 to vector<400x128xf32>
    %mul3A_2166 = arith.mulf %mul3A_2165, %slice3A_2163 : vector<400x128xf32>
    %tanh3A_2167 = math.tanh %mul3A_2166 : vector<400x128xf32>
    %mul3A_2168 = arith.constant 5.000000e-01 : f32
    %mul3A_2169 = vector.broadcast %mul3A_2168 : f32 to vector<400x128xf32>
    %mul3A_2170 = arith.mulf %mul3A_2169, %tanh3A_2167 : vector<400x128xf32>
    %add3A_2171 = arith.constant 5.000000e-01 : f32
    %add3A_2172 = vector.broadcast %add3A_2171 : f32 to vector<400x128xf32>
    %add3A_2173 = arith.addf %mul3A_2170, %add3A_2172 : vector<400x128xf32>
    %slice3A_2174 = vector.extract_strided_slice %add3A_2162 {offsets = [0, 128], sizes = [400, 128], strides = [1, 1]} : vector<400x512xf32> to vector<400x128xf32>
    %mul3A_2175 = arith.constant 5.000000e-01 : f32
    %mul3A_2176 = vector.broadcast %mul3A_2175 : f32 to vector<400x128xf32>
    %mul3A_2177 = arith.mulf %mul3A_2176, %slice3A_2174 : vector<400x128xf32>
    %tanh3A_2178 = math.tanh %mul3A_2177 : vector<400x128xf32>
    %mul3A_2179 = arith.constant 5.000000e-01 : f32
    %mul3A_2180 = vector.broadcast %mul3A_2179 : f32 to vector<400x128xf32>
    %mul3A_2181 = arith.mulf %mul3A_2180, %tanh3A_2178 : vector<400x128xf32>
    %add3A_2182 = arith.constant 5.000000e-01 : f32
    %add3A_2183 = vector.broadcast %add3A_2182 : f32 to vector<400x128xf32>
    %add3A_2184 = arith.addf %mul3A_2181, %add3A_2183 : vector<400x128xf32>
    %slice3A_2185 = vector.extract_strided_slice %add3A_2162 {offsets = [0, 256], sizes = [400, 128], strides = [1, 1]} : vector<400x512xf32> to vector<400x128xf32>
    %tanh3A_2186 = math.tanh %slice3A_2185 : vector<400x128xf32>
    %slice3A_2187 = vector.extract_strided_slice %add3A_2162 {offsets = [0, 384], sizes = [400, 128], strides = [1, 1]} : vector<400x512xf32> to vector<400x128xf32>
    %mul3A_2188 = arith.constant 5.000000e-01 : f32
    %mul3A_2189 = vector.broadcast %mul3A_2188 : f32 to vector<400x128xf32>
    %mul3A_2190 = arith.mulf %mul3A_2189, %slice3A_2187 : vector<400x128xf32>
    %tanh3A_2191 = math.tanh %mul3A_2190 : vector<400x128xf32>
    %mul3A_2192 = arith.constant 5.000000e-01 : f32
    %mul3A_2193 = vector.broadcast %mul3A_2192 : f32 to vector<400x128xf32>
    %mul3A_2194 = arith.mulf %mul3A_2193, %tanh3A_2191 : vector<400x128xf32>
    %add3A_2195 = arith.constant 5.000000e-01 : f32
    %add3A_2196 = vector.broadcast %add3A_2195 : f32 to vector<400x128xf32>
    %add3A_2197 = arith.addf %mul3A_2194, %add3A_2196 : vector<400x128xf32>
    %mul3A_2198 = arith.mulf %add3A_2184, %add3A_2103 : vector<400x128xf32>
    %mul3A_2199 = arith.mulf %add3A_2173, %tanh3A_2186 : vector<400x128xf32>
    %add3A_2200 = arith.addf %mul3A_2198, %mul3A_2199 : vector<400x128xf32>
    %tanh3A_2201 = math.tanh %add3A_2200 : vector<400x128xf32>
    %mul3A_2202 = arith.mulf %add3A_2197, %tanh3A_2201 : vector<400x128xf32>
    %dot_general3A_2203 = arith.constant dense<0.000000e+00> : vector<400x512xf32>
    %dot_general3A_2204 = tpu.matmul %mul3A_2202, %get3A_7, %dot_general3A_2203 {dimension_numbers = #tpu.dot_dimension_numbers<[1], [0], [0], [1], [0, 0, 1, 1], [], []>, transpose_lhs_hint = false} : vector<400x128xf32>, vector<128x512xf32>, vector<400x512xf32> -> vector<400x512xf32>
    %dot_general3A_2205 = arith.constant dense<0.000000e+00> : vector<400x512xf32>
    %dot_general3A_2206 = tpu.matmul %mul3A_2152, %get3A_10, %dot_general3A_2205 {dimension_numbers = #tpu.dot_dimension_numbers<[1], [0], [0], [1], [0, 0, 1, 1], [], []>, transpose_lhs_hint = false} : vector<400x128xf32>, vector<128x512xf32>, vector<400x512xf32> -> vector<400x512xf32>
    %add3A_2207 = arith.addf %dot_general3A_2204, %dot_general3A_2206 : vector<400x512xf32>
    %add3A_2208 = vector.broadcast %get3A_16 : vector<1x512xf32> to vector<400x512xf32>
    %add3A_2209 = arith.addf %add3A_2207, %add3A_2208 : vector<400x512xf32>
    %slice3A_2210 = vector.extract_strided_slice %add3A_2209 {offsets = [0, 0], sizes = [400, 128], strides = [1, 1]} : vector<400x512xf32> to vector<400x128xf32>
    %mul3A_2211 = arith.constant 5.000000e-01 : f32
    %mul3A_2212 = vector.broadcast %mul3A_2211 : f32 to vector<400x128xf32>
    %mul3A_2213 = arith.mulf %mul3A_2212, %slice3A_2210 : vector<400x128xf32>
    %tanh3A_2214 = math.tanh %mul3A_2213 : vector<400x128xf32>
    %mul3A_2215 = arith.constant 5.000000e-01 : f32
    %mul3A_2216 = vector.broadcast %mul3A_2215 : f32 to vector<400x128xf32>
    %mul3A_2217 = arith.mulf %mul3A_2216, %tanh3A_2214 : vector<400x128xf32>
    %add3A_2218 = arith.constant 5.000000e-01 : f32
    %add3A_2219 = vector.broadcast %add3A_2218 : f32 to vector<400x128xf32>
    %add3A_2220 = arith.addf %mul3A_2217, %add3A_2219 : vector<400x128xf32>
    %slice3A_2221 = vector.extract_strided_slice %add3A_2209 {offsets = [0, 128], sizes = [400, 128], strides = [1, 1]} : vector<400x512xf32> to vector<400x128xf32>
    %mul3A_2222 = arith.constant 5.000000e-01 : f32
    %mul3A_2223 = vector.broadcast %mul3A_2222 : f32 to vector<400x128xf32>
    %mul3A_2224 = arith.mulf %mul3A_2223, %slice3A_2221 : vector<400x128xf32>
    %tanh3A_2225 = math.tanh %mul3A_2224 : vector<400x128xf32>
    %mul3A_2226 = arith.constant 5.000000e-01 : f32
    %mul3A_2227 = vector.broadcast %mul3A_2226 : f32 to vector<400x128xf32>
    %mul3A_2228 = arith.mulf %mul3A_2227, %tanh3A_2225 : vector<400x128xf32>
    %add3A_2229 = arith.constant 5.000000e-01 : f32
    %add3A_2230 = vector.broadcast %add3A_2229 : f32 to vector<400x128xf32>
    %add3A_2231 = arith.addf %mul3A_2228, %add3A_2230 : vector<400x128xf32>
    %slice3A_2232 = vector.extract_strided_slice %add3A_2209 {offsets = [0, 256], sizes = [400, 128], strides = [1, 1]} : vector<400x512xf32> to vector<400x128xf32>
    %tanh3A_2233 = math.tanh %slice3A_2232 : vector<400x128xf32>
    %slice3A_2234 = vector.extract_strided_slice %add3A_2209 {offsets = [0, 384], sizes = [400, 128], strides = [1, 1]} : vector<400x512xf32> to vector<400x128xf32>
    %mul3A_2235 = arith.constant 5.000000e-01 : f32
    %mul3A_2236 = vector.broadcast %mul3A_2235 : f32 to vector<400x128xf32>
    %mul3A_2237 = arith.mulf %mul3A_2236, %slice3A_2234 : vector<400x128xf32>
    %tanh3A_2238 = math.tanh %mul3A_2237 : vector<400x128xf32>
    %mul3A_2239 = arith.constant 5.000000e-01 : f32
    %mul3A_2240 = vector.broadcast %mul3A_2239 : f32 to vector<400x128xf32>
    %mul3A_2241 = arith.mulf %mul3A_2240, %tanh3A_2238 : vector<400x128xf32>
    %add3A_2242 = arith.constant 5.000000e-01 : f32
    %add3A_2243 = vector.broadcast %add3A_2242 : f32 to vector<400x128xf32>
    %add3A_2244 = arith.addf %mul3A_2241, %add3A_2243 : vector<400x128xf32>
    %mul3A_2245 = arith.mulf %add3A_2231, %add3A_2150 : vector<400x128xf32>
    %mul3A_2246 = arith.mulf %add3A_2220, %tanh3A_2233 : vector<400x128xf32>
    %add3A_2247 = arith.addf %mul3A_2245, %mul3A_2246 : vector<400x128xf32>
    %tanh3A_2248 = math.tanh %add3A_2247 : vector<400x128xf32>
    %mul3A_2249 = arith.mulf %add3A_2244, %tanh3A_2248 : vector<400x128xf32>
    %get3A_2250 = arith.constant 0 : index
    %get3A_2251 = arith.constant 368 : index
    %get3A_2252 = vector.load %arg1[%get3A_2250, %get3A_2251] : memref<400x384xf32, #tpu.memory_space<vmem>>, vector<400x16xf32>
    %dot_general3A_2253 = arith.constant dense<0.000000e+00> : vector<400x512xf32>
    %dot_general3A_2254 = tpu.matmul %get3A_2252, %get3A_1, %dot_general3A_2253 {dimension_numbers = #tpu.dot_dimension_numbers<[1], [0], [0], [1], [0, 0, 1, 1], [], []>, transpose_lhs_hint = false} : vector<400x16xf32>, vector<16x512xf32>, vector<400x512xf32> -> vector<400x512xf32>
    %dot_general3A_2255 = arith.constant dense<0.000000e+00> : vector<400x512xf32>
    %dot_general3A_2256 = tpu.matmul %mul3A_2202, %get3A_4, %dot_general3A_2255 {dimension_numbers = #tpu.dot_dimension_numbers<[1], [0], [0], [1], [0, 0, 1, 1], [], []>, transpose_lhs_hint = false} : vector<400x128xf32>, vector<128x512xf32>, vector<400x512xf32> -> vector<400x512xf32>
    %add3A_2257 = arith.addf %dot_general3A_2254, %dot_general3A_2256 : vector<400x512xf32>
    %add3A_2258 = vector.broadcast %get3A_13 : vector<1x512xf32> to vector<400x512xf32>
    %add3A_2259 = arith.addf %add3A_2257, %add3A_2258 : vector<400x512xf32>
    %slice3A_2260 = vector.extract_strided_slice %add3A_2259 {offsets = [0, 0], sizes = [400, 128], strides = [1, 1]} : vector<400x512xf32> to vector<400x128xf32>
    %mul3A_2261 = arith.constant 5.000000e-01 : f32
    %mul3A_2262 = vector.broadcast %mul3A_2261 : f32 to vector<400x128xf32>
    %mul3A_2263 = arith.mulf %mul3A_2262, %slice3A_2260 : vector<400x128xf32>
    %tanh3A_2264 = math.tanh %mul3A_2263 : vector<400x128xf32>
    %mul3A_2265 = arith.constant 5.000000e-01 : f32
    %mul3A_2266 = vector.broadcast %mul3A_2265 : f32 to vector<400x128xf32>
    %mul3A_2267 = arith.mulf %mul3A_2266, %tanh3A_2264 : vector<400x128xf32>
    %add3A_2268 = arith.constant 5.000000e-01 : f32
    %add3A_2269 = vector.broadcast %add3A_2268 : f32 to vector<400x128xf32>
    %add3A_2270 = arith.addf %mul3A_2267, %add3A_2269 : vector<400x128xf32>
    %slice3A_2271 = vector.extract_strided_slice %add3A_2259 {offsets = [0, 128], sizes = [400, 128], strides = [1, 1]} : vector<400x512xf32> to vector<400x128xf32>
    %mul3A_2272 = arith.constant 5.000000e-01 : f32
    %mul3A_2273 = vector.broadcast %mul3A_2272 : f32 to vector<400x128xf32>
    %mul3A_2274 = arith.mulf %mul3A_2273, %slice3A_2271 : vector<400x128xf32>
    %tanh3A_2275 = math.tanh %mul3A_2274 : vector<400x128xf32>
    %mul3A_2276 = arith.constant 5.000000e-01 : f32
    %mul3A_2277 = vector.broadcast %mul3A_2276 : f32 to vector<400x128xf32>
    %mul3A_2278 = arith.mulf %mul3A_2277, %tanh3A_2275 : vector<400x128xf32>
    %add3A_2279 = arith.constant 5.000000e-01 : f32
    %add3A_2280 = vector.broadcast %add3A_2279 : f32 to vector<400x128xf32>
    %add3A_2281 = arith.addf %mul3A_2278, %add3A_2280 : vector<400x128xf32>
    %slice3A_2282 = vector.extract_strided_slice %add3A_2259 {offsets = [0, 256], sizes = [400, 128], strides = [1, 1]} : vector<400x512xf32> to vector<400x128xf32>
    %tanh3A_2283 = math.tanh %slice3A_2282 : vector<400x128xf32>
    %slice3A_2284 = vector.extract_strided_slice %add3A_2259 {offsets = [0, 384], sizes = [400, 128], strides = [1, 1]} : vector<400x512xf32> to vector<400x128xf32>
    %mul3A_2285 = arith.constant 5.000000e-01 : f32
    %mul3A_2286 = vector.broadcast %mul3A_2285 : f32 to vector<400x128xf32>
    %mul3A_2287 = arith.mulf %mul3A_2286, %slice3A_2284 : vector<400x128xf32>
    %tanh3A_2288 = math.tanh %mul3A_2287 : vector<400x128xf32>
    %mul3A_2289 = arith.constant 5.000000e-01 : f32
    %mul3A_2290 = vector.broadcast %mul3A_2289 : f32 to vector<400x128xf32>
    %mul3A_2291 = arith.mulf %mul3A_2290, %tanh3A_2288 : vector<400x128xf32>
    %add3A_2292 = arith.constant 5.000000e-01 : f32
    %add3A_2293 = vector.broadcast %add3A_2292 : f32 to vector<400x128xf32>
    %add3A_2294 = arith.addf %mul3A_2291, %add3A_2293 : vector<400x128xf32>
    %mul3A_2295 = arith.mulf %add3A_2281, %add3A_2200 : vector<400x128xf32>
    %mul3A_2296 = arith.mulf %add3A_2270, %tanh3A_2283 : vector<400x128xf32>
    %add3A_2297 = arith.addf %mul3A_2295, %mul3A_2296 : vector<400x128xf32>
    %tanh3A_2298 = math.tanh %add3A_2297 : vector<400x128xf32>
    %mul3A_2299 = arith.mulf %add3A_2294, %tanh3A_2298 : vector<400x128xf32>
    %dot_general3A_2300 = arith.constant dense<0.000000e+00> : vector<400x512xf32>
    %dot_general3A_2301 = tpu.matmul %mul3A_2299, %get3A_7, %dot_general3A_2300 {dimension_numbers = #tpu.dot_dimension_numbers<[1], [0], [0], [1], [0, 0, 1, 1], [], []>, transpose_lhs_hint = false} : vector<400x128xf32>, vector<128x512xf32>, vector<400x512xf32> -> vector<400x512xf32>
    %dot_general3A_2302 = arith.constant dense<0.000000e+00> : vector<400x512xf32>
    %dot_general3A_2303 = tpu.matmul %mul3A_2249, %get3A_10, %dot_general3A_2302 {dimension_numbers = #tpu.dot_dimension_numbers<[1], [0], [0], [1], [0, 0, 1, 1], [], []>, transpose_lhs_hint = false} : vector<400x128xf32>, vector<128x512xf32>, vector<400x512xf32> -> vector<400x512xf32>
    %add3A_2304 = arith.addf %dot_general3A_2301, %dot_general3A_2303 : vector<400x512xf32>
    %add3A_2305 = vector.broadcast %get3A_16 : vector<1x512xf32> to vector<400x512xf32>
    %add3A_2306 = arith.addf %add3A_2304, %add3A_2305 : vector<400x512xf32>
    %slice3A_2307 = vector.extract_strided_slice %add3A_2306 {offsets = [0, 0], sizes = [400, 128], strides = [1, 1]} : vector<400x512xf32> to vector<400x128xf32>
    %mul3A_2308 = arith.constant 5.000000e-01 : f32
    %mul3A_2309 = vector.broadcast %mul3A_2308 : f32 to vector<400x128xf32>
    %mul3A_2310 = arith.mulf %mul3A_2309, %slice3A_2307 : vector<400x128xf32>
    %tanh3A_2311 = math.tanh %mul3A_2310 : vector<400x128xf32>
    %mul3A_2312 = arith.constant 5.000000e-01 : f32
    %mul3A_2313 = vector.broadcast %mul3A_2312 : f32 to vector<400x128xf32>
    %mul3A_2314 = arith.mulf %mul3A_2313, %tanh3A_2311 : vector<400x128xf32>
    %add3A_2315 = arith.constant 5.000000e-01 : f32
    %add3A_2316 = vector.broadcast %add3A_2315 : f32 to vector<400x128xf32>
    %add3A_2317 = arith.addf %mul3A_2314, %add3A_2316 : vector<400x128xf32>
    %slice3A_2318 = vector.extract_strided_slice %add3A_2306 {offsets = [0, 128], sizes = [400, 128], strides = [1, 1]} : vector<400x512xf32> to vector<400x128xf32>
    %mul3A_2319 = arith.constant 5.000000e-01 : f32
    %mul3A_2320 = vector.broadcast %mul3A_2319 : f32 to vector<400x128xf32>
    %mul3A_2321 = arith.mulf %mul3A_2320, %slice3A_2318 : vector<400x128xf32>
    %tanh3A_2322 = math.tanh %mul3A_2321 : vector<400x128xf32>
    %mul3A_2323 = arith.constant 5.000000e-01 : f32
    %mul3A_2324 = vector.broadcast %mul3A_2323 : f32 to vector<400x128xf32>
    %mul3A_2325 = arith.mulf %mul3A_2324, %tanh3A_2322 : vector<400x128xf32>
    %add3A_2326 = arith.constant 5.000000e-01 : f32
    %add3A_2327 = vector.broadcast %add3A_2326 : f32 to vector<400x128xf32>
    %add3A_2328 = arith.addf %mul3A_2325, %add3A_2327 : vector<400x128xf32>
    %slice3A_2329 = vector.extract_strided_slice %add3A_2306 {offsets = [0, 256], sizes = [400, 128], strides = [1, 1]} : vector<400x512xf32> to vector<400x128xf32>
    %tanh3A_2330 = math.tanh %slice3A_2329 : vector<400x128xf32>
    %slice3A_2331 = vector.extract_strided_slice %add3A_2306 {offsets = [0, 384], sizes = [400, 128], strides = [1, 1]} : vector<400x512xf32> to vector<400x128xf32>
    %mul3A_2332 = arith.constant 5.000000e-01 : f32
    %mul3A_2333 = vector.broadcast %mul3A_2332 : f32 to vector<400x128xf32>
    %mul3A_2334 = arith.mulf %mul3A_2333, %slice3A_2331 : vector<400x128xf32>
    %tanh3A_2335 = math.tanh %mul3A_2334 : vector<400x128xf32>
    %mul3A_2336 = arith.constant 5.000000e-01 : f32
    %mul3A_2337 = vector.broadcast %mul3A_2336 : f32 to vector<400x128xf32>
    %mul3A_2338 = arith.mulf %mul3A_2337, %tanh3A_2335 : vector<400x128xf32>
    %add3A_2339 = arith.constant 5.000000e-01 : f32
    %add3A_2340 = vector.broadcast %add3A_2339 : f32 to vector<400x128xf32>
    %add3A_2341 = arith.addf %mul3A_2338, %add3A_2340 : vector<400x128xf32>
    %mul3A_2342 = arith.mulf %add3A_2328, %add3A_2247 : vector<400x128xf32>
    %mul3A_2343 = arith.mulf %add3A_2317, %tanh3A_2330 : vector<400x128xf32>
    %add3A_2344 = arith.addf %mul3A_2342, %mul3A_2343 : vector<400x128xf32>
    %tanh3A_2345 = math.tanh %add3A_2344 : vector<400x128xf32>
    %mul3A_2346 = arith.mulf %add3A_2341, %tanh3A_2345 : vector<400x128xf32>
    %get3A_2347 = arith.constant 0 : index
    %get3A_2348 = arith.constant 0 : index
    %get3A_2349 = vector.load %arg2[%get3A_2347, %get3A_2348] : memref<400x32xf32, #tpu.memory_space<vmem>>, vector<400x32xf32>
    %get3A_2350 = arith.constant 0 : index
    %get3A_2351 = arith.constant 0 : index
    %get3A_2352 = vector.load %arg9[%get3A_2350, %get3A_2351] : memref<32x64xf32, #tpu.memory_space<vmem>>, vector<32x64xf32>
    %dot_general3A_2353 = arith.constant dense<0.000000e+00> : vector<400x64xf32>
    %dot_general3A_2354 = tpu.matmul %get3A_2349, %get3A_2352, %dot_general3A_2353 {dimension_numbers = #tpu.dot_dimension_numbers<[1], [0], [0], [1], [0, 0, 1, 1], [], []>, transpose_lhs_hint = false} : vector<400x32xf32>, vector<32x64xf32>, vector<400x64xf32> -> vector<400x64xf32>
    %get3A_2355 = arith.constant 0 : index
    %get3A_2356 = arith.constant 0 : index
    %get3A_2357 = vector.load %arg10[%get3A_2355, %get3A_2356] : memref<1x64xf32, #tpu.memory_space<vmem>>, vector<1x64xf32>
    %add3A_2358 = vector.broadcast %get3A_2357 : vector<1x64xf32> to vector<400x64xf32>
    %add3A_2359 = arith.addf %dot_general3A_2354, %add3A_2358 : vector<400x64xf32>
    %max3A = arith.constant 0.000000e+00 : f32
    %max3A_2360 = vector.broadcast %max3A : f32 to vector<400x64xf32>
    %max3A_2361 = arith.maximumf %add3A_2359, %max3A_2360 : vector<400x64xf32>
    %get3A_2362 = arith.constant 0 : index
    %get3A_2363 = arith.constant 0 : index
    %get3A_2364 = vector.load %arg11[%get3A_2362, %get3A_2363] : memref<128x128xf32, #tpu.memory_space<vmem>>, vector<128x128xf32>
    %dot_general3A_2365 = arith.constant dense<0.000000e+00> : vector<400x128xf32>
    %dot_general3A_2366 = tpu.matmul %mul3A_2346, %get3A_2364, %dot_general3A_2365 {dimension_numbers = #tpu.dot_dimension_numbers<[1], [0], [0], [1], [0, 0, 1, 1], [], []>, transpose_lhs_hint = false} : vector<400x128xf32>, vector<128x128xf32>, vector<400x128xf32> -> vector<400x128xf32>
    %get3A_2367 = arith.constant 0 : index
    %get3A_2368 = arith.constant 0 : index
    %get3A_2369 = vector.load %arg12[%get3A_2367, %get3A_2368] : memref<64x128xf32, #tpu.memory_space<vmem>>, vector<64x128xf32>
    %dot_general3A_2370 = arith.constant dense<0.000000e+00> : vector<400x128xf32>
    %dot_general3A_2371 = tpu.matmul %max3A_2361, %get3A_2369, %dot_general3A_2370 {dimension_numbers = #tpu.dot_dimension_numbers<[1], [0], [0], [1], [0, 0, 1, 1], [], []>, transpose_lhs_hint = false} : vector<400x64xf32>, vector<64x128xf32>, vector<400x128xf32> -> vector<400x128xf32>
    %add3A_2372 = arith.addf %dot_general3A_2366, %dot_general3A_2371 : vector<400x128xf32>
    %get3A_2373 = arith.constant 0 : index
    %get3A_2374 = arith.constant 0 : index
    %get3A_2375 = vector.load %arg13[%get3A_2373, %get3A_2374] : memref<1x128xf32, #tpu.memory_space<vmem>>, vector<1x128xf32>
    %add3A_2376 = vector.broadcast %get3A_2375 : vector<1x128xf32> to vector<400x128xf32>
    %add3A_2377 = arith.addf %add3A_2372, %add3A_2376 : vector<400x128xf32>
    %max3A_2378 = arith.constant 0.000000e+00 : f32
    %max3A_2379 = vector.broadcast %max3A_2378 : f32 to vector<400x128xf32>
    %max3A_2380 = arith.maximumf %add3A_2377, %max3A_2379 : vector<400x128xf32>
    %swap3A = arith.constant 0 : index
    %swap3A_2381 = arith.constant 0 : index
    %swap3A_2382 = vector.load %arg14[%swap3A, %swap3A_2381] : memref<400x128xf32, #tpu.memory_space<vmem>>, vector<400x128xf32>
    tpu.vector_store %arg14[%swap3A, %swap3A_2381], %max3A_2380 {strides = array<i32>} : memref<400x128xf32, #tpu.memory_space<vmem>>, vector<400x128xf32>,
    return
  }
  func.func @transform_0(%arg0: i32) -> (i32, i32) {
    %c0_i32 = arith.constant 0 : i32
    %c0_i32_0 = arith.constant 0 : i32
    return %arg0, %c0_i32 : i32, i32
  }
  func.func @transform_1(%arg0: i32) -> (i32, i32) {
    %c0_i32 = arith.constant 0 : i32
    %c0_i32_0 = arith.constant 0 : i32
    return %arg0, %c0_i32 : i32, i32
  }
  func.func @transform_2(%arg0: i32) -> (i32, i32) {
    %c0_i32 = arith.constant 0 : i32
    %c0_i32_0 = arith.constant 0 : i32
    %c0_i32_1 = arith.constant 0 : i32
    return %c0_i32, %c0_i32_0 : i32, i32
  }
  func.func @transform_3(%arg0: i32) -> (i32, i32) {
    %c0_i32 = arith.constant 0 : i32
    %c0_i32_0 = arith.constant 0 : i32
    %c0_i32_1 = arith.constant 0 : i32
    return %c0_i32, %c0_i32_0 : i32, i32
  }
  func.func @transform_4(%arg0: i32) -> (i32, i32) {
    %c0_i32 = arith.constant 0 : i32
    %c0_i32_0 = arith.constant 0 : i32
    %c0_i32_1 = arith.constant 0 : i32
    return %c0_i32, %c0_i32_0 : i32, i32
  }
  func.func @transform_5(%arg0: i32) -> (i32, i32) {
    %c0_i32 = arith.constant 0 : i32
    %c0_i32_0 = arith.constant 0 : i32
    %c0_i32_1 = arith.constant 0 : i32
    return %c0_i32, %c0_i32_0 : i32, i32
  }
  func.func @transform_6(%arg0: i32) -> (i32, i32) {
    %c0_i32 = arith.constant 0 : i32
    %c0_i32_0 = arith.constant 0 : i32
    %c0_i32_1 = arith.constant 0 : i32
    return %c0_i32, %c0_i32_0 : i32, i32
  }
  func.func @transform_7(%arg0: i32) -> (i32, i32) {
    %c0_i32 = arith.constant 0 : i32
    %c0_i32_0 = arith.constant 0 : i32
    %c0_i32_1 = arith.constant 0 : i32
    return %c0_i32, %c0_i32_0 : i32, i32
  }
  func.func @transform_8(%arg0: i32) -> (i32, i32) {
    %c0_i32 = arith.constant 0 : i32
    %c0_i32_0 = arith.constant 0 : i32
    %c0_i32_1 = arith.constant 0 : i32
    return %c0_i32, %c0_i32_0 : i32, i32
  }
  func.func @transform_9(%arg0: i32) -> (i32, i32) {
    %c0_i32 = arith.constant 0 : i32
    %c0_i32_0 = arith.constant 0 : i32
    %c0_i32_1 = arith.constant 0 : i32
    return %c0_i32, %c0_i32_0 : i32, i32
  }
  func.func @transform_10(%arg0: i32) -> (i32, i32) {
    %c0_i32 = arith.constant 0 : i32
    %c0_i32_0 = arith.constant 0 : i32
    %c0_i32_1 = arith.constant 0 : i32
    return %c0_i32, %c0_i32_0 : i32, i32
  }
  func.func @transform_11(%arg0: i32) -> (i32, i32) {
    %c0_i32 = arith.constant 0 : i32
    %c0_i32_0 = arith.constant 0 : i32
    %c0_i32_1 = arith.constant 0 : i32
    return %c0_i32, %c0_i32_0 : i32, i32
  }
  func.func @transform_12(%arg0: i32) -> (i32, i32) {
    %c0_i32 = arith.constant 0 : i32
    %c0_i32_0 = arith.constant 0 : i32
    %c0_i32_1 = arith.constant 0 : i32
    return %c0_i32, %c0_i32_0 : i32, i32
  }
  func.func @transform_13(%arg0: i32) -> (i32, i32) {
    %c0_i32 = arith.constant 0 : i32
    %c0_i32_0 = arith.constant 0 : i32
    return %arg0, %c0_i32 : i32, i32
  }
}

module attributes {stable_mosaic.version = 14 : i64} {
  func.func @_pre_body(%arg0: i32, %arg1: memref<2x1000x128xf32, #tpu.memory_space<vmem>>, %arg2: memref<2x1000x128xf32, #tpu.memory_space<vmem>>, %arg3: memref<1000x32xf32, #tpu.memory_space<vmem>>, %arg4: memref<32x8xf32, #tpu.memory_space<vmem>>, %arg5: memref<1x8xf32, #tpu.memory_space<vmem>>, %arg6: memref<128x128xf32, #tpu.memory_space<vmem>>, %arg7: memref<8x128xf32, #tpu.memory_space<vmem>>, %arg8: memref<2x1000x128xf32, #tpu.memory_space<vmem>>, %arg9: memref<1000x1xf32, #tpu.memory_space<vmem>>) attributes {dimension_semantics = [#tpu.dimension_semantics<arbitrary>], iteration_bounds = array<i64: 10>, scalar_prefetch = 0 : i64, scratch_operands = 0 : i64, tpu.core_type = #tpu.core_type<tc>, window_params = [{transform_indices = @transform_0, window_bounds = array<i64: 2, 1000, 128>}, {transform_indices = @transform_1, window_bounds = array<i64: 2, 1000, 128>}, {transform_indices = @transform_2, window_bounds = array<i64: 1000, 32>}, {pipeline_mode = #tpu.pipeline_mode<synchronous>, transform_indices = @transform_3, window_bounds = array<i64: 32, 8>}, {pipeline_mode = #tpu.pipeline_mode<synchronous>, transform_indices = @transform_4, window_bounds = array<i64: 1, 8>}, {pipeline_mode = #tpu.pipeline_mode<synchronous>, transform_indices = @transform_5, window_bounds = array<i64: 128, 128>}, {pipeline_mode = #tpu.pipeline_mode<synchronous>, transform_indices = @transform_6, window_bounds = array<i64: 8, 128>}, {transform_indices = @transform_7, window_bounds = array<i64: 2, 1000, 128>}, {transform_indices = @transform_8, window_bounds = array<i64: 1000, 1>}]} {
    %get3A = arith.constant 0 : index
    %get3A_0 = arith.constant 0 : index
    %get3A_1 = arith.constant 0 : index
    %get3A_2 = vector.load %arg1[%get3A, %get3A_0, %get3A_1] : memref<2x1000x128xf32, #tpu.memory_space<vmem>>, vector<1x1000x128xf32>
    %get3A_3 = vector.shape_cast %get3A_2 : vector<1x1000x128xf32> to vector<1000x128xf32>
    %slice3A = vector.extract_strided_slice %get3A_3 {offsets = [0, 0], sizes = [1000, 1], strides = [1, 1]} : vector<1000x128xf32> to vector<1000x1xf32>
    %add3A = arith.constant 1.000000e+00 : f32
    %add3A_4 = vector.broadcast %add3A : f32 to vector<1000x1xf32>
    %add3A_5 = arith.addf %slice3A, %add3A_4 : vector<1000x1xf32>
    %rsqrt3A = math.rsqrt %add3A_5 : vector<1000x1xf32>
    %swap3A = arith.constant 0 : index
    %swap3A_6 = arith.constant 0 : index
    %swap3A_7 = vector.load %arg9[%swap3A, %swap3A_6] : memref<1000x1xf32, #tpu.memory_space<vmem>>, vector<1000x1xf32>
    tpu.vector_store %arg9[%swap3A, %swap3A_6], %rsqrt3A {strides = array<i32>} : memref<1000x1xf32, #tpu.memory_space<vmem>>, vector<1000x1xf32>,
    %get3A_8 = arith.constant 0 : index
    %get3A_9 = arith.constant 0 : index
    %get3A_10 = vector.load %arg3[%get3A_8, %get3A_9] : memref<1000x32xf32, #tpu.memory_space<vmem>>, vector<1000x32xf32>
    %get3A_11 = arith.constant 0 : index
    %get3A_12 = arith.constant 0 : index
    %get3A_13 = vector.load %arg4[%get3A_11, %get3A_12] : memref<32x8xf32, #tpu.memory_space<vmem>>, vector<32x8xf32>
    %dot_general3A = arith.constant dense<0.000000e+00> : vector<1000x8xf32>
    %dot_general3A_14 = tpu.matmul %get3A_10, %get3A_13, %dot_general3A {dimension_numbers = #tpu.dot_dimension_numbers<[1], [0], [0], [1], [0, 0, 1, 1], [], []>, transpose_lhs_hint = false} : vector<1000x32xf32>, vector<32x8xf32>, vector<1000x8xf32> -> vector<1000x8xf32>
    %get3A_15 = arith.constant 0 : index
    %get3A_16 = arith.constant 0 : index
    %get3A_17 = vector.load %arg5[%get3A_15, %get3A_16] : memref<1x8xf32, #tpu.memory_space<vmem>>, vector<1x8xf32>
    %add3A_18 = vector.broadcast %get3A_17 : vector<1x8xf32> to vector<1000x8xf32>
    %add3A_19 = arith.addf %dot_general3A_14, %add3A_18 : vector<1000x8xf32>
    %max3A = arith.constant 0.000000e+00 : f32
    %max3A_20 = vector.broadcast %max3A : f32 to vector<1000x8xf32>
    %max3A_21 = arith.maximumf %add3A_19, %max3A_20 : vector<1000x8xf32>
    %get3A_22 = arith.constant 0 : index
    %get3A_23 = arith.constant 0 : index
    %get3A_24 = vector.load %arg7[%get3A_22, %get3A_23] : memref<8x128xf32, #tpu.memory_space<vmem>>, vector<8x128xf32>
    %dot_general3A_25 = arith.constant dense<0.000000e+00> : vector<1000x128xf32>
    %dot_general3A_26 = tpu.matmul %max3A_21, %get3A_24, %dot_general3A_25 {dimension_numbers = #tpu.dot_dimension_numbers<[1], [0], [0], [1], [0, 0, 1, 1], [], []>, transpose_lhs_hint = false} : vector<1000x8xf32>, vector<8x128xf32>, vector<1000x128xf32> -> vector<1000x128xf32>
    %get3A_27 = arith.constant 0 : index
    %get3A_28 = arith.constant 0 : index
    %get3A_29 = arith.constant 0 : index
    %get3A_30 = vector.load %arg2[%get3A_27, %get3A_28, %get3A_29] : memref<2x1000x128xf32, #tpu.memory_space<vmem>>, vector<1x1000x128xf32>
    %get3A_31 = vector.shape_cast %get3A_30 : vector<1x1000x128xf32> to vector<1000x128xf32>
    %get3A_32 = arith.constant 0 : index
    %get3A_33 = arith.constant 0 : index
    %get3A_34 = vector.load %arg6[%get3A_32, %get3A_33] : memref<128x128xf32, #tpu.memory_space<vmem>>, vector<128x128xf32>
    %dot_general3A_35 = arith.constant dense<0.000000e+00> : vector<1000x128xf32>
    %dot_general3A_36 = tpu.matmul %get3A_31, %get3A_34, %dot_general3A_35 {dimension_numbers = #tpu.dot_dimension_numbers<[1], [0], [0], [1], [0, 0, 1, 1], [], []>, transpose_lhs_hint = false} : vector<1000x128xf32>, vector<128x128xf32>, vector<1000x128xf32> -> vector<1000x128xf32>
    %add3A_37 = arith.addf %dot_general3A_36, %dot_general3A_26 : vector<1000x128xf32>
    %mul3A = vector.broadcast %rsqrt3A : vector<1000x1xf32> to vector<1000x128xf32>
    %mul3A_38 = arith.mulf %mul3A, %add3A_37 : vector<1000x128xf32>
    %swap3A_39 = arith.constant 0 : index
    %swap3A_40 = arith.constant 0 : index
    %swap3A_41 = arith.constant 0 : index
    %swap3A_42 = vector.load %arg8[%swap3A_39, %swap3A_40, %swap3A_41] : memref<2x1000x128xf32, #tpu.memory_space<vmem>>, vector<1x1000x128xf32>
    %swap3A_43 = vector.shape_cast %swap3A_42 : vector<1x1000x128xf32> to vector<1000x128xf32>
    %swap3A_44 = vector.shape_cast %mul3A_38 : vector<1000x128xf32> to vector<1x1000x128xf32>
    tpu.vector_store %arg8[%swap3A_39, %swap3A_40, %swap3A_41], %swap3A_44 {strides = array<i32>} : memref<2x1000x128xf32, #tpu.memory_space<vmem>>, vector<1x1000x128xf32>,
    %get3A_45 = arith.constant 1 : index
    %get3A_46 = arith.constant 0 : index
    %get3A_47 = arith.constant 0 : index
    %get3A_48 = vector.load %arg2[%get3A_45, %get3A_46, %get3A_47] : memref<2x1000x128xf32, #tpu.memory_space<vmem>>, vector<1x1000x128xf32>
    %get3A_49 = vector.shape_cast %get3A_48 : vector<1x1000x128xf32> to vector<1000x128xf32>
    %get3A_50 = arith.constant 0 : index
    %get3A_51 = arith.constant 0 : index
    %get3A_52 = vector.load %arg6[%get3A_50, %get3A_51] : memref<128x128xf32, #tpu.memory_space<vmem>>, vector<128x128xf32>
    %dot_general3A_53 = arith.constant dense<0.000000e+00> : vector<1000x128xf32>
    %dot_general3A_54 = tpu.matmul %get3A_49, %get3A_52, %dot_general3A_53 {dimension_numbers = #tpu.dot_dimension_numbers<[1], [0], [0], [1], [0, 0, 1, 1], [], []>, transpose_lhs_hint = false} : vector<1000x128xf32>, vector<128x128xf32>, vector<1000x128xf32> -> vector<1000x128xf32>
    %add3A_55 = arith.addf %dot_general3A_54, %dot_general3A_26 : vector<1000x128xf32>
    %mul3A_56 = vector.broadcast %rsqrt3A : vector<1000x1xf32> to vector<1000x128xf32>
    %mul3A_57 = arith.mulf %mul3A_56, %add3A_55 : vector<1000x128xf32>
    %swap3A_58 = arith.constant 1 : index
    %swap3A_59 = arith.constant 0 : index
    %swap3A_60 = arith.constant 0 : index
    %swap3A_61 = vector.load %arg8[%swap3A_58, %swap3A_59, %swap3A_60] : memref<2x1000x128xf32, #tpu.memory_space<vmem>>, vector<1x1000x128xf32>
    %swap3A_62 = vector.shape_cast %swap3A_61 : vector<1x1000x128xf32> to vector<1000x128xf32>
    %swap3A_63 = vector.shape_cast %mul3A_57 : vector<1000x128xf32> to vector<1x1000x128xf32>
    tpu.vector_store %arg8[%swap3A_58, %swap3A_59, %swap3A_60], %swap3A_63 {strides = array<i32>} : memref<2x1000x128xf32, #tpu.memory_space<vmem>>, vector<1x1000x128xf32>,
    return
  }
  func.func @transform_0(%arg0: i32) -> (i32, i32, i32) {
    %c0_i32 = arith.constant 0 : i32
    %c0_i32_0 = arith.constant 0 : i32
    %c0_i32_1 = arith.constant 0 : i32
    return %c0_i32, %arg0, %c0_i32_0 : i32, i32, i32
  }
  func.func @transform_1(%arg0: i32) -> (i32, i32, i32) {
    %c0_i32 = arith.constant 0 : i32
    %c0_i32_0 = arith.constant 0 : i32
    %c0_i32_1 = arith.constant 0 : i32
    return %c0_i32, %arg0, %c0_i32_0 : i32, i32, i32
  }
  func.func @transform_2(%arg0: i32) -> (i32, i32) {
    %c0_i32 = arith.constant 0 : i32
    %c0_i32_0 = arith.constant 0 : i32
    return %arg0, %c0_i32 : i32, i32
  }
  func.func @transform_3(%arg0: i32) -> (i32, i32) {
    %c0_i32 = arith.constant 0 : i32
    %c0_i32_0 = arith.constant 0 : i32
    %c0_i32_1 = arith.constant 0 : i32
    return %c0_i32, %c0_i32_0 : i32, i32
  }
  func.func @transform_4(%arg0: i32) -> (i32, i32) {
    %c0_i32 = arith.constant 0 : i32
    %c0_i32_0 = arith.constant 0 : i32
    %c0_i32_1 = arith.constant 0 : i32
    return %c0_i32, %c0_i32_0 : i32, i32
  }
  func.func @transform_5(%arg0: i32) -> (i32, i32) {
    %c0_i32 = arith.constant 0 : i32
    %c0_i32_0 = arith.constant 0 : i32
    %c0_i32_1 = arith.constant 0 : i32
    return %c0_i32, %c0_i32_0 : i32, i32
  }
  func.func @transform_6(%arg0: i32) -> (i32, i32) {
    %c0_i32 = arith.constant 0 : i32
    %c0_i32_0 = arith.constant 0 : i32
    %c0_i32_1 = arith.constant 0 : i32
    return %c0_i32, %c0_i32_0 : i32, i32
  }
  func.func @transform_7(%arg0: i32) -> (i32, i32, i32) {
    %c0_i32 = arith.constant 0 : i32
    %c0_i32_0 = arith.constant 0 : i32
    %c0_i32_1 = arith.constant 0 : i32
    return %c0_i32, %arg0, %c0_i32_0 : i32, i32, i32
  }
  func.func @transform_8(%arg0: i32) -> (i32, i32) {
    %c0_i32 = arith.constant 0 : i32
    %c0_i32_0 = arith.constant 0 : i32
    return %arg0, %c0_i32 : i32, i32
  }
}

module attributes {stable_mosaic.version = 14 : i64} {
  func.func @_mid_body(%arg0: i32, %arg1: memref<2x1000x128xf32, #tpu.memory_space<vmem>>, %arg2: memref<2x1000x128xf32, #tpu.memory_space<vmem>>, %arg3: memref<1000x1xf32, #tpu.memory_space<vmem>>, %arg4: memref<1x128xf32, #tpu.memory_space<vmem>>, %arg5: memref<128x128xf32, #tpu.memory_space<vmem>>, %arg6: memref<2x1000x128xf32, #tpu.memory_space<vmem>>) attributes {dimension_semantics = [#tpu.dimension_semantics<arbitrary>], iteration_bounds = array<i64: 10>, scalar_prefetch = 0 : i64, scratch_operands = 0 : i64, tpu.core_type = #tpu.core_type<tc>, window_params = [{transform_indices = @transform_0, window_bounds = array<i64: 2, 1000, 128>}, {transform_indices = @transform_1, window_bounds = array<i64: 2, 1000, 128>}, {transform_indices = @transform_2, window_bounds = array<i64: 1000, 1>}, {pipeline_mode = #tpu.pipeline_mode<synchronous>, transform_indices = @transform_3, window_bounds = array<i64: 1, 128>}, {pipeline_mode = #tpu.pipeline_mode<synchronous>, transform_indices = @transform_4, window_bounds = array<i64: 128, 128>}, {transform_indices = @transform_5, window_bounds = array<i64: 2, 1000, 128>}]} {
    %get3A = arith.constant 0 : index
    %get3A_0 = arith.constant 0 : index
    %get3A_1 = vector.load %arg3[%get3A, %get3A_0] : memref<1000x1xf32, #tpu.memory_space<vmem>>, vector<1000x1xf32>
    %get3A_2 = arith.constant 0 : index
    %get3A_3 = arith.constant 0 : index
    %get3A_4 = arith.constant 0 : index
    %get3A_5 = vector.load %arg1[%get3A_2, %get3A_3, %get3A_4] : memref<2x1000x128xf32, #tpu.memory_space<vmem>>, vector<1x1000x128xf32>
    %get3A_6 = vector.shape_cast %get3A_5 : vector<1x1000x128xf32> to vector<1000x128xf32>
    %get3A_7 = arith.constant 0 : index
    %get3A_8 = arith.constant 0 : index
    %get3A_9 = arith.constant 0 : index
    %get3A_10 = vector.load %arg2[%get3A_7, %get3A_8, %get3A_9] : memref<2x1000x128xf32, #tpu.memory_space<vmem>>, vector<1x1000x128xf32>
    %get3A_11 = vector.shape_cast %get3A_10 : vector<1x1000x128xf32> to vector<1000x128xf32>
    %add3A = arith.addf %get3A_6, %get3A_11 : vector<1000x128xf32>
    %mul3A = vector.broadcast %get3A_1 : vector<1000x1xf32> to vector<1000x128xf32>
    %mul3A_12 = arith.mulf %mul3A, %add3A : vector<1000x128xf32>
    %get3A_13 = arith.constant 0 : index
    %get3A_14 = arith.constant 0 : index
    %get3A_15 = vector.load %arg4[%get3A_13, %get3A_14] : memref<1x128xf32, #tpu.memory_space<vmem>>, vector<1x128xf32>
    %add3A_16 = vector.broadcast %get3A_15 : vector<1x128xf32> to vector<1000x128xf32>
    %add3A_17 = arith.addf %mul3A_12, %add3A_16 : vector<1000x128xf32>
    %max3A = arith.constant 0.000000e+00 : f32
    %max3A_18 = vector.broadcast %max3A : f32 to vector<1000x128xf32>
    %max3A_19 = arith.maximumf %add3A_17, %max3A_18 : vector<1000x128xf32>
    %get3A_20 = arith.constant 0 : index
    %get3A_21 = arith.constant 0 : index
    %get3A_22 = vector.load %arg5[%get3A_20, %get3A_21] : memref<128x128xf32, #tpu.memory_space<vmem>>, vector<128x128xf32>
    %dot_general3A = arith.constant dense<0.000000e+00> : vector<1000x128xf32>
    %dot_general3A_23 = tpu.matmul %max3A_19, %get3A_22, %dot_general3A {dimension_numbers = #tpu.dot_dimension_numbers<[1], [0], [0], [1], [0, 0, 1, 1], [], []>, transpose_lhs_hint = false} : vector<1000x128xf32>, vector<128x128xf32>, vector<1000x128xf32> -> vector<1000x128xf32>
    %mul3A_24 = vector.broadcast %get3A_1 : vector<1000x1xf32> to vector<1000x128xf32>
    %mul3A_25 = arith.mulf %mul3A_24, %dot_general3A_23 : vector<1000x128xf32>
    %swap3A = arith.constant 0 : index
    %swap3A_26 = arith.constant 0 : index
    %swap3A_27 = arith.constant 0 : index
    %swap3A_28 = vector.load %arg6[%swap3A, %swap3A_26, %swap3A_27] : memref<2x1000x128xf32, #tpu.memory_space<vmem>>, vector<1x1000x128xf32>
    %swap3A_29 = vector.shape_cast %swap3A_28 : vector<1x1000x128xf32> to vector<1000x128xf32>
    %swap3A_30 = vector.shape_cast %mul3A_25 : vector<1000x128xf32> to vector<1x1000x128xf32>
    tpu.vector_store %arg6[%swap3A, %swap3A_26, %swap3A_27], %swap3A_30 {strides = array<i32>} : memref<2x1000x128xf32, #tpu.memory_space<vmem>>, vector<1x1000x128xf32>,
    %get3A_31 = arith.constant 1 : index
    %get3A_32 = arith.constant 0 : index
    %get3A_33 = arith.constant 0 : index
    %get3A_34 = vector.load %arg1[%get3A_31, %get3A_32, %get3A_33] : memref<2x1000x128xf32, #tpu.memory_space<vmem>>, vector<1x1000x128xf32>
    %get3A_35 = vector.shape_cast %get3A_34 : vector<1x1000x128xf32> to vector<1000x128xf32>
    %get3A_36 = arith.constant 1 : index
    %get3A_37 = arith.constant 0 : index
    %get3A_38 = arith.constant 0 : index
    %get3A_39 = vector.load %arg2[%get3A_36, %get3A_37, %get3A_38] : memref<2x1000x128xf32, #tpu.memory_space<vmem>>, vector<1x1000x128xf32>
    %get3A_40 = vector.shape_cast %get3A_39 : vector<1x1000x128xf32> to vector<1000x128xf32>
    %add3A_41 = arith.addf %get3A_35, %get3A_40 : vector<1000x128xf32>
    %mul3A_42 = vector.broadcast %get3A_1 : vector<1000x1xf32> to vector<1000x128xf32>
    %mul3A_43 = arith.mulf %mul3A_42, %add3A_41 : vector<1000x128xf32>
    %get3A_44 = arith.constant 0 : index
    %get3A_45 = arith.constant 0 : index
    %get3A_46 = vector.load %arg4[%get3A_44, %get3A_45] : memref<1x128xf32, #tpu.memory_space<vmem>>, vector<1x128xf32>
    %add3A_47 = vector.broadcast %get3A_46 : vector<1x128xf32> to vector<1000x128xf32>
    %add3A_48 = arith.addf %mul3A_43, %add3A_47 : vector<1000x128xf32>
    %max3A_49 = arith.constant 0.000000e+00 : f32
    %max3A_50 = vector.broadcast %max3A_49 : f32 to vector<1000x128xf32>
    %max3A_51 = arith.maximumf %add3A_48, %max3A_50 : vector<1000x128xf32>
    %get3A_52 = arith.constant 0 : index
    %get3A_53 = arith.constant 0 : index
    %get3A_54 = vector.load %arg5[%get3A_52, %get3A_53] : memref<128x128xf32, #tpu.memory_space<vmem>>, vector<128x128xf32>
    %dot_general3A_55 = arith.constant dense<0.000000e+00> : vector<1000x128xf32>
    %dot_general3A_56 = tpu.matmul %max3A_51, %get3A_54, %dot_general3A_55 {dimension_numbers = #tpu.dot_dimension_numbers<[1], [0], [0], [1], [0, 0, 1, 1], [], []>, transpose_lhs_hint = false} : vector<1000x128xf32>, vector<128x128xf32>, vector<1000x128xf32> -> vector<1000x128xf32>
    %mul3A_57 = vector.broadcast %get3A_1 : vector<1000x1xf32> to vector<1000x128xf32>
    %mul3A_58 = arith.mulf %mul3A_57, %dot_general3A_56 : vector<1000x128xf32>
    %swap3A_59 = arith.constant 1 : index
    %swap3A_60 = arith.constant 0 : index
    %swap3A_61 = arith.constant 0 : index
    %swap3A_62 = vector.load %arg6[%swap3A_59, %swap3A_60, %swap3A_61] : memref<2x1000x128xf32, #tpu.memory_space<vmem>>, vector<1x1000x128xf32>
    %swap3A_63 = vector.shape_cast %swap3A_62 : vector<1x1000x128xf32> to vector<1000x128xf32>
    %swap3A_64 = vector.shape_cast %mul3A_58 : vector<1000x128xf32> to vector<1x1000x128xf32>
    tpu.vector_store %arg6[%swap3A_59, %swap3A_60, %swap3A_61], %swap3A_64 {strides = array<i32>} : memref<2x1000x128xf32, #tpu.memory_space<vmem>>, vector<1x1000x128xf32>,
    return
  }
  func.func @transform_0(%arg0: i32) -> (i32, i32, i32) {
    %c0_i32 = arith.constant 0 : i32
    %c0_i32_0 = arith.constant 0 : i32
    %c0_i32_1 = arith.constant 0 : i32
    return %c0_i32, %arg0, %c0_i32_0 : i32, i32, i32
  }
  func.func @transform_1(%arg0: i32) -> (i32, i32, i32) {
    %c0_i32 = arith.constant 0 : i32
    %c0_i32_0 = arith.constant 0 : i32
    %c0_i32_1 = arith.constant 0 : i32
    return %c0_i32, %arg0, %c0_i32_0 : i32, i32, i32
  }
  func.func @transform_2(%arg0: i32) -> (i32, i32) {
    %c0_i32 = arith.constant 0 : i32
    %c0_i32_0 = arith.constant 0 : i32
    return %arg0, %c0_i32 : i32, i32
  }
  func.func @transform_3(%arg0: i32) -> (i32, i32) {
    %c0_i32 = arith.constant 0 : i32
    %c0_i32_0 = arith.constant 0 : i32
    %c0_i32_1 = arith.constant 0 : i32
    return %c0_i32, %c0_i32_0 : i32, i32
  }
  func.func @transform_4(%arg0: i32) -> (i32, i32) {
    %c0_i32 = arith.constant 0 : i32
    %c0_i32_0 = arith.constant 0 : i32
    %c0_i32_1 = arith.constant 0 : i32
    return %c0_i32, %c0_i32_0 : i32, i32
  }
  func.func @transform_5(%arg0: i32) -> (i32, i32, i32) {
    %c0_i32 = arith.constant 0 : i32
    %c0_i32_0 = arith.constant 0 : i32
    %c0_i32_1 = arith.constant 0 : i32
    return %c0_i32, %arg0, %c0_i32_0 : i32, i32, i32
  }
}

module attributes {stable_mosaic.version = 14 : i64} {
  func.func @_fin_body(%arg0: i32, %arg1: memref<2x1000x128xf32, #tpu.memory_space<vmem>>, %arg2: memref<2x1000x128xf32, #tpu.memory_space<vmem>>, %arg3: memref<1000x1xf32, #tpu.memory_space<vmem>>, %arg4: memref<1x128xf32, #tpu.memory_space<vmem>>, %arg5: memref<128x1xf32, #tpu.memory_space<vmem>>, %arg6: memref<1x1xf32, #tpu.memory_space<vmem>>, %arg7: memref<2x1000x1xf32, #tpu.memory_space<vmem>>) attributes {dimension_semantics = [#tpu.dimension_semantics<arbitrary>], iteration_bounds = array<i64: 10>, scalar_prefetch = 0 : i64, scratch_operands = 0 : i64, tpu.core_type = #tpu.core_type<tc>, window_params = [{transform_indices = @transform_0, window_bounds = array<i64: 2, 1000, 128>}, {transform_indices = @transform_1, window_bounds = array<i64: 2, 1000, 128>}, {transform_indices = @transform_2, window_bounds = array<i64: 1000, 1>}, {pipeline_mode = #tpu.pipeline_mode<synchronous>, transform_indices = @transform_3, window_bounds = array<i64: 1, 128>}, {pipeline_mode = #tpu.pipeline_mode<synchronous>, transform_indices = @transform_4, window_bounds = array<i64: 128, 1>}, {pipeline_mode = #tpu.pipeline_mode<synchronous>, transform_indices = @transform_5, window_bounds = array<i64: 1, 1>}, {transform_indices = @transform_6, window_bounds = array<i64: 2, 1000, 1>}]} {
    %get3A = arith.constant 0 : index
    %get3A_0 = arith.constant 0 : index
    %get3A_1 = vector.load %arg3[%get3A, %get3A_0] : memref<1000x1xf32, #tpu.memory_space<vmem>>, vector<1000x1xf32>
    %get3A_2 = arith.constant 0 : index
    %get3A_3 = arith.constant 0 : index
    %get3A_4 = arith.constant 0 : index
    %get3A_5 = vector.load %arg1[%get3A_2, %get3A_3, %get3A_4] : memref<2x1000x128xf32, #tpu.memory_space<vmem>>, vector<1x1000x128xf32>
    %get3A_6 = vector.shape_cast %get3A_5 : vector<1x1000x128xf32> to vector<1000x128xf32>
    %get3A_7 = arith.constant 0 : index
    %get3A_8 = arith.constant 0 : index
    %get3A_9 = arith.constant 0 : index
    %get3A_10 = vector.load %arg2[%get3A_7, %get3A_8, %get3A_9] : memref<2x1000x128xf32, #tpu.memory_space<vmem>>, vector<1x1000x128xf32>
    %get3A_11 = vector.shape_cast %get3A_10 : vector<1x1000x128xf32> to vector<1000x128xf32>
    %add3A = arith.addf %get3A_6, %get3A_11 : vector<1000x128xf32>
    %mul3A = vector.broadcast %get3A_1 : vector<1000x1xf32> to vector<1000x128xf32>
    %mul3A_12 = arith.mulf %mul3A, %add3A : vector<1000x128xf32>
    %get3A_13 = arith.constant 0 : index
    %get3A_14 = arith.constant 0 : index
    %get3A_15 = vector.load %arg4[%get3A_13, %get3A_14] : memref<1x128xf32, #tpu.memory_space<vmem>>, vector<1x128xf32>
    %add3A_16 = vector.broadcast %get3A_15 : vector<1x128xf32> to vector<1000x128xf32>
    %add3A_17 = arith.addf %mul3A_12, %add3A_16 : vector<1000x128xf32>
    %max3A = arith.constant 0.000000e+00 : f32
    %max3A_18 = vector.broadcast %max3A : f32 to vector<1000x128xf32>
    %max3A_19 = arith.maximumf %add3A_17, %max3A_18 : vector<1000x128xf32>
    %get3A_20 = arith.constant 0 : index
    %get3A_21 = arith.constant 0 : index
    %get3A_22 = vector.load %arg5[%get3A_20, %get3A_21] : memref<128x1xf32, #tpu.memory_space<vmem>>, vector<128x1xf32>
    %dot_general3A = arith.constant dense<0.000000e+00> : vector<1000x1xf32>
    %dot_general3A_23 = tpu.matmul %max3A_19, %get3A_22, %dot_general3A {dimension_numbers = #tpu.dot_dimension_numbers<[1], [0], [0], [1], [0, 0, 1, 1], [], []>, transpose_lhs_hint = false} : vector<1000x128xf32>, vector<128x1xf32>, vector<1000x1xf32> -> vector<1000x1xf32>
    %get3A_24 = arith.constant 0 : index
    %get3A_25 = arith.constant 0 : index
    %get3A_26 = vector.load %arg6[%get3A_24, %get3A_25] : memref<1x1xf32, #tpu.memory_space<vmem>>, vector<1x1xf32>
    %add3A_27 = vector.broadcast %get3A_26 : vector<1x1xf32> to vector<1000x1xf32>
    %add3A_28 = arith.addf %dot_general3A_23, %add3A_27 : vector<1000x1xf32>
    %swap3A = arith.constant 0 : index
    %swap3A_29 = arith.constant 0 : index
    %swap3A_30 = arith.constant 0 : index
    %swap3A_31 = vector.load %arg7[%swap3A, %swap3A_29, %swap3A_30] : memref<2x1000x1xf32, #tpu.memory_space<vmem>>, vector<1x1000x1xf32>
    %swap3A_32 = vector.shape_cast %swap3A_31 : vector<1x1000x1xf32> to vector<1000x1xf32>
    %swap3A_33 = vector.shape_cast %add3A_28 : vector<1000x1xf32> to vector<1x1000x1xf32>
    tpu.vector_store %arg7[%swap3A, %swap3A_29, %swap3A_30], %swap3A_33 {strides = array<i32>} : memref<2x1000x1xf32, #tpu.memory_space<vmem>>, vector<1x1000x1xf32>,
    %get3A_34 = arith.constant 1 : index
    %get3A_35 = arith.constant 0 : index
    %get3A_36 = arith.constant 0 : index
    %get3A_37 = vector.load %arg1[%get3A_34, %get3A_35, %get3A_36] : memref<2x1000x128xf32, #tpu.memory_space<vmem>>, vector<1x1000x128xf32>
    %get3A_38 = vector.shape_cast %get3A_37 : vector<1x1000x128xf32> to vector<1000x128xf32>
    %get3A_39 = arith.constant 1 : index
    %get3A_40 = arith.constant 0 : index
    %get3A_41 = arith.constant 0 : index
    %get3A_42 = vector.load %arg2[%get3A_39, %get3A_40, %get3A_41] : memref<2x1000x128xf32, #tpu.memory_space<vmem>>, vector<1x1000x128xf32>
    %get3A_43 = vector.shape_cast %get3A_42 : vector<1x1000x128xf32> to vector<1000x128xf32>
    %add3A_44 = arith.addf %get3A_38, %get3A_43 : vector<1000x128xf32>
    %mul3A_45 = vector.broadcast %get3A_1 : vector<1000x1xf32> to vector<1000x128xf32>
    %mul3A_46 = arith.mulf %mul3A_45, %add3A_44 : vector<1000x128xf32>
    %get3A_47 = arith.constant 0 : index
    %get3A_48 = arith.constant 0 : index
    %get3A_49 = vector.load %arg4[%get3A_47, %get3A_48] : memref<1x128xf32, #tpu.memory_space<vmem>>, vector<1x128xf32>
    %add3A_50 = vector.broadcast %get3A_49 : vector<1x128xf32> to vector<1000x128xf32>
    %add3A_51 = arith.addf %mul3A_46, %add3A_50 : vector<1000x128xf32>
    %max3A_52 = arith.constant 0.000000e+00 : f32
    %max3A_53 = vector.broadcast %max3A_52 : f32 to vector<1000x128xf32>
    %max3A_54 = arith.maximumf %add3A_51, %max3A_53 : vector<1000x128xf32>
    %get3A_55 = arith.constant 0 : index
    %get3A_56 = arith.constant 0 : index
    %get3A_57 = vector.load %arg5[%get3A_55, %get3A_56] : memref<128x1xf32, #tpu.memory_space<vmem>>, vector<128x1xf32>
    %dot_general3A_58 = arith.constant dense<0.000000e+00> : vector<1000x1xf32>
    %dot_general3A_59 = tpu.matmul %max3A_54, %get3A_57, %dot_general3A_58 {dimension_numbers = #tpu.dot_dimension_numbers<[1], [0], [0], [1], [0, 0, 1, 1], [], []>, transpose_lhs_hint = false} : vector<1000x128xf32>, vector<128x1xf32>, vector<1000x1xf32> -> vector<1000x1xf32>
    %get3A_60 = arith.constant 0 : index
    %get3A_61 = arith.constant 0 : index
    %get3A_62 = vector.load %arg6[%get3A_60, %get3A_61] : memref<1x1xf32, #tpu.memory_space<vmem>>, vector<1x1xf32>
    %add3A_63 = vector.broadcast %get3A_62 : vector<1x1xf32> to vector<1000x1xf32>
    %add3A_64 = arith.addf %dot_general3A_59, %add3A_63 : vector<1000x1xf32>
    %swap3A_65 = arith.constant 1 : index
    %swap3A_66 = arith.constant 0 : index
    %swap3A_67 = arith.constant 0 : index
    %swap3A_68 = vector.load %arg7[%swap3A_65, %swap3A_66, %swap3A_67] : memref<2x1000x1xf32, #tpu.memory_space<vmem>>, vector<1x1000x1xf32>
    %swap3A_69 = vector.shape_cast %swap3A_68 : vector<1x1000x1xf32> to vector<1000x1xf32>
    %swap3A_70 = vector.shape_cast %add3A_64 : vector<1000x1xf32> to vector<1x1000x1xf32>
    tpu.vector_store %arg7[%swap3A_65, %swap3A_66, %swap3A_67], %swap3A_70 {strides = array<i32>} : memref<2x1000x1xf32, #tpu.memory_space<vmem>>, vector<1x1000x1xf32>,
    return
  }
  func.func @transform_0(%arg0: i32) -> (i32, i32, i32) {
    %c0_i32 = arith.constant 0 : i32
    %c0_i32_0 = arith.constant 0 : i32
    %c0_i32_1 = arith.constant 0 : i32
    return %c0_i32, %arg0, %c0_i32_0 : i32, i32, i32
  }
  func.func @transform_1(%arg0: i32) -> (i32, i32, i32) {
    %c0_i32 = arith.constant 0 : i32
    %c0_i32_0 = arith.constant 0 : i32
    %c0_i32_1 = arith.constant 0 : i32
    return %c0_i32, %arg0, %c0_i32_0 : i32, i32, i32
  }
  func.func @transform_2(%arg0: i32) -> (i32, i32) {
    %c0_i32 = arith.constant 0 : i32
    %c0_i32_0 = arith.constant 0 : i32
    return %arg0, %c0_i32 : i32, i32
  }
  func.func @transform_3(%arg0: i32) -> (i32, i32) {
    %c0_i32 = arith.constant 0 : i32
    %c0_i32_0 = arith.constant 0 : i32
    %c0_i32_1 = arith.constant 0 : i32
    return %c0_i32, %c0_i32_0 : i32, i32
  }
  func.func @transform_4(%arg0: i32) -> (i32, i32) {
    %c0_i32 = arith.constant 0 : i32
    %c0_i32_0 = arith.constant 0 : i32
    %c0_i32_1 = arith.constant 0 : i32
    return %c0_i32, %c0_i32_0 : i32, i32
  }
  func.func @transform_5(%arg0: i32) -> (i32, i32) {
    %c0_i32 = arith.constant 0 : i32
    %c0_i32_0 = arith.constant 0 : i32
    %c0_i32_1 = arith.constant 0 : i32
    return %c0_i32, %c0_i32_0 : i32, i32
  }
  func.func @transform_6(%arg0: i32) -> (i32, i32, i32) {
    %c0_i32 = arith.constant 0 : i32
    %c0_i32_0 = arith.constant 0 : i32
    %c0_i32_1 = arith.constant 0 : i32
    return %c0_i32, %arg0, %c0_i32_0 : i32, i32, i32
  }
}

</mosaic_0001>

<sc_bundles>
// kernel: kernel.12.cloned.1.call-start
scs
__scs_entry_jumppad:
0x0: {  	(pc) =	sbr.rel $0x88, $3  }
0x1: {  	(tag) =	ssettag $0x0;
	lr =	simm.s32 $0x1  }
0x2: {  	[smem:$0x3F8A] =	sst lr;
	_ =	strace $0xD0000000  }
0x3: {  	_ = 	snop  }
0x4: {  	_ = 	snop  }
0x5: {  	_ = 	snop  }
0x6: {  	_ = 	snop  }
0x7: {  	_ = 	snop  }
__scs_overlays_trampoline_lowered:
0x8: {  	[smem:$0x3F99] =	sst s0  }
0x9: {  	[smem:$0x3F9A] =	sst s1  }
0xa: {  	[smem:$0x3F9B] =	sst s2  }
0xb: {  	[smem:$0x3F9C] =	sst s3  }
0xc: {  	[smem:$0x3F9D] =	sst s4  }
0xd: {  	[smem:$0x3F9E] =	sst s5  }
0xe: {  	[smem:$0x3F9F] =	sst s6  }
0xf: {  	[smem:$0x3FA0] =	sst s7  }
0x10: {  	[smem:$0x3FA1] =	sst s8  }
0x11: {  	[smem:$0x3FA2] =	sst s9;
	s0 =	simm.s32 @!p0 $0x0  }
0x12: {  	s1 =	sld [smem:$0x3F88];
	s0 =	simm.s32 @p0 $0x1  }
0x13: {  	[smem:$0x3FA3] =	sst s0;
	s0 =	simm.s32 @!p1 $0x0  }
0x14: {  	s2 =	sld [smem:$0x3F87];
	s0 =	simm.s32 @p1 $0x1  }
0x15: {  	[smem:$0x3FA4] =	sst s0;
	s0 =	simm.s32 @!p2 $0x0  }
0x16: {  	s3 =	sld [smem:$0x3FDB];
	s0 =	simm.s32 @p2 $0x1  }
0x17: {  	s4 =	simm.s32 $0x1BF5;
	[smem:$0x3FA6] =	sst s0  }
0x18: {  	s0 =	sld [smem:$0x3F89];
	_ =	swait.ge [sflag:s4], $0x0  }
0x19: {  	s7 =	sld [smem:$0x3F8A]  }
0x1a: {  	s8 =	sadd.s32 $0xFFFFE003, lr  }
0x1b: {  	s9 =	sadd.s32 $0xFFFFFEF7, lr;
	s5 =	simm.s32 $0xFFFFFFFF;
	p2 =	slt.u32 s8, $0xFFFFF086  }
0x1c: {  	p1 =	slt.u32 s9, $0xF7A;
	s5 =	simm.s32 @!p2 $0x0  }
0x1d: {  	s5 =	simm.s32 @p1 $0x1;
	p0 =	seq.s32 s7, s2  }
0x1e: {  	s7 =	smul.u32 @!p0 $0xF7A, s2;
	p2 =	seq.s32 @!p0 s5, $0x0  }
0x1f: {  	s9 =	smul.u32 $0xF7A, s1;
	s8 =	simm.s32 @!p0 $0x1BF5;
	p2 =	por !p2, p0  }
0x20: {  	[sflag:s8] =	ssyncset.s32 @!p0 $0xFFFFF086;
	s6 =	sadd.s32 @!p0 s3, s7;
	s7 =	simm.s32 @!p0 $0x108  }
0x21: {  	s3 =	sadd.s32 s3, s9;
	s6 =	sadd.s32 @!p0 $0x88, s6;
	s7 =	simm.s32 @p2 $0x1082  }
0x22: {  	[simem:s7], [sflag:s8] =	dma.local @!p0 [hbm:s6], $0xF7A  }
0x23: {  	s9 =	sor.u32 $0xD0000000, s2;
	s6 =	simm.s32 $0x108;
	_ =	swait.ge @!p0 [sflag:s8], $0x0  }
0x24: {  	s3 =	sadd.s32 $0x88, s3;
	s6 =	simm.s32 @!p1 $0x1082;
	[sflag:s4] =	ssyncset.s32 $0xFFFFF086  }
0x25: {  	[simem:s6], [sflag:s4] =	dma.local [hbm:s3], $0xF7A  }
0x26: {  	[smem:$0x3F8A] =	sst s1;
	(tag) =	ssettag s2;
	_ =	strace s9  }
0x27: {  	s1 =	sld [smem:$0x3F9A]  }
0x28: {  	s2 =	sld [smem:$0x3F9B]  }
0x29: {  	s4 =	sld [smem:$0x3F9D]  }
0x2a: {  	p0 =	seq.s32 s5, $0x0;
	s5 =	sld [smem:$0x3F9E]  }
0x2b: {  	s6 =	sld [smem:$0x3F9F]  }
0x2c: {  	s7 =	sld [smem:$0x3FA0]  }
0x2d: {  	s3 =	simm.s32 $0x108;
	s8 =	sld [smem:$0x3FA1]  }
0x2e: {  	s3 =	simm.s32 @!p0 $0x1082;
	s9 =	sld [smem:$0x3FA2]  }
0x2f: {  	lr =	sadd.s32 s0, s3;
	s0 =	sld [smem:$0x3F99]  }
0x30: {  	s3 =	sld [smem:$0x3F9C]  }
0x31: {  	[smem:$0x3FA5] =	sst s10  }
0x32: {  	s10 =	sld [smem:$0x3FA3];
	_ =	sdelay $0x3  }
0x33: {  	p0 =	seq.s32 s10, $0x1;
	s10 =	sld [smem:$0x3FA5];
	_ =	sdelay $0x3  }
0x34: {  	[smem:$0x3FA5] =	sst s10  }
0x35: {  	s10 =	sld [smem:$0x3FA4];
	_ =	sdelay $0x3  }
0x36: {  	p1 =	seq.s32 s10, $0x1;
	s10 =	sld [smem:$0x3FA5];
	_ =	sdelay $0x3  }
0x37: {  	[smem:$0x3FA5] =	sst s10  }
0x38: {  	s10 =	sld [smem:$0x3FA6]  }
0x39: {  	_ = 	snop;
	(pc) =	sbr.ind lr, $3  }
0x3a: {  	_ = 	snop  }
0x3b: {  	_ = 	snop  }
0x3c: {  	p2 =	seq.s32 s10, $0x1;
	s10 =	sld [smem:$0x3FA5]  }
0x3d: {  	_ =	shalt  }
0x3e: {  	_ =	shalt  }
0x3f: {  	_ =	shalt  }
0x40: {  	_ =	shalt  }
0x41: {  	_ =	shalt  }
0x42: {  	_ =	shalt  }
0x43: {  	_ =	shalt  }
0x44: {  	_ =	shalt  }
0x45: {  	_ =	shalt  }
0x46: {  	_ =	shalt  }
0x47: {  	_ =	shalt  }
0x48: {  	_ =	shalt  }
0x49: {  	_ =	shalt  }
0x4a: {  	_ =	shalt  }
0x4b: {  	_ =	shalt  }
0x4c: {  	_ =	shalt  }
0x4d: {  	_ =	shalt  }
0x4e: {  	_ =	shalt  }
0x4f: {  	_ =	shalt  }
0x50: {  	_ =	shalt  }
0x51: {  	_ =	shalt  }
0x52: {  	_ =	shalt  }
0x53: {  	_ =	shalt  }
0x54: {  	_ =	shalt  }
0x55: {  	_ =	shalt  }
0x56: {  	_ =	shalt  }
0x57: {  	_ =	shalt  }
0x58: {  	_ =	shalt  }
0x59: {  	_ =	shalt  }
0x5a: {  	_ =	shalt  }
0x5b: {  	_ =	shalt  }
0x5c: {  	_ =	shalt  }
0x5d: {  	_ =	shalt  }
0x5e: {  	_ =	shalt  }
0x5f: {  	_ =	shalt  }
0x60: {  	_ =	shalt  }
0x61: {  	_ =	shalt  }
0x62: {  	_ =	shalt  }
0x63: {  	_ =	shalt  }
0x64: {  	_ =	shalt  }
0x65: {  	_ =	shalt  }
0x66: {  	_ =	shalt  }
0x67: {  	_ =	shalt  }
0x68: {  	_ =	shalt  }
0x69: {  	_ =	shalt  }
0x6a: {  	_ =	shalt  }
0x6b: {  	_ =	shalt  }
0x6c: {  	_ =	shalt  }
0x6d: {  	_ =	shalt  }
0x6e: {  	_ =	shalt  }
0x6f: {  	_ =	shalt  }
0x70: {  	_ =	shalt  }
0x71: {  	_ =	shalt  }
0x72: {  	_ =	shalt  }
0x73: {  	_ =	shalt  }
0x74: {  	_ =	shalt  }
0x75: {  	_ =	shalt  }
0x76: {  	_ =	shalt  }
0x77: {  	_ =	shalt  }
0x78: {  	_ =	shalt  }
0x79: {  	_ =	shalt  }
0x7a: {  	_ =	shalt  }
0x7b: {  	_ =	shalt  }
0x7c: {  	_ =	shalt  }
0x7d: {  	_ =	shalt  }
0x7e: {  	_ =	shalt  }
0x7f: {  	_ =	shalt  }
0x80: {  	_ =	shalt  }
0x81: {  	_ =	shalt  }
0x82: {  	_ =	shalt  }
0x83: {  	_ =	shalt  }
0x84: {  	_ =	shalt  }
0x85: {  	_ =	shalt  }
0x86: {  	_ =	shalt  }
0x87: {  	_ =	shalt  }
.Lfunc_end0:
.L_simem_size_0:
called_computation.1_lowered:
.L_overlay_start_0:
0x88: {  	s2 =	sld [smem:$0x3FD9]  }
0x89: {  	s3 =	sld [smem:$0x3FFE];
	_ =	sdelay $0x1  }
0x8a: {  	s1 =	srdreg.scid  }
0x8b: {  	s0 =	sand.u32 $0x1, s1  }
0x8c: {  	s16 =	sshll.u32 s0, $0xA;
	s2 =	sadd.s32 s3, s2  }
0x8d: {  	s2 =	sadd.s32 s2, s16  }
0x8e: {  	[smem:$0x3FB1] =	sst s2  }
0x8f: {  	_ = 	snop  }
0x90: {  	(tm) =	ssettm $0x1  }
0x91: {  	s17 =	sld [smem:$0x3FFB];
	_ =	sdelay $0x3  }
0x92: {  	_ =	strace s17  }
0x93: {  	s2 =	sld [smem:$0x3FFC];
	_ =	sdelay $0x3  }
0x94: {  	_ =	strace s2  }
0x95: {  	s2 =	sld [smem:$0x3FFD];
	_ =	sdelay $0x3  }
0x96: {  	_ =	strace s2  }
0x97: {  	_ =	strace $0x8FFFFFFF  }
0x98: {  	s18 =	sld [smem:$0x3FDB];
	_ =	sdelay $0x1  }
0x99: {  	s19 =	simm.s32 $_scs_section_size  }
0x9a: {  	s4 =	simm.s32 $_size__tile_overlayer_lowered;
	s5 =	simm.s32 $_tile_overlayer_lowered  }
0x9b: {  	s22 =	simm.s32 $0x1BFF;
	s21 =	sshll.u32 s5, $0x1;
	s2 =	sadd.s32 s19, s18  }
0x9c: {  	s6 =	simm.s32 $0x0;
	s20 =	sshll.u32 s4, $0x1;
	s4 =	sadd.s32 s21, s2  }
0x9d: {  	[timem:s6], [sflag:s22] =	dma.local [hbm:s4], s20  }
0x9e: {  	_ =	swait.ge [sflag:s22], s20  }
0x9f: {  	s3 =	ssub.s32 $0x0, s20;
	[sflag:s22] =	ssyncset.done $0x0  }
0xa0: {  	[sflag:s22] =	ssyncadd.s32 s3;
	_ =	sdelay $0x1  }
0xa1: {  	s23 =	simm.s32 $0x1B8B  }
0xa2: {  	_ =	swait.ge [sflag:s23], $0x1  }
0xa3: {  	[sflag:s23] =	ssyncset.done $0x0  }
0xa4: {  	s25 =	simm.s32 $0x1B8E;
	s24 =	sld [smem:$0x3FFE];
	[sflag:s23] =	ssyncadd.s32 $0xFFFFFFFF  }
0xa5: {  	s26 =	simm.s32 $execute0_lowered;
	[smem:$0x3FD2] =	sst s25  }
0xa6: {  	s4 =	sshll.u32 s26, $0x1;
	_ =	strace $0x80000049;
	[dreg:$0x1] =	wrdreg $0xFFFFFFFF  }
0xa7: {  	s28 =	simm.s32 $_size_execute0_lowered;
	s2 =	sadd.s32 s2, s4;
	[dreg:$0x0] =	wrdreg $0x0  }
0xa8: {  	s4 =	sshll.u32 s28, $0x1;
	[dreg:$0x2] =	wrdreg s2  }
0xa9: {  	[dreg:$0x3] =	wrdreg s4  }
0xaa: {  	[dreg:$0x4] =	wrdreg $0xC0  }
0xab: {  	_ =	task [dreg:s6], $0x5FFFF  }
0xac: {  	[dreg:$0x1] =	wrdreg $0xFFFFFFFF  }
0xad: {  	[dreg:$0x0] =	wrdreg $0x60  }
0xae: {  	[dreg:$0x2] =	wrdreg s24  }
0xaf: {  	[dreg:$0x3] =	wrdreg $0xA9000  }
0xb0: {  	[dreg:$0x4] =	wrdreg $0x9  }
0xb1: {  	_ =	task.clear_ibuf [dreg:s6], $0x5FFFF;
	_ =	strace $0x90000049  }
0xb2: {  	s29 =	simm.s32 $0x9;
	_ =	strace $0x8000004B  }
0xb3: {  	_ =	swait.ge [sflag:s29], $0x1  }
0xb4: {  	[sflag:s29] =	ssyncadd.s32 $0xFFFFFFFF  }
0xb5: {  	_ =	strace $0x9000004B  }
0xb6: {  	_ =	sfence  }
0xb7: {  	s30 =	sld [smem:$0x0];
	_ =	sdelay $0x2  }
0xb8: {  	s31 =	sshll.u32 s1, $0xD;
	s1 =	sshrl.u32 s1, $0x2  }
0xb9: {  	s3 =	sand.u32 $0x4000, s31;
	s1 =	sadd.s32 s1, s30  }
0xba: {  	s0 =	sor.u32 s3, s0;
	s1 =	sshll.u32 s1, $0x11  }
0xbb: {  	s0 =	sor.u32 s1, s0  }
0xbc: {  	s0 =	sadd.s32 $0x8F2B, s0  }
0xbd: {  	[sflag:s0] =	ssyncadd.remote.s32 $0x1  }
0xbe: {  	_ =	sfence.sel $0xFFFF  }
0xbf: {  	[dreg:$0x0] =	wrdreg $0xFFFFFFFF;
	(pc) =	sbr.abs _section_cstart, $3  }
0xc0: {  	[dreg:$0x1] =	wrdreg $0xFFFFFFFF  }
0xc1: {  	_ =	task.clear_ibuf [dreg:s6], $0x2FFFF;
	_ =	strace $0x9FFFFFFF  }
0xc2: {  	(tm) =	ssettm $0x7FFFFFFF  }
0xc3: {  	_ =	shalt  }
tec
execute0_lowered:
.L_overlay_start_1:
0x0: {  	(tag) =	ssettag $0x1  }
0x1: {  	s5 =	rddreg [dreg:$0x0]  }
0x2: {  	s2 =	rddreg [dreg:$0x1]  }
0x3: {  	s0 =	srdreg.scid;
	s1 =	rddreg [dreg:$0x2];
	s3 =	simm.s32 $0x0  }
0x4: {  	s16 =	simm.s32 $0x80;
	s17 =	simm.s32 $0x2900;
	s18 =	simm.s32 $0x2880  }
0x5: {  	s19 =	simm.s32 $0x6900;
	s20 =	simm.s32 $0x1;
	s6 =	sand.u32 $0x1, s0  }
0x6: {  	s21 =	simm.s32 $0x3;
	s0 =	stileid.u32;
	s4 =	smul.u32 $0x28000, s6  }
0x7: {  	s22 =	simm.s32 $0x2;
	s23 =	simm.s32 $0x4;
	s7 =	smul.u32 $0x2800, s0  }
0x8: {  	s24 =	simm.s32 $0x0;
	[smem:$0x7FF] =	sst s3;
	s9 =	smul.u32 $0x14000, s0  }
0x9: {  	s11 =	sadd.s32 $0x3000, s5;
	_ =	strace $0x8000004A;
	s10 =	smul.u32 $0x140000, s6  }
0xa: {  	s13 =	smul.u32 $0x50000, s0;
	s6 =	ssub.s32 $0x2, s6;
	s29 =	sshll.u32 s0, $0x6  }
0xb: {  	s30 =	smul.u32 $0x500, s0;
	s28 =	sshrl.u32 s6, $0x1;
	s4 =	sadd.s32 s7, s4  }
0xc: {  	s12 =	sshrl.u32 s9, $0x3;
	s9 =	sadd.s32 s9, s10;
	s13 =	sshrl.u32 s13, $0x2  }
0xd: {  	s15 =	ssub.s32 s6, s28;
	s7 =	sshrl.u32 s7, $0x3;
	s6 =	sor.u32 $0x1C05, s29  }
0xe: {  	s31 =	sadd.s32 s30, s11;
	s8 =	sshrl.u32 s4, $0x3;
	s4 =	sadd.s32 $0x30000, s5  }
0xf: {  	s12 =	sadd.s32 s12, s5;
	s9 =	sshrl.u32 s9, $0x3;
	s13 =	sadd.s32 s13, s2  }
0x10: {  	s7 =	sadd.s32 s11, s7;
	s11 =	smax.u32 s15, $0x1;
	s15 =	simm.s32 $0x2800  }
0x11: {  	s8 =	sadd.s32 s8, s5;
	s14 =	sadd.s32 s9, s5;
	s5 =	sadd.s32 $0x8000, s12  }
0x12: {  	s9 =	sadd.s32 $0x10, s7;
	s12 =	sadd.s32 $0x30, s31;
	s13 =	sshrl.u32 s13, $0x3  }
0x13: {  	s8 =	sadd.s32 $0xCE200, s8;
	s10 =	sadd.s32 $0x7E200, s14;
	s14 =	simm.s32 $0x5  }
.LBB2_1:
0x14: {  	[spmem:s13], [sflag:s6] =	dma.local [hbm:s5], $0x2800  }
0x15: {  	_ =	swait.ge [sflag:s14], $0x2800  }
0x16: {  	[sflag:s14] =	ssyncset.done $0x0  }
0x17: {  	[sflag:s14] =	ssyncadd.s32 $0xFFFFD800  }
0x18: {  	[tilespmem:s3], [sflag:$0x5] =	stream.linear.gather [hbm4b:s8+s3], $0x2800, $0x38;
	[tilespmem:$0x1E900] =	vst v63  }
0x19: {  	_ =	swait.ge [sflag:s14], $0x2800  }
0x1a: {  	[sflag:s14] =	ssyncset.done $0x0  }
0x1b: {  	[sflag:s14] =	ssyncadd.s32 $0xFFFFD800  }
0x1c: {  	[bflag:$0x0] =	sbarrier.arrive $0xFFFF  }
0x1d: {  	[tilespmem:s15], [sflag:$0x1] =	stream.linear.gather [hbm4b:s7+s3], $0x80, $0x38;
	[tilespmem:$0x1E900] =	vst v63  }
0x1e: {  	_ = 	snop  }
0x1f: {  	[tilespmem:s17], [sflag:$0x1] =	stream.indirect.gather [hbm4b:s4+s16], $0x80, s3, s16, $0xb8;
	[tilespmem:$0x1E900] =	vst v63  }
0x20: {  	_ = 	snop  }
0x21: {  	[tilespmem:s18], [sflag:$0x2] =	stream.linear.gather [hbm4b:s9+s3], $0x80, $0x38;
	[tilespmem:$0x1E900] =	vst v63  }
0x22: {  	_ = 	snop  }
0x23: {  	[tilespmem:s19], [sflag:$0x2] =	stream.indirect.gather [hbm4b:s4+s16], $0x80, s16, s16, $0xb8;
	[tilespmem:$0x1E900] =	vst v63  }
0x24: {  	_ =	swait.ge [sflag:s20], $0x80  }
0x25: {  	[sflag:s20] =	ssyncset.done $0x0  }
0x26: {  	[sflag:s20] =	ssyncadd.s32 $0xFFFFFF80  }
0x27: {  	_ =	swait.ge [sflag:s20], $0x4000  }
0x28: {  	[sflag:s20] =	ssyncset.done $0x0  }
0x29: {  	[sflag:s20] =	ssyncadd.s32 $0xFFFFC000  }
0x2a: {  	[spmem:s2] =	stream.indirect.scatter.add.f32 [tilespmem:s17], [sflag:$0x3], $0x80, s15, s16, $0xb8;
	[tilespmem:$0x1E900] =	vst v63  }
0x2b: {  	_ =	swait.ge [sflag:s21], $0x4000  }
0x2c: {  	[sflag:s21] =	ssyncset.done $0x0  }
0x2d: {  	s25 =	sadd.s32 $0xFFFFFFF0, s12;
	[sflag:s21] =	ssyncadd.s32 $0xFFFFC000  }
0x2e: {  	[tilespmem:s15], [sflag:$0x1] =	stream.linear.gather [hbm4b:s25+s3], $0x80, $0x38;
	[tilespmem:$0x1E900] =	vst v63  }
0x2f: {  	s31 =	simm.s32 $0x100  }
0x30: {  	[tilespmem:s17], [sflag:$0x1] =	stream.indirect.gather [hbm4b:s4+s16], $0x80, s31, s16, $0xb8;
	[tilespmem:$0x1E900] =	vst v63  }
0x31: {  	_ =	swait.ge [sflag:s22], $0x80  }
0x32: {  	[sflag:s22] =	ssyncset.done $0x0  }
0x33: {  	[sflag:s22] =	ssyncadd.s32 $0xFFFFFF80  }
0x34: {  	_ =	swait.ge [sflag:s22], $0x4000  }
0x35: {  	[sflag:s22] =	ssyncset.done $0x0  }
0x36: {  	[sflag:s22] =	ssyncadd.s32 $0xFFFFC000  }
0x37: {  	[spmem:s2] =	stream.indirect.scatter.add.f32 [tilespmem:s19], [sflag:$0x4], $0x80, s18, s16, $0xb8;
	[tilespmem:$0x1E900] =	vst v63  }
0x38: {  	_ =	swait.ge [sflag:s23], $0x4000  }
0x39: {  	s28 =	simm.s32 $0x180;
	[sflag:s23] =	ssyncset.done $0x0  }
0x3a: {  	s26 =	sadd.s32 $0x20, s12;
	s25 =	simm.s32 $0xFFFF6800;
	[sflag:s23] =	ssyncadd.s32 $0xFFFFC000  }
0x3b: {  	[tilespmem:s18], [sflag:$0x2] =	stream.linear.gather [hbm4b:s12+s3], $0x80, $0x38;
	[tilespmem:$0x1E900] =	vst v63  }
.LBB2_2:
0x3c: {  	[tilespmem:s19], [sflag:$0x2] =	stream.indirect.gather [hbm4b:s4+s16], $0x80, s28, s16, $0xb8;
	[tilespmem:$0x1E900] =	vst v63  }
0x3d: {  	s28 =	smov.u32 s25  }
0x3e: {  	p0 =	sne.s32 s25, $0xFFFFFC00;
	s25 =	sadd.s32 $0x400, s25;
	_ =	swait.ge [sflag:s20], $0x80  }
0x3f: {  	[sflag:s20] =	ssyncset.done $0x0  }
0x40: {  	[sflag:s20] =	ssyncadd.s32 $0xFFFFFF80  }
0x41: {  	_ =	swait.ge [sflag:s20], $0x4000  }
0x42: {  	[sflag:s20] =	ssyncset.done $0x0  }
0x43: {  	[sflag:s20] =	ssyncadd.s32 $0xFFFFC000  }
0x44: {  	[spmem:s2] =	stream.indirect.scatter.add.f32 [tilespmem:s17], [sflag:$0x3], $0x80, s15, s16, $0xb8;
	[tilespmem:$0x1E900] =	vst v63  }
0x45: {  	_ =	swait.ge [sflag:s21], $0x4000  }
0x46: {  	[sflag:s21] =	ssyncset.done $0x0  }
0x47: {  	s29 =	sadd.s32 $0xFFFFFFF0, s26;
	s28 =	sshra.s32 s28, $0x2;
	[sflag:s21] =	ssyncadd.s32 $0xFFFFC000  }
0x48: {  	[tilespmem:s15], [sflag:$0x1] =	stream.linear.gather [hbm4b:s29+s3], $0x80, $0x38;
	[tilespmem:$0x1E900] =	vst v63  }
0x49: {  	s29 =	sadd.s32 $0x2800, s28  }
0x4a: {  	[tilespmem:s17], [sflag:$0x1] =	stream.indirect.gather [hbm4b:s4+s16], $0x80, s29, s16, $0xb8;
	[tilespmem:$0x1E900] =	vst v63  }
0x4b: {  	_ =	swait.ge [sflag:s22], $0x80  }
0x4c: {  	[sflag:s22] =	ssyncset.done $0x0  }
0x4d: {  	[sflag:s22] =	ssyncadd.s32 $0xFFFFFF80  }
0x4e: {  	_ =	swait.ge [sflag:s22], $0x4000  }
0x4f: {  	[sflag:s22] =	ssyncset.done $0x0  }
0x50: {  	[sflag:s22] =	ssyncadd.s32 $0xFFFFC000  }
0x51: {  	[spmem:s2] =	stream.indirect.scatter.add.f32 [tilespmem:s19], [sflag:$0x4], $0x80, s18, s16, $0xb8;
	[tilespmem:$0x1E900] =	vst v63  }
.Ltmp0:
0x52: {  	_ =	swait.ge [sflag:s23], $0x4000;
	(pc) =	sbr.rel @p0 .LBB2_2-.Ltmp0, $4  }
0x53: {  	[sflag:s23] =	ssyncset.done $0x0  }
0x54: {  	[sflag:s23] =	ssyncadd.s32 $0xFFFFC000  }
0x55: {  	[tilespmem:s18], [sflag:$0x2] =	stream.linear.gather [hbm4b:s26+s3], $0x80, $0x38;
	[tilespmem:$0x1E900] =	vst v63  }
0x56: {  	s28 =	sadd.s32 $0x2880, s28;
	s26 =	sadd.s32 $0x20, s26  }
0x57: {  	[tilespmem:s19], [sflag:$0x2] =	stream.indirect.gather [hbm4b:s4+s16], $0x80, s28, s16, $0xb8;
	[tilespmem:$0x1E900] =	vst v63  }
0x58: {  	_ =	swait.ge [sflag:s20], $0x80  }
0x59: {  	[sflag:s20] =	ssyncset.done $0x0  }
0x5a: {  	[sflag:s20] =	ssyncadd.s32 $0xFFFFFF80  }
0x5b: {  	_ =	swait.ge [sflag:s20], $0x4000  }
0x5c: {  	[sflag:s20] =	ssyncset.done $0x0  }
0x5d: {  	[sflag:s20] =	ssyncadd.s32 $0xFFFFC000  }
0x5e: {  	[spmem:s2] =	stream.indirect.scatter.add.f32 [tilespmem:s17], [sflag:$0x3], $0x80, s15, s16, $0xb8;
	[tilespmem:$0x1E900] =	vst v63  }
0x5f: {  	_ =	swait.ge [sflag:s21], $0x4000  }
0x60: {  	[sflag:s21] =	ssyncset.done $0x0  }
0x61: {  	[sflag:s21] =	ssyncadd.s32 $0xFFFFC000  }
0x62: {  	_ =	swait.ge [sflag:s22], $0x80  }
0x63: {  	[sflag:s22] =	ssyncset.done $0x0  }
0x64: {  	[sflag:s22] =	ssyncadd.s32 $0xFFFFFF80  }
0x65: {  	_ =	swait.ge [sflag:s22], $0x4000  }
0x66: {  	[sflag:s22] =	ssyncset.done $0x0  }
0x67: {  	[sflag:s22] =	ssyncadd.s32 $0xFFFFC000  }
0x68: {  	[spmem:s2] =	stream.indirect.scatter.add.f32 [tilespmem:s19], [sflag:$0x4], $0x80, s18, s16, $0xb8;
	[tilespmem:$0x1E900] =	vst v63  }
0x69: {  	_ =	swait.ge [sflag:s23], $0x4000  }
0x6a: {  	s24 =	sadd.s32 $0x1, s24;
	[sflag:s23] =	ssyncset.done $0x0  }
0x6b: {  	p0 =	sne.s32 s24, s11;
	[sflag:s23] =	ssyncadd.s32 $0xFFFFC000  }
.Ltmp1:
0x6c: {  	[bflag:$0x0] =	sbarrier.arrive $0xFFFF;
	(pc) =	sbr.rel @p0 .LBB2_1-.Ltmp1, $4  }
0x6d: {  	[hbm:s10], [sflag:s6] =	dma.local [spmem:s13], $0x2800  }
0x6e: {  	_ =	swait.ge [sflag:s14], $0x2800  }
0x6f: {  	[sflag:s14] =	ssyncset.done $0x0  }
0x70: {  	[sflag:s14] =	ssyncadd.s32 $0xFFFFD800  }
0x71: {  	_ =	sfence.sel $0x180000  }
0x72: {  	[bflag:$0x0] =	sbarrier.arrive $0xFFFF  }
0x73: {  	p0 =	sne.s32 s0, $0x0;
	_ =	strace $0x9000004A  }
0x74: {  	s0 =	sadd.s32 @!p0 $0x100000, s1;
	[bflag:$0x2] =	sbarrier.arrive $0xFFFF  }
0x75: {  	[sflag:s0] =	ssyncadd.tile.s32 @!p0 $0x1;
	_ =	shalt  }
.Lfunc_end2:
_tile_overlayer_lowered:
.L_overlay_start_2:
0x76: {  	(tag) =	ssettag $0x2  }
0x77: {  	s0 =	rddreg [dreg:$0x0];
	s2 =	stileid.u32  }
0x78: {  	s1 =	rddreg [dreg:$0x1];
	p0 =	sne.s32 s2, $0x0  }
0x79: {  	s3 =	rddreg [dreg:$0x2];
	[bflag:$0x3] =	sbarrier.arrive $0xFFFF;
	s2 =	simm.s32 @!p0 $0x1C05  }
0x7a: {  	[timem:s3], [sflag:s2] =	dma.local @!p0 [hbm:s0], s1  }
0x7b: {  	s0 =	simm.s32 @!p0 $0x5  }
0x7c: {  	_ =	swait.ge @!p0 [sflag:s0], s1  }
0x7d: {  	s1 =	ssub.s32 @!p0 $0x0, s1;
	[sflag:s0] =	ssyncset.done @!p0 $0x0  }
0x7e: {  	[sflag:s0] =	ssyncadd.s32 @!p0 s1  }
0x7f: {  	[bflag:$0x3] =	sbarrier.arrive $0xFFFF  }
0x80: {  	_ =	shalt  }

// kernel: kernel.15.cloned.1.call-start
scs
__scs_entry_jumppad:
0x0: {  	(pc) =	sbr.rel $0x88, $3  }
0x1: {  	(tag) =	ssettag $0x0;
	lr =	simm.s32 $0x1  }
0x2: {  	[smem:$0x3F8A] =	sst lr;
	_ =	strace $0xD0000000  }
0x3: {  	_ = 	snop  }
0x4: {  	_ = 	snop  }
0x5: {  	_ = 	snop  }
0x6: {  	_ = 	snop  }
0x7: {  	_ = 	snop  }
__scs_overlays_trampoline_lowered:
0x8: {  	[smem:$0x3F99] =	sst s0  }
0x9: {  	[smem:$0x3F9A] =	sst s1  }
0xa: {  	[smem:$0x3F9B] =	sst s2  }
0xb: {  	[smem:$0x3F9C] =	sst s3  }
0xc: {  	[smem:$0x3F9D] =	sst s4  }
0xd: {  	[smem:$0x3F9E] =	sst s5  }
0xe: {  	[smem:$0x3F9F] =	sst s6  }
0xf: {  	[smem:$0x3FA0] =	sst s7  }
0x10: {  	[smem:$0x3FA1] =	sst s8  }
0x11: {  	[smem:$0x3FA2] =	sst s9;
	s0 =	simm.s32 @!p0 $0x0  }
0x12: {  	s1 =	sld [smem:$0x3F88];
	s0 =	simm.s32 @p0 $0x1  }
0x13: {  	[smem:$0x3FA3] =	sst s0;
	s0 =	simm.s32 @!p1 $0x0  }
0x14: {  	s2 =	sld [smem:$0x3F87];
	s0 =	simm.s32 @p1 $0x1  }
0x15: {  	[smem:$0x3FA4] =	sst s0;
	s0 =	simm.s32 @!p2 $0x0  }
0x16: {  	s3 =	sld [smem:$0x3FDB];
	s0 =	simm.s32 @p2 $0x1  }
0x17: {  	s4 =	simm.s32 $0x1BF5;
	[smem:$0x3FA6] =	sst s0  }
0x18: {  	s0 =	sld [smem:$0x3F89];
	_ =	swait.ge [sflag:s4], $0x0  }
0x19: {  	s7 =	sld [smem:$0x3F8A]  }
0x1a: {  	s8 =	sadd.s32 $0xFFFFE003, lr  }
0x1b: {  	s9 =	sadd.s32 $0xFFFFFEF7, lr;
	s5 =	simm.s32 $0xFFFFFFFF;
	p2 =	slt.u32 s8, $0xFFFFF086  }
0x1c: {  	p1 =	slt.u32 s9, $0xF7A;
	s5 =	simm.s32 @!p2 $0x0  }
0x1d: {  	s5 =	simm.s32 @p1 $0x1;
	p0 =	seq.s32 s7, s2  }
0x1e: {  	s7 =	smul.u32 @!p0 $0xF7A, s2;
	p2 =	seq.s32 @!p0 s5, $0x0  }
0x1f: {  	s9 =	smul.u32 $0xF7A, s1;
	s8 =	simm.s32 @!p0 $0x1BF5;
	p2 =	por !p2, p0  }
0x20: {  	[sflag:s8] =	ssyncset.s32 @!p0 $0xFFFFF086;
	s6 =	sadd.s32 @!p0 s3, s7;
	s7 =	simm.s32 @!p0 $0x108  }
0x21: {  	s3 =	sadd.s32 s3, s9;
	s6 =	sadd.s32 @!p0 $0x88, s6;
	s7 =	simm.s32 @p2 $0x1082  }
0x22: {  	[simem:s7], [sflag:s8] =	dma.local @!p0 [hbm:s6], $0xF7A  }
0x23: {  	s9 =	sor.u32 $0xD0000000, s2;
	s6 =	simm.s32 $0x108;
	_ =	swait.ge @!p0 [sflag:s8], $0x0  }
0x24: {  	s3 =	sadd.s32 $0x88, s3;
	s6 =	simm.s32 @!p1 $0x1082;
	[sflag:s4] =	ssyncset.s32 $0xFFFFF086  }
0x25: {  	[simem:s6], [sflag:s4] =	dma.local [hbm:s3], $0xF7A  }
0x26: {  	[smem:$0x3F8A] =	sst s1;
	(tag) =	ssettag s2;
	_ =	strace s9  }
0x27: {  	s1 =	sld [smem:$0x3F9A]  }
0x28: {  	s2 =	sld [smem:$0x3F9B]  }
0x29: {  	s4 =	sld [smem:$0x3F9D]  }
0x2a: {  	p0 =	seq.s32 s5, $0x0;
	s5 =	sld [smem:$0x3F9E]  }
0x2b: {  	s6 =	sld [smem:$0x3F9F]  }
0x2c: {  	s7 =	sld [smem:$0x3FA0]  }
0x2d: {  	s3 =	simm.s32 $0x108;
	s8 =	sld [smem:$0x3FA1]  }
0x2e: {  	s3 =	simm.s32 @!p0 $0x1082;
	s9 =	sld [smem:$0x3FA2]  }
0x2f: {  	lr =	sadd.s32 s0, s3;
	s0 =	sld [smem:$0x3F99]  }
0x30: {  	s3 =	sld [smem:$0x3F9C]  }
0x31: {  	[smem:$0x3FA5] =	sst s10  }
0x32: {  	s10 =	sld [smem:$0x3FA3];
	_ =	sdelay $0x3  }
0x33: {  	p0 =	seq.s32 s10, $0x1;
	s10 =	sld [smem:$0x3FA5];
	_ =	sdelay $0x3  }
0x34: {  	[smem:$0x3FA5] =	sst s10  }
0x35: {  	s10 =	sld [smem:$0x3FA4];
	_ =	sdelay $0x3  }
0x36: {  	p1 =	seq.s32 s10, $0x1;
	s10 =	sld [smem:$0x3FA5];
	_ =	sdelay $0x3  }
0x37: {  	[smem:$0x3FA5] =	sst s10  }
0x38: {  	s10 =	sld [smem:$0x3FA6]  }
0x39: {  	_ = 	snop;
	(pc) =	sbr.ind lr, $3  }
0x3a: {  	_ = 	snop  }
0x3b: {  	_ = 	snop  }
0x3c: {  	p2 =	seq.s32 s10, $0x1;
	s10 =	sld [smem:$0x3FA5]  }
0x3d: {  	_ =	shalt  }
0x3e: {  	_ =	shalt  }
0x3f: {  	_ =	shalt  }
0x40: {  	_ =	shalt  }
0x41: {  	_ =	shalt  }
0x42: {  	_ =	shalt  }
0x43: {  	_ =	shalt  }
0x44: {  	_ =	shalt  }
0x45: {  	_ =	shalt  }
0x46: {  	_ =	shalt  }
0x47: {  	_ =	shalt  }
0x48: {  	_ =	shalt  }
0x49: {  	_ =	shalt  }
0x4a: {  	_ =	shalt  }
0x4b: {  	_ =	shalt  }
0x4c: {  	_ =	shalt  }
0x4d: {  	_ =	shalt  }
0x4e: {  	_ =	shalt  }
0x4f: {  	_ =	shalt  }
0x50: {  	_ =	shalt  }
0x51: {  	_ =	shalt  }
0x52: {  	_ =	shalt  }
0x53: {  	_ =	shalt  }
0x54: {  	_ =	shalt  }
0x55: {  	_ =	shalt  }
0x56: {  	_ =	shalt  }
0x57: {  	_ =	shalt  }
0x58: {  	_ =	shalt  }
0x59: {  	_ =	shalt  }
0x5a: {  	_ =	shalt  }
0x5b: {  	_ =	shalt  }
0x5c: {  	_ =	shalt  }
0x5d: {  	_ =	shalt  }
0x5e: {  	_ =	shalt  }
0x5f: {  	_ =	shalt  }
0x60: {  	_ =	shalt  }
0x61: {  	_ =	shalt  }
0x62: {  	_ =	shalt  }
0x63: {  	_ =	shalt  }
0x64: {  	_ =	shalt  }
0x65: {  	_ =	shalt  }
0x66: {  	_ =	shalt  }
0x67: {  	_ =	shalt  }
0x68: {  	_ =	shalt  }
0x69: {  	_ =	shalt  }
0x6a: {  	_ =	shalt  }
0x6b: {  	_ =	shalt  }
0x6c: {  	_ =	shalt  }
0x6d: {  	_ =	shalt  }
0x6e: {  	_ =	shalt  }
0x6f: {  	_ =	shalt  }
0x70: {  	_ =	shalt  }
0x71: {  	_ =	shalt  }
0x72: {  	_ =	shalt  }
0x73: {  	_ =	shalt  }
0x74: {  	_ =	shalt  }
0x75: {  	_ =	shalt  }
0x76: {  	_ =	shalt  }
0x77: {  	_ =	shalt  }
0x78: {  	_ =	shalt  }
0x79: {  	_ =	shalt  }
0x7a: {  	_ =	shalt  }
0x7b: {  	_ =	shalt  }
0x7c: {  	_ =	shalt  }
0x7d: {  	_ =	shalt  }
0x7e: {  	_ =	shalt  }
0x7f: {  	_ =	shalt  }
0x80: {  	_ =	shalt  }
0x81: {  	_ =	shalt  }
0x82: {  	_ =	shalt  }
0x83: {  	_ =	shalt  }
0x84: {  	_ =	shalt  }
0x85: {  	_ =	shalt  }
0x86: {  	_ =	shalt  }
0x87: {  	_ =	shalt  }
.Lfunc_end0:
.L_simem_size_0:
called_computation.2_lowered:
.L_overlay_start_0:
0x88: {  	s2 =	sld [smem:$0x3FD9]  }
0x89: {  	s3 =	sld [smem:$0x3FFE];
	_ =	sdelay $0x1  }
0x8a: {  	s1 =	srdreg.scid  }
0x8b: {  	s0 =	sand.u32 $0x1, s1  }
0x8c: {  	s16 =	sshll.u32 s0, $0xA;
	s2 =	sadd.s32 s3, s2  }
0x8d: {  	s2 =	sadd.s32 s2, s16  }
0x8e: {  	[smem:$0x3FB1] =	sst s2  }
0x8f: {  	_ = 	snop  }
0x90: {  	(tm) =	ssettm $0x1  }
0x91: {  	s17 =	sld [smem:$0x3FFB];
	_ =	sdelay $0x3  }
0x92: {  	_ =	strace s17  }
0x93: {  	s2 =	sld [smem:$0x3FFC];
	_ =	sdelay $0x3  }
0x94: {  	_ =	strace s2  }
0x95: {  	s2 =	sld [smem:$0x3FFD];
	_ =	sdelay $0x3  }
0x96: {  	_ =	strace s2  }
0x97: {  	_ =	strace $0x8FFFFFFF  }
0x98: {  	s18 =	sld [smem:$0x3FDB];
	_ =	sdelay $0x1  }
0x99: {  	s19 =	simm.s32 $_scs_section_size  }
0x9a: {  	s4 =	simm.s32 $_size__tile_overlayer_lowered;
	s5 =	simm.s32 $_tile_overlayer_lowered  }
0x9b: {  	s22 =	simm.s32 $0x1BFF;
	s21 =	sshll.u32 s5, $0x1;
	s2 =	sadd.s32 s19, s18  }
0x9c: {  	s6 =	simm.s32 $0x0;
	s20 =	sshll.u32 s4, $0x1;
	s4 =	sadd.s32 s21, s2  }
0x9d: {  	[timem:s6], [sflag:s22] =	dma.local [hbm:s4], s20  }
0x9e: {  	_ =	swait.ge [sflag:s22], s20  }
0x9f: {  	s3 =	ssub.s32 $0x0, s20;
	[sflag:s22] =	ssyncset.done $0x0  }
0xa0: {  	[sflag:s22] =	ssyncadd.s32 s3;
	_ =	sdelay $0x1  }
0xa1: {  	s23 =	simm.s32 $0x1B8B  }
0xa2: {  	_ =	swait.ge [sflag:s23], $0x1  }
0xa3: {  	[sflag:s23] =	ssyncset.done $0x0  }
0xa4: {  	s25 =	simm.s32 $0x1B8E;
	s24 =	sld [smem:$0x3FFE];
	[sflag:s23] =	ssyncadd.s32 $0xFFFFFFFF  }
0xa5: {  	s26 =	simm.s32 $execute0_lowered;
	[smem:$0x3FD2] =	sst s25  }
0xa6: {  	s4 =	sshll.u32 s26, $0x1;
	_ =	strace $0x8000004C;
	[dreg:$0x1] =	wrdreg $0xFFFFFFFF  }
0xa7: {  	s28 =	simm.s32 $_size_execute0_lowered;
	s2 =	sadd.s32 s2, s4;
	[dreg:$0x0] =	wrdreg $0x0  }
0xa8: {  	s4 =	sshll.u32 s28, $0x1;
	[dreg:$0x2] =	wrdreg s2  }
0xa9: {  	[dreg:$0x3] =	wrdreg s4  }
0xaa: {  	[dreg:$0x4] =	wrdreg $0xC0  }
0xab: {  	_ =	task [dreg:s6], $0x5FFFF  }
0xac: {  	[dreg:$0x1] =	wrdreg $0xFFFFFFFF  }
0xad: {  	[dreg:$0x0] =	wrdreg $0x60  }
0xae: {  	[dreg:$0x2] =	wrdreg s24  }
0xaf: {  	[dreg:$0x3] =	wrdreg $0xA9000  }
0xb0: {  	[dreg:$0x4] =	wrdreg $0x9  }
0xb1: {  	_ =	task.clear_ibuf [dreg:s6], $0x5FFFF;
	_ =	strace $0x9000004C  }
0xb2: {  	s29 =	simm.s32 $0x9;
	_ =	strace $0x8000004E  }
0xb3: {  	_ =	swait.ge [sflag:s29], $0x1  }
0xb4: {  	[sflag:s29] =	ssyncadd.s32 $0xFFFFFFFF  }
0xb5: {  	_ =	strace $0x9000004E  }
0xb6: {  	_ =	sfence  }
0xb7: {  	s30 =	sld [smem:$0x0];
	_ =	sdelay $0x2  }
0xb8: {  	s31 =	sshll.u32 s1, $0xD;
	s1 =	sshrl.u32 s1, $0x2  }
0xb9: {  	s3 =	sand.u32 $0x4000, s31;
	s1 =	sadd.s32 s1, s30  }
0xba: {  	s0 =	sor.u32 s3, s0;
	s1 =	sshll.u32 s1, $0x11  }
0xbb: {  	s0 =	sor.u32 s1, s0  }
0xbc: {  	s0 =	sadd.s32 $0x8F2B, s0  }
0xbd: {  	[sflag:s0] =	ssyncadd.remote.s32 $0x1  }
0xbe: {  	_ =	sfence.sel $0xFFFF  }
0xbf: {  	[dreg:$0x0] =	wrdreg $0xFFFFFFFF;
	(pc) =	sbr.abs _section_cstart, $3  }
0xc0: {  	[dreg:$0x1] =	wrdreg $0xFFFFFFFF  }
0xc1: {  	_ =	task.clear_ibuf [dreg:s6], $0x2FFFF;
	_ =	strace $0x9FFFFFFF  }
0xc2: {  	(tm) =	ssettm $0x7FFFFFFF  }
0xc3: {  	_ =	shalt  }
tec
execute0_lowered:
.L_overlay_start_1:
0x0: {  	(tag) =	ssettag $0x1  }
0x1: {  	s5 =	rddreg [dreg:$0x0]  }
0x2: {  	s2 =	rddreg [dreg:$0x1]  }
0x3: {  	s0 =	srdreg.scid;
	s1 =	rddreg [dreg:$0x2];
	s3 =	simm.s32 $0x0  }
0x4: {  	s16 =	simm.s32 $0x80;
	s17 =	simm.s32 $0x2900;
	s18 =	simm.s32 $0x2880  }
0x5: {  	s19 =	simm.s32 $0x6900;
	s20 =	simm.s32 $0x1;
	s6 =	sand.u32 $0x1, s0  }
0x6: {  	s21 =	simm.s32 $0x3;
	s0 =	stileid.u32;
	s4 =	smul.u32 $0x28000, s6  }
0x7: {  	s22 =	simm.s32 $0x2;
	s23 =	simm.s32 $0x4;
	s7 =	smul.u32 $0x2800, s0  }
0x8: {  	s24 =	simm.s32 $0x0;
	[smem:$0x7FF] =	sst s3;
	s9 =	smul.u32 $0x14000, s0  }
0x9: {  	s11 =	sadd.s32 $0x3000, s5;
	_ =	strace $0x8000004D;
	s10 =	smul.u32 $0x140000, s6  }
0xa: {  	s13 =	smul.u32 $0x50000, s0;
	s6 =	ssub.s32 $0x2, s6;
	s29 =	sshll.u32 s0, $0x6  }
0xb: {  	s30 =	smul.u32 $0x500, s0;
	s28 =	sshrl.u32 s6, $0x1;
	s4 =	sadd.s32 s7, s4  }
0xc: {  	s12 =	sshrl.u32 s9, $0x3;
	s9 =	sadd.s32 s9, s10;
	s13 =	sshrl.u32 s13, $0x2  }
0xd: {  	s15 =	ssub.s32 s6, s28;
	s7 =	sshrl.u32 s7, $0x3;
	s6 =	sor.u32 $0x1C05, s29  }
0xe: {  	s31 =	sadd.s32 s30, s11;
	s8 =	sshrl.u32 s4, $0x3;
	s4 =	sadd.s32 $0x30000, s5  }
0xf: {  	s12 =	sadd.s32 s12, s5;
	s9 =	sshrl.u32 s9, $0x3;
	s13 =	sadd.s32 s13, s2  }
0x10: {  	s7 =	sadd.s32 s11, s7;
	s11 =	smax.u32 s15, $0x1;
	s15 =	simm.s32 $0x2800  }
0x11: {  	s8 =	sadd.s32 s8, s5;
	s14 =	sadd.s32 s9, s5;
	s5 =	sadd.s32 $0x8000, s12  }
0x12: {  	s9 =	sadd.s32 $0x10, s7;
	s12 =	sadd.s32 $0x30, s31;
	s13 =	sshrl.u32 s13, $0x3  }
0x13: {  	s8 =	sadd.s32 $0xCE200, s8;
	s10 =	sadd.s32 $0x7E200, s14;
	s14 =	simm.s32 $0x5  }
.LBB2_1:
0x14: {  	[spmem:s13], [sflag:s6] =	dma.local [hbm:s5], $0x2800  }
0x15: {  	_ =	swait.ge [sflag:s14], $0x2800  }
0x16: {  	[sflag:s14] =	ssyncset.done $0x0  }
0x17: {  	[sflag:s14] =	ssyncadd.s32 $0xFFFFD800  }
0x18: {  	[tilespmem:s3], [sflag:$0x5] =	stream.linear.gather [hbm4b:s8+s3], $0x2800, $0x38;
	[tilespmem:$0x1E900] =	vst v63  }
0x19: {  	_ =	swait.ge [sflag:s14], $0x2800  }
0x1a: {  	[sflag:s14] =	ssyncset.done $0x0  }
0x1b: {  	[sflag:s14] =	ssyncadd.s32 $0xFFFFD800  }
0x1c: {  	[bflag:$0x0] =	sbarrier.arrive $0xFFFF  }
0x1d: {  	[tilespmem:s15], [sflag:$0x1] =	stream.linear.gather [hbm4b:s7+s3], $0x80, $0x38;
	[tilespmem:$0x1E900] =	vst v63  }
0x1e: {  	_ = 	snop  }
0x1f: {  	[tilespmem:s17], [sflag:$0x1] =	stream.indirect.gather [hbm4b:s4+s16], $0x80, s3, s16, $0xb8;
	[tilespmem:$0x1E900] =	vst v63  }
0x20: {  	_ = 	snop  }
0x21: {  	[tilespmem:s18], [sflag:$0x2] =	stream.linear.gather [hbm4b:s9+s3], $0x80, $0x38;
	[tilespmem:$0x1E900] =	vst v63  }
0x22: {  	_ = 	snop  }
0x23: {  	[tilespmem:s19], [sflag:$0x2] =	stream.indirect.gather [hbm4b:s4+s16], $0x80, s16, s16, $0xb8;
	[tilespmem:$0x1E900] =	vst v63  }
0x24: {  	_ =	swait.ge [sflag:s20], $0x80  }
0x25: {  	[sflag:s20] =	ssyncset.done $0x0  }
0x26: {  	[sflag:s20] =	ssyncadd.s32 $0xFFFFFF80  }
0x27: {  	_ =	swait.ge [sflag:s20], $0x4000  }
0x28: {  	[sflag:s20] =	ssyncset.done $0x0  }
0x29: {  	[sflag:s20] =	ssyncadd.s32 $0xFFFFC000  }
0x2a: {  	[spmem:s2] =	stream.indirect.scatter.add.f32 [tilespmem:s17], [sflag:$0x3], $0x80, s15, s16, $0xb8;
	[tilespmem:$0x1E900] =	vst v63  }
0x2b: {  	_ =	swait.ge [sflag:s21], $0x4000  }
0x2c: {  	[sflag:s21] =	ssyncset.done $0x0  }
0x2d: {  	s25 =	sadd.s32 $0xFFFFFFF0, s12;
	[sflag:s21] =	ssyncadd.s32 $0xFFFFC000  }
0x2e: {  	[tilespmem:s15], [sflag:$0x1] =	stream.linear.gather [hbm4b:s25+s3], $0x80, $0x38;
	[tilespmem:$0x1E900] =	vst v63  }
0x2f: {  	s31 =	simm.s32 $0x100  }
0x30: {  	[tilespmem:s17], [sflag:$0x1] =	stream.indirect.gather [hbm4b:s4+s16], $0x80, s31, s16, $0xb8;
	[tilespmem:$0x1E900] =	vst v63  }
0x31: {  	_ =	swait.ge [sflag:s22], $0x80  }
0x32: {  	[sflag:s22] =	ssyncset.done $0x0  }
0x33: {  	[sflag:s22] =	ssyncadd.s32 $0xFFFFFF80  }
0x34: {  	_ =	swait.ge [sflag:s22], $0x4000  }
0x35: {  	[sflag:s22] =	ssyncset.done $0x0  }
0x36: {  	[sflag:s22] =	ssyncadd.s32 $0xFFFFC000  }
0x37: {  	[spmem:s2] =	stream.indirect.scatter.add.f32 [tilespmem:s19], [sflag:$0x4], $0x80, s18, s16, $0xb8;
	[tilespmem:$0x1E900] =	vst v63  }
0x38: {  	_ =	swait.ge [sflag:s23], $0x4000  }
0x39: {  	s28 =	simm.s32 $0x180;
	[sflag:s23] =	ssyncset.done $0x0  }
0x3a: {  	s26 =	sadd.s32 $0x20, s12;
	s25 =	simm.s32 $0xFFFF6800;
	[sflag:s23] =	ssyncadd.s32 $0xFFFFC000  }
0x3b: {  	[tilespmem:s18], [sflag:$0x2] =	stream.linear.gather [hbm4b:s12+s3], $0x80, $0x38;
	[tilespmem:$0x1E900] =	vst v63  }
.LBB2_2:
0x3c: {  	[tilespmem:s19], [sflag:$0x2] =	stream.indirect.gather [hbm4b:s4+s16], $0x80, s28, s16, $0xb8;
	[tilespmem:$0x1E900] =	vst v63  }
0x3d: {  	s28 =	smov.u32 s25  }
0x3e: {  	p0 =	sne.s32 s25, $0xFFFFFC00;
	s25 =	sadd.s32 $0x400, s25;
	_ =	swait.ge [sflag:s20], $0x80  }
0x3f: {  	[sflag:s20] =	ssyncset.done $0x0  }
0x40: {  	[sflag:s20] =	ssyncadd.s32 $0xFFFFFF80  }
0x41: {  	_ =	swait.ge [sflag:s20], $0x4000  }
0x42: {  	[sflag:s20] =	ssyncset.done $0x0  }
0x43: {  	[sflag:s20] =	ssyncadd.s32 $0xFFFFC000  }
0x44: {  	[spmem:s2] =	stream.indirect.scatter.add.f32 [tilespmem:s17], [sflag:$0x3], $0x80, s15, s16, $0xb8;
	[tilespmem:$0x1E900] =	vst v63  }
0x45: {  	_ =	swait.ge [sflag:s21], $0x4000  }
0x46: {  	[sflag:s21] =	ssyncset.done $0x0  }
0x47: {  	s29 =	sadd.s32 $0xFFFFFFF0, s26;
	s28 =	sshra.s32 s28, $0x2;
	[sflag:s21] =	ssyncadd.s32 $0xFFFFC000  }
0x48: {  	[tilespmem:s15], [sflag:$0x1] =	stream.linear.gather [hbm4b:s29+s3], $0x80, $0x38;
	[tilespmem:$0x1E900] =	vst v63  }
0x49: {  	s29 =	sadd.s32 $0x2800, s28  }
0x4a: {  	[tilespmem:s17], [sflag:$0x1] =	stream.indirect.gather [hbm4b:s4+s16], $0x80, s29, s16, $0xb8;
	[tilespmem:$0x1E900] =	vst v63  }
0x4b: {  	_ =	swait.ge [sflag:s22], $0x80  }
0x4c: {  	[sflag:s22] =	ssyncset.done $0x0  }
0x4d: {  	[sflag:s22] =	ssyncadd.s32 $0xFFFFFF80  }
0x4e: {  	_ =	swait.ge [sflag:s22], $0x4000  }
0x4f: {  	[sflag:s22] =	ssyncset.done $0x0  }
0x50: {  	[sflag:s22] =	ssyncadd.s32 $0xFFFFC000  }
0x51: {  	[spmem:s2] =	stream.indirect.scatter.add.f32 [tilespmem:s19], [sflag:$0x4], $0x80, s18, s16, $0xb8;
	[tilespmem:$0x1E900] =	vst v63  }
.Ltmp0:
0x52: {  	_ =	swait.ge [sflag:s23], $0x4000;
	(pc) =	sbr.rel @p0 .LBB2_2-.Ltmp0, $4  }
0x53: {  	[sflag:s23] =	ssyncset.done $0x0  }
0x54: {  	[sflag:s23] =	ssyncadd.s32 $0xFFFFC000  }
0x55: {  	[tilespmem:s18], [sflag:$0x2] =	stream.linear.gather [hbm4b:s26+s3], $0x80, $0x38;
	[tilespmem:$0x1E900] =	vst v63  }
0x56: {  	s28 =	sadd.s32 $0x2880, s28;
	s26 =	sadd.s32 $0x20, s26  }
0x57: {  	[tilespmem:s19], [sflag:$0x2] =	stream.indirect.gather [hbm4b:s4+s16], $0x80, s28, s16, $0xb8;
	[tilespmem:$0x1E900] =	vst v63  }
0x58: {  	_ =	swait.ge [sflag:s20], $0x80  }
0x59: {  	[sflag:s20] =	ssyncset.done $0x0  }
0x5a: {  	[sflag:s20] =	ssyncadd.s32 $0xFFFFFF80  }
0x5b: {  	_ =	swait.ge [sflag:s20], $0x4000  }
0x5c: {  	[sflag:s20] =	ssyncset.done $0x0  }
0x5d: {  	[sflag:s20] =	ssyncadd.s32 $0xFFFFC000  }
0x5e: {  	[spmem:s2] =	stream.indirect.scatter.add.f32 [tilespmem:s17], [sflag:$0x3], $0x80, s15, s16, $0xb8;
	[tilespmem:$0x1E900] =	vst v63  }
0x5f: {  	_ =	swait.ge [sflag:s21], $0x4000  }
0x60: {  	[sflag:s21] =	ssyncset.done $0x0  }
0x61: {  	[sflag:s21] =	ssyncadd.s32 $0xFFFFC000  }
0x62: {  	_ =	swait.ge [sflag:s22], $0x80  }
0x63: {  	[sflag:s22] =	ssyncset.done $0x0  }
0x64: {  	[sflag:s22] =	ssyncadd.s32 $0xFFFFFF80  }
0x65: {  	_ =	swait.ge [sflag:s22], $0x4000  }
0x66: {  	[sflag:s22] =	ssyncset.done $0x0  }
0x67: {  	[sflag:s22] =	ssyncadd.s32 $0xFFFFC000  }
0x68: {  	[spmem:s2] =	stream.indirect.scatter.add.f32 [tilespmem:s19], [sflag:$0x4], $0x80, s18, s16, $0xb8;
	[tilespmem:$0x1E900] =	vst v63  }
0x69: {  	_ =	swait.ge [sflag:s23], $0x4000  }
0x6a: {  	s24 =	sadd.s32 $0x1, s24;
	[sflag:s23] =	ssyncset.done $0x0  }
0x6b: {  	p0 =	sne.s32 s24, s11;
	[sflag:s23] =	ssyncadd.s32 $0xFFFFC000  }
.Ltmp1:
0x6c: {  	[bflag:$0x0] =	sbarrier.arrive $0xFFFF;
	(pc) =	sbr.rel @p0 .LBB2_1-.Ltmp1, $4  }
0x6d: {  	[hbm:s10], [sflag:s6] =	dma.local [spmem:s13], $0x2800  }
0x6e: {  	_ =	swait.ge [sflag:s14], $0x2800  }
0x6f: {  	[sflag:s14] =	ssyncset.done $0x0  }
0x70: {  	[sflag:s14] =	ssyncadd.s32 $0xFFFFD800  }
0x71: {  	_ =	sfence.sel $0x180000  }
0x72: {  	[bflag:$0x0] =	sbarrier.arrive $0xFFFF  }
0x73: {  	p0 =	sne.s32 s0, $0x0;
	_ =	strace $0x9000004D  }
0x74: {  	s0 =	sadd.s32 @!p0 $0x100000, s1;
	[bflag:$0x2] =	sbarrier.arrive $0xFFFF  }
0x75: {  	[sflag:s0] =	ssyncadd.tile.s32 @!p0 $0x1;
	_ =	shalt  }
.Lfunc_end2:
_tile_overlayer_lowered:
.L_overlay_start_2:
0x76: {  	(tag) =	ssettag $0x2  }
0x77: {  	s0 =	rddreg [dreg:$0x0];
	s2 =	stileid.u32  }
0x78: {  	s1 =	rddreg [dreg:$0x1];
	p0 =	sne.s32 s2, $0x0  }
0x79: {  	s3 =	rddreg [dreg:$0x2];
	[bflag:$0x3] =	sbarrier.arrive $0xFFFF;
	s2 =	simm.s32 @!p0 $0x1C05  }
0x7a: {  	[timem:s3], [sflag:s2] =	dma.local @!p0 [hbm:s0], s1  }
0x7b: {  	s0 =	simm.s32 @!p0 $0x5  }
0x7c: {  	_ =	swait.ge @!p0 [sflag:s0], s1  }
0x7d: {  	s1 =	ssub.s32 @!p0 $0x0, s1;
	[sflag:s0] =	ssyncset.done @!p0 $0x0  }
0x7e: {  	[sflag:s0] =	ssyncadd.s32 @!p0 s1  }
0x7f: {  	[bflag:$0x3] =	sbarrier.arrive $0xFFFF  }
0x80: {  	_ =	shalt  }

// kernel: kernel.9.cloned.1.call-start
scs
__scs_entry_jumppad:
0x0: {  	(pc) =	sbr.rel $0x88, $3  }
0x1: {  	(tag) =	ssettag $0x0;
	lr =	simm.s32 $0x1  }
0x2: {  	[smem:$0x3F8A] =	sst lr;
	_ =	strace $0xD0000000  }
0x3: {  	_ = 	snop  }
0x4: {  	_ = 	snop  }
0x5: {  	_ = 	snop  }
0x6: {  	_ = 	snop  }
0x7: {  	_ = 	snop  }
__scs_overlays_trampoline_lowered:
0x8: {  	[smem:$0x3F99] =	sst s0  }
0x9: {  	[smem:$0x3F9A] =	sst s1  }
0xa: {  	[smem:$0x3F9B] =	sst s2  }
0xb: {  	[smem:$0x3F9C] =	sst s3  }
0xc: {  	[smem:$0x3F9D] =	sst s4  }
0xd: {  	[smem:$0x3F9E] =	sst s5  }
0xe: {  	[smem:$0x3F9F] =	sst s6  }
0xf: {  	[smem:$0x3FA0] =	sst s7  }
0x10: {  	[smem:$0x3FA1] =	sst s8  }
0x11: {  	[smem:$0x3FA2] =	sst s9;
	s0 =	simm.s32 @!p0 $0x0  }
0x12: {  	s1 =	sld [smem:$0x3F88];
	s0 =	simm.s32 @p0 $0x1  }
0x13: {  	[smem:$0x3FA3] =	sst s0;
	s0 =	simm.s32 @!p1 $0x0  }
0x14: {  	s2 =	sld [smem:$0x3F87];
	s0 =	simm.s32 @p1 $0x1  }
0x15: {  	[smem:$0x3FA4] =	sst s0;
	s0 =	simm.s32 @!p2 $0x0  }
0x16: {  	s3 =	sld [smem:$0x3FDB];
	s0 =	simm.s32 @p2 $0x1  }
0x17: {  	s4 =	simm.s32 $0x1BF5;
	[smem:$0x3FA6] =	sst s0  }
0x18: {  	s0 =	sld [smem:$0x3F89];
	_ =	swait.ge [sflag:s4], $0x0  }
0x19: {  	s7 =	sld [smem:$0x3F8A]  }
0x1a: {  	s8 =	sadd.s32 $0xFFFFE003, lr  }
0x1b: {  	s9 =	sadd.s32 $0xFFFFFEF7, lr;
	s5 =	simm.s32 $0xFFFFFFFF;
	p2 =	slt.u32 s8, $0xFFFFF086  }
0x1c: {  	p1 =	slt.u32 s9, $0xF7A;
	s5 =	simm.s32 @!p2 $0x0  }
0x1d: {  	s5 =	simm.s32 @p1 $0x1;
	p0 =	seq.s32 s7, s2  }
0x1e: {  	s7 =	smul.u32 @!p0 $0xF7A, s2;
	p2 =	seq.s32 @!p0 s5, $0x0  }
0x1f: {  	s9 =	smul.u32 $0xF7A, s1;
	s8 =	simm.s32 @!p0 $0x1BF5;
	p2 =	por !p2, p0  }
0x20: {  	[sflag:s8] =	ssyncset.s32 @!p0 $0xFFFFF086;
	s6 =	sadd.s32 @!p0 s3, s7;
	s7 =	simm.s32 @!p0 $0x108  }
0x21: {  	s3 =	sadd.s32 s3, s9;
	s6 =	sadd.s32 @!p0 $0x88, s6;
	s7 =	simm.s32 @p2 $0x1082  }
0x22: {  	[simem:s7], [sflag:s8] =	dma.local @!p0 [hbm:s6], $0xF7A  }
0x23: {  	s9 =	sor.u32 $0xD0000000, s2;
	s6 =	simm.s32 $0x108;
	_ =	swait.ge @!p0 [sflag:s8], $0x0  }
0x24: {  	s3 =	sadd.s32 $0x88, s3;
	s6 =	simm.s32 @!p1 $0x1082;
	[sflag:s4] =	ssyncset.s32 $0xFFFFF086  }
0x25: {  	[simem:s6], [sflag:s4] =	dma.local [hbm:s3], $0xF7A  }
0x26: {  	[smem:$0x3F8A] =	sst s1;
	(tag) =	ssettag s2;
	_ =	strace s9  }
0x27: {  	s1 =	sld [smem:$0x3F9A]  }
0x28: {  	s2 =	sld [smem:$0x3F9B]  }
0x29: {  	s4 =	sld [smem:$0x3F9D]  }
0x2a: {  	p0 =	seq.s32 s5, $0x0;
	s5 =	sld [smem:$0x3F9E]  }
0x2b: {  	s6 =	sld [smem:$0x3F9F]  }
0x2c: {  	s7 =	sld [smem:$0x3FA0]  }
0x2d: {  	s3 =	simm.s32 $0x108;
	s8 =	sld [smem:$0x3FA1]  }
0x2e: {  	s3 =	simm.s32 @!p0 $0x1082;
	s9 =	sld [smem:$0x3FA2]  }
0x2f: {  	lr =	sadd.s32 s0, s3;
	s0 =	sld [smem:$0x3F99]  }
0x30: {  	s3 =	sld [smem:$0x3F9C]  }
0x31: {  	[smem:$0x3FA5] =	sst s10  }
0x32: {  	s10 =	sld [smem:$0x3FA3];
	_ =	sdelay $0x3  }
0x33: {  	p0 =	seq.s32 s10, $0x1;
	s10 =	sld [smem:$0x3FA5];
	_ =	sdelay $0x3  }
0x34: {  	[smem:$0x3FA5] =	sst s10  }
0x35: {  	s10 =	sld [smem:$0x3FA4];
	_ =	sdelay $0x3  }
0x36: {  	p1 =	seq.s32 s10, $0x1;
	s10 =	sld [smem:$0x3FA5];
	_ =	sdelay $0x3  }
0x37: {  	[smem:$0x3FA5] =	sst s10  }
0x38: {  	s10 =	sld [smem:$0x3FA6]  }
0x39: {  	_ = 	snop;
	(pc) =	sbr.ind lr, $3  }
0x3a: {  	_ = 	snop  }
0x3b: {  	_ = 	snop  }
0x3c: {  	p2 =	seq.s32 s10, $0x1;
	s10 =	sld [smem:$0x3FA5]  }
0x3d: {  	_ =	shalt  }
0x3e: {  	_ =	shalt  }
0x3f: {  	_ =	shalt  }
0x40: {  	_ =	shalt  }
0x41: {  	_ =	shalt  }
0x42: {  	_ =	shalt  }
0x43: {  	_ =	shalt  }
0x44: {  	_ =	shalt  }
0x45: {  	_ =	shalt  }
0x46: {  	_ =	shalt  }
0x47: {  	_ =	shalt  }
0x48: {  	_ =	shalt  }
0x49: {  	_ =	shalt  }
0x4a: {  	_ =	shalt  }
0x4b: {  	_ =	shalt  }
0x4c: {  	_ =	shalt  }
0x4d: {  	_ =	shalt  }
0x4e: {  	_ =	shalt  }
0x4f: {  	_ =	shalt  }
0x50: {  	_ =	shalt  }
0x51: {  	_ =	shalt  }
0x52: {  	_ =	shalt  }
0x53: {  	_ =	shalt  }
0x54: {  	_ =	shalt  }
0x55: {  	_ =	shalt  }
0x56: {  	_ =	shalt  }
0x57: {  	_ =	shalt  }
0x58: {  	_ =	shalt  }
0x59: {  	_ =	shalt  }
0x5a: {  	_ =	shalt  }
0x5b: {  	_ =	shalt  }
0x5c: {  	_ =	shalt  }
0x5d: {  	_ =	shalt  }
0x5e: {  	_ =	shalt  }
0x5f: {  	_ =	shalt  }
0x60: {  	_ =	shalt  }
0x61: {  	_ =	shalt  }
0x62: {  	_ =	shalt  }
0x63: {  	_ =	shalt  }
0x64: {  	_ =	shalt  }
0x65: {  	_ =	shalt  }
0x66: {  	_ =	shalt  }
0x67: {  	_ =	shalt  }
0x68: {  	_ =	shalt  }
0x69: {  	_ =	shalt  }
0x6a: {  	_ =	shalt  }
0x6b: {  	_ =	shalt  }
0x6c: {  	_ =	shalt  }
0x6d: {  	_ =	shalt  }
0x6e: {  	_ =	shalt  }
0x6f: {  	_ =	shalt  }
0x70: {  	_ =	shalt  }
0x71: {  	_ =	shalt  }
0x72: {  	_ =	shalt  }
0x73: {  	_ =	shalt  }
0x74: {  	_ =	shalt  }
0x75: {  	_ =	shalt  }
0x76: {  	_ =	shalt  }
0x77: {  	_ =	shalt  }
0x78: {  	_ =	shalt  }
0x79: {  	_ =	shalt  }
0x7a: {  	_ =	shalt  }
0x7b: {  	_ =	shalt  }
0x7c: {  	_ =	shalt  }
0x7d: {  	_ =	shalt  }
0x7e: {  	_ =	shalt  }
0x7f: {  	_ =	shalt  }
0x80: {  	_ =	shalt  }
0x81: {  	_ =	shalt  }
0x82: {  	_ =	shalt  }
0x83: {  	_ =	shalt  }
0x84: {  	_ =	shalt  }
0x85: {  	_ =	shalt  }
0x86: {  	_ =	shalt  }
0x87: {  	_ =	shalt  }
.Lfunc_end0:
.L_simem_size_0:
called_computation_lowered:
.L_overlay_start_0:
0x88: {  	s2 =	sld [smem:$0x3FD9]  }
0x89: {  	s3 =	sld [smem:$0x3FFE];
	_ =	sdelay $0x1  }
0x8a: {  	s1 =	srdreg.scid  }
0x8b: {  	s0 =	sand.u32 $0x1, s1  }
0x8c: {  	s17 =	sshll.u32 s0, $0xA;
	s2 =	sadd.s32 s3, s2  }
0x8d: {  	s2 =	sadd.s32 s2, s17  }
0x8e: {  	[smem:$0x3FB1] =	sst s2  }
0x8f: {  	_ = 	snop  }
0x90: {  	s2 =	sld [smem:$0x3FD0];
	(tm) =	ssettm $0x1  }
0x91: {  	s18 =	sld [smem:$0x3FFB];
	_ =	sdelay $0x3  }
0x92: {  	_ =	strace s18  }
0x93: {  	s3 =	sld [smem:$0x3FFC];
	_ =	sdelay $0x3  }
0x94: {  	_ =	strace s3  }
0x95: {  	s3 =	sld [smem:$0x3FFD];
	_ =	sdelay $0x3  }
0x96: {  	_ =	strace s3  }
0x97: {  	_ =	strace $0x8FFFFFFF  }
0x98: {  	s19 =	sld [smem:$0x3FDB];
	_ =	sdelay $0x1  }
0x99: {  	s4 =	simm.s32 $_scs_section_size  }
0x9a: {  	s5 =	simm.s32 $_size__tile_overlayer_lowered;
	s6 =	simm.s32 $_tile_overlayer_lowered  }
0x9b: {  	s22 =	simm.s32 $0x1BFF;
	s21 =	sshll.u32 s6, $0x1;
	s3 =	sadd.s32 s4, s19  }
0x9c: {  	s7 =	simm.s32 $0x0;
	s20 =	sshll.u32 s5, $0x1;
	s5 =	sadd.s32 s21, s3  }
0x9d: {  	[timem:s7], [sflag:s22] =	dma.local [hbm:s5], s20  }
0x9e: {  	_ =	swait.ge [sflag:s22], s20  }
0x9f: {  	s4 =	ssub.s32 $0x0, s20;
	[sflag:s22] =	ssyncset.done $0x0  }
0xa0: {  	[sflag:s22] =	ssyncadd.s32 s4;
	_ =	sdelay $0x1  }
0xa1: {  	s23 =	simm.s32 $0x1B8B  }
0xa2: {  	_ =	swait.ge [sflag:s23], $0x1  }
0xa3: {  	[sflag:s23] =	ssyncset.done $0x0  }
0xa4: {  	s25 =	simm.s32 $0x1B8E;
	s24 =	sld [smem:$0x3FFE];
	[sflag:s23] =	ssyncadd.s32 $0xFFFFFFFF  }
0xa5: {  	s26 =	simm.s32 $execute0_lowered;
	[smem:$0x3FD2] =	sst s25  }
0xa6: {  	s5 =	sshll.u32 s26, $0x1;
	_ =	strace $0x80000046;
	[dreg:$0x1] =	wrdreg $0xFFFFFFFF  }
0xa7: {  	s28 =	simm.s32 $_size_execute0_lowered;
	s3 =	sadd.s32 s3, s5;
	[dreg:$0x0] =	wrdreg $0x0  }
0xa8: {  	s5 =	sshll.u32 s28, $0x1;
	[dreg:$0x2] =	wrdreg s3  }
0xa9: {  	[dreg:$0x3] =	wrdreg s5  }
0xaa: {  	[dreg:$0x4] =	wrdreg $0xC0  }
0xab: {  	_ =	task [dreg:s7], $0x5FFFF  }
0xac: {  	[dreg:$0x1] =	wrdreg $0xFFFFFFFF  }
0xad: {  	[dreg:$0x0] =	wrdreg $0x60  }
0xae: {  	[dreg:$0x2] =	wrdreg s2  }
0xaf: {  	[dreg:$0x3] =	wrdreg s24  }
0xb0: {  	[dreg:$0x4] =	wrdreg $0x44000  }
0xb1: {  	[dreg:$0x5] =	wrdreg $0x9  }
0xb2: {  	_ =	task.clear_ibuf [dreg:s7], $0x6FFFF;
	_ =	strace $0x90000046  }
0xb3: {  	s29 =	simm.s32 $0x9;
	_ =	strace $0x80000048  }
0xb4: {  	_ =	swait.ge [sflag:s29], $0x1  }
0xb5: {  	[sflag:s29] =	ssyncadd.s32 $0xFFFFFFFF  }
0xb6: {  	_ =	strace $0x90000048  }
0xb7: {  	_ =	sfence  }
0xb8: {  	s30 =	sld [smem:$0x0];
	_ =	sdelay $0x2  }
0xb9: {  	s31 =	sshll.u32 s1, $0xD;
	s1 =	sshrl.u32 s1, $0x2  }
0xba: {  	s3 =	sand.u32 $0x4000, s31;
	s1 =	sadd.s32 s1, s30  }
0xbb: {  	s0 =	sor.u32 s3, s0;
	s1 =	sshll.u32 s1, $0x11  }
0xbc: {  	s0 =	sor.u32 s1, s0  }
0xbd: {  	s0 =	sadd.s32 $0x8F2B, s0  }
0xbe: {  	[sflag:s0] =	ssyncadd.remote.s32 $0x1  }
0xbf: {  	_ =	sfence.sel $0xFFFF  }
0xc0: {  	[dreg:$0x0] =	wrdreg $0xFFFFFFFF;
	(pc) =	sbr.abs _section_cstart, $3  }
0xc1: {  	[dreg:$0x1] =	wrdreg $0xFFFFFFFF  }
0xc2: {  	_ =	task.clear_ibuf [dreg:s7], $0x2FFFF;
	_ =	strace $0x9FFFFFFF  }
0xc3: {  	(tm) =	ssettm $0x7FFFFFFF  }
tec
execute0_lowered:
.L_overlay_start_1:
0x0: {  	(tag) =	ssettag $0x1  }
0x1: {  	s2 =	rddreg [dreg:$0x0]  }
0x2: {  	s5 =	rddreg [dreg:$0x1]  }
0x3: {  	s3 =	rddreg [dreg:$0x2]  }
0x4: {  	s0 =	rddreg [dreg:$0x3];
	s1 =	stileid.u32  }
0x5: {  	s7 =	srdreg.scid;
	s4 =	simm.s32 $0x0;
	s13 =	simm.s32 $0x80  }
0x6: {  	s14 =	simm.s32 $0x100;
	s15 =	simm.s32 $0x180;
	s16 =	simm.s32 $0x200  }
0x7: {  	s17 =	simm.s32 $0x280;
	s18 =	simm.s32 $0x300;
	s19 =	simm.s32 $0x380  }
0x8: {  	s20 =	simm.s32 $0x1;
	s21 =	simm.s32 $0x2;
	s6 =	smul.u32 $0x500, s1  }
0x9: {  	s22 =	simm.s32 $0x0;
	s8 =	smul.u32 $0x14000, s1;
	s7 =	sand.u32 $0x1, s7  }
0xa: {  	[smem:$0x7FF] =	sst s4;
	s29 =	smul.u32 $0x50000, s1;
	s31 =	sshll.u32 s1, $0x6  }
0xb: {  	s9 =	smul.u32 $0x140000, s7;
	_ =	strace $0x80000047;
	s7 =	ssub.s32 $0x2, s7  }
0xc: {  	s10 =	sadd.s32 s6, s5;
	s28 =	sshrl.u32 s8, $0x3;
	s30 =	sshrl.u32 s7, $0x1  }
0xd: {  	s8 =	sadd.s32 s8, s9;
	s6 =	sadd.s32 s28, s5;
	s9 =	sshrl.u32 s29, $0x2  }
0xe: {  	s11 =	ssub.s32 s7, s30;
	s8 =	sshrl.u32 s8, $0x3;
	s12 =	sadd.s32 s9, s3  }
0xf: {  	s9 =	sadd.s32 $0x3000, s10;
	s8 =	sadd.s32 s8, s5;
	s5 =	sadd.s32 $0x8000, s6  }
0x10: {  	s6 =	sor.u32 $0x1C03, s31;
	s10 =	sshrl.u32 s12, $0x3;
	s12 =	simm.s32 $0x400  }
0x11: {  	s7 =	sadd.s32 $0x30000, s8;
	s8 =	smax.u32 s11, $0x1;
	s11 =	simm.s32 $0x3  }
.LBB2_1:
0x12: {  	[spmem:s10], [sflag:s6] =	dma.local [hbm:s5], $0x2800  }
0x13: {  	_ =	swait.ge [sflag:s11], $0x2800  }
0x14: {  	[sflag:s11] =	ssyncset.done $0x0  }
0x15: {  	[sflag:s11] =	ssyncadd.s32 $0xFFFFD800  }
0x16: {  	[tilespmem:s12], [sflag:$0x3] =	stream.linear.gather [hbm4b:s2+s4], $0x4000, $0x38;
	[tilespmem:$0x18400] =	vst v63  }
0x17: {  	_ =	swait.ge [sflag:s11], $0x4000  }
0x18: {  	[sflag:s11] =	ssyncset.done $0x0  }
0x19: {  	[sflag:s11] =	ssyncadd.s32 $0xFFFFC000  }
0x1a: {  	s23 =	sadd.s32 $0x0, s9;
	[bflag:$0x0] =	sbarrier.arrive $0xFFFF  }
0x1b: {  	[tilespmem:s4], [sflag:$0x1] =	stream.linear.gather [hbm4b:s23+s4], $0x80, $0x38;
	[tilespmem:$0x18400] =	vst v63  }
0x1c: {  	s24 =	sadd.s32 $0x10, s23  }
0x1d: {  	[tilespmem:s13], [sflag:$0x1] =	stream.linear.gather [hbm4b:s24+s4], $0x80, $0x38;
	[tilespmem:$0x18400] =	vst v63  }
0x1e: {  	s26 =	sadd.s32 $0x20, s23  }
0x1f: {  	[tilespmem:s14], [sflag:$0x1] =	stream.linear.gather [hbm4b:s26+s4], $0x80, $0x38;
	[tilespmem:$0x18400] =	vst v63  }
0x20: {  	s28 =	sadd.s32 $0x30, s23  }
0x21: {  	[tilespmem:s15], [sflag:$0x1] =	stream.linear.gather [hbm4b:s28+s4], $0x80, $0x38;
	[tilespmem:$0x18400] =	vst v63  }
0x22: {  	s29 =	sadd.s32 $0x40, s23  }
0x23: {  	[tilespmem:s16], [sflag:$0x1] =	stream.linear.gather [hbm4b:s29+s4], $0x80, $0x38;
	[tilespmem:$0x18400] =	vst v63  }
0x24: {  	s30 =	sadd.s32 $0x50, s23  }
0x25: {  	[tilespmem:s17], [sflag:$0x1] =	stream.linear.gather [hbm4b:s30+s4], $0x80, $0x38;
	[tilespmem:$0x18400] =	vst v63  }
0x26: {  	s31 =	sadd.s32 $0x60, s23  }
0x27: {  	[tilespmem:s18], [sflag:$0x1] =	stream.linear.gather [hbm4b:s31+s4], $0x80, $0x38;
	[tilespmem:$0x18400] =	vst v63  }
0x28: {  	s23 =	sadd.s32 $0x70, s23  }
0x29: {  	[tilespmem:s19], [sflag:$0x1] =	stream.linear.gather [hbm4b:s23+s4], $0x80, $0x38;
	[tilespmem:$0x18400] =	vst v63  }
0x2a: {  	_ =	swait.ge [sflag:s20], $0x80  }
0x2b: {  	[sflag:s20] =	ssyncset.done $0x0  }
0x2c: {  	[sflag:s20] =	ssyncadd.s32 $0xFFFFFF80  }
0x2d: {  	_ =	swait.ge [sflag:s20], $0x80  }
0x2e: {  	[sflag:s20] =	ssyncset.done $0x0  }
0x2f: {  	[sflag:s20] =	ssyncadd.s32 $0xFFFFFF80  }
0x30: {  	_ =	swait.ge [sflag:s20], $0x80  }
0x31: {  	[sflag:s20] =	ssyncset.done $0x0  }
0x32: {  	[sflag:s20] =	ssyncadd.s32 $0xFFFFFF80  }
0x33: {  	_ =	swait.ge [sflag:s20], $0x80  }
0x34: {  	[sflag:s20] =	ssyncset.done $0x0  }
0x35: {  	[sflag:s20] =	ssyncadd.s32 $0xFFFFFF80  }
0x36: {  	_ =	swait.ge [sflag:s20], $0x80  }
0x37: {  	[sflag:s20] =	ssyncset.done $0x0  }
0x38: {  	[sflag:s20] =	ssyncadd.s32 $0xFFFFFF80  }
0x39: {  	_ =	swait.ge [sflag:s20], $0x80  }
0x3a: {  	[sflag:s20] =	ssyncset.done $0x0  }
0x3b: {  	[sflag:s20] =	ssyncadd.s32 $0xFFFFFF80  }
0x3c: {  	_ =	swait.ge [sflag:s20], $0x80  }
0x3d: {  	[sflag:s20] =	ssyncset.done $0x0  }
0x3e: {  	[sflag:s20] =	ssyncadd.s32 $0xFFFFFF80  }
0x3f: {  	_ =	swait.ge [sflag:s20], $0x80  }
0x40: {  	[sflag:s20] =	ssyncset.done $0x0  }
0x41: {  	[sflag:s20] =	ssyncadd.s32 $0xFFFFFF80  }
0x42: {  	[spmem:s3] =	stream.indirect.scatter.add.f32 [tilespmem:s12], [sflag:$0x2], $0x80, s4, s13, $0xb8;
	[tilespmem:$0x18400] =	vst v63  }
0x43: {  	_ = 	snop  }
0x44: {  	[spmem:s3] =	stream.indirect.scatter.add.f32 [tilespmem:s12], [sflag:$0x2], $0x80, s13, s13, $0xb8;
	[tilespmem:$0x18400] =	vst v63  }
0x45: {  	_ = 	snop  }
0x46: {  	[spmem:s3] =	stream.indirect.scatter.add.f32 [tilespmem:s12], [sflag:$0x2], $0x80, s14, s13, $0xb8;
	[tilespmem:$0x18400] =	vst v63  }
0x47: {  	_ = 	snop  }
0x48: {  	[spmem:s3] =	stream.indirect.scatter.add.f32 [tilespmem:s12], [sflag:$0x2], $0x80, s15, s13, $0xb8;
	[tilespmem:$0x18400] =	vst v63  }
0x49: {  	_ = 	snop  }
0x4a: {  	[spmem:s3] =	stream.indirect.scatter.add.f32 [tilespmem:s12], [sflag:$0x2], $0x80, s16, s13, $0xb8;
	[tilespmem:$0x18400] =	vst v63  }
0x4b: {  	_ = 	snop  }
0x4c: {  	[spmem:s3] =	stream.indirect.scatter.add.f32 [tilespmem:s12], [sflag:$0x2], $0x80, s17, s13, $0xb8;
	[tilespmem:$0x18400] =	vst v63  }
0x4d: {  	_ = 	snop  }
0x4e: {  	[spmem:s3] =	stream.indirect.scatter.add.f32 [tilespmem:s12], [sflag:$0x2], $0x80, s18, s13, $0xb8;
	[tilespmem:$0x18400] =	vst v63  }
0x4f: {  	_ = 	snop  }
0x50: {  	[spmem:s3] =	stream.indirect.scatter.add.f32 [tilespmem:s12], [sflag:$0x2], $0x80, s19, s13, $0xb8;
	[tilespmem:$0x18400] =	vst v63  }
0x51: {  	_ =	swait.ge [sflag:s21], $0x4000  }
0x52: {  	[sflag:s21] =	ssyncset.done $0x0  }
0x53: {  	[sflag:s21] =	ssyncadd.s32 $0xFFFFC000  }
0x54: {  	_ =	swait.ge [sflag:s21], $0x4000  }
0x55: {  	[sflag:s21] =	ssyncset.done $0x0  }
0x56: {  	[sflag:s21] =	ssyncadd.s32 $0xFFFFC000  }
0x57: {  	_ =	swait.ge [sflag:s21], $0x4000  }
0x58: {  	[sflag:s21] =	ssyncset.done $0x0  }
0x59: {  	[sflag:s21] =	ssyncadd.s32 $0xFFFFC000  }
0x5a: {  	_ =	swait.ge [sflag:s21], $0x4000  }
0x5b: {  	[sflag:s21] =	ssyncset.done $0x0  }
0x5c: {  	[sflag:s21] =	ssyncadd.s32 $0xFFFFC000  }
0x5d: {  	_ =	swait.ge [sflag:s21], $0x4000  }
0x5e: {  	[sflag:s21] =	ssyncset.done $0x0  }
0x5f: {  	[sflag:s21] =	ssyncadd.s32 $0xFFFFC000  }
0x60: {  	_ =	swait.ge [sflag:s21], $0x4000  }
0x61: {  	[sflag:s21] =	ssyncset.done $0x0  }
0x62: {  	[sflag:s21] =	ssyncadd.s32 $0xFFFFC000  }
0x63: {  	_ =	swait.ge [sflag:s21], $0x4000  }
0x64: {  	[sflag:s21] =	ssyncset.done $0x0  }
0x65: {  	[sflag:s21] =	ssyncadd.s32 $0xFFFFC000  }
0x66: {  	_ =	swait.ge [sflag:s21], $0x4000  }
0x67: {  	s25 =	simm.s32 $0x100;
	s23 =	simm.s32 $0x80;
	[sflag:s21] =	ssyncset.done $0x0  }
.LBB2_2:
0x68: {  	s26 =	sadd.s32 s23, s9  }
0x69: {  	[sflag:s21] =	ssyncadd.s32 $0xFFFFC000;
	s23 =	smov.u32 s25;
	s24 =	sadd.s32 $0x80, s25  }
0x6a: {  	[tilespmem:s4], [sflag:$0x1] =	stream.linear.gather [hbm4b:s26+s4], $0x80, $0x38;
	[tilespmem:$0x18400] =	vst v63  }
0x6b: {  	p0 =	sne.s32 s25, $0x480;
	s25 =	sadd.s32 $0x10, s26  }
0x6c: {  	[tilespmem:s13], [sflag:$0x1] =	stream.linear.gather [hbm4b:s25+s4], $0x80, $0x38;
	[tilespmem:$0x18400] =	vst v63  }
0x6d: {  	s25 =	sadd.s32 $0x20, s26  }
0x6e: {  	[tilespmem:s14], [sflag:$0x1] =	stream.linear.gather [hbm4b:s25+s4], $0x80, $0x38;
	[tilespmem:$0x18400] =	vst v63  }
0x6f: {  	s25 =	sadd.s32 $0x30, s26  }
0x70: {  	[tilespmem:s15], [sflag:$0x1] =	stream.linear.gather [hbm4b:s25+s4], $0x80, $0x38;
	[tilespmem:$0x18400] =	vst v63  }
0x71: {  	s25 =	sadd.s32 $0x40, s26  }
0x72: {  	[tilespmem:s16], [sflag:$0x1] =	stream.linear.gather [hbm4b:s25+s4], $0x80, $0x38;
	[tilespmem:$0x18400] =	vst v63  }
0x73: {  	s25 =	sadd.s32 $0x50, s26  }
0x74: {  	[tilespmem:s17], [sflag:$0x1] =	stream.linear.gather [hbm4b:s25+s4], $0x80, $0x38;
	[tilespmem:$0x18400] =	vst v63  }
0x75: {  	s25 =	sadd.s32 $0x60, s26  }
0x76: {  	[tilespmem:s18], [sflag:$0x1] =	stream.linear.gather [hbm4b:s25+s4], $0x80, $0x38;
	[tilespmem:$0x18400] =	vst v63  }
0x77: {  	s25 =	sadd.s32 $0x70, s26  }
0x78: {  	[tilespmem:s19], [sflag:$0x1] =	stream.linear.gather [hbm4b:s25+s4], $0x80, $0x38;
	[tilespmem:$0x18400] =	vst v63  }
0x79: {  	_ =	swait.ge [sflag:s20], $0x80  }
0x7a: {  	[sflag:s20] =	ssyncset.done $0x0  }
0x7b: {  	[sflag:s20] =	ssyncadd.s32 $0xFFFFFF80  }
0x7c: {  	_ =	swait.ge [sflag:s20], $0x80  }
0x7d: {  	[sflag:s20] =	ssyncset.done $0x0  }
0x7e: {  	[sflag:s20] =	ssyncadd.s32 $0xFFFFFF80  }
0x7f: {  	_ =	swait.ge [sflag:s20], $0x80  }
0x80: {  	[sflag:s20] =	ssyncset.done $0x0  }
0x81: {  	[sflag:s20] =	ssyncadd.s32 $0xFFFFFF80  }
0x82: {  	_ =	swait.ge [sflag:s20], $0x80  }
0x83: {  	[sflag:s20] =	ssyncset.done $0x0  }
0x84: {  	[sflag:s20] =	ssyncadd.s32 $0xFFFFFF80  }
0x85: {  	_ =	swait.ge [sflag:s20], $0x80  }
0x86: {  	[sflag:s20] =	ssyncset.done $0x0  }
0x87: {  	[sflag:s20] =	ssyncadd.s32 $0xFFFFFF80  }
0x88: {  	_ =	swait.ge [sflag:s20], $0x80  }
0x89: {  	[sflag:s20] =	ssyncset.done $0x0  }
0x8a: {  	[sflag:s20] =	ssyncadd.s32 $0xFFFFFF80  }
0x8b: {  	_ =	swait.ge [sflag:s20], $0x80  }
0x8c: {  	[sflag:s20] =	ssyncset.done $0x0  }
0x8d: {  	[sflag:s20] =	ssyncadd.s32 $0xFFFFFF80  }
0x8e: {  	_ =	swait.ge [sflag:s20], $0x80  }
0x8f: {  	[sflag:s20] =	ssyncset.done $0x0  }
0x90: {  	[sflag:s20] =	ssyncadd.s32 $0xFFFFFF80  }
0x91: {  	[spmem:s3] =	stream.indirect.scatter.add.f32 [tilespmem:s12], [sflag:$0x2], $0x80, s4, s13, $0xb8;
	[tilespmem:$0x18400] =	vst v63  }
0x92: {  	_ = 	snop  }
0x93: {  	[spmem:s3] =	stream.indirect.scatter.add.f32 [tilespmem:s12], [sflag:$0x2], $0x80, s13, s13, $0xb8;
	[tilespmem:$0x18400] =	vst v63  }
0x94: {  	_ = 	snop  }
0x95: {  	[spmem:s3] =	stream.indirect.scatter.add.f32 [tilespmem:s12], [sflag:$0x2], $0x80, s14, s13, $0xb8;
	[tilespmem:$0x18400] =	vst v63  }
0x96: {  	_ = 	snop  }
0x97: {  	[spmem:s3] =	stream.indirect.scatter.add.f32 [tilespmem:s12], [sflag:$0x2], $0x80, s15, s13, $0xb8;
	[tilespmem:$0x18400] =	vst v63  }
0x98: {  	_ = 	snop  }
0x99: {  	[spmem:s3] =	stream.indirect.scatter.add.f32 [tilespmem:s12], [sflag:$0x2], $0x80, s16, s13, $0xb8;
	[tilespmem:$0x18400] =	vst v63  }
0x9a: {  	_ = 	snop  }
0x9b: {  	[spmem:s3] =	stream.indirect.scatter.add.f32 [tilespmem:s12], [sflag:$0x2], $0x80, s17, s13, $0xb8;
	[tilespmem:$0x18400] =	vst v63  }
0x9c: {  	_ = 	snop  }
0x9d: {  	[spmem:s3] =	stream.indirect.scatter.add.f32 [tilespmem:s12], [sflag:$0x2], $0x80, s18, s13, $0xb8;
	[tilespmem:$0x18400] =	vst v63  }
0x9e: {  	_ = 	snop  }
0x9f: {  	[spmem:s3] =	stream.indirect.scatter.add.f32 [tilespmem:s12], [sflag:$0x2], $0x80, s19, s13, $0xb8;
	[tilespmem:$0x18400] =	vst v63  }
0xa0: {  	_ =	swait.ge [sflag:s21], $0x4000  }
0xa1: {  	[sflag:s21] =	ssyncset.done $0x0  }
0xa2: {  	[sflag:s21] =	ssyncadd.s32 $0xFFFFC000  }
0xa3: {  	_ =	swait.ge [sflag:s21], $0x4000  }
0xa4: {  	[sflag:s21] =	ssyncset.done $0x0  }
0xa5: {  	[sflag:s21] =	ssyncadd.s32 $0xFFFFC000  }
0xa6: {  	_ =	swait.ge [sflag:s21], $0x4000  }
0xa7: {  	[sflag:s21] =	ssyncset.done $0x0  }
0xa8: {  	[sflag:s21] =	ssyncadd.s32 $0xFFFFC000  }
0xa9: {  	_ =	swait.ge [sflag:s21], $0x4000  }
0xaa: {  	[sflag:s21] =	ssyncset.done $0x0  }
0xab: {  	[sflag:s21] =	ssyncadd.s32 $0xFFFFC000  }
0xac: {  	_ =	swait.ge [sflag:s21], $0x4000  }
0xad: {  	[sflag:s21] =	ssyncset.done $0x0  }
0xae: {  	[sflag:s21] =	ssyncadd.s32 $0xFFFFC000  }
0xaf: {  	_ =	swait.ge [sflag:s21], $0x4000  }
0xb0: {  	[sflag:s21] =	ssyncset.done $0x0  }
0xb1: {  	[sflag:s21] =	ssyncadd.s32 $0xFFFFC000  }
.Ltmp0:
0xb2: {  	_ =	swait.ge [sflag:s21], $0x4000;
	(pc) =	sbr.rel @p0 .LBB2_2-.Ltmp0, $4  }
0xb3: {  	[sflag:s21] =	ssyncset.done $0x0  }
0xb4: {  	[sflag:s21] =	ssyncadd.s32 $0xFFFFC000  }
0xb5: {  	_ =	swait.ge [sflag:s21], $0x4000  }
0xb6: {  	s25 =	smov.u32 s24;
	[sflag:s21] =	ssyncset.done $0x0  }
0xb7: {  	s23 =	sadd.s32 s23, s9;
	[sflag:s21] =	ssyncadd.s32 $0xFFFFC000  }
0xb8: {  	[tilespmem:s4], [sflag:$0x1] =	stream.linear.gather [hbm4b:s23+s4], $0x80, $0x38;
	[tilespmem:$0x18400] =	vst v63  }
0xb9: {  	s24 =	sadd.s32 $0x10, s23  }
0xba: {  	[tilespmem:s13], [sflag:$0x1] =	stream.linear.gather [hbm4b:s24+s4], $0x80, $0x38;
	[tilespmem:$0x18400] =	vst v63  }
0xbb: {  	s26 =	sadd.s32 $0x20, s23  }
0xbc: {  	[tilespmem:s14], [sflag:$0x1] =	stream.linear.gather [hbm4b:s26+s4], $0x80, $0x38;
	[tilespmem:$0x18400] =	vst v63  }
0xbd: {  	s28 =	sadd.s32 $0x30, s23  }
0xbe: {  	[tilespmem:s15], [sflag:$0x1] =	stream.linear.gather [hbm4b:s28+s4], $0x80, $0x38;
	[tilespmem:$0x18400] =	vst v63  }
0xbf: {  	s29 =	sadd.s32 $0x40, s23  }
0xc0: {  	[tilespmem:s16], [sflag:$0x1] =	stream.linear.gather [hbm4b:s29+s4], $0x80, $0x38;
	[tilespmem:$0x18400] =	vst v63  }
0xc1: {  	s30 =	sadd.s32 $0x50, s23  }
0xc2: {  	[tilespmem:s17], [sflag:$0x1] =	stream.linear.gather [hbm4b:s30+s4], $0x80, $0x38;
	[tilespmem:$0x18400] =	vst v63  }
0xc3: {  	s31 =	sadd.s32 $0x60, s23  }
0xc4: {  	[tilespmem:s18], [sflag:$0x1] =	stream.linear.gather [hbm4b:s31+s4], $0x80, $0x38;
	[tilespmem:$0x18400] =	vst v63  }
0xc5: {  	s23 =	sadd.s32 $0x70, s23  }
0xc6: {  	[tilespmem:s19], [sflag:$0x1] =	stream.linear.gather [hbm4b:s23+s4], $0x80, $0x38;
	[tilespmem:$0x18400] =	vst v63  }
0xc7: {  	_ =	swait.ge [sflag:s20], $0x80  }
0xc8: {  	[sflag:s20] =	ssyncset.done $0x0  }
0xc9: {  	[sflag:s20] =	ssyncadd.s32 $0xFFFFFF80  }
0xca: {  	_ =	swait.ge [sflag:s20], $0x80  }
0xcb: {  	[sflag:s20] =	ssyncset.done $0x0  }
0xcc: {  	[sflag:s20] =	ssyncadd.s32 $0xFFFFFF80  }
0xcd: {  	_ =	swait.ge [sflag:s20], $0x80  }
0xce: {  	[sflag:s20] =	ssyncset.done $0x0  }
0xcf: {  	[sflag:s20] =	ssyncadd.s32 $0xFFFFFF80  }
0xd0: {  	_ =	swait.ge [sflag:s20], $0x80  }
0xd1: {  	[sflag:s20] =	ssyncset.done $0x0  }
0xd2: {  	[sflag:s20] =	ssyncadd.s32 $0xFFFFFF80  }
0xd3: {  	_ =	swait.ge [sflag:s20], $0x80  }
0xd4: {  	[sflag:s20] =	ssyncset.done $0x0  }
0xd5: {  	[sflag:s20] =	ssyncadd.s32 $0xFFFFFF80  }
0xd6: {  	_ =	swait.ge [sflag:s20], $0x80  }
0xd7: {  	[sflag:s20] =	ssyncset.done $0x0  }
0xd8: {  	[sflag:s20] =	ssyncadd.s32 $0xFFFFFF80  }
0xd9: {  	_ =	swait.ge [sflag:s20], $0x80  }
0xda: {  	[sflag:s20] =	ssyncset.done $0x0  }
0xdb: {  	[sflag:s20] =	ssyncadd.s32 $0xFFFFFF80  }
0xdc: {  	_ =	swait.ge [sflag:s20], $0x80  }
0xdd: {  	[sflag:s20] =	ssyncset.done $0x0  }
0xde: {  	[sflag:s20] =	ssyncadd.s32 $0xFFFFFF80  }
0xdf: {  	[spmem:s3] =	stream.indirect.scatter.add.f32 [tilespmem:s12], [sflag:$0x2], $0x80, s4, s13, $0xb8;
	[tilespmem:$0x18400] =	vst v63  }
0xe0: {  	_ = 	snop  }
0xe1: {  	[spmem:s3] =	stream.indirect.scatter.add.f32 [tilespmem:s12], [sflag:$0x2], $0x80, s13, s13, $0xb8;
	[tilespmem:$0x18400] =	vst v63  }
0xe2: {  	_ = 	snop  }
0xe3: {  	[spmem:s3] =	stream.indirect.scatter.add.f32 [tilespmem:s12], [sflag:$0x2], $0x80, s14, s13, $0xb8;
	[tilespmem:$0x18400] =	vst v63  }
0xe4: {  	_ = 	snop  }
0xe5: {  	[spmem:s3] =	stream.indirect.scatter.add.f32 [tilespmem:s12], [sflag:$0x2], $0x80, s15, s13, $0xb8;
	[tilespmem:$0x18400] =	vst v63  }
0xe6: {  	_ = 	snop  }
0xe7: {  	[spmem:s3] =	stream.indirect.scatter.add.f32 [tilespmem:s12], [sflag:$0x2], $0x80, s16, s13, $0xb8;
	[tilespmem:$0x18400] =	vst v63  }
0xe8: {  	_ = 	snop  }
0xe9: {  	[spmem:s3] =	stream.indirect.scatter.add.f32 [tilespmem:s12], [sflag:$0x2], $0x80, s17, s13, $0xb8;
	[tilespmem:$0x18400] =	vst v63  }
0xea: {  	_ = 	snop  }
0xeb: {  	[spmem:s3] =	stream.indirect.scatter.add.f32 [tilespmem:s12], [sflag:$0x2], $0x80, s18, s13, $0xb8;
	[tilespmem:$0x18400] =	vst v63  }
0xec: {  	_ = 	snop  }
0xed: {  	[spmem:s3] =	stream.indirect.scatter.add.f32 [tilespmem:s12], [sflag:$0x2], $0x80, s19, s13, $0xb8;
	[tilespmem:$0x18400] =	vst v63  }
0xee: {  	_ =	swait.ge [sflag:s21], $0x4000  }
0xef: {  	[sflag:s21] =	ssyncset.done $0x0  }
0xf0: {  	[sflag:s21] =	ssyncadd.s32 $0xFFFFC000  }
0xf1: {  	_ =	swait.ge [sflag:s21], $0x4000  }
0xf2: {  	[sflag:s21] =	ssyncset.done $0x0  }
0xf3: {  	[sflag:s21] =	ssyncadd.s32 $0xFFFFC000  }
0xf4: {  	_ =	swait.ge [sflag:s21], $0x4000  }
0xf5: {  	[sflag:s21] =	ssyncset.done $0x0  }
0xf6: {  	[sflag:s21] =	ssyncadd.s32 $0xFFFFC000  }
0xf7: {  	_ =	swait.ge [sflag:s21], $0x4000  }
0xf8: {  	[sflag:s21] =	ssyncset.done $0x0  }
0xf9: {  	[sflag:s21] =	ssyncadd.s32 $0xFFFFC000  }
0xfa: {  	_ =	swait.ge [sflag:s21], $0x4000  }
0xfb: {  	[sflag:s21] =	ssyncset.done $0x0  }
0xfc: {  	[sflag:s21] =	ssyncadd.s32 $0xFFFFC000  }
0xfd: {  	_ =	swait.ge [sflag:s21], $0x4000  }
0xfe: {  	[sflag:s21] =	ssyncset.done $0x0  }
0xff: {  	[sflag:s21] =	ssyncadd.s32 $0xFFFFC000  }
0x100: {  	_ =	swait.ge [sflag:s21], $0x4000  }
0x101: {  	[sflag:s21] =	ssyncset.done $0x0  }
0x102: {  	[sflag:s21] =	ssyncadd.s32 $0xFFFFC000  }
0x103: {  	_ =	swait.ge [sflag:s21], $0x4000  }
0x104: {  	s22 =	sadd.s32 $0x1, s22;
	[sflag:s21] =	ssyncset.done $0x0  }
0x105: {  	p0 =	sne.s32 s22, s8;
	[sflag:s21] =	ssyncadd.s32 $0xFFFFC000  }
.Ltmp1:
0x106: {  	[bflag:$0x0] =	sbarrier.arrive $0xFFFF;
	(pc) =	sbr.rel @p0 .LBB2_1-.Ltmp1, $4  }
0x107: {  	[hbm:s7], [sflag:s6] =	dma.local [spmem:s10], $0x2800  }
0x108: {  	_ =	swait.ge [sflag:s11], $0x2800  }
0x109: {  	[sflag:s11] =	ssyncset.done $0x0  }
0x10a: {  	[sflag:s11] =	ssyncadd.s32 $0xFFFFD800  }
0x10b: {  	_ =	sfence.sel $0x180000  }
0x10c: {  	[bflag:$0x0] =	sbarrier.arrive $0xFFFF  }
0x10d: {  	p0 =	sne.s32 s1, $0x0;
	_ =	strace $0x90000047  }
0x10e: {  	s0 =	sadd.s32 @!p0 $0x100000, s0;
	[bflag:$0x2] =	sbarrier.arrive $0xFFFF  }
0x10f: {  	[sflag:s0] =	ssyncadd.tile.s32 @!p0 $0x1;
	_ =	shalt  }
.Lfunc_end2:
_tile_overlayer_lowered:
.L_overlay_start_2:
0x110: {  	(tag) =	ssettag $0x2  }
0x111: {  	s0 =	rddreg [dreg:$0x0];
	s2 =	stileid.u32  }
0x112: {  	s1 =	rddreg [dreg:$0x1];
	p0 =	sne.s32 s2, $0x0  }
0x113: {  	s3 =	rddreg [dreg:$0x2];
	[bflag:$0x3] =	sbarrier.arrive $0xFFFF;
	s2 =	simm.s32 @!p0 $0x1C03  }
0x114: {  	[timem:s3], [sflag:s2] =	dma.local @!p0 [hbm:s0], s1  }
0x115: {  	s0 =	simm.s32 @!p0 $0x3  }
0x116: {  	_ =	swait.ge @!p0 [sflag:s0], s1  }
0x117: {  	s1 =	ssub.s32 @!p0 $0x0, s1;
	[sflag:s0] =	ssyncset.done @!p0 $0x0  }
0x118: {  	[sflag:s0] =	ssyncadd.s32 @!p0 s1  }
0x119: {  	[bflag:$0x3] =	sbarrier.arrive $0xFFFF  }
0x11a: {  	_ =	shalt  }

</sc_bundles>
